<compile_context>
chip_gen: v7x
topology: tpu7x:2x2x1
jax: 0.10.2.dev20260603
libtpu: 0.0.44.dev20260713+nightly
codegen_flags: <defaults>
</compile_context>

<pallas_src>
import functools

import jax
import jax.numpy as jnp
from jax import lax
from jax.experimental import pallas as pl
from jax.experimental.pallas import tpu as pltpu
from jax.experimental.pallas import tpu_sc as plsc

_N = 10000
_E = 320000
_D = 128
_DLAST = 64
_NCLS = 40

_NC = 2
_NS = 16
_NT = _NC * _NS
_CHP = 200
_EPP = _E // _NS
_NBLKS = _E // 128
_NBLK = _NBLKS // _NT
_NBLKR = _NBLKS % _NT
_NCHP = _EPP // _CHP
_RPT = 640
_NPAD = _NS * _RPT
_ZB = 128

_mesh = lambda: plsc.VectorSubcoreMesh(core_axis_name="c", subcore_axis_name="s")


def _make_deg_kernel():
  @functools.partial(
      pl.kernel,
      mesh=_mesh(),
      compiler_params=pltpu.CompilerParams(use_tc_tiling_on_sc=False),
      out_type=jax.ShapeDtypeStruct((_NPAD, 128), jnp.float32),
      scratch_types=[
          pltpu.VMEM((_NBLK + 1, 2, 128), jnp.int32),
          pltpu.VMEM((128, 16), jnp.float32),
          pltpu.VMEM((_ZB, 16), jnp.float32),
          pltpu.VMEM_SHARED((_NPAD, 16), jnp.float32),
          pltpu.SemaphoreType.DMA,
      ],
  )
  def deg_kernel(ei3_hbm, out_hbm, idx_v, ones_v, zbuf_v, acc, sem):
    c = lax.axis_index("c")
    s = lax.axis_index("s")
    wid = c * _NS + s
    base = _NBLK * wid + jnp.minimum(wid, _NBLKR)
    nblk = _NBLK + jnp.where(wid < _NBLKR, 1, 0)
    cap = jnp.minimum(base, _NBLKS - (_NBLK + 1))
    shift = base - cap
    pltpu.sync_copy(ei3_hbm.at[pl.ds(cap, _NBLK + 1)], idx_v)

    one16 = jnp.ones((16,), jnp.float32)
    zero16 = jnp.zeros((16,), jnp.float32)

    def fill_ones(i, carry):
      ones_v[i, :] = one16
      return carry

    lax.fori_loop(0, 128, fill_ones, 0)

    def fill_zeros(i, carry):
      zbuf_v[i, :] = zero16
      return carry

    lax.fori_loop(0, _ZB, fill_zeros, 0)

    for k in range(_RPT // _ZB):
      pltpu.sync_copy(zbuf_v, acc.at[pl.ds(s * _RPT + k * _ZB, _ZB)])
    plsc.subcore_barrier()

    def body(j, carry):
      pltpu.async_copy(ones_v, acc.at[idx_v.at[j, 1]], sem, add=True)
      return carry

    lax.fori_loop(shift, shift + nblk, body, 0)

    def drain(j, carry):
      pltpu.make_async_copy(ones_v, acc.at[idx_v.at[j, 1]], sem).wait()
      return carry

    lax.fori_loop(shift, shift + nblk, drain, 0)
    plsc.subcore_barrier()
    pltpu.sync_copy(acc.at[pl.ds(s * _RPT, _RPT)],
                    out_hbm.at[pl.ds(s * _RPT, _RPT), pl.ds(c * 16, 16)])

  return deg_kernel


def _make_prop_kernel(dw):
  dwh = dw // 2

  @functools.partial(
      pl.kernel,
      mesh=_mesh(),
      compiler_params=pltpu.CompilerParams(use_tc_tiling_on_sc=False),
      out_type=jax.ShapeDtypeStruct((_NPAD, dw), jnp.float32),
      scratch_types=[
          pltpu.VMEM((_EPP,), jnp.int32),
          pltpu.VMEM((_EPP,), jnp.int32),
          pltpu.VMEM((3, _CHP, dwh), jnp.float32),
          pltpu.VMEM_SHARED((_NPAD, dwh), jnp.float32),
          pltpu.SemaphoreType.DMA,
          pltpu.SemaphoreType.DMA,
          pltpu.SemaphoreType.DMA,
      ],
  )
  def prop_kernel(src_hbm, dst_hbm, u_hbm, out_hbm,
                  src_v, dst_v, rows_v, acc, sem0, sem1, sem2):
    c = lax.axis_index("c")
    s = lax.axis_index("s")
    sems = (sem0, sem1, sem2)
    pltpu.sync_copy(src_hbm.at[pl.ds(c * _E + s * _EPP, _EPP)], src_v)
    pltpu.sync_copy(dst_hbm.at[pl.ds(s * _EPP, _EPP)], dst_v)

    zero16 = jnp.zeros((16,), jnp.float32)

    def fill(i, carry):
      for k in range(dwh // 16):
        rows_v[2, i, pl.ds(k * 16, 16)] = zero16
      return carry

    lax.fori_loop(0, _ZB, fill, 0)

    for k in range(_RPT // _ZB):
      pltpu.sync_copy(rows_v.at[2, pl.ds(0, _ZB)],
                      acc.at[pl.ds(s * _RPT + k * _ZB, _ZB)])

    def _src(j):
      return src_v.at[pl.ds(j * _CHP, _CHP)]

    def _dst(j):
      return dst_v.at[pl.ds(j * _CHP, _CHP)]

    def _gather(j, b):
      pltpu.async_copy(u_hbm.at[_src(j)], rows_v.at[b], sems[b])

    def _wait(j, b):
      pltpu.make_async_copy(u_hbm.at[_src(j)], rows_v.at[b], sems[b]).wait()

    def _scat(j, b):
      pltpu.sync_copy(rows_v.at[b], acc.at[_dst(j)], add=True)

    _gather(0, 0)
    _gather(1, 1)
    plsc.subcore_barrier()

    def body(k, carry):
      j = 6 * k
      for t in range(6):
        jt = j + t
        _gather(jt + 2, (t + 2) % 3)
        _wait(jt, t % 3)
        _scat(jt, t % 3)
      return carry

    lax.fori_loop(0, (_NCHP - 4) // 6, body, 0)
    _j = _NCHP - 4
    _gather(_j + 2, (_j + 2) % 3)
    _wait(_j, _j % 3)
    _scat(_j, _j % 3)
    _gather(_j + 3, (_j + 3) % 3)
    _wait(_j + 1, (_j + 1) % 3)
    _scat(_j + 1, (_j + 1) % 3)
    _wait(_j + 2, (_j + 2) % 3)
    _scat(_j + 2, (_j + 2) % 3)
    _wait(_j + 3, (_j + 3) % 3)
    _scat(_j + 3, (_j + 3) % 3)
    plsc.subcore_barrier()
    pltpu.sync_copy(acc.at[pl.ds(s * _RPT, _RPT)],
                    out_hbm.at[pl.ds(s * _RPT, _RPT), pl.ds(c * dwh, dwh)])

  return prop_kernel


_deg_call = _make_deg_kernel()
_prop128 = _make_prop_kernel(_D)
_prop64 = _make_prop_kernel(_DLAST)


_R = 2000
_GRID = _N // _R


def _tc1_body(parts_ref, x_ref, w_ref, u0_ref, norm_ref, norm2_ref):
  deg = parts_ref[:, 0:1] + parts_ref[:, 16:17]
  norm = lax.rsqrt(jnp.maximum(deg, 1.0))
  t = jnp.dot(x_ref[...], w_ref[...],
              preferred_element_type=jnp.float32) * norm
  u0_ref[...] = t
  norm_ref[...] = norm
  norm2_ref[...] = norm.reshape(_R // 2, 2)


def _tc1(parts, x, w0):
  return pl.pallas_call(
      _tc1_body,
      grid=(_GRID,),
      in_specs=[
          pl.BlockSpec((_R, 128), lambda i: (i, 0)),
          pl.BlockSpec((_R, _D), lambda i: (i, 0)),
          pl.BlockSpec((_D, _D), lambda i: (0, 0)),
      ],
      out_specs=[
          pl.BlockSpec((_R, _D), lambda i: (i, 0)),
          pl.BlockSpec((_R, 1), lambda i: (i, 0)),
          pl.BlockSpec((_R // 2, 2), lambda i: (i, 0)),
      ],
      out_shape=[
          jax.ShapeDtypeStruct((_N, _D), jnp.float32),
          jax.ShapeDtypeStruct((_N, 1), jnp.float32),
          jax.ShapeDtypeStruct((_N // 2, 2), jnp.float32),
      ],
  )(parts, x, w0)


def _mid_body(agg_ref, norm_ref, b_ref, w_ref, out_ref):
  n = norm_ref[...]
  h = jnp.maximum(agg_ref[...] * n + b_ref[...], 0.0)
  out_ref[...] = jnp.dot(h, w_ref[...], preferred_element_type=jnp.float32) * n


def _mid_pair_body(agg_ref, norm_ref, b_ref, w_ref, out_ref):
  n = norm_ref[...]
  h = jnp.maximum(agg_ref[...] * n + b_ref[...], 0.0)
  t = jnp.dot(h, w_ref[...], preferred_element_type=jnp.float32) * n
  out_ref[...] = t.reshape(_R // 2, 2 * t.shape[1])


def _tc_mid_pair(agg, norm, b, w, dw_out):
  return pl.pallas_call(
      _mid_pair_body,
      grid=(_GRID,),
      in_specs=[
          pl.BlockSpec((_R, _D), lambda i: (i, 0)),
          pl.BlockSpec((_R, 1), lambda i: (i, 0)),
          pl.BlockSpec((1, _D), lambda i: (0, 0)),
          pl.BlockSpec((_D, dw_out), lambda i: (0, 0)),
      ],
      out_specs=pl.BlockSpec((_R // 2, 2 * dw_out), lambda i: (i, 0)),
      out_shape=jax.ShapeDtypeStruct((_N // 2, 2 * dw_out), jnp.float32),
  )(agg, norm, b, w)


def _tc_mid(agg, norm, b, w, dw_out):
  return pl.pallas_call(
      _mid_body,
      grid=(_GRID,),
      in_specs=[
          pl.BlockSpec((_R, _D), lambda i: (i, 0)),
          pl.BlockSpec((_R, 1), lambda i: (i, 0)),
          pl.BlockSpec((1, _D), lambda i: (0, 0)),
          pl.BlockSpec((_D, dw_out), lambda i: (0, 0)),
      ],
      out_specs=pl.BlockSpec((_R, dw_out), lambda i: (i, 0)),
      out_shape=jax.ShapeDtypeStruct((_N, dw_out), jnp.float32),
  )(agg, norm, b, w)


def _fin_body(agg_ref, norm2_ref, b_ref, out_ref):
  a = agg_ref[...]
  n2 = norm2_ref[...]
  n = jnp.broadcast_to(n2[:, :, None], (_R // 2, 2, _DLAST))
  out_ref[...] = a * n.reshape(_R // 2, 2 * _DLAST) + b_ref[...]


def _tc_fin(agg, norm2, b2):
  return pl.pallas_call(
      _fin_body,
      grid=(_GRID,),
      in_specs=[
          pl.BlockSpec((_R // 2, 2 * _DLAST), lambda i: (i, 0)),
          pl.BlockSpec((_R // 2, 2), lambda i: (i, 0)),
          pl.BlockSpec((1, 2 * _DLAST), lambda i: (0, 0)),
      ],
      out_specs=pl.BlockSpec((_R // 2, 2 * _DLAST), lambda i: (i, 0)),
      out_shape=jax.ShapeDtypeStruct((_N // 2, 2 * _DLAST), jnp.float32),
  )(agg, norm2, b2)


def kernel(x, edge_index, W0, b0, W1, b1, W2, b2):
  src = edge_index[0]
  dst = edge_index[1]

  src2x = jnp.concatenate([src * 2, src * 2 + 1])
  dstf = dst.reshape(_E)

  w2p = jnp.zeros((_D, _DLAST), jnp.float32).at[:, :_NCLS].set(W2)
  b2p = jnp.zeros((_DLAST,), jnp.float32).at[:_NCLS].set(b2)

  ei3 = edge_index.reshape(2, _NBLKS, 128).transpose(1, 0, 2)
  deg_parts = _deg_call(ei3)
  u0, norm, norm2 = _tc1(deg_parts, x, W0)
  agg0 = _prop128(src2x, dstf, u0.reshape(2 * _N, _D // 2))
  u1 = _tc_mid(agg0, norm, b0.reshape(1, _D), W1, _D)
  agg1 = _prop128(src2x, dstf, u1.reshape(2 * _N, _D // 2))
  u2 = _tc_mid(agg1, norm, b1.reshape(1, _D), w2p, _DLAST)
  agg2 = _prop64(src2x, dstf, u2.reshape(2 * _N, _DLAST // 2))
  b2pp = jnp.concatenate([b2p, b2p]).reshape(1, 2 * _DLAST)
  out = _tc_fin(agg2.reshape(_NPAD // 2, 2 * _DLAST), norm2,
                b2pp)
  return out.reshape(_N, _DLAST)[:, :_NCLS]

# --- scband reference (transcript-rebuilt; emitter-appended) ---
"""Pipeline reference for scband-sgc-3504693313811 (READ-ONLY COPY).

The authoritative reference and input builder live on the scoring server;
editing this copy changes nothing except your own understanding.
"""

import jax, jax.numpy as jnp
import numpy as np

N = 10000
E = 320000
D_IN = 128
D_HID = 128
N_CLASSES = 40


def setup_inputs(seed: int = 0) -> dict:
    key = jax.random.key(seed)
    ks = jax.random.split(key, 9)
    x = jax.random.normal(ks[0], (N, D_IN), dtype=jnp.float32)
    edge_index = jax.random.randint(ks[1], (2, E), 0, N, dtype=jnp.int32)
    W0 = jax.random.normal(ks[2], (D_IN, D_HID), dtype=jnp.float32) * 0.05
    b0 = jnp.zeros((D_HID,), dtype=jnp.float32)
    W1 = jax.random.normal(ks[3], (D_HID, D_HID), dtype=jnp.float32) * 0.05
    b1 = jnp.zeros((D_HID,), dtype=jnp.float32)
    W2 = jax.random.normal(ks[4], (D_HID, N_CLASSES), dtype=jnp.float32) * 0.05
    b2 = jnp.zeros((N_CLASSES,), dtype=jnp.float32)
    return {"x": x, "edge_index": edge_index, "W0": W0, "b0": b0, "W1": W1, "b1": b1, "W2": W2, "b2": b2}


def reference(x, edge_index, W0, b0, W1, b1, W2, b2):
    # SGC: stack of DGL SGConv(k=1) layers with symmetric degree normalization,
    # ReLU between layers, dropout = identity at inference.
    src = edge_index[0]
    dst = edge_index[1]
    # in-degree based norm (DGL SGConv uses in_degrees for both scalings)
    deg = jnp.zeros((N,), dtype=x.dtype).at[dst].add(1.0)
    deg = jnp.clip(deg, 1.0)
    norm = deg ** -0.5

    def sgconv(h, W, b):
        h = h * norm[:, None]
        msgs = jnp.take(h, src, axis=0)
        agg = jax.ops.segment_sum(msgs, dst, num_segments=N)
        h = agg * norm[:, None]
        return h @ W + b

    h = sgconv(x, W0, b0)
    h = jax.nn.relu(h)
    h = sgconv(h, W1, b1)
    h = jax.nn.relu(h)
    h = sgconv(h, W2, b2)
    return h

if __name__ == "__main__":
    import jax
    _d = setup_inputs()
    print(jax.jit(kernel)(*tuple(_d.values())))

</pallas_src>

<mosaic_0001>
#map = affine_map<(d0, d1) -> (0)>
#map1 = affine_map<(d0, d1) -> (0, 0)>
module attributes {stable_mosaic.version = 14 : i64} {
  func.func @prop_kernel(%arg0: i32, %arg1: i32, %arg2: memref<640000xi32, #tpu.memory_space<hbm>>, %arg3: memref<320000xi32, #tpu.memory_space<hbm>>, %arg4: memref<20000x32xf32, #tpu.memory_space<hbm>>, %arg5: memref<10240x64xf32, #tpu.memory_space<hbm>>, %arg6: memref<20000xi32, #tpu.memory_space<vmem>>, %arg7: memref<20000xi32, #tpu.memory_space<vmem>>, %arg8: memref<3x200x32xf32, #tpu.memory_space<vmem>>, %arg9: memref<10240x32xf32, #tpu.memory_space<vmem_shared>>, %arg10: memref<!tpu.dma_semaphore, #tpu.memory_space<semaphore_mem>>, %arg11: memref<!tpu.dma_semaphore, #tpu.memory_space<semaphore_mem>>, %arg12: memref<!tpu.dma_semaphore, #tpu.memory_space<semaphore_mem>>) attributes {dimension_semantics = [#tpu.dimension_semantics<core_parallel>, #tpu.dimension_semantics<subcore_parallel>], iteration_bounds = array<i64: 2, 16>, scalar_prefetch = 0 : i64, scratch_operands = 7 : i64, tpu.core_type = #tpu.core_type<sc_vector_subcore>, window_params = [{transform_indices = #map}, {transform_indices = #map}, {transform_indices = #map1}, {transform_indices = #map1}]} {
    %mul3A = arith.constant 320000 : i32
    %mul3A_0 = arith.muli %arg0, %mul3A : i32
    %mul3A_1 = arith.constant 20000 : i32
    %mul3A_2 = arith.muli %arg1, %mul3A_1 : i32
    %add3A = arith.addi %mul3A_0, %mul3A_2 : i32
    "tpu.region"() ({
      %run_scoped3A_130 = tpu.sem_alloc : memref<!tpu.dma_semaphore, #tpu.memory_space<semaphore_mem>>
      %dma_start3A_131 = tpu.memref_slice %arg2[%add3A] : memref<640000xi32, #tpu.memory_space<hbm>> -> memref<20000xi32, #tpu.memory_space<hbm>>
      %dma_start3A_132 = tpu.memref_slice %arg2[%add3A] : memref<640000xi32, #tpu.memory_space<hbm>> -> memref<20000xi32, #tpu.memory_space<hbm>>
      tpu.enqueue_dma source(%dma_start3A_132 : memref<20000xi32, #tpu.memory_space<hbm>>) target(%arg6 : memref<20000xi32, #tpu.memory_space<vmem>>) target_semaphore(%run_scoped3A_130 : memref<!tpu.dma_semaphore, #tpu.memory_space<semaphore_mem>>)
      %dma_wait3A_133 = tpu.memref_slice %arg2[%add3A] : memref<640000xi32, #tpu.memory_space<hbm>> -> memref<20000xi32, #tpu.memory_space<hbm>>
      %dma_wait3A_134 = tpu.memref_slice %arg2[%add3A] : memref<640000xi32, #tpu.memory_space<hbm>> -> memref<20000xi32, #tpu.memory_space<hbm>>
      tpu.wait_dma2 semaphore(%run_scoped3A_130 : memref<!tpu.dma_semaphore, #tpu.memory_space<semaphore_mem>>) src(%dma_wait3A_134 : memref<20000xi32, #tpu.memory_space<hbm>>) dst(%arg6 : memref<20000xi32, #tpu.memory_space<vmem>>)
      tpu.yield
    }) : () -> ()
    %mul3A_3 = arith.constant 20000 : i32
    %mul3A_4 = arith.muli %arg1, %mul3A_3 : i32
    "tpu.region"() ({
      %run_scoped3A_130 = tpu.sem_alloc : memref<!tpu.dma_semaphore, #tpu.memory_space<semaphore_mem>>
      %dma_start3A_131 = tpu.memref_slice %arg3[%mul3A_4] : memref<320000xi32, #tpu.memory_space<hbm>> -> memref<20000xi32, #tpu.memory_space<hbm>>
      %dma_start3A_132 = tpu.memref_slice %arg3[%mul3A_4] : memref<320000xi32, #tpu.memory_space<hbm>> -> memref<20000xi32, #tpu.memory_space<hbm>>
      tpu.enqueue_dma source(%dma_start3A_132 : memref<20000xi32, #tpu.memory_space<hbm>>) target(%arg7 : memref<20000xi32, #tpu.memory_space<vmem>>) target_semaphore(%run_scoped3A_130 : memref<!tpu.dma_semaphore, #tpu.memory_space<semaphore_mem>>)
      %dma_wait3A_133 = tpu.memref_slice %arg3[%mul3A_4] : memref<320000xi32, #tpu.memory_space<hbm>> -> memref<20000xi32, #tpu.memory_space<hbm>>
      %dma_wait3A_134 = tpu.memref_slice %arg3[%mul3A_4] : memref<320000xi32, #tpu.memory_space<hbm>> -> memref<20000xi32, #tpu.memory_space<hbm>>
      tpu.wait_dma2 semaphore(%run_scoped3A_130 : memref<!tpu.dma_semaphore, #tpu.memory_space<semaphore_mem>>) src(%dma_wait3A_134 : memref<20000xi32, #tpu.memory_space<hbm>>) dst(%arg7 : memref<20000xi32, #tpu.memory_space<vmem>>)
      tpu.yield
    }) : () -> ()
    %broadcast_in_dim3A = arith.constant 0.000000e+00 : f32
    %broadcast_in_dim3A_5 = vector.broadcast %broadcast_in_dim3A : f32 to vector<16xf32>
    %scan3A = arith.constant 0 : i32
    %scan3A_6 = arith.constant 0 : i32
    %scan3A_7 = arith.constant 128 : i32
    %scan3A_8 = arith.addi %scan3A_6, %scan3A_7 : i32
    %scan3A_9 = arith.constant 1 : i32
    scf.for %scan3A_130 = %scan3A_6 to %scan3A_8 step %scan3A_9  : i32 {
      %swap3A = arith.constant 2 : i32
      %swap3A_131 = arith.index_cast %swap3A : i32 to index
      %swap3A_132 = arith.index_cast %scan3A_130 : i32 to index
      %swap3A_133 = arith.constant 0 : index
      %swap3A_134 = tpu.vector_load %arg8[%swap3A_131, %swap3A_132, %swap3A_133] {strides = array<i32>} : memref<3x200x32xf32, #tpu.memory_space<vmem>>, vector<1x1x16xf32>,
      %swap3A_135 = vector.shape_cast %swap3A_134 : vector<1x1x16xf32> to vector<16xf32>
      %swap3A_136 = vector.shape_cast %broadcast_in_dim3A_5 : vector<16xf32> to vector<1x1x16xf32>
      tpu.vector_store %arg8[%swap3A_131, %swap3A_132, %swap3A_133], %swap3A_136 {strides = array<i32>} : memref<3x200x32xf32, #tpu.memory_space<vmem>>, vector<1x1x16xf32>,
      %swap3A_137 = arith.constant 2 : i32
      %swap3A_138 = arith.index_cast %swap3A_137 : i32 to index
      %swap3A_139 = arith.index_cast %scan3A_130 : i32 to index
      %swap3A_140 = arith.constant 16 : index
      %swap3A_141 = tpu.vector_load %arg8[%swap3A_138, %swap3A_139, %swap3A_140] {strides = array<i32>} : memref<3x200x32xf32, #tpu.memory_space<vmem>>, vector<1x1x16xf32>,
      %swap3A_142 = vector.shape_cast %swap3A_141 : vector<1x1x16xf32> to vector<16xf32>
      %swap3A_143 = vector.shape_cast %broadcast_in_dim3A_5 : vector<16xf32> to vector<1x1x16xf32>
      tpu.vector_store %arg8[%swap3A_138, %swap3A_139, %swap3A_140], %swap3A_143 {strides = array<i32>} : memref<3x200x32xf32, #tpu.memory_space<vmem>>, vector<1x1x16xf32>,
    }
    %scan3A_10 = arith.constant 128 : i32
    %mul3A_11 = arith.constant 640 : i32
    %mul3A_12 = arith.muli %arg1, %mul3A_11 : i32
    %add3A_13 = arith.constant 0 : i32
    %add3A_14 = arith.addi %mul3A_12, %add3A_13 : i32
    %run_scoped3A = arith.constant 2 : i32
    "tpu.region"() ({
      %run_scoped3A_130 = tpu.sem_alloc : memref<!tpu.dma_semaphore, #tpu.memory_space<semaphore_mem>>
      %dma_start3A_131 = arith.constant 0 : i32
      %dma_start3A_132 = arith.constant 0 : i32
      %dma_start3A_133 = tpu.memref_slice %arg8[%run_scoped3A, %dma_start3A_131, %dma_start3A_132] : memref<3x200x32xf32, #tpu.memory_space<vmem>> -> memref<1x128x32xf32, #tpu.memory_space<vmem>>
      %dma_start3A_134 = tpu.memref_squeeze %dma_start3A_133 : memref<1x128x32xf32, #tpu.memory_space<vmem>> -> memref<128x32xf32, #tpu.memory_space<vmem>>
      %dma_start3A_135 = arith.constant 0 : i32
      %dma_start3A_136 = tpu.memref_slice %arg9[%add3A_14, %dma_start3A_135] : memref<10240x32xf32, #tpu.memory_space<vmem_shared>> -> memref<128x32xf32, #tpu.memory_space<vmem_shared>>
      %dma_start3A_137 = arith.constant 0 : i32
      %dma_start3A_138 = tpu.memref_slice %arg9[%add3A_14, %dma_start3A_137] : memref<10240x32xf32, #tpu.memory_space<vmem_shared>> -> memref<128x32xf32, #tpu.memory_space<vmem_shared>>
      %dma_start3A_139 = arith.constant 0 : i32
      %dma_start3A_140 = arith.constant 0 : i32
      %dma_start3A_141 = tpu.memref_slice %arg8[%run_scoped3A, %dma_start3A_139, %dma_start3A_140] : memref<3x200x32xf32, #tpu.memory_space<vmem>> -> memref<1x128x32xf32, #tpu.memory_space<vmem>>
      %dma_start3A_142 = tpu.memref_squeeze %dma_start3A_141 : memref<1x128x32xf32, #tpu.memory_space<vmem>> -> memref<128x32xf32, #tpu.memory_space<vmem>>
      tpu.enqueue_dma source(%dma_start3A_142 : memref<128x32xf32, #tpu.memory_space<vmem>>) target(%dma_start3A_138 : memref<128x32xf32, #tpu.memory_space<vmem_shared>>) target_semaphore(%run_scoped3A_130 : memref<!tpu.dma_semaphore, #tpu.memory_space<semaphore_mem>>)
      %dma_wait3A_143 = arith.constant 0 : i32
      %dma_wait3A_144 = arith.constant 0 : i32
      %dma_wait3A_145 = tpu.memref_slice %arg8[%run_scoped3A, %dma_wait3A_143, %dma_wait3A_144] : memref<3x200x32xf32, #tpu.memory_space<vmem>> -> memref<1x128x32xf32, #tpu.memory_space<vmem>>
      %dma_wait3A_146 = tpu.memref_squeeze %dma_wait3A_145 : memref<1x128x32xf32, #tpu.memory_space<vmem>> -> memref<128x32xf32, #tpu.memory_space<vmem>>
      %dma_wait3A_147 = arith.constant 0 : i32
      %dma_wait3A_148 = tpu.memref_slice %arg9[%add3A_14, %dma_wait3A_147] : memref<10240x32xf32, #tpu.memory_space<vmem_shared>> -> memref<128x32xf32, #tpu.memory_space<vmem_shared>>
      %dma_wait3A_149 = arith.constant 0 : i32
      %dma_wait3A_150 = tpu.memref_slice %arg9[%add3A_14, %dma_wait3A_149] : memref<10240x32xf32, #tpu.memory_space<vmem_shared>> -> memref<128x32xf32, #tpu.memory_space<vmem_shared>>
      %dma_wait3A_151 = arith.constant 0 : i32
      %dma_wait3A_152 = arith.constant 0 : i32
      %dma_wait3A_153 = tpu.memref_slice %arg8[%run_scoped3A, %dma_wait3A_151, %dma_wait3A_152] : memref<3x200x32xf32, #tpu.memory_space<vmem>> -> memref<1x128x32xf32, #tpu.memory_space<vmem>>
      %dma_wait3A_154 = tpu.memref_squeeze %dma_wait3A_153 : memref<1x128x32xf32, #tpu.memory_space<vmem>> -> memref<128x32xf32, #tpu.memory_space<vmem>>
      tpu.wait_dma2 semaphore(%run_scoped3A_130 : memref<!tpu.dma_semaphore, #tpu.memory_space<semaphore_mem>>) src(%dma_wait3A_154 : memref<128x32xf32, #tpu.memory_space<vmem>>) dst(%dma_wait3A_150 : memref<128x32xf32, #tpu.memory_space<vmem_shared>>)
      tpu.yield
    }) : () -> ()
    %mul3A_15 = arith.constant 640 : i32
    %mul3A_16 = arith.muli %arg1, %mul3A_15 : i32
    %add3A_17 = arith.constant 128 : i32
    %add3A_18 = arith.addi %mul3A_16, %add3A_17 : i32
    %run_scoped3A_19 = arith.constant 2 : i32
    "tpu.region"() ({
      %run_scoped3A_130 = tpu.sem_alloc : memref<!tpu.dma_semaphore, #tpu.memory_space<semaphore_mem>>
      %dma_start3A_131 = arith.constant 0 : i32
      %dma_start3A_132 = arith.constant 0 : i32
      %dma_start3A_133 = tpu.memref_slice %arg8[%run_scoped3A_19, %dma_start3A_131, %dma_start3A_132] : memref<3x200x32xf32, #tpu.memory_space<vmem>> -> memref<1x128x32xf32, #tpu.memory_space<vmem>>
      %dma_start3A_134 = tpu.memref_squeeze %dma_start3A_133 : memref<1x128x32xf32, #tpu.memory_space<vmem>> -> memref<128x32xf32, #tpu.memory_space<vmem>>
      %dma_start3A_135 = arith.constant 0 : i32
      %dma_start3A_136 = tpu.memref_slice %arg9[%add3A_18, %dma_start3A_135] : memref<10240x32xf32, #tpu.memory_space<vmem_shared>> -> memref<128x32xf32, #tpu.memory_space<vmem_shared>>
      %dma_start3A_137 = arith.constant 0 : i32
      %dma_start3A_138 = tpu.memref_slice %arg9[%add3A_18, %dma_start3A_137] : memref<10240x32xf32, #tpu.memory_space<vmem_shared>> -> memref<128x32xf32, #tpu.memory_space<vmem_shared>>
      %dma_start3A_139 = arith.constant 0 : i32
      %dma_start3A_140 = arith.constant 0 : i32
      %dma_start3A_141 = tpu.memref_slice %arg8[%run_scoped3A_19, %dma_start3A_139, %dma_start3A_140] : memref<3x200x32xf32, #tpu.memory_space<vmem>> -> memref<1x128x32xf32, #tpu.memory_space<vmem>>
      %dma_start3A_142 = tpu.memref_squeeze %dma_start3A_141 : memref<1x128x32xf32, #tpu.memory_space<vmem>> -> memref<128x32xf32, #tpu.memory_space<vmem>>
      tpu.enqueue_dma source(%dma_start3A_142 : memref<128x32xf32, #tpu.memory_space<vmem>>) target(%dma_start3A_138 : memref<128x32xf32, #tpu.memory_space<vmem_shared>>) target_semaphore(%run_scoped3A_130 : memref<!tpu.dma_semaphore, #tpu.memory_space<semaphore_mem>>)
      %dma_wait3A_143 = arith.constant 0 : i32
      %dma_wait3A_144 = arith.constant 0 : i32
      %dma_wait3A_145 = tpu.memref_slice %arg8[%run_scoped3A_19, %dma_wait3A_143, %dma_wait3A_144] : memref<3x200x32xf32, #tpu.memory_space<vmem>> -> memref<1x128x32xf32, #tpu.memory_space<vmem>>
      %dma_wait3A_146 = tpu.memref_squeeze %dma_wait3A_145 : memref<1x128x32xf32, #tpu.memory_space<vmem>> -> memref<128x32xf32, #tpu.memory_space<vmem>>
      %dma_wait3A_147 = arith.constant 0 : i32
      %dma_wait3A_148 = tpu.memref_slice %arg9[%add3A_18, %dma_wait3A_147] : memref<10240x32xf32, #tpu.memory_space<vmem_shared>> -> memref<128x32xf32, #tpu.memory_space<vmem_shared>>
      %dma_wait3A_149 = arith.constant 0 : i32
      %dma_wait3A_150 = tpu.memref_slice %arg9[%add3A_18, %dma_wait3A_149] : memref<10240x32xf32, #tpu.memory_space<vmem_shared>> -> memref<128x32xf32, #tpu.memory_space<vmem_shared>>
      %dma_wait3A_151 = arith.constant 0 : i32
      %dma_wait3A_152 = arith.constant 0 : i32
      %dma_wait3A_153 = tpu.memref_slice %arg8[%run_scoped3A_19, %dma_wait3A_151, %dma_wait3A_152] : memref<3x200x32xf32, #tpu.memory_space<vmem>> -> memref<1x128x32xf32, #tpu.memory_space<vmem>>
      %dma_wait3A_154 = tpu.memref_squeeze %dma_wait3A_153 : memref<1x128x32xf32, #tpu.memory_space<vmem>> -> memref<128x32xf32, #tpu.memory_space<vmem>>
      tpu.wait_dma2 semaphore(%run_scoped3A_130 : memref<!tpu.dma_semaphore, #tpu.memory_space<semaphore_mem>>) src(%dma_wait3A_154 : memref<128x32xf32, #tpu.memory_space<vmem>>) dst(%dma_wait3A_150 : memref<128x32xf32, #tpu.memory_space<vmem_shared>>)
      tpu.yield
    }) : () -> ()
    %mul3A_20 = arith.constant 640 : i32
    %mul3A_21 = arith.muli %arg1, %mul3A_20 : i32
    %add3A_22 = arith.constant 256 : i32
    %add3A_23 = arith.addi %mul3A_21, %add3A_22 : i32
    %run_scoped3A_24 = arith.constant 2 : i32
    "tpu.region"() ({
      %run_scoped3A_130 = tpu.sem_alloc : memref<!tpu.dma_semaphore, #tpu.memory_space<semaphore_mem>>
      %dma_start3A_131 = arith.constant 0 : i32
      %dma_start3A_132 = arith.constant 0 : i32
      %dma_start3A_133 = tpu.memref_slice %arg8[%run_scoped3A_24, %dma_start3A_131, %dma_start3A_132] : memref<3x200x32xf32, #tpu.memory_space<vmem>> -> memref<1x128x32xf32, #tpu.memory_space<vmem>>
      %dma_start3A_134 = tpu.memref_squeeze %dma_start3A_133 : memref<1x128x32xf32, #tpu.memory_space<vmem>> -> memref<128x32xf32, #tpu.memory_space<vmem>>
      %dma_start3A_135 = arith.constant 0 : i32
      %dma_start3A_136 = tpu.memref_slice %arg9[%add3A_23, %dma_start3A_135] : memref<10240x32xf32, #tpu.memory_space<vmem_shared>> -> memref<128x32xf32, #tpu.memory_space<vmem_shared>>
      %dma_start3A_137 = arith.constant 0 : i32
      %dma_start3A_138 = tpu.memref_slice %arg9[%add3A_23, %dma_start3A_137] : memref<10240x32xf32, #tpu.memory_space<vmem_shared>> -> memref<128x32xf32, #tpu.memory_space<vmem_shared>>
      %dma_start3A_139 = arith.constant 0 : i32
      %dma_start3A_140 = arith.constant 0 : i32
      %dma_start3A_141 = tpu.memref_slice %arg8[%run_scoped3A_24, %dma_start3A_139, %dma_start3A_140] : memref<3x200x32xf32, #tpu.memory_space<vmem>> -> memref<1x128x32xf32, #tpu.memory_space<vmem>>
      %dma_start3A_142 = tpu.memref_squeeze %dma_start3A_141 : memref<1x128x32xf32, #tpu.memory_space<vmem>> -> memref<128x32xf32, #tpu.memory_space<vmem>>
      tpu.enqueue_dma source(%dma_start3A_142 : memref<128x32xf32, #tpu.memory_space<vmem>>) target(%dma_start3A_138 : memref<128x32xf32, #tpu.memory_space<vmem_shared>>) target_semaphore(%run_scoped3A_130 : memref<!tpu.dma_semaphore, #tpu.memory_space<semaphore_mem>>)
      %dma_wait3A_143 = arith.constant 0 : i32
      %dma_wait3A_144 = arith.constant 0 : i32
      %dma_wait3A_145 = tpu.memref_slice %arg8[%run_scoped3A_24, %dma_wait3A_143, %dma_wait3A_144] : memref<3x200x32xf32, #tpu.memory_space<vmem>> -> memref<1x128x32xf32, #tpu.memory_space<vmem>>
      %dma_wait3A_146 = tpu.memref_squeeze %dma_wait3A_145 : memref<1x128x32xf32, #tpu.memory_space<vmem>> -> memref<128x32xf32, #tpu.memory_space<vmem>>
      %dma_wait3A_147 = arith.constant 0 : i32
      %dma_wait3A_148 = tpu.memref_slice %arg9[%add3A_23, %dma_wait3A_147] : memref<10240x32xf32, #tpu.memory_space<vmem_shared>> -> memref<128x32xf32, #tpu.memory_space<vmem_shared>>
      %dma_wait3A_149 = arith.constant 0 : i32
      %dma_wait3A_150 = tpu.memref_slice %arg9[%add3A_23, %dma_wait3A_149] : memref<10240x32xf32, #tpu.memory_space<vmem_shared>> -> memref<128x32xf32, #tpu.memory_space<vmem_shared>>
      %dma_wait3A_151 = arith.constant 0 : i32
      %dma_wait3A_152 = arith.constant 0 : i32
      %dma_wait3A_153 = tpu.memref_slice %arg8[%run_scoped3A_24, %dma_wait3A_151, %dma_wait3A_152] : memref<3x200x32xf32, #tpu.memory_space<vmem>> -> memref<1x128x32xf32, #tpu.memory_space<vmem>>
      %dma_wait3A_154 = tpu.memref_squeeze %dma_wait3A_153 : memref<1x128x32xf32, #tpu.memory_space<vmem>> -> memref<128x32xf32, #tpu.memory_space<vmem>>
      tpu.wait_dma2 semaphore(%run_scoped3A_130 : memref<!tpu.dma_semaphore, #tpu.memory_space<semaphore_mem>>) src(%dma_wait3A_154 : memref<128x32xf32, #tpu.memory_space<vmem>>) dst(%dma_wait3A_150 : memref<128x32xf32, #tpu.memory_space<vmem_shared>>)
      tpu.yield
    }) : () -> ()
    %mul3A_25 = arith.constant 640 : i32
    %mul3A_26 = arith.muli %arg1, %mul3A_25 : i32
    %add3A_27 = arith.constant 384 : i32
    %add3A_28 = arith.addi %mul3A_26, %add3A_27 : i32
    %run_scoped3A_29 = arith.constant 2 : i32
    "tpu.region"() ({
      %run_scoped3A_130 = tpu.sem_alloc : memref<!tpu.dma_semaphore, #tpu.memory_space<semaphore_mem>>
      %dma_start3A_131 = arith.constant 0 : i32
      %dma_start3A_132 = arith.constant 0 : i32
      %dma_start3A_133 = tpu.memref_slice %arg8[%run_scoped3A_29, %dma_start3A_131, %dma_start3A_132] : memref<3x200x32xf32, #tpu.memory_space<vmem>> -> memref<1x128x32xf32, #tpu.memory_space<vmem>>
      %dma_start3A_134 = tpu.memref_squeeze %dma_start3A_133 : memref<1x128x32xf32, #tpu.memory_space<vmem>> -> memref<128x32xf32, #tpu.memory_space<vmem>>
      %dma_start3A_135 = arith.constant 0 : i32
      %dma_start3A_136 = tpu.memref_slice %arg9[%add3A_28, %dma_start3A_135] : memref<10240x32xf32, #tpu.memory_space<vmem_shared>> -> memref<128x32xf32, #tpu.memory_space<vmem_shared>>
      %dma_start3A_137 = arith.constant 0 : i32
      %dma_start3A_138 = tpu.memref_slice %arg9[%add3A_28, %dma_start3A_137] : memref<10240x32xf32, #tpu.memory_space<vmem_shared>> -> memref<128x32xf32, #tpu.memory_space<vmem_shared>>
      %dma_start3A_139 = arith.constant 0 : i32
      %dma_start3A_140 = arith.constant 0 : i32
      %dma_start3A_141 = tpu.memref_slice %arg8[%run_scoped3A_29, %dma_start3A_139, %dma_start3A_140] : memref<3x200x32xf32, #tpu.memory_space<vmem>> -> memref<1x128x32xf32, #tpu.memory_space<vmem>>
      %dma_start3A_142 = tpu.memref_squeeze %dma_start3A_141 : memref<1x128x32xf32, #tpu.memory_space<vmem>> -> memref<128x32xf32, #tpu.memory_space<vmem>>
      tpu.enqueue_dma source(%dma_start3A_142 : memref<128x32xf32, #tpu.memory_space<vmem>>) target(%dma_start3A_138 : memref<128x32xf32, #tpu.memory_space<vmem_shared>>) target_semaphore(%run_scoped3A_130 : memref<!tpu.dma_semaphore, #tpu.memory_space<semaphore_mem>>)
      %dma_wait3A_143 = arith.constant 0 : i32
      %dma_wait3A_144 = arith.constant 0 : i32
      %dma_wait3A_145 = tpu.memref_slice %arg8[%run_scoped3A_29, %dma_wait3A_143, %dma_wait3A_144] : memref<3x200x32xf32, #tpu.memory_space<vmem>> -> memref<1x128x32xf32, #tpu.memory_space<vmem>>
      %dma_wait3A_146 = tpu.memref_squeeze %dma_wait3A_145 : memref<1x128x32xf32, #tpu.memory_space<vmem>> -> memref<128x32xf32, #tpu.memory_space<vmem>>
      %dma_wait3A_147 = arith.constant 0 : i32
      %dma_wait3A_148 = tpu.memref_slice %arg9[%add3A_28, %dma_wait3A_147] : memref<10240x32xf32, #tpu.memory_space<vmem_shared>> -> memref<128x32xf32, #tpu.memory_space<vmem_shared>>
      %dma_wait3A_149 = arith.constant 0 : i32
      %dma_wait3A_150 = tpu.memref_slice %arg9[%add3A_28, %dma_wait3A_149] : memref<10240x32xf32, #tpu.memory_space<vmem_shared>> -> memref<128x32xf32, #tpu.memory_space<vmem_shared>>
      %dma_wait3A_151 = arith.constant 0 : i32
      %dma_wait3A_152 = arith.constant 0 : i32
      %dma_wait3A_153 = tpu.memref_slice %arg8[%run_scoped3A_29, %dma_wait3A_151, %dma_wait3A_152] : memref<3x200x32xf32, #tpu.memory_space<vmem>> -> memref<1x128x32xf32, #tpu.memory_space<vmem>>
      %dma_wait3A_154 = tpu.memref_squeeze %dma_wait3A_153 : memref<1x128x32xf32, #tpu.memory_space<vmem>> -> memref<128x32xf32, #tpu.memory_space<vmem>>
      tpu.wait_dma2 semaphore(%run_scoped3A_130 : memref<!tpu.dma_semaphore, #tpu.memory_space<semaphore_mem>>) src(%dma_wait3A_154 : memref<128x32xf32, #tpu.memory_space<vmem>>) dst(%dma_wait3A_150 : memref<128x32xf32, #tpu.memory_space<vmem_shared>>)
      tpu.yield
    }) : () -> ()
    %mul3A_30 = arith.constant 640 : i32
    %mul3A_31 = arith.muli %arg1, %mul3A_30 : i32
    %add3A_32 = arith.constant 512 : i32
    %add3A_33 = arith.addi %mul3A_31, %add3A_32 : i32
    %run_scoped3A_34 = arith.constant 2 : i32
    "tpu.region"() ({
      %run_scoped3A_130 = tpu.sem_alloc : memref<!tpu.dma_semaphore, #tpu.memory_space<semaphore_mem>>
      %dma_start3A_131 = arith.constant 0 : i32
      %dma_start3A_132 = arith.constant 0 : i32
      %dma_start3A_133 = tpu.memref_slice %arg8[%run_scoped3A_34, %dma_start3A_131, %dma_start3A_132] : memref<3x200x32xf32, #tpu.memory_space<vmem>> -> memref<1x128x32xf32, #tpu.memory_space<vmem>>
      %dma_start3A_134 = tpu.memref_squeeze %dma_start3A_133 : memref<1x128x32xf32, #tpu.memory_space<vmem>> -> memref<128x32xf32, #tpu.memory_space<vmem>>
      %dma_start3A_135 = arith.constant 0 : i32
      %dma_start3A_136 = tpu.memref_slice %arg9[%add3A_33, %dma_start3A_135] : memref<10240x32xf32, #tpu.memory_space<vmem_shared>> -> memref<128x32xf32, #tpu.memory_space<vmem_shared>>
      %dma_start3A_137 = arith.constant 0 : i32
      %dma_start3A_138 = tpu.memref_slice %arg9[%add3A_33, %dma_start3A_137] : memref<10240x32xf32, #tpu.memory_space<vmem_shared>> -> memref<128x32xf32, #tpu.memory_space<vmem_shared>>
      %dma_start3A_139 = arith.constant 0 : i32
      %dma_start3A_140 = arith.constant 0 : i32
      %dma_start3A_141 = tpu.memref_slice %arg8[%run_scoped3A_34, %dma_start3A_139, %dma_start3A_140] : memref<3x200x32xf32, #tpu.memory_space<vmem>> -> memref<1x128x32xf32, #tpu.memory_space<vmem>>
      %dma_start3A_142 = tpu.memref_squeeze %dma_start3A_141 : memref<1x128x32xf32, #tpu.memory_space<vmem>> -> memref<128x32xf32, #tpu.memory_space<vmem>>
      tpu.enqueue_dma source(%dma_start3A_142 : memref<128x32xf32, #tpu.memory_space<vmem>>) target(%dma_start3A_138 : memref<128x32xf32, #tpu.memory_space<vmem_shared>>) target_semaphore(%run_scoped3A_130 : memref<!tpu.dma_semaphore, #tpu.memory_space<semaphore_mem>>)
      %dma_wait3A_143 = arith.constant 0 : i32
      %dma_wait3A_144 = arith.constant 0 : i32
      %dma_wait3A_145 = tpu.memref_slice %arg8[%run_scoped3A_34, %dma_wait3A_143, %dma_wait3A_144] : memref<3x200x32xf32, #tpu.memory_space<vmem>> -> memref<1x128x32xf32, #tpu.memory_space<vmem>>
      %dma_wait3A_146 = tpu.memref_squeeze %dma_wait3A_145 : memref<1x128x32xf32, #tpu.memory_space<vmem>> -> memref<128x32xf32, #tpu.memory_space<vmem>>
      %dma_wait3A_147 = arith.constant 0 : i32
      %dma_wait3A_148 = tpu.memref_slice %arg9[%add3A_33, %dma_wait3A_147] : memref<10240x32xf32, #tpu.memory_space<vmem_shared>> -> memref<128x32xf32, #tpu.memory_space<vmem_shared>>
      %dma_wait3A_149 = arith.constant 0 : i32
      %dma_wait3A_150 = tpu.memref_slice %arg9[%add3A_33, %dma_wait3A_149] : memref<10240x32xf32, #tpu.memory_space<vmem_shared>> -> memref<128x32xf32, #tpu.memory_space<vmem_shared>>
      %dma_wait3A_151 = arith.constant 0 : i32
      %dma_wait3A_152 = arith.constant 0 : i32
      %dma_wait3A_153 = tpu.memref_slice %arg8[%run_scoped3A_34, %dma_wait3A_151, %dma_wait3A_152] : memref<3x200x32xf32, #tpu.memory_space<vmem>> -> memref<1x128x32xf32, #tpu.memory_space<vmem>>
      %dma_wait3A_154 = tpu.memref_squeeze %dma_wait3A_153 : memref<1x128x32xf32, #tpu.memory_space<vmem>> -> memref<128x32xf32, #tpu.memory_space<vmem>>
      tpu.wait_dma2 semaphore(%run_scoped3A_130 : memref<!tpu.dma_semaphore, #tpu.memory_space<semaphore_mem>>) src(%dma_wait3A_154 : memref<128x32xf32, #tpu.memory_space<vmem>>) dst(%dma_wait3A_150 : memref<128x32xf32, #tpu.memory_space<vmem_shared>>)
      tpu.yield
    }) : () -> ()
    %dma_start3A = arith.constant 0 : i32
    %dma_start3A_35 = arith.constant 0 : i32
    %dma_start3A_36 = arith.constant 0 : i32
    %dma_start3A_37 = tpu.memref_slice %arg8[%dma_start3A, %dma_start3A_35, %dma_start3A_36] : memref<3x200x32xf32, #tpu.memory_space<vmem>> -> memref<1x200x32xf32, #tpu.memory_space<vmem>>
    %dma_start3A_38 = tpu.memref_squeeze %dma_start3A_37 : memref<1x200x32xf32, #tpu.memory_space<vmem>> -> memref<200x32xf32, #tpu.memory_space<vmem>>
    %dma_start3A_39 = arith.constant 0 : i32
    %dma_start3A_40 = tpu.memref_slice %arg6[%dma_start3A_39] : memref<20000xi32, #tpu.memory_space<vmem>> -> memref<200xi32, #tpu.memory_space<vmem>>
    %dma_start3A_41 = arith.constant 0 : i32
    %dma_start3A_42 = arith.constant 0 : i32
    %dma_start3A_43 = tpu.memref_slice %arg4[%dma_start3A_41, %dma_start3A_42] : memref<20000x32xf32, #tpu.memory_space<hbm>> -> memref<20000x32xf32, #tpu.memory_space<hbm>>
    tpu.enqueue_indirect_dma source(%dma_start3A_43 : memref<20000x32xf32, #tpu.memory_space<hbm>>) target(%dma_start3A_38 : memref<200x32xf32, #tpu.memory_space<vmem>>) offsets(%dma_start3A_40 : memref<200xi32, #tpu.memory_space<vmem>>) semaphore(%arg10 : memref<!tpu.dma_semaphore, #tpu.memory_space<semaphore_mem>>)
    %dma_start3A_44 = arith.constant 1 : i32
    %dma_start3A_45 = arith.constant 0 : i32
    %dma_start3A_46 = arith.constant 0 : i32
    %dma_start3A_47 = tpu.memref_slice %arg8[%dma_start3A_44, %dma_start3A_45, %dma_start3A_46] : memref<3x200x32xf32, #tpu.memory_space<vmem>> -> memref<1x200x32xf32, #tpu.memory_space<vmem>>
    %dma_start3A_48 = tpu.memref_squeeze %dma_start3A_47 : memref<1x200x32xf32, #tpu.memory_space<vmem>> -> memref<200x32xf32, #tpu.memory_space<vmem>>
    %dma_start3A_49 = arith.constant 200 : i32
    %dma_start3A_50 = tpu.memref_slice %arg6[%dma_start3A_49] : memref<20000xi32, #tpu.memory_space<vmem>> -> memref<200xi32, #tpu.memory_space<vmem>>
    %dma_start3A_51 = arith.constant 0 : i32
    %dma_start3A_52 = arith.constant 0 : i32
    %dma_start3A_53 = tpu.memref_slice %arg4[%dma_start3A_51, %dma_start3A_52] : memref<20000x32xf32, #tpu.memory_space<hbm>> -> memref<20000x32xf32, #tpu.memory_space<hbm>>
    tpu.enqueue_indirect_dma source(%dma_start3A_53 : memref<20000x32xf32, #tpu.memory_space<hbm>>) target(%dma_start3A_48 : memref<200x32xf32, #tpu.memory_space<vmem>>) offsets(%dma_start3A_50 : memref<200xi32, #tpu.memory_space<vmem>>) semaphore(%arg11 : memref<!tpu.dma_semaphore, #tpu.memory_space<semaphore_mem>>)
    %barrier3A = arith.constant 0 : index
    tpu.barrier barrier_id(%barrier3A)
    %scan3A_54 = arith.constant 0 : i32
    %scan3A_55 = arith.constant 0 : i32
    %scan3A_56 = arith.constant 16 : i32
    %scan3A_57 = arith.addi %scan3A_55, %scan3A_56 : i32
    %scan3A_58 = arith.constant 1 : i32
    scf.for %scan3A_130 = %scan3A_55 to %scan3A_57 step %scan3A_58  : i32 {
      %mul3A_131 = arith.constant 6 : i32
      %mul3A_132 = arith.muli %mul3A_131, %scan3A_130 : i32
      %add3A_133 = arith.constant 0 : i32
      %add3A_134 = arith.addi %mul3A_132, %add3A_133 : i32
      %add3A_135 = arith.constant 2 : i32
      %add3A_136 = arith.addi %add3A_134, %add3A_135 : i32
      %mul3A_137 = arith.constant 200 : i32
      %mul3A_138 = arith.muli %add3A_136, %mul3A_137 : i32
      %dma_start3A_139 = arith.constant 2 : i32
      %dma_start3A_140 = arith.constant 0 : i32
      %dma_start3A_141 = arith.constant 0 : i32
      %dma_start3A_142 = tpu.memref_slice %arg8[%dma_start3A_139, %dma_start3A_140, %dma_start3A_141] : memref<3x200x32xf32, #tpu.memory_space<vmem>> -> memref<1x200x32xf32, #tpu.memory_space<vmem>>
      %dma_start3A_143 = tpu.memref_squeeze %dma_start3A_142 : memref<1x200x32xf32, #tpu.memory_space<vmem>> -> memref<200x32xf32, #tpu.memory_space<vmem>>
      %dma_start3A_144 = tpu.memref_slice %arg6[%mul3A_138] : memref<20000xi32, #tpu.memory_space<vmem>> -> memref<200xi32, #tpu.memory_space<vmem>>
      %dma_start3A_145 = arith.constant 0 : i32
      %dma_start3A_146 = arith.constant 0 : i32
      %dma_start3A_147 = tpu.memref_slice %arg4[%dma_start3A_145, %dma_start3A_146] : memref<20000x32xf32, #tpu.memory_space<hbm>> -> memref<20000x32xf32, #tpu.memory_space<hbm>>
      tpu.enqueue_indirect_dma source(%dma_start3A_147 : memref<20000x32xf32, #tpu.memory_space<hbm>>) target(%dma_start3A_143 : memref<200x32xf32, #tpu.memory_space<vmem>>) offsets(%dma_start3A_144 : memref<200xi32, #tpu.memory_space<vmem>>) semaphore(%arg12 : memref<!tpu.dma_semaphore, #tpu.memory_space<semaphore_mem>>)
      %mul3A_148 = arith.constant 200 : i32
      %mul3A_149 = arith.muli %add3A_134, %mul3A_148 : i32
      %dma_wait3A_150 = arith.constant 0 : i32
      %dma_wait3A_151 = arith.constant 0 : i32
      %dma_wait3A_152 = arith.constant 0 : i32
      %dma_wait3A_153 = tpu.memref_slice %arg8[%dma_wait3A_150, %dma_wait3A_151, %dma_wait3A_152] : memref<3x200x32xf32, #tpu.memory_space<vmem>> -> memref<1x200x32xf32, #tpu.memory_space<vmem>>
      %dma_wait3A_154 = tpu.memref_squeeze %dma_wait3A_153 : memref<1x200x32xf32, #tpu.memory_space<vmem>> -> memref<200x32xf32, #tpu.memory_space<vmem>>
      %dma_wait3A_155 = tpu.memref_slice %arg6[%mul3A_149] : memref<20000xi32, #tpu.memory_space<vmem>> -> memref<200xi32, #tpu.memory_space<vmem>>
      %dma_wait3A_156 = arith.constant 0 : i32
      %dma_wait3A_157 = arith.constant 0 : i32
      %dma_wait3A_158 = tpu.memref_slice %arg4[%dma_wait3A_156, %dma_wait3A_157] : memref<20000x32xf32, #tpu.memory_space<hbm>> -> memref<20000x32xf32, #tpu.memory_space<hbm>>
      tpu.wait_indirect_dma semaphore(%arg10 : memref<!tpu.dma_semaphore, #tpu.memory_space<semaphore_mem>>) src(%dma_wait3A_158 : memref<20000x32xf32, #tpu.memory_space<hbm>>) dst(%dma_wait3A_154 : memref<200x32xf32, #tpu.memory_space<vmem>>)
      %mul3A_159 = arith.constant 200 : i32
      %mul3A_160 = arith.muli %add3A_134, %mul3A_159 : i32
      %run_scoped3A_161 = arith.constant 0 : i32
      "tpu.region"() ({
        %run_scoped3A_307 = tpu.sem_alloc : memref<!tpu.dma_semaphore, #tpu.memory_space<semaphore_mem>>
        %dma_start3A_308 = arith.constant 0 : i32
        %dma_start3A_309 = arith.constant 0 : i32
        %dma_start3A_310 = tpu.memref_slice %arg8[%run_scoped3A_161, %dma_start3A_308, %dma_start3A_309] : memref<3x200x32xf32, #tpu.memory_space<vmem>> -> memref<1x200x32xf32, #tpu.memory_space<vmem>>
        %dma_start3A_311 = tpu.memref_squeeze %dma_start3A_310 : memref<1x200x32xf32, #tpu.memory_space<vmem>> -> memref<200x32xf32, #tpu.memory_space<vmem>>
        %dma_start3A_312 = tpu.memref_slice %arg7[%mul3A_160] : memref<20000xi32, #tpu.memory_space<vmem>> -> memref<200xi32, #tpu.memory_space<vmem>>
        %dma_start3A_313 = arith.constant 0 : i32
        %dma_start3A_314 = arith.constant 0 : i32
        %dma_start3A_315 = tpu.memref_slice %arg9[%dma_start3A_313, %dma_start3A_314] : memref<10240x32xf32, #tpu.memory_space<vmem_shared>> -> memref<10240x32xf32, #tpu.memory_space<vmem_shared>>
        tpu.enqueue_indirect_dma source(%dma_start3A_311 : memref<200x32xf32, #tpu.memory_space<vmem>>) target(%dma_start3A_315 : memref<10240x32xf32, #tpu.memory_space<vmem_shared>>) offsets(%dma_start3A_312 : memref<200xi32, #tpu.memory_space<vmem>>) semaphore(%run_scoped3A_307 : memref<!tpu.dma_semaphore, #tpu.memory_space<semaphore_mem>>) {add = true}
        %dma_wait3A_316 = arith.constant 0 : i32
        %dma_wait3A_317 = arith.constant 0 : i32
        %dma_wait3A_318 = tpu.memref_slice %arg8[%run_scoped3A_161, %dma_wait3A_316, %dma_wait3A_317] : memref<3x200x32xf32, #tpu.memory_space<vmem>> -> memref<1x200x32xf32, #tpu.memory_space<vmem>>
        %dma_wait3A_319 = tpu.memref_squeeze %dma_wait3A_318 : memref<1x200x32xf32, #tpu.memory_space<vmem>> -> memref<200x32xf32, #tpu.memory_space<vmem>>
        %dma_wait3A_320 = tpu.memref_slice %arg7[%mul3A_160] : memref<20000xi32, #tpu.memory_space<vmem>> -> memref<200xi32, #tpu.memory_space<vmem>>
        %dma_wait3A_321 = arith.constant 0 : i32
        %dma_wait3A_322 = arith.constant 0 : i32
        %dma_wait3A_323 = tpu.memref_slice %arg9[%dma_wait3A_321, %dma_wait3A_322] : memref<10240x32xf32, #tpu.memory_space<vmem_shared>> -> memref<10240x32xf32, #tpu.memory_space<vmem_shared>>
        tpu.wait_indirect_dma semaphore(%run_scoped3A_307 : memref<!tpu.dma_semaphore, #tpu.memory_space<semaphore_mem>>) src(%dma_wait3A_319 : memref<200x32xf32, #tpu.memory_space<vmem>>) dst(%dma_wait3A_323 : memref<10240x32xf32, #tpu.memory_space<vmem_shared>>)
        tpu.yield
      }) : () -> ()
      %add3A_162 = arith.constant 1 : i32
      %add3A_163 = arith.addi %mul3A_132, %add3A_162 : i32
      %add3A_164 = arith.constant 2 : i32
      %add3A_165 = arith.addi %add3A_163, %add3A_164 : i32
      %mul3A_166 = arith.constant 200 : i32
      %mul3A_167 = arith.muli %add3A_165, %mul3A_166 : i32
      %dma_start3A_168 = arith.constant 0 : i32
      %dma_start3A_169 = arith.constant 0 : i32
      %dma_start3A_170 = arith.constant 0 : i32
      %dma_start3A_171 = tpu.memref_slice %arg8[%dma_start3A_168, %dma_start3A_169, %dma_start3A_170] : memref<3x200x32xf32, #tpu.memory_space<vmem>> -> memref<1x200x32xf32, #tpu.memory_space<vmem>>
      %dma_start3A_172 = tpu.memref_squeeze %dma_start3A_171 : memref<1x200x32xf32, #tpu.memory_space<vmem>> -> memref<200x32xf32, #tpu.memory_space<vmem>>
      %dma_start3A_173 = tpu.memref_slice %arg6[%mul3A_167] : memref<20000xi32, #tpu.memory_space<vmem>> -> memref<200xi32, #tpu.memory_space<vmem>>
      %dma_start3A_174 = arith.constant 0 : i32
      %dma_start3A_175 = arith.constant 0 : i32
      %dma_start3A_176 = tpu.memref_slice %arg4[%dma_start3A_174, %dma_start3A_175] : memref<20000x32xf32, #tpu.memory_space<hbm>> -> memref<20000x32xf32, #tpu.memory_space<hbm>>
      tpu.enqueue_indirect_dma source(%dma_start3A_176 : memref<20000x32xf32, #tpu.memory_space<hbm>>) target(%dma_start3A_172 : memref<200x32xf32, #tpu.memory_space<vmem>>) offsets(%dma_start3A_173 : memref<200xi32, #tpu.memory_space<vmem>>) semaphore(%arg10 : memref<!tpu.dma_semaphore, #tpu.memory_space<semaphore_mem>>)
      %mul3A_177 = arith.constant 200 : i32
      %mul3A_178 = arith.muli %add3A_163, %mul3A_177 : i32
      %dma_wait3A_179 = arith.constant 1 : i32
      %dma_wait3A_180 = arith.constant 0 : i32
      %dma_wait3A_181 = arith.constant 0 : i32
      %dma_wait3A_182 = tpu.memref_slice %arg8[%dma_wait3A_179, %dma_wait3A_180, %dma_wait3A_181] : memref<3x200x32xf32, #tpu.memory_space<vmem>> -> memref<1x200x32xf32, #tpu.memory_space<vmem>>
      %dma_wait3A_183 = tpu.memref_squeeze %dma_wait3A_182 : memref<1x200x32xf32, #tpu.memory_space<vmem>> -> memref<200x32xf32, #tpu.memory_space<vmem>>
      %dma_wait3A_184 = tpu.memref_slice %arg6[%mul3A_178] : memref<20000xi32, #tpu.memory_space<vmem>> -> memref<200xi32, #tpu.memory_space<vmem>>
      %dma_wait3A_185 = arith.constant 0 : i32
      %dma_wait3A_186 = arith.constant 0 : i32
      %dma_wait3A_187 = tpu.memref_slice %arg4[%dma_wait3A_185, %dma_wait3A_186] : memref<20000x32xf32, #tpu.memory_space<hbm>> -> memref<20000x32xf32, #tpu.memory_space<hbm>>
      tpu.wait_indirect_dma semaphore(%arg11 : memref<!tpu.dma_semaphore, #tpu.memory_space<semaphore_mem>>) src(%dma_wait3A_187 : memref<20000x32xf32, #tpu.memory_space<hbm>>) dst(%dma_wait3A_183 : memref<200x32xf32, #tpu.memory_space<vmem>>)
      %mul3A_188 = arith.constant 200 : i32
      %mul3A_189 = arith.muli %add3A_163, %mul3A_188 : i32
      %run_scoped3A_190 = arith.constant 1 : i32
      "tpu.region"() ({
        %run_scoped3A_307 = tpu.sem_alloc : memref<!tpu.dma_semaphore, #tpu.memory_space<semaphore_mem>>
        %dma_start3A_308 = arith.constant 0 : i32
        %dma_start3A_309 = arith.constant 0 : i32
        %dma_start3A_310 = tpu.memref_slice %arg8[%run_scoped3A_190, %dma_start3A_308, %dma_start3A_309] : memref<3x200x32xf32, #tpu.memory_space<vmem>> -> memref<1x200x32xf32, #tpu.memory_space<vmem>>
        %dma_start3A_311 = tpu.memref_squeeze %dma_start3A_310 : memref<1x200x32xf32, #tpu.memory_space<vmem>> -> memref<200x32xf32, #tpu.memory_space<vmem>>
        %dma_start3A_312 = tpu.memref_slice %arg7[%mul3A_189] : memref<20000xi32, #tpu.memory_space<vmem>> -> memref<200xi32, #tpu.memory_space<vmem>>
        %dma_start3A_313 = arith.constant 0 : i32
        %dma_start3A_314 = arith.constant 0 : i32
        %dma_start3A_315 = tpu.memref_slice %arg9[%dma_start3A_313, %dma_start3A_314] : memref<10240x32xf32, #tpu.memory_space<vmem_shared>> -> memref<10240x32xf32, #tpu.memory_space<vmem_shared>>
        tpu.enqueue_indirect_dma source(%dma_start3A_311 : memref<200x32xf32, #tpu.memory_space<vmem>>) target(%dma_start3A_315 : memref<10240x32xf32, #tpu.memory_space<vmem_shared>>) offsets(%dma_start3A_312 : memref<200xi32, #tpu.memory_space<vmem>>) semaphore(%run_scoped3A_307 : memref<!tpu.dma_semaphore, #tpu.memory_space<semaphore_mem>>) {add = true}
        %dma_wait3A_316 = arith.constant 0 : i32
        %dma_wait3A_317 = arith.constant 0 : i32
        %dma_wait3A_318 = tpu.memref_slice %arg8[%run_scoped3A_190, %dma_wait3A_316, %dma_wait3A_317] : memref<3x200x32xf32, #tpu.memory_space<vmem>> -> memref<1x200x32xf32, #tpu.memory_space<vmem>>
        %dma_wait3A_319 = tpu.memref_squeeze %dma_wait3A_318 : memref<1x200x32xf32, #tpu.memory_space<vmem>> -> memref<200x32xf32, #tpu.memory_space<vmem>>
        %dma_wait3A_320 = tpu.memref_slice %arg7[%mul3A_189] : memref<20000xi32, #tpu.memory_space<vmem>> -> memref<200xi32, #tpu.memory_space<vmem>>
        %dma_wait3A_321 = arith.constant 0 : i32
        %dma_wait3A_322 = arith.constant 0 : i32
        %dma_wait3A_323 = tpu.memref_slice %arg9[%dma_wait3A_321, %dma_wait3A_322] : memref<10240x32xf32, #tpu.memory_space<vmem_shared>> -> memref<10240x32xf32, #tpu.memory_space<vmem_shared>>
        tpu.wait_indirect_dma semaphore(%run_scoped3A_307 : memref<!tpu.dma_semaphore, #tpu.memory_space<semaphore_mem>>) src(%dma_wait3A_319 : memref<200x32xf32, #tpu.memory_space<vmem>>) dst(%dma_wait3A_323 : memref<10240x32xf32, #tpu.memory_space<vmem_shared>>)
        tpu.yield
      }) : () -> ()
      %add3A_191 = arith.constant 2 : i32
      %add3A_192 = arith.addi %mul3A_132, %add3A_191 : i32
      %add3A_193 = arith.constant 2 : i32
      %add3A_194 = arith.addi %add3A_192, %add3A_193 : i32
      %mul3A_195 = arith.constant 200 : i32
      %mul3A_196 = arith.muli %add3A_194, %mul3A_195 : i32
      %dma_start3A_197 = arith.constant 1 : i32
      %dma_start3A_198 = arith.constant 0 : i32
      %dma_start3A_199 = arith.constant 0 : i32
      %dma_start3A_200 = tpu.memref_slice %arg8[%dma_start3A_197, %dma_start3A_198, %dma_start3A_199] : memref<3x200x32xf32, #tpu.memory_space<vmem>> -> memref<1x200x32xf32, #tpu.memory_space<vmem>>
      %dma_start3A_201 = tpu.memref_squeeze %dma_start3A_200 : memref<1x200x32xf32, #tpu.memory_space<vmem>> -> memref<200x32xf32, #tpu.memory_space<vmem>>
      %dma_start3A_202 = tpu.memref_slice %arg6[%mul3A_196] : memref<20000xi32, #tpu.memory_space<vmem>> -> memref<200xi32, #tpu.memory_space<vmem>>
      %dma_start3A_203 = arith.constant 0 : i32
      %dma_start3A_204 = arith.constant 0 : i32
      %dma_start3A_205 = tpu.memref_slice %arg4[%dma_start3A_203, %dma_start3A_204] : memref<20000x32xf32, #tpu.memory_space<hbm>> -> memref<20000x32xf32, #tpu.memory_space<hbm>>
      tpu.enqueue_indirect_dma source(%dma_start3A_205 : memref<20000x32xf32, #tpu.memory_space<hbm>>) target(%dma_start3A_201 : memref<200x32xf32, #tpu.memory_space<vmem>>) offsets(%dma_start3A_202 : memref<200xi32, #tpu.memory_space<vmem>>) semaphore(%arg11 : memref<!tpu.dma_semaphore, #tpu.memory_space<semaphore_mem>>)
      %mul3A_206 = arith.constant 200 : i32
      %mul3A_207 = arith.muli %add3A_192, %mul3A_206 : i32
      %dma_wait3A_208 = arith.constant 2 : i32
      %dma_wait3A_209 = arith.constant 0 : i32
      %dma_wait3A_210 = arith.constant 0 : i32
      %dma_wait3A_211 = tpu.memref_slice %arg8[%dma_wait3A_208, %dma_wait3A_209, %dma_wait3A_210] : memref<3x200x32xf32, #tpu.memory_space<vmem>> -> memref<1x200x32xf32, #tpu.memory_space<vmem>>
      %dma_wait3A_212 = tpu.memref_squeeze %dma_wait3A_211 : memref<1x200x32xf32, #tpu.memory_space<vmem>> -> memref<200x32xf32, #tpu.memory_space<vmem>>
      %dma_wait3A_213 = tpu.memref_slice %arg6[%mul3A_207] : memref<20000xi32, #tpu.memory_space<vmem>> -> memref<200xi32, #tpu.memory_space<vmem>>
      %dma_wait3A_214 = arith.constant 0 : i32
      %dma_wait3A_215 = arith.constant 0 : i32
      %dma_wait3A_216 = tpu.memref_slice %arg4[%dma_wait3A_214, %dma_wait3A_215] : memref<20000x32xf32, #tpu.memory_space<hbm>> -> memref<20000x32xf32, #tpu.memory_space<hbm>>
      tpu.wait_indirect_dma semaphore(%arg12 : memref<!tpu.dma_semaphore, #tpu.memory_space<semaphore_mem>>) src(%dma_wait3A_216 : memref<20000x32xf32, #tpu.memory_space<hbm>>) dst(%dma_wait3A_212 : memref<200x32xf32, #tpu.memory_space<vmem>>)
      %mul3A_217 = arith.constant 200 : i32
      %mul3A_218 = arith.muli %add3A_192, %mul3A_217 : i32
      %run_scoped3A_219 = arith.constant 2 : i32
      "tpu.region"() ({
        %run_scoped3A_307 = tpu.sem_alloc : memref<!tpu.dma_semaphore, #tpu.memory_space<semaphore_mem>>
        %dma_start3A_308 = arith.constant 0 : i32
        %dma_start3A_309 = arith.constant 0 : i32
        %dma_start3A_310 = tpu.memref_slice %arg8[%run_scoped3A_219, %dma_start3A_308, %dma_start3A_309] : memref<3x200x32xf32, #tpu.memory_space<vmem>> -> memref<1x200x32xf32, #tpu.memory_space<vmem>>
        %dma_start3A_311 = tpu.memref_squeeze %dma_start3A_310 : memref<1x200x32xf32, #tpu.memory_space<vmem>> -> memref<200x32xf32, #tpu.memory_space<vmem>>
        %dma_start3A_312 = tpu.memref_slice %arg7[%mul3A_218] : memref<20000xi32, #tpu.memory_space<vmem>> -> memref<200xi32, #tpu.memory_space<vmem>>
        %dma_start3A_313 = arith.constant 0 : i32
        %dma_start3A_314 = arith.constant 0 : i32
        %dma_start3A_315 = tpu.memref_slice %arg9[%dma_start3A_313, %dma_start3A_314] : memref<10240x32xf32, #tpu.memory_space<vmem_shared>> -> memref<10240x32xf32, #tpu.memory_space<vmem_shared>>
        tpu.enqueue_indirect_dma source(%dma_start3A_311 : memref<200x32xf32, #tpu.memory_space<vmem>>) target(%dma_start3A_315 : memref<10240x32xf32, #tpu.memory_space<vmem_shared>>) offsets(%dma_start3A_312 : memref<200xi32, #tpu.memory_space<vmem>>) semaphore(%run_scoped3A_307 : memref<!tpu.dma_semaphore, #tpu.memory_space<semaphore_mem>>) {add = true}
        %dma_wait3A_316 = arith.constant 0 : i32
        %dma_wait3A_317 = arith.constant 0 : i32
        %dma_wait3A_318 = tpu.memref_slice %arg8[%run_scoped3A_219, %dma_wait3A_316, %dma_wait3A_317] : memref<3x200x32xf32, #tpu.memory_space<vmem>> -> memref<1x200x32xf32, #tpu.memory_space<vmem>>
        %dma_wait3A_319 = tpu.memref_squeeze %dma_wait3A_318 : memref<1x200x32xf32, #tpu.memory_space<vmem>> -> memref<200x32xf32, #tpu.memory_space<vmem>>
        %dma_wait3A_320 = tpu.memref_slice %arg7[%mul3A_218] : memref<20000xi32, #tpu.memory_space<vmem>> -> memref<200xi32, #tpu.memory_space<vmem>>
        %dma_wait3A_321 = arith.constant 0 : i32
        %dma_wait3A_322 = arith.constant 0 : i32
        %dma_wait3A_323 = tpu.memref_slice %arg9[%dma_wait3A_321, %dma_wait3A_322] : memref<10240x32xf32, #tpu.memory_space<vmem_shared>> -> memref<10240x32xf32, #tpu.memory_space<vmem_shared>>
        tpu.wait_indirect_dma semaphore(%run_scoped3A_307 : memref<!tpu.dma_semaphore, #tpu.memory_space<semaphore_mem>>) src(%dma_wait3A_319 : memref<200x32xf32, #tpu.memory_space<vmem>>) dst(%dma_wait3A_323 : memref<10240x32xf32, #tpu.memory_space<vmem_shared>>)
        tpu.yield
      }) : () -> ()
      %add3A_220 = arith.constant 3 : i32
      %add3A_221 = arith.addi %mul3A_132, %add3A_220 : i32
      %add3A_222 = arith.constant 2 : i32
      %add3A_223 = arith.addi %add3A_221, %add3A_222 : i32
      %mul3A_224 = arith.constant 200 : i32
      %mul3A_225 = arith.muli %add3A_223, %mul3A_224 : i32
      %dma_start3A_226 = arith.constant 2 : i32
      %dma_start3A_227 = arith.constant 0 : i32
      %dma_start3A_228 = arith.constant 0 : i32
      %dma_start3A_229 = tpu.memref_slice %arg8[%dma_start3A_226, %dma_start3A_227, %dma_start3A_228] : memref<3x200x32xf32, #tpu.memory_space<vmem>> -> memref<1x200x32xf32, #tpu.memory_space<vmem>>
      %dma_start3A_230 = tpu.memref_squeeze %dma_start3A_229 : memref<1x200x32xf32, #tpu.memory_space<vmem>> -> memref<200x32xf32, #tpu.memory_space<vmem>>
      %dma_start3A_231 = tpu.memref_slice %arg6[%mul3A_225] : memref<20000xi32, #tpu.memory_space<vmem>> -> memref<200xi32, #tpu.memory_space<vmem>>
      %dma_start3A_232 = arith.constant 0 : i32
      %dma_start3A_233 = arith.constant 0 : i32
      %dma_start3A_234 = tpu.memref_slice %arg4[%dma_start3A_232, %dma_start3A_233] : memref<20000x32xf32, #tpu.memory_space<hbm>> -> memref<20000x32xf32, #tpu.memory_space<hbm>>
      tpu.enqueue_indirect_dma source(%dma_start3A_234 : memref<20000x32xf32, #tpu.memory_space<hbm>>) target(%dma_start3A_230 : memref<200x32xf32, #tpu.memory_space<vmem>>) offsets(%dma_start3A_231 : memref<200xi32, #tpu.memory_space<vmem>>) semaphore(%arg12 : memref<!tpu.dma_semaphore, #tpu.memory_space<semaphore_mem>>)
      %mul3A_235 = arith.constant 200 : i32
      %mul3A_236 = arith.muli %add3A_221, %mul3A_235 : i32
      %dma_wait3A_237 = arith.constant 0 : i32
      %dma_wait3A_238 = arith.constant 0 : i32
      %dma_wait3A_239 = arith.constant 0 : i32
      %dma_wait3A_240 = tpu.memref_slice %arg8[%dma_wait3A_237, %dma_wait3A_238, %dma_wait3A_239] : memref<3x200x32xf32, #tpu.memory_space<vmem>> -> memref<1x200x32xf32, #tpu.memory_space<vmem>>
      %dma_wait3A_241 = tpu.memref_squeeze %dma_wait3A_240 : memref<1x200x32xf32, #tpu.memory_space<vmem>> -> memref<200x32xf32, #tpu.memory_space<vmem>>
      %dma_wait3A_242 = tpu.memref_slice %arg6[%mul3A_236] : memref<20000xi32, #tpu.memory_space<vmem>> -> memref<200xi32, #tpu.memory_space<vmem>>
      %dma_wait3A_243 = arith.constant 0 : i32
      %dma_wait3A_244 = arith.constant 0 : i32
      %dma_wait3A_245 = tpu.memref_slice %arg4[%dma_wait3A_243, %dma_wait3A_244] : memref<20000x32xf32, #tpu.memory_space<hbm>> -> memref<20000x32xf32, #tpu.memory_space<hbm>>
      tpu.wait_indirect_dma semaphore(%arg10 : memref<!tpu.dma_semaphore, #tpu.memory_space<semaphore_mem>>) src(%dma_wait3A_245 : memref<20000x32xf32, #tpu.memory_space<hbm>>) dst(%dma_wait3A_241 : memref<200x32xf32, #tpu.memory_space<vmem>>)
      %mul3A_246 = arith.constant 200 : i32
      %mul3A_247 = arith.muli %add3A_221, %mul3A_246 : i32
      %run_scoped3A_248 = arith.constant 0 : i32
      "tpu.region"() ({
        %run_scoped3A_307 = tpu.sem_alloc : memref<!tpu.dma_semaphore, #tpu.memory_space<semaphore_mem>>
        %dma_start3A_308 = arith.constant 0 : i32
        %dma_start3A_309 = arith.constant 0 : i32
        %dma_start3A_310 = tpu.memref_slice %arg8[%run_scoped3A_248, %dma_start3A_308, %dma_start3A_309] : memref<3x200x32xf32, #tpu.memory_space<vmem>> -> memref<1x200x32xf32, #tpu.memory_space<vmem>>
        %dma_start3A_311 = tpu.memref_squeeze %dma_start3A_310 : memref<1x200x32xf32, #tpu.memory_space<vmem>> -> memref<200x32xf32, #tpu.memory_space<vmem>>
        %dma_start3A_312 = tpu.memref_slice %arg7[%mul3A_247] : memref<20000xi32, #tpu.memory_space<vmem>> -> memref<200xi32, #tpu.memory_space<vmem>>
        %dma_start3A_313 = arith.constant 0 : i32
        %dma_start3A_314 = arith.constant 0 : i32
        %dma_start3A_315 = tpu.memref_slice %arg9[%dma_start3A_313, %dma_start3A_314] : memref<10240x32xf32, #tpu.memory_space<vmem_shared>> -> memref<10240x32xf32, #tpu.memory_space<vmem_shared>>
        tpu.enqueue_indirect_dma source(%dma_start3A_311 : memref<200x32xf32, #tpu.memory_space<vmem>>) target(%dma_start3A_315 : memref<10240x32xf32, #tpu.memory_space<vmem_shared>>) offsets(%dma_start3A_312 : memref<200xi32, #tpu.memory_space<vmem>>) semaphore(%run_scoped3A_307 : memref<!tpu.dma_semaphore, #tpu.memory_space<semaphore_mem>>) {add = true}
        %dma_wait3A_316 = arith.constant 0 : i32
        %dma_wait3A_317 = arith.constant 0 : i32
        %dma_wait3A_318 = tpu.memref_slice %arg8[%run_scoped3A_248, %dma_wait3A_316, %dma_wait3A_317] : memref<3x200x32xf32, #tpu.memory_space<vmem>> -> memref<1x200x32xf32, #tpu.memory_space<vmem>>
        %dma_wait3A_319 = tpu.memref_squeeze %dma_wait3A_318 : memref<1x200x32xf32, #tpu.memory_space<vmem>> -> memref<200x32xf32, #tpu.memory_space<vmem>>
        %dma_wait3A_320 = tpu.memref_slice %arg7[%mul3A_247] : memref<20000xi32, #tpu.memory_space<vmem>> -> memref<200xi32, #tpu.memory_space<vmem>>
        %dma_wait3A_321 = arith.constant 0 : i32
        %dma_wait3A_322 = arith.constant 0 : i32
        %dma_wait3A_323 = tpu.memref_slice %arg9[%dma_wait3A_321, %dma_wait3A_322] : memref<10240x32xf32, #tpu.memory_space<vmem_shared>> -> memref<10240x32xf32, #tpu.memory_space<vmem_shared>>
        tpu.wait_indirect_dma semaphore(%run_scoped3A_307 : memref<!tpu.dma_semaphore, #tpu.memory_space<semaphore_mem>>) src(%dma_wait3A_319 : memref<200x32xf32, #tpu.memory_space<vmem>>) dst(%dma_wait3A_323 : memref<10240x32xf32, #tpu.memory_space<vmem_shared>>)
        tpu.yield
      }) : () -> ()
      %add3A_249 = arith.constant 4 : i32
      %add3A_250 = arith.addi %mul3A_132, %add3A_249 : i32
      %add3A_251 = arith.constant 2 : i32
      %add3A_252 = arith.addi %add3A_250, %add3A_251 : i32
      %mul3A_253 = arith.constant 200 : i32
      %mul3A_254 = arith.muli %add3A_252, %mul3A_253 : i32
      %dma_start3A_255 = arith.constant 0 : i32
      %dma_start3A_256 = arith.constant 0 : i32
      %dma_start3A_257 = arith.constant 0 : i32
      %dma_start3A_258 = tpu.memref_slice %arg8[%dma_start3A_255, %dma_start3A_256, %dma_start3A_257] : memref<3x200x32xf32, #tpu.memory_space<vmem>> -> memref<1x200x32xf32, #tpu.memory_space<vmem>>
      %dma_start3A_259 = tpu.memref_squeeze %dma_start3A_258 : memref<1x200x32xf32, #tpu.memory_space<vmem>> -> memref<200x32xf32, #tpu.memory_space<vmem>>
      %dma_start3A_260 = tpu.memref_slice %arg6[%mul3A_254] : memref<20000xi32, #tpu.memory_space<vmem>> -> memref<200xi32, #tpu.memory_space<vmem>>
      %dma_start3A_261 = arith.constant 0 : i32
      %dma_start3A_262 = arith.constant 0 : i32
      %dma_start3A_263 = tpu.memref_slice %arg4[%dma_start3A_261, %dma_start3A_262] : memref<20000x32xf32, #tpu.memory_space<hbm>> -> memref<20000x32xf32, #tpu.memory_space<hbm>>
      tpu.enqueue_indirect_dma source(%dma_start3A_263 : memref<20000x32xf32, #tpu.memory_space<hbm>>) target(%dma_start3A_259 : memref<200x32xf32, #tpu.memory_space<vmem>>) offsets(%dma_start3A_260 : memref<200xi32, #tpu.memory_space<vmem>>) semaphore(%arg10 : memref<!tpu.dma_semaphore, #tpu.memory_space<semaphore_mem>>)
      %mul3A_264 = arith.constant 200 : i32
      %mul3A_265 = arith.muli %add3A_250, %mul3A_264 : i32
      %dma_wait3A_266 = arith.constant 1 : i32
      %dma_wait3A_267 = arith.constant 0 : i32
      %dma_wait3A_268 = arith.constant 0 : i32
      %dma_wait3A_269 = tpu.memref_slice %arg8[%dma_wait3A_266, %dma_wait3A_267, %dma_wait3A_268] : memref<3x200x32xf32, #tpu.memory_space<vmem>> -> memref<1x200x32xf32, #tpu.memory_space<vmem>>
      %dma_wait3A_270 = tpu.memref_squeeze %dma_wait3A_269 : memref<1x200x32xf32, #tpu.memory_space<vmem>> -> memref<200x32xf32, #tpu.memory_space<vmem>>
      %dma_wait3A_271 = tpu.memref_slice %arg6[%mul3A_265] : memref<20000xi32, #tpu.memory_space<vmem>> -> memref<200xi32, #tpu.memory_space<vmem>>
      %dma_wait3A_272 = arith.constant 0 : i32
      %dma_wait3A_273 = arith.constant 0 : i32
      %dma_wait3A_274 = tpu.memref_slice %arg4[%dma_wait3A_272, %dma_wait3A_273] : memref<20000x32xf32, #tpu.memory_space<hbm>> -> memref<20000x32xf32, #tpu.memory_space<hbm>>
      tpu.wait_indirect_dma semaphore(%arg11 : memref<!tpu.dma_semaphore, #tpu.memory_space<semaphore_mem>>) src(%dma_wait3A_274 : memref<20000x32xf32, #tpu.memory_space<hbm>>) dst(%dma_wait3A_270 : memref<200x32xf32, #tpu.memory_space<vmem>>)
      %mul3A_275 = arith.constant 200 : i32
      %mul3A_276 = arith.muli %add3A_250, %mul3A_275 : i32
      %run_scoped3A_277 = arith.constant 1 : i32
      "tpu.region"() ({
        %run_scoped3A_307 = tpu.sem_alloc : memref<!tpu.dma_semaphore, #tpu.memory_space<semaphore_mem>>
        %dma_start3A_308 = arith.constant 0 : i32
        %dma_start3A_309 = arith.constant 0 : i32
        %dma_start3A_310 = tpu.memref_slice %arg8[%run_scoped3A_277, %dma_start3A_308, %dma_start3A_309] : memref<3x200x32xf32, #tpu.memory_space<vmem>> -> memref<1x200x32xf32, #tpu.memory_space<vmem>>
        %dma_start3A_311 = tpu.memref_squeeze %dma_start3A_310 : memref<1x200x32xf32, #tpu.memory_space<vmem>> -> memref<200x32xf32, #tpu.memory_space<vmem>>
        %dma_start3A_312 = tpu.memref_slice %arg7[%mul3A_276] : memref<20000xi32, #tpu.memory_space<vmem>> -> memref<200xi32, #tpu.memory_space<vmem>>
        %dma_start3A_313 = arith.constant 0 : i32
        %dma_start3A_314 = arith.constant 0 : i32
        %dma_start3A_315 = tpu.memref_slice %arg9[%dma_start3A_313, %dma_start3A_314] : memref<10240x32xf32, #tpu.memory_space<vmem_shared>> -> memref<10240x32xf32, #tpu.memory_space<vmem_shared>>
        tpu.enqueue_indirect_dma source(%dma_start3A_311 : memref<200x32xf32, #tpu.memory_space<vmem>>) target(%dma_start3A_315 : memref<10240x32xf32, #tpu.memory_space<vmem_shared>>) offsets(%dma_start3A_312 : memref<200xi32, #tpu.memory_space<vmem>>) semaphore(%run_scoped3A_307 : memref<!tpu.dma_semaphore, #tpu.memory_space<semaphore_mem>>) {add = true}
        %dma_wait3A_316 = arith.constant 0 : i32
        %dma_wait3A_317 = arith.constant 0 : i32
        %dma_wait3A_318 = tpu.memref_slice %arg8[%run_scoped3A_277, %dma_wait3A_316, %dma_wait3A_317] : memref<3x200x32xf32, #tpu.memory_space<vmem>> -> memref<1x200x32xf32, #tpu.memory_space<vmem>>
        %dma_wait3A_319 = tpu.memref_squeeze %dma_wait3A_318 : memref<1x200x32xf32, #tpu.memory_space<vmem>> -> memref<200x32xf32, #tpu.memory_space<vmem>>
        %dma_wait3A_320 = tpu.memref_slice %arg7[%mul3A_276] : memref<20000xi32, #tpu.memory_space<vmem>> -> memref<200xi32, #tpu.memory_space<vmem>>
        %dma_wait3A_321 = arith.constant 0 : i32
        %dma_wait3A_322 = arith.constant 0 : i32
        %dma_wait3A_323 = tpu.memref_slice %arg9[%dma_wait3A_321, %dma_wait3A_322] : memref<10240x32xf32, #tpu.memory_space<vmem_shared>> -> memref<10240x32xf32, #tpu.memory_space<vmem_shared>>
        tpu.wait_indirect_dma semaphore(%run_scoped3A_307 : memref<!tpu.dma_semaphore, #tpu.memory_space<semaphore_mem>>) src(%dma_wait3A_319 : memref<200x32xf32, #tpu.memory_space<vmem>>) dst(%dma_wait3A_323 : memref<10240x32xf32, #tpu.memory_space<vmem_shared>>)
        tpu.yield
      }) : () -> ()
      %add3A_278 = arith.constant 5 : i32
      %add3A_279 = arith.addi %mul3A_132, %add3A_278 : i32
      %add3A_280 = arith.constant 2 : i32
      %add3A_281 = arith.addi %add3A_279, %add3A_280 : i32
      %mul3A_282 = arith.constant 200 : i32
      %mul3A_283 = arith.muli %add3A_281, %mul3A_282 : i32
      %dma_start3A_284 = arith.constant 1 : i32
      %dma_start3A_285 = arith.constant 0 : i32
      %dma_start3A_286 = arith.constant 0 : i32
      %dma_start3A_287 = tpu.memref_slice %arg8[%dma_start3A_284, %dma_start3A_285, %dma_start3A_286] : memref<3x200x32xf32, #tpu.memory_space<vmem>> -> memref<1x200x32xf32, #tpu.memory_space<vmem>>
      %dma_start3A_288 = tpu.memref_squeeze %dma_start3A_287 : memref<1x200x32xf32, #tpu.memory_space<vmem>> -> memref<200x32xf32, #tpu.memory_space<vmem>>
      %dma_start3A_289 = tpu.memref_slice %arg6[%mul3A_283] : memref<20000xi32, #tpu.memory_space<vmem>> -> memref<200xi32, #tpu.memory_space<vmem>>
      %dma_start3A_290 = arith.constant 0 : i32
      %dma_start3A_291 = arith.constant 0 : i32
      %dma_start3A_292 = tpu.memref_slice %arg4[%dma_start3A_290, %dma_start3A_291] : memref<20000x32xf32, #tpu.memory_space<hbm>> -> memref<20000x32xf32, #tpu.memory_space<hbm>>
      tpu.enqueue_indirect_dma source(%dma_start3A_292 : memref<20000x32xf32, #tpu.memory_space<hbm>>) target(%dma_start3A_288 : memref<200x32xf32, #tpu.memory_space<vmem>>) offsets(%dma_start3A_289 : memref<200xi32, #tpu.memory_space<vmem>>) semaphore(%arg11 : memref<!tpu.dma_semaphore, #tpu.memory_space<semaphore_mem>>)
      %mul3A_293 = arith.constant 200 : i32
      %mul3A_294 = arith.muli %add3A_279, %mul3A_293 : i32
      %dma_wait3A_295 = arith.constant 2 : i32
      %dma_wait3A_296 = arith.constant 0 : i32
      %dma_wait3A_297 = arith.constant 0 : i32
      %dma_wait3A_298 = tpu.memref_slice %arg8[%dma_wait3A_295, %dma_wait3A_296, %dma_wait3A_297] : memref<3x200x32xf32, #tpu.memory_space<vmem>> -> memref<1x200x32xf32, #tpu.memory_space<vmem>>
      %dma_wait3A_299 = tpu.memref_squeeze %dma_wait3A_298 : memref<1x200x32xf32, #tpu.memory_space<vmem>> -> memref<200x32xf32, #tpu.memory_space<vmem>>
      %dma_wait3A_300 = tpu.memref_slice %arg6[%mul3A_294] : memref<20000xi32, #tpu.memory_space<vmem>> -> memref<200xi32, #tpu.memory_space<vmem>>
      %dma_wait3A_301 = arith.constant 0 : i32
      %dma_wait3A_302 = arith.constant 0 : i32
      %dma_wait3A_303 = tpu.memref_slice %arg4[%dma_wait3A_301, %dma_wait3A_302] : memref<20000x32xf32, #tpu.memory_space<hbm>> -> memref<20000x32xf32, #tpu.memory_space<hbm>>
      tpu.wait_indirect_dma semaphore(%arg12 : memref<!tpu.dma_semaphore, #tpu.memory_space<semaphore_mem>>) src(%dma_wait3A_303 : memref<20000x32xf32, #tpu.memory_space<hbm>>) dst(%dma_wait3A_299 : memref<200x32xf32, #tpu.memory_space<vmem>>)
      %mul3A_304 = arith.constant 200 : i32
      %mul3A_305 = arith.muli %add3A_279, %mul3A_304 : i32
      %run_scoped3A_306 = arith.constant 2 : i32
      "tpu.region"() ({
        %run_scoped3A_307 = tpu.sem_alloc : memref<!tpu.dma_semaphore, #tpu.memory_space<semaphore_mem>>
        %dma_start3A_308 = arith.constant 0 : i32
        %dma_start3A_309 = arith.constant 0 : i32
        %dma_start3A_310 = tpu.memref_slice %arg8[%run_scoped3A_306, %dma_start3A_308, %dma_start3A_309] : memref<3x200x32xf32, #tpu.memory_space<vmem>> -> memref<1x200x32xf32, #tpu.memory_space<vmem>>
        %dma_start3A_311 = tpu.memref_squeeze %dma_start3A_310 : memref<1x200x32xf32, #tpu.memory_space<vmem>> -> memref<200x32xf32, #tpu.memory_space<vmem>>
        %dma_start3A_312 = tpu.memref_slice %arg7[%mul3A_305] : memref<20000xi32, #tpu.memory_space<vmem>> -> memref<200xi32, #tpu.memory_space<vmem>>
        %dma_start3A_313 = arith.constant 0 : i32
        %dma_start3A_314 = arith.constant 0 : i32
        %dma_start3A_315 = tpu.memref_slice %arg9[%dma_start3A_313, %dma_start3A_314] : memref<10240x32xf32, #tpu.memory_space<vmem_shared>> -> memref<10240x32xf32, #tpu.memory_space<vmem_shared>>
        tpu.enqueue_indirect_dma source(%dma_start3A_311 : memref<200x32xf32, #tpu.memory_space<vmem>>) target(%dma_start3A_315 : memref<10240x32xf32, #tpu.memory_space<vmem_shared>>) offsets(%dma_start3A_312 : memref<200xi32, #tpu.memory_space<vmem>>) semaphore(%run_scoped3A_307 : memref<!tpu.dma_semaphore, #tpu.memory_space<semaphore_mem>>) {add = true}
        %dma_wait3A_316 = arith.constant 0 : i32
        %dma_wait3A_317 = arith.constant 0 : i32
        %dma_wait3A_318 = tpu.memref_slice %arg8[%run_scoped3A_306, %dma_wait3A_316, %dma_wait3A_317] : memref<3x200x32xf32, #tpu.memory_space<vmem>> -> memref<1x200x32xf32, #tpu.memory_space<vmem>>
        %dma_wait3A_319 = tpu.memref_squeeze %dma_wait3A_318 : memref<1x200x32xf32, #tpu.memory_space<vmem>> -> memref<200x32xf32, #tpu.memory_space<vmem>>
        %dma_wait3A_320 = tpu.memref_slice %arg7[%mul3A_305] : memref<20000xi32, #tpu.memory_space<vmem>> -> memref<200xi32, #tpu.memory_space<vmem>>
        %dma_wait3A_321 = arith.constant 0 : i32
        %dma_wait3A_322 = arith.constant 0 : i32
        %dma_wait3A_323 = tpu.memref_slice %arg9[%dma_wait3A_321, %dma_wait3A_322] : memref<10240x32xf32, #tpu.memory_space<vmem_shared>> -> memref<10240x32xf32, #tpu.memory_space<vmem_shared>>
        tpu.wait_indirect_dma semaphore(%run_scoped3A_307 : memref<!tpu.dma_semaphore, #tpu.memory_space<semaphore_mem>>) src(%dma_wait3A_319 : memref<200x32xf32, #tpu.memory_space<vmem>>) dst(%dma_wait3A_323 : memref<10240x32xf32, #tpu.memory_space<vmem_shared>>)
        tpu.yield
      }) : () -> ()
    }
    %scan3A_59 = arith.constant 16 : i32
    %dma_start3A_60 = arith.constant 2 : i32
    %dma_start3A_61 = arith.constant 0 : i32
    %dma_start3A_62 = arith.constant 0 : i32
    %dma_start3A_63 = tpu.memref_slice %arg8[%dma_start3A_60, %dma_start3A_61, %dma_start3A_62] : memref<3x200x32xf32, #tpu.memory_space<vmem>> -> memref<1x200x32xf32, #tpu.memory_space<vmem>>
    %dma_start3A_64 = tpu.memref_squeeze %dma_start3A_63 : memref<1x200x32xf32, #tpu.memory_space<vmem>> -> memref<200x32xf32, #tpu.memory_space<vmem>>
    %dma_start3A_65 = arith.constant 19600 : i32
    %dma_start3A_66 = tpu.memref_slice %arg6[%dma_start3A_65] : memref<20000xi32, #tpu.memory_space<vmem>> -> memref<200xi32, #tpu.memory_space<vmem>>
    %dma_start3A_67 = arith.constant 0 : i32
    %dma_start3A_68 = arith.constant 0 : i32
    %dma_start3A_69 = tpu.memref_slice %arg4[%dma_start3A_67, %dma_start3A_68] : memref<20000x32xf32, #tpu.memory_space<hbm>> -> memref<20000x32xf32, #tpu.memory_space<hbm>>
    tpu.enqueue_indirect_dma source(%dma_start3A_69 : memref<20000x32xf32, #tpu.memory_space<hbm>>) target(%dma_start3A_64 : memref<200x32xf32, #tpu.memory_space<vmem>>) offsets(%dma_start3A_66 : memref<200xi32, #tpu.memory_space<vmem>>) semaphore(%arg12 : memref<!tpu.dma_semaphore, #tpu.memory_space<semaphore_mem>>)
    %dma_wait3A = arith.constant 0 : i32
    %dma_wait3A_70 = arith.constant 0 : i32
    %dma_wait3A_71 = arith.constant 0 : i32
    %dma_wait3A_72 = tpu.memref_slice %arg8[%dma_wait3A, %dma_wait3A_70, %dma_wait3A_71] : memref<3x200x32xf32, #tpu.memory_space<vmem>> -> memref<1x200x32xf32, #tpu.memory_space<vmem>>
    %dma_wait3A_73 = tpu.memref_squeeze %dma_wait3A_72 : memref<1x200x32xf32, #tpu.memory_space<vmem>> -> memref<200x32xf32, #tpu.memory_space<vmem>>
    %dma_wait3A_74 = arith.constant 19200 : i32
    %dma_wait3A_75 = tpu.memref_slice %arg6[%dma_wait3A_74] : memref<20000xi32, #tpu.memory_space<vmem>> -> memref<200xi32, #tpu.memory_space<vmem>>
    %dma_wait3A_76 = arith.constant 0 : i32
    %dma_wait3A_77 = arith.constant 0 : i32
    %dma_wait3A_78 = tpu.memref_slice %arg4[%dma_wait3A_76, %dma_wait3A_77] : memref<20000x32xf32, #tpu.memory_space<hbm>> -> memref<20000x32xf32, #tpu.memory_space<hbm>>
    tpu.wait_indirect_dma semaphore(%arg10 : memref<!tpu.dma_semaphore, #tpu.memory_space<semaphore_mem>>) src(%dma_wait3A_78 : memref<20000x32xf32, #tpu.memory_space<hbm>>) dst(%dma_wait3A_73 : memref<200x32xf32, #tpu.memory_space<vmem>>)
    %run_scoped3A_79 = arith.constant 0 : i32
    "tpu.region"() ({
      %run_scoped3A_130 = tpu.sem_alloc : memref<!tpu.dma_semaphore, #tpu.memory_space<semaphore_mem>>
      %dma_start3A_131 = arith.constant 0 : i32
      %dma_start3A_132 = arith.constant 0 : i32
      %dma_start3A_133 = tpu.memref_slice %arg8[%run_scoped3A_79, %dma_start3A_131, %dma_start3A_132] : memref<3x200x32xf32, #tpu.memory_space<vmem>> -> memref<1x200x32xf32, #tpu.memory_space<vmem>>
      %dma_start3A_134 = tpu.memref_squeeze %dma_start3A_133 : memref<1x200x32xf32, #tpu.memory_space<vmem>> -> memref<200x32xf32, #tpu.memory_space<vmem>>
      %dma_start3A_135 = arith.constant 19200 : i32
      %dma_start3A_136 = tpu.memref_slice %arg7[%dma_start3A_135] : memref<20000xi32, #tpu.memory_space<vmem>> -> memref<200xi32, #tpu.memory_space<vmem>>
      %dma_start3A_137 = arith.constant 0 : i32
      %dma_start3A_138 = arith.constant 0 : i32
      %dma_start3A_139 = tpu.memref_slice %arg9[%dma_start3A_137, %dma_start3A_138] : memref<10240x32xf32, #tpu.memory_space<vmem_shared>> -> memref<10240x32xf32, #tpu.memory_space<vmem_shared>>
      tpu.enqueue_indirect_dma source(%dma_start3A_134 : memref<200x32xf32, #tpu.memory_space<vmem>>) target(%dma_start3A_139 : memref<10240x32xf32, #tpu.memory_space<vmem_shared>>) offsets(%dma_start3A_136 : memref<200xi32, #tpu.memory_space<vmem>>) semaphore(%run_scoped3A_130 : memref<!tpu.dma_semaphore, #tpu.memory_space<semaphore_mem>>) {add = true}
      %dma_wait3A_140 = arith.constant 0 : i32
      %dma_wait3A_141 = arith.constant 0 : i32
      %dma_wait3A_142 = tpu.memref_slice %arg8[%run_scoped3A_79, %dma_wait3A_140, %dma_wait3A_141] : memref<3x200x32xf32, #tpu.memory_space<vmem>> -> memref<1x200x32xf32, #tpu.memory_space<vmem>>
      %dma_wait3A_143 = tpu.memref_squeeze %dma_wait3A_142 : memref<1x200x32xf32, #tpu.memory_space<vmem>> -> memref<200x32xf32, #tpu.memory_space<vmem>>
      %dma_wait3A_144 = arith.constant 19200 : i32
      %dma_wait3A_145 = tpu.memref_slice %arg7[%dma_wait3A_144] : memref<20000xi32, #tpu.memory_space<vmem>> -> memref<200xi32, #tpu.memory_space<vmem>>
      %dma_wait3A_146 = arith.constant 0 : i32
      %dma_wait3A_147 = arith.constant 0 : i32
      %dma_wait3A_148 = tpu.memref_slice %arg9[%dma_wait3A_146, %dma_wait3A_147] : memref<10240x32xf32, #tpu.memory_space<vmem_shared>> -> memref<10240x32xf32, #tpu.memory_space<vmem_shared>>
      tpu.wait_indirect_dma semaphore(%run_scoped3A_130 : memref<!tpu.dma_semaphore, #tpu.memory_space<semaphore_mem>>) src(%dma_wait3A_143 : memref<200x32xf32, #tpu.memory_space<vmem>>) dst(%dma_wait3A_148 : memref<10240x32xf32, #tpu.memory_space<vmem_shared>>)
      tpu.yield
    }) : () -> ()
    %dma_start3A_80 = arith.constant 0 : i32
    %dma_start3A_81 = arith.constant 0 : i32
    %dma_start3A_82 = arith.constant 0 : i32
    %dma_start3A_83 = tpu.memref_slice %arg8[%dma_start3A_80, %dma_start3A_81, %dma_start3A_82] : memref<3x200x32xf32, #tpu.memory_space<vmem>> -> memref<1x200x32xf32, #tpu.memory_space<vmem>>
    %dma_start3A_84 = tpu.memref_squeeze %dma_start3A_83 : memref<1x200x32xf32, #tpu.memory_space<vmem>> -> memref<200x32xf32, #tpu.memory_space<vmem>>
    %dma_start3A_85 = arith.constant 19800 : i32
    %dma_start3A_86 = tpu.memref_slice %arg6[%dma_start3A_85] : memref<20000xi32, #tpu.memory_space<vmem>> -> memref<200xi32, #tpu.memory_space<vmem>>
    %dma_start3A_87 = arith.constant 0 : i32
    %dma_start3A_88 = arith.constant 0 : i32
    %dma_start3A_89 = tpu.memref_slice %arg4[%dma_start3A_87, %dma_start3A_88] : memref<20000x32xf32, #tpu.memory_space<hbm>> -> memref<20000x32xf32, #tpu.memory_space<hbm>>
    tpu.enqueue_indirect_dma source(%dma_start3A_89 : memref<20000x32xf32, #tpu.memory_space<hbm>>) target(%dma_start3A_84 : memref<200x32xf32, #tpu.memory_space<vmem>>) offsets(%dma_start3A_86 : memref<200xi32, #tpu.memory_space<vmem>>) semaphore(%arg10 : memref<!tpu.dma_semaphore, #tpu.memory_space<semaphore_mem>>)
    %dma_wait3A_90 = arith.constant 1 : i32
    %dma_wait3A_91 = arith.constant 0 : i32
    %dma_wait3A_92 = arith.constant 0 : i32
    %dma_wait3A_93 = tpu.memref_slice %arg8[%dma_wait3A_90, %dma_wait3A_91, %dma_wait3A_92] : memref<3x200x32xf32, #tpu.memory_space<vmem>> -> memref<1x200x32xf32, #tpu.memory_space<vmem>>
    %dma_wait3A_94 = tpu.memref_squeeze %dma_wait3A_93 : memref<1x200x32xf32, #tpu.memory_space<vmem>> -> memref<200x32xf32, #tpu.memory_space<vmem>>
    %dma_wait3A_95 = arith.constant 19400 : i32
    %dma_wait3A_96 = tpu.memref_slice %arg6[%dma_wait3A_95] : memref<20000xi32, #tpu.memory_space<vmem>> -> memref<200xi32, #tpu.memory_space<vmem>>
    %dma_wait3A_97 = arith.constant 0 : i32
    %dma_wait3A_98 = arith.constant 0 : i32
    %dma_wait3A_99 = tpu.memref_slice %arg4[%dma_wait3A_97, %dma_wait3A_98] : memref<20000x32xf32, #tpu.memory_space<hbm>> -> memref<20000x32xf32, #tpu.memory_space<hbm>>
    tpu.wait_indirect_dma semaphore(%arg11 : memref<!tpu.dma_semaphore, #tpu.memory_space<semaphore_mem>>) src(%dma_wait3A_99 : memref<20000x32xf32, #tpu.memory_space<hbm>>) dst(%dma_wait3A_94 : memref<200x32xf32, #tpu.memory_space<vmem>>)
    %run_scoped3A_100 = arith.constant 1 : i32
    "tpu.region"() ({
      %run_scoped3A_130 = tpu.sem_alloc : memref<!tpu.dma_semaphore, #tpu.memory_space<semaphore_mem>>
      %dma_start3A_131 = arith.constant 0 : i32
      %dma_start3A_132 = arith.constant 0 : i32
      %dma_start3A_133 = tpu.memref_slice %arg8[%run_scoped3A_100, %dma_start3A_131, %dma_start3A_132] : memref<3x200x32xf32, #tpu.memory_space<vmem>> -> memref<1x200x32xf32, #tpu.memory_space<vmem>>
      %dma_start3A_134 = tpu.memref_squeeze %dma_start3A_133 : memref<1x200x32xf32, #tpu.memory_space<vmem>> -> memref<200x32xf32, #tpu.memory_space<vmem>>
      %dma_start3A_135 = arith.constant 19400 : i32
      %dma_start3A_136 = tpu.memref_slice %arg7[%dma_start3A_135] : memref<20000xi32, #tpu.memory_space<vmem>> -> memref<200xi32, #tpu.memory_space<vmem>>
      %dma_start3A_137 = arith.constant 0 : i32
      %dma_start3A_138 = arith.constant 0 : i32
      %dma_start3A_139 = tpu.memref_slice %arg9[%dma_start3A_137, %dma_start3A_138] : memref<10240x32xf32, #tpu.memory_space<vmem_shared>> -> memref<10240x32xf32, #tpu.memory_space<vmem_shared>>
      tpu.enqueue_indirect_dma source(%dma_start3A_134 : memref<200x32xf32, #tpu.memory_space<vmem>>) target(%dma_start3A_139 : memref<10240x32xf32, #tpu.memory_space<vmem_shared>>) offsets(%dma_start3A_136 : memref<200xi32, #tpu.memory_space<vmem>>) semaphore(%run_scoped3A_130 : memref<!tpu.dma_semaphore, #tpu.memory_space<semaphore_mem>>) {add = true}
      %dma_wait3A_140 = arith.constant 0 : i32
      %dma_wait3A_141 = arith.constant 0 : i32
      %dma_wait3A_142 = tpu.memref_slice %arg8[%run_scoped3A_100, %dma_wait3A_140, %dma_wait3A_141] : memref<3x200x32xf32, #tpu.memory_space<vmem>> -> memref<1x200x32xf32, #tpu.memory_space<vmem>>
      %dma_wait3A_143 = tpu.memref_squeeze %dma_wait3A_142 : memref<1x200x32xf32, #tpu.memory_space<vmem>> -> memref<200x32xf32, #tpu.memory_space<vmem>>
      %dma_wait3A_144 = arith.constant 19400 : i32
      %dma_wait3A_145 = tpu.memref_slice %arg7[%dma_wait3A_144] : memref<20000xi32, #tpu.memory_space<vmem>> -> memref<200xi32, #tpu.memory_space<vmem>>
      %dma_wait3A_146 = arith.constant 0 : i32
      %dma_wait3A_147 = arith.constant 0 : i32
      %dma_wait3A_148 = tpu.memref_slice %arg9[%dma_wait3A_146, %dma_wait3A_147] : memref<10240x32xf32, #tpu.memory_space<vmem_shared>> -> memref<10240x32xf32, #tpu.memory_space<vmem_shared>>
      tpu.wait_indirect_dma semaphore(%run_scoped3A_130 : memref<!tpu.dma_semaphore, #tpu.memory_space<semaphore_mem>>) src(%dma_wait3A_143 : memref<200x32xf32, #tpu.memory_space<vmem>>) dst(%dma_wait3A_148 : memref<10240x32xf32, #tpu.memory_space<vmem_shared>>)
      tpu.yield
    }) : () -> ()
    %dma_wait3A_101 = arith.constant 2 : i32
    %dma_wait3A_102 = arith.constant 0 : i32
    %dma_wait3A_103 = arith.constant 0 : i32
    %dma_wait3A_104 = tpu.memref_slice %arg8[%dma_wait3A_101, %dma_wait3A_102, %dma_wait3A_103] : memref<3x200x32xf32, #tpu.memory_space<vmem>> -> memref<1x200x32xf32, #tpu.memory_space<vmem>>
    %dma_wait3A_105 = tpu.memref_squeeze %dma_wait3A_104 : memref<1x200x32xf32, #tpu.memory_space<vmem>> -> memref<200x32xf32, #tpu.memory_space<vmem>>
    %dma_wait3A_106 = arith.constant 19600 : i32
    %dma_wait3A_107 = tpu.memref_slice %arg6[%dma_wait3A_106] : memref<20000xi32, #tpu.memory_space<vmem>> -> memref<200xi32, #tpu.memory_space<vmem>>
    %dma_wait3A_108 = arith.constant 0 : i32
    %dma_wait3A_109 = arith.constant 0 : i32
    %dma_wait3A_110 = tpu.memref_slice %arg4[%dma_wait3A_108, %dma_wait3A_109] : memref<20000x32xf32, #tpu.memory_space<hbm>> -> memref<20000x32xf32, #tpu.memory_space<hbm>>
    tpu.wait_indirect_dma semaphore(%arg12 : memref<!tpu.dma_semaphore, #tpu.memory_space<semaphore_mem>>) src(%dma_wait3A_110 : memref<20000x32xf32, #tpu.memory_space<hbm>>) dst(%dma_wait3A_105 : memref<200x32xf32, #tpu.memory_space<vmem>>)
    %run_scoped3A_111 = arith.constant 2 : i32
    "tpu.region"() ({
      %run_scoped3A_130 = tpu.sem_alloc : memref<!tpu.dma_semaphore, #tpu.memory_space<semaphore_mem>>
      %dma_start3A_131 = arith.constant 0 : i32
      %dma_start3A_132 = arith.constant 0 : i32
      %dma_start3A_133 = tpu.memref_slice %arg8[%run_scoped3A_111, %dma_start3A_131, %dma_start3A_132] : memref<3x200x32xf32, #tpu.memory_space<vmem>> -> memref<1x200x32xf32, #tpu.memory_space<vmem>>
      %dma_start3A_134 = tpu.memref_squeeze %dma_start3A_133 : memref<1x200x32xf32, #tpu.memory_space<vmem>> -> memref<200x32xf32, #tpu.memory_space<vmem>>
      %dma_start3A_135 = arith.constant 19600 : i32
      %dma_start3A_136 = tpu.memref_slice %arg7[%dma_start3A_135] : memref<20000xi32, #tpu.memory_space<vmem>> -> memref<200xi32, #tpu.memory_space<vmem>>
      %dma_start3A_137 = arith.constant 0 : i32
      %dma_start3A_138 = arith.constant 0 : i32
      %dma_start3A_139 = tpu.memref_slice %arg9[%dma_start3A_137, %dma_start3A_138] : memref<10240x32xf32, #tpu.memory_space<vmem_shared>> -> memref<10240x32xf32, #tpu.memory_space<vmem_shared>>
      tpu.enqueue_indirect_dma source(%dma_start3A_134 : memref<200x32xf32, #tpu.memory_space<vmem>>) target(%dma_start3A_139 : memref<10240x32xf32, #tpu.memory_space<vmem_shared>>) offsets(%dma_start3A_136 : memref<200xi32, #tpu.memory_space<vmem>>) semaphore(%run_scoped3A_130 : memref<!tpu.dma_semaphore, #tpu.memory_space<semaphore_mem>>) {add = true}
      %dma_wait3A_140 = arith.constant 0 : i32
      %dma_wait3A_141 = arith.constant 0 : i32
      %dma_wait3A_142 = tpu.memref_slice %arg8[%run_scoped3A_111, %dma_wait3A_140, %dma_wait3A_141] : memref<3x200x32xf32, #tpu.memory_space<vmem>> -> memref<1x200x32xf32, #tpu.memory_space<vmem>>
      %dma_wait3A_143 = tpu.memref_squeeze %dma_wait3A_142 : memref<1x200x32xf32, #tpu.memory_space<vmem>> -> memref<200x32xf32, #tpu.memory_space<vmem>>
      %dma_wait3A_144 = arith.constant 19600 : i32
      %dma_wait3A_145 = tpu.memref_slice %arg7[%dma_wait3A_144] : memref<20000xi32, #tpu.memory_space<vmem>> -> memref<200xi32, #tpu.memory_space<vmem>>
      %dma_wait3A_146 = arith.constant 0 : i32
      %dma_wait3A_147 = arith.constant 0 : i32
      %dma_wait3A_148 = tpu.memref_slice %arg9[%dma_wait3A_146, %dma_wait3A_147] : memref<10240x32xf32, #tpu.memory_space<vmem_shared>> -> memref<10240x32xf32, #tpu.memory_space<vmem_shared>>
      tpu.wait_indirect_dma semaphore(%run_scoped3A_130 : memref<!tpu.dma_semaphore, #tpu.memory_space<semaphore_mem>>) src(%dma_wait3A_143 : memref<200x32xf32, #tpu.memory_space<vmem>>) dst(%dma_wait3A_148 : memref<10240x32xf32, #tpu.memory_space<vmem_shared>>)
      tpu.yield
    }) : () -> ()
    %dma_wait3A_112 = arith.constant 0 : i32
    %dma_wait3A_113 = arith.constant 0 : i32
    %dma_wait3A_114 = arith.constant 0 : i32
    %dma_wait3A_115 = tpu.memref_slice %arg8[%dma_wait3A_112, %dma_wait3A_113, %dma_wait3A_114] : memref<3x200x32xf32, #tpu.memory_space<vmem>> -> memref<1x200x32xf32, #tpu.memory_space<vmem>>
    %dma_wait3A_116 = tpu.memref_squeeze %dma_wait3A_115 : memref<1x200x32xf32, #tpu.memory_space<vmem>> -> memref<200x32xf32, #tpu.memory_space<vmem>>
    %dma_wait3A_117 = arith.constant 19800 : i32
    %dma_wait3A_118 = tpu.memref_slice %arg6[%dma_wait3A_117] : memref<20000xi32, #tpu.memory_space<vmem>> -> memref<200xi32, #tpu.memory_space<vmem>>
    %dma_wait3A_119 = arith.constant 0 : i32
    %dma_wait3A_120 = arith.constant 0 : i32
    %dma_wait3A_121 = tpu.memref_slice %arg4[%dma_wait3A_119, %dma_wait3A_120] : memref<20000x32xf32, #tpu.memory_space<hbm>> -> memref<20000x32xf32, #tpu.memory_space<hbm>>
    tpu.wait_indirect_dma semaphore(%arg10 : memref<!tpu.dma_semaphore, #tpu.memory_space<semaphore_mem>>) src(%dma_wait3A_121 : memref<20000x32xf32, #tpu.memory_space<hbm>>) dst(%dma_wait3A_116 : memref<200x32xf32, #tpu.memory_space<vmem>>)
    %run_scoped3A_122 = arith.constant 0 : i32
    "tpu.region"() ({
      %run_scoped3A_130 = tpu.sem_alloc : memref<!tpu.dma_semaphore, #tpu.memory_space<semaphore_mem>>
      %dma_start3A_131 = arith.constant 0 : i32
      %dma_start3A_132 = arith.constant 0 : i32
      %dma_start3A_133 = tpu.memref_slice %arg8[%run_scoped3A_122, %dma_start3A_131, %dma_start3A_132] : memref<3x200x32xf32, #tpu.memory_space<vmem>> -> memref<1x200x32xf32, #tpu.memory_space<vmem>>
      %dma_start3A_134 = tpu.memref_squeeze %dma_start3A_133 : memref<1x200x32xf32, #tpu.memory_space<vmem>> -> memref<200x32xf32, #tpu.memory_space<vmem>>
      %dma_start3A_135 = arith.constant 19800 : i32
      %dma_start3A_136 = tpu.memref_slice %arg7[%dma_start3A_135] : memref<20000xi32, #tpu.memory_space<vmem>> -> memref<200xi32, #tpu.memory_space<vmem>>
      %dma_start3A_137 = arith.constant 0 : i32
      %dma_start3A_138 = arith.constant 0 : i32
      %dma_start3A_139 = tpu.memref_slice %arg9[%dma_start3A_137, %dma_start3A_138] : memref<10240x32xf32, #tpu.memory_space<vmem_shared>> -> memref<10240x32xf32, #tpu.memory_space<vmem_shared>>
      tpu.enqueue_indirect_dma source(%dma_start3A_134 : memref<200x32xf32, #tpu.memory_space<vmem>>) target(%dma_start3A_139 : memref<10240x32xf32, #tpu.memory_space<vmem_shared>>) offsets(%dma_start3A_136 : memref<200xi32, #tpu.memory_space<vmem>>) semaphore(%run_scoped3A_130 : memref<!tpu.dma_semaphore, #tpu.memory_space<semaphore_mem>>) {add = true}
      %dma_wait3A_140 = arith.constant 0 : i32
      %dma_wait3A_141 = arith.constant 0 : i32
      %dma_wait3A_142 = tpu.memref_slice %arg8[%run_scoped3A_122, %dma_wait3A_140, %dma_wait3A_141] : memref<3x200x32xf32, #tpu.memory_space<vmem>> -> memref<1x200x32xf32, #tpu.memory_space<vmem>>
      %dma_wait3A_143 = tpu.memref_squeeze %dma_wait3A_142 : memref<1x200x32xf32, #tpu.memory_space<vmem>> -> memref<200x32xf32, #tpu.memory_space<vmem>>
      %dma_wait3A_144 = arith.constant 19800 : i32
      %dma_wait3A_145 = tpu.memref_slice %arg7[%dma_wait3A_144] : memref<20000xi32, #tpu.memory_space<vmem>> -> memref<200xi32, #tpu.memory_space<vmem>>
      %dma_wait3A_146 = arith.constant 0 : i32
      %dma_wait3A_147 = arith.constant 0 : i32
      %dma_wait3A_148 = tpu.memref_slice %arg9[%dma_wait3A_146, %dma_wait3A_147] : memref<10240x32xf32, #tpu.memory_space<vmem_shared>> -> memref<10240x32xf32, #tpu.memory_space<vmem_shared>>
      tpu.wait_indirect_dma semaphore(%run_scoped3A_130 : memref<!tpu.dma_semaphore, #tpu.memory_space<semaphore_mem>>) src(%dma_wait3A_143 : memref<200x32xf32, #tpu.memory_space<vmem>>) dst(%dma_wait3A_148 : memref<10240x32xf32, #tpu.memory_space<vmem_shared>>)
      tpu.yield
    }) : () -> ()
    %barrier3A_123 = arith.constant 0 : index
    tpu.barrier barrier_id(%barrier3A_123)
    %mul3A_124 = arith.constant 640 : i32
    %mul3A_125 = arith.muli %arg1, %mul3A_124 : i32
    %mul3A_126 = arith.constant 640 : i32
    %mul3A_127 = arith.muli %arg1, %mul3A_126 : i32
    %mul3A_128 = arith.constant 32 : i32
    %mul3A_129 = arith.muli %arg0, %mul3A_128 : i32
    "tpu.region"() ({
      %run_scoped3A_130 = tpu.sem_alloc : memref<!tpu.dma_semaphore, #tpu.memory_space<semaphore_mem>>
      %dma_start3A_131 = tpu.memref_slice %arg5[%mul3A_127, %mul3A_129] : memref<10240x64xf32, #tpu.memory_space<hbm>> -> memref<640x32xf32, #tpu.memory_space<hbm>>
      %dma_start3A_132 = arith.constant 0 : i32
      %dma_start3A_133 = tpu.memref_slice %arg9[%mul3A_125, %dma_start3A_132] : memref<10240x32xf32, #tpu.memory_space<vmem_shared>> -> memref<640x32xf32, #tpu.memory_space<vmem_shared>>
      tpu.enqueue_dma source(%dma_start3A_133 : memref<640x32xf32, #tpu.memory_space<vmem_shared>>) target(%dma_start3A_131 : memref<640x32xf32, #tpu.memory_space<hbm>>) target_semaphore(%run_scoped3A_130 : memref<!tpu.dma_semaphore, #tpu.memory_space<semaphore_mem>>)
      %dma_wait3A_134 = tpu.memref_slice %arg5[%mul3A_127, %mul3A_129] : memref<10240x64xf32, #tpu.memory_space<hbm>> -> memref<640x32xf32, #tpu.memory_space<hbm>>
      %dma_wait3A_135 = arith.constant 0 : i32
      %dma_wait3A_136 = tpu.memref_slice %arg9[%mul3A_125, %dma_wait3A_135] : memref<10240x32xf32, #tpu.memory_space<vmem_shared>> -> memref<640x32xf32, #tpu.memory_space<vmem_shared>>
      tpu.wait_dma2 semaphore(%run_scoped3A_130 : memref<!tpu.dma_semaphore, #tpu.memory_space<semaphore_mem>>) src(%dma_wait3A_136 : memref<640x32xf32, #tpu.memory_space<vmem_shared>>) dst(%dma_wait3A_134 : memref<640x32xf32, #tpu.memory_space<hbm>>)
      tpu.yield
    }) : () -> ()
    return
  }
}

#map = affine_map<(d0, d1) -> (0, 0, 0)>
#map1 = affine_map<(d0, d1) -> (0, 0)>
module attributes {stable_mosaic.version = 14 : i64} {
  func.func @deg_kernel(%arg0: i32, %arg1: i32, %arg2: memref<2500x2x128xi32, #tpu.memory_space<hbm>>, %arg3: memref<10240x128xf32, #tpu.memory_space<hbm>>, %arg4: memref<79x2x128xi32, #tpu.memory_space<vmem>>, %arg5: memref<128x16xf32, #tpu.memory_space<vmem>>, %arg6: memref<128x16xf32, #tpu.memory_space<vmem>>, %arg7: memref<10240x16xf32, #tpu.memory_space<vmem_shared>>, %arg8: memref<!tpu.dma_semaphore, #tpu.memory_space<semaphore_mem>>) attributes {dimension_semantics = [#tpu.dimension_semantics<core_parallel>, #tpu.dimension_semantics<subcore_parallel>], iteration_bounds = array<i64: 2, 16>, scalar_prefetch = 0 : i64, scratch_operands = 5 : i64, tpu.core_type = #tpu.core_type<sc_vector_subcore>, window_params = [{transform_indices = #map}, {transform_indices = #map1}]} {
    %mul3A = arith.constant 16 : i32
    %mul3A_0 = arith.muli %arg0, %mul3A : i32
    %add3A = arith.addi %mul3A_0, %arg1 : i32
    %mul3A_1 = arith.constant 78 : i32
    %mul3A_2 = arith.muli %mul3A_1, %add3A : i32
    %min3A = arith.constant 4 : i32
    %min3A_3 = arith.minsi %add3A, %min3A : i32
    %add3A_4 = arith.addi %mul3A_2, %min3A_3 : i32
    %lt3A = arith.constant 4 : i32
    %lt3A_5 = arith.cmpi slt, %add3A, %lt3A : i32
    %jit3A = arith.constant 1 : i32
    %jit3A_6 = arith.constant 0 : i32
    %select_n3A = arith.select %lt3A_5, %jit3A, %jit3A_6 : i32
    %add3A_7 = arith.constant 78 : i32
    %add3A_8 = arith.addi %add3A_7, %select_n3A : i32
    %min3A_9 = arith.constant 2421 : i32
    %min3A_10 = arith.minsi %add3A_4, %min3A_9 : i32
    %sub3A = arith.subi %add3A_4, %min3A_10 : i32
    "tpu.region"() ({
      %run_scoped3A = tpu.sem_alloc : memref<!tpu.dma_semaphore, #tpu.memory_space<semaphore_mem>>
      %dma_start3A = arith.constant 0 : i32
      %dma_start3A_71 = arith.constant 0 : i32
      %dma_start3A_72 = tpu.memref_slice %arg2[%min3A_10, %dma_start3A, %dma_start3A_71] : memref<2500x2x128xi32, #tpu.memory_space<hbm>> -> memref<79x2x128xi32, #tpu.memory_space<hbm>>
      %dma_start3A_73 = arith.constant 0 : i32
      %dma_start3A_74 = arith.constant 0 : i32
      %dma_start3A_75 = tpu.memref_slice %arg2[%min3A_10, %dma_start3A_73, %dma_start3A_74] : memref<2500x2x128xi32, #tpu.memory_space<hbm>> -> memref<79x2x128xi32, #tpu.memory_space<hbm>>
      tpu.enqueue_dma source(%dma_start3A_75 : memref<79x2x128xi32, #tpu.memory_space<hbm>>) target(%arg4 : memref<79x2x128xi32, #tpu.memory_space<vmem>>) target_semaphore(%run_scoped3A : memref<!tpu.dma_semaphore, #tpu.memory_space<semaphore_mem>>)
      %dma_wait3A = arith.constant 0 : i32
      %dma_wait3A_76 = arith.constant 0 : i32
      %dma_wait3A_77 = tpu.memref_slice %arg2[%min3A_10, %dma_wait3A, %dma_wait3A_76] : memref<2500x2x128xi32, #tpu.memory_space<hbm>> -> memref<79x2x128xi32, #tpu.memory_space<hbm>>
      %dma_wait3A_78 = arith.constant 0 : i32
      %dma_wait3A_79 = arith.constant 0 : i32
      %dma_wait3A_80 = tpu.memref_slice %arg2[%min3A_10, %dma_wait3A_78, %dma_wait3A_79] : memref<2500x2x128xi32, #tpu.memory_space<hbm>> -> memref<79x2x128xi32, #tpu.memory_space<hbm>>
      tpu.wait_dma2 semaphore(%run_scoped3A : memref<!tpu.dma_semaphore, #tpu.memory_space<semaphore_mem>>) src(%dma_wait3A_80 : memref<79x2x128xi32, #tpu.memory_space<hbm>>) dst(%arg4 : memref<79x2x128xi32, #tpu.memory_space<vmem>>)
      tpu.yield
    }) : () -> ()
    %broadcast_in_dim3A = arith.constant 1.000000e+00 : f32
    %broadcast_in_dim3A_11 = vector.broadcast %broadcast_in_dim3A : f32 to vector<16xf32>
    %broadcast_in_dim3A_12 = arith.constant 0.000000e+00 : f32
    %broadcast_in_dim3A_13 = vector.broadcast %broadcast_in_dim3A_12 : f32 to vector<16xf32>
    %scan3A = arith.constant 0 : i32
    %scan3A_14 = arith.constant 0 : i32
    %scan3A_15 = arith.constant 128 : i32
    %scan3A_16 = arith.addi %scan3A_14, %scan3A_15 : i32
    %scan3A_17 = arith.constant 1 : i32
    scf.for %scan3A_71 = %scan3A_14 to %scan3A_16 step %scan3A_17  : i32 {
      %swap3A = arith.index_cast %scan3A_71 : i32 to index
      %swap3A_72 = arith.constant 0 : index
      %swap3A_73 = tpu.vector_load %arg5[%swap3A, %swap3A_72] {strides = array<i32>} : memref<128x16xf32, #tpu.memory_space<vmem>>, vector<1x16xf32>,
      %swap3A_74 = vector.shape_cast %swap3A_73 : vector<1x16xf32> to vector<16xf32>
      %swap3A_75 = vector.shape_cast %broadcast_in_dim3A_11 : vector<16xf32> to vector<1x16xf32>
      tpu.vector_store %arg5[%swap3A, %swap3A_72], %swap3A_75 {strides = array<i32>} : memref<128x16xf32, #tpu.memory_space<vmem>>, vector<1x16xf32>,
    }
    %scan3A_18 = arith.constant 128 : i32
    %scan3A_19 = arith.constant 0 : i32
    %scan3A_20 = arith.constant 0 : i32
    %scan3A_21 = arith.constant 128 : i32
    %scan3A_22 = arith.addi %scan3A_20, %scan3A_21 : i32
    %scan3A_23 = arith.constant 1 : i32
    scf.for %scan3A_71 = %scan3A_20 to %scan3A_22 step %scan3A_23  : i32 {
      %swap3A = arith.index_cast %scan3A_71 : i32 to index
      %swap3A_72 = arith.constant 0 : index
      %swap3A_73 = tpu.vector_load %arg6[%swap3A, %swap3A_72] {strides = array<i32>} : memref<128x16xf32, #tpu.memory_space<vmem>>, vector<1x16xf32>,
      %swap3A_74 = vector.shape_cast %swap3A_73 : vector<1x16xf32> to vector<16xf32>
      %swap3A_75 = vector.shape_cast %broadcast_in_dim3A_13 : vector<16xf32> to vector<1x16xf32>
      tpu.vector_store %arg6[%swap3A, %swap3A_72], %swap3A_75 {strides = array<i32>} : memref<128x16xf32, #tpu.memory_space<vmem>>, vector<1x16xf32>,
    }
    %scan3A_24 = arith.constant 128 : i32
    %mul3A_25 = arith.constant 640 : i32
    %mul3A_26 = arith.muli %arg1, %mul3A_25 : i32
    %add3A_27 = arith.constant 0 : i32
    %add3A_28 = arith.addi %mul3A_26, %add3A_27 : i32
    "tpu.region"() ({
      %run_scoped3A = tpu.sem_alloc : memref<!tpu.dma_semaphore, #tpu.memory_space<semaphore_mem>>
      %dma_start3A = arith.constant 0 : i32
      %dma_start3A_71 = tpu.memref_slice %arg7[%add3A_28, %dma_start3A] : memref<10240x16xf32, #tpu.memory_space<vmem_shared>> -> memref<128x16xf32, #tpu.memory_space<vmem_shared>>
      %dma_start3A_72 = arith.constant 0 : i32
      %dma_start3A_73 = tpu.memref_slice %arg7[%add3A_28, %dma_start3A_72] : memref<10240x16xf32, #tpu.memory_space<vmem_shared>> -> memref<128x16xf32, #tpu.memory_space<vmem_shared>>
      tpu.enqueue_dma source(%arg6 : memref<128x16xf32, #tpu.memory_space<vmem>>) target(%dma_start3A_73 : memref<128x16xf32, #tpu.memory_space<vmem_shared>>) target_semaphore(%run_scoped3A : memref<!tpu.dma_semaphore, #tpu.memory_space<semaphore_mem>>)
      %dma_wait3A = arith.constant 0 : i32
      %dma_wait3A_74 = tpu.memref_slice %arg7[%add3A_28, %dma_wait3A] : memref<10240x16xf32, #tpu.memory_space<vmem_shared>> -> memref<128x16xf32, #tpu.memory_space<vmem_shared>>
      %dma_wait3A_75 = arith.constant 0 : i32
      %dma_wait3A_76 = tpu.memref_slice %arg7[%add3A_28, %dma_wait3A_75] : memref<10240x16xf32, #tpu.memory_space<vmem_shared>> -> memref<128x16xf32, #tpu.memory_space<vmem_shared>>
      tpu.wait_dma2 semaphore(%run_scoped3A : memref<!tpu.dma_semaphore, #tpu.memory_space<semaphore_mem>>) src(%arg6 : memref<128x16xf32, #tpu.memory_space<vmem>>) dst(%dma_wait3A_76 : memref<128x16xf32, #tpu.memory_space<vmem_shared>>)
      tpu.yield
    }) : () -> ()
    %mul3A_29 = arith.constant 640 : i32
    %mul3A_30 = arith.muli %arg1, %mul3A_29 : i32
    %add3A_31 = arith.constant 128 : i32
    %add3A_32 = arith.addi %mul3A_30, %add3A_31 : i32
    "tpu.region"() ({
      %run_scoped3A = tpu.sem_alloc : memref<!tpu.dma_semaphore, #tpu.memory_space<semaphore_mem>>
      %dma_start3A = arith.constant 0 : i32
      %dma_start3A_71 = tpu.memref_slice %arg7[%add3A_32, %dma_start3A] : memref<10240x16xf32, #tpu.memory_space<vmem_shared>> -> memref<128x16xf32, #tpu.memory_space<vmem_shared>>
      %dma_start3A_72 = arith.constant 0 : i32
      %dma_start3A_73 = tpu.memref_slice %arg7[%add3A_32, %dma_start3A_72] : memref<10240x16xf32, #tpu.memory_space<vmem_shared>> -> memref<128x16xf32, #tpu.memory_space<vmem_shared>>
      tpu.enqueue_dma source(%arg6 : memref<128x16xf32, #tpu.memory_space<vmem>>) target(%dma_start3A_73 : memref<128x16xf32, #tpu.memory_space<vmem_shared>>) target_semaphore(%run_scoped3A : memref<!tpu.dma_semaphore, #tpu.memory_space<semaphore_mem>>)
      %dma_wait3A = arith.constant 0 : i32
      %dma_wait3A_74 = tpu.memref_slice %arg7[%add3A_32, %dma_wait3A] : memref<10240x16xf32, #tpu.memory_space<vmem_shared>> -> memref<128x16xf32, #tpu.memory_space<vmem_shared>>
      %dma_wait3A_75 = arith.constant 0 : i32
      %dma_wait3A_76 = tpu.memref_slice %arg7[%add3A_32, %dma_wait3A_75] : memref<10240x16xf32, #tpu.memory_space<vmem_shared>> -> memref<128x16xf32, #tpu.memory_space<vmem_shared>>
      tpu.wait_dma2 semaphore(%run_scoped3A : memref<!tpu.dma_semaphore, #tpu.memory_space<semaphore_mem>>) src(%arg6 : memref<128x16xf32, #tpu.memory_space<vmem>>) dst(%dma_wait3A_76 : memref<128x16xf32, #tpu.memory_space<vmem_shared>>)
      tpu.yield
    }) : () -> ()
    %mul3A_33 = arith.constant 640 : i32
    %mul3A_34 = arith.muli %arg1, %mul3A_33 : i32
    %add3A_35 = arith.constant 256 : i32
    %add3A_36 = arith.addi %mul3A_34, %add3A_35 : i32
    "tpu.region"() ({
      %run_scoped3A = tpu.sem_alloc : memref<!tpu.dma_semaphore, #tpu.memory_space<semaphore_mem>>
      %dma_start3A = arith.constant 0 : i32
      %dma_start3A_71 = tpu.memref_slice %arg7[%add3A_36, %dma_start3A] : memref<10240x16xf32, #tpu.memory_space<vmem_shared>> -> memref<128x16xf32, #tpu.memory_space<vmem_shared>>
      %dma_start3A_72 = arith.constant 0 : i32
      %dma_start3A_73 = tpu.memref_slice %arg7[%add3A_36, %dma_start3A_72] : memref<10240x16xf32, #tpu.memory_space<vmem_shared>> -> memref<128x16xf32, #tpu.memory_space<vmem_shared>>
      tpu.enqueue_dma source(%arg6 : memref<128x16xf32, #tpu.memory_space<vmem>>) target(%dma_start3A_73 : memref<128x16xf32, #tpu.memory_space<vmem_shared>>) target_semaphore(%run_scoped3A : memref<!tpu.dma_semaphore, #tpu.memory_space<semaphore_mem>>)
      %dma_wait3A = arith.constant 0 : i32
      %dma_wait3A_74 = tpu.memref_slice %arg7[%add3A_36, %dma_wait3A] : memref<10240x16xf32, #tpu.memory_space<vmem_shared>> -> memref<128x16xf32, #tpu.memory_space<vmem_shared>>
      %dma_wait3A_75 = arith.constant 0 : i32
      %dma_wait3A_76 = tpu.memref_slice %arg7[%add3A_36, %dma_wait3A_75] : memref<10240x16xf32, #tpu.memory_space<vmem_shared>> -> memref<128x16xf32, #tpu.memory_space<vmem_shared>>
      tpu.wait_dma2 semaphore(%run_scoped3A : memref<!tpu.dma_semaphore, #tpu.memory_space<semaphore_mem>>) src(%arg6 : memref<128x16xf32, #tpu.memory_space<vmem>>) dst(%dma_wait3A_76 : memref<128x16xf32, #tpu.memory_space<vmem_shared>>)
      tpu.yield
    }) : () -> ()
    %mul3A_37 = arith.constant 640 : i32
    %mul3A_38 = arith.muli %arg1, %mul3A_37 : i32
    %add3A_39 = arith.constant 384 : i32
    %add3A_40 = arith.addi %mul3A_38, %add3A_39 : i32
    "tpu.region"() ({
      %run_scoped3A = tpu.sem_alloc : memref<!tpu.dma_semaphore, #tpu.memory_space<semaphore_mem>>
      %dma_start3A = arith.constant 0 : i32
      %dma_start3A_71 = tpu.memref_slice %arg7[%add3A_40, %dma_start3A] : memref<10240x16xf32, #tpu.memory_space<vmem_shared>> -> memref<128x16xf32, #tpu.memory_space<vmem_shared>>
      %dma_start3A_72 = arith.constant 0 : i32
      %dma_start3A_73 = tpu.memref_slice %arg7[%add3A_40, %dma_start3A_72] : memref<10240x16xf32, #tpu.memory_space<vmem_shared>> -> memref<128x16xf32, #tpu.memory_space<vmem_shared>>
      tpu.enqueue_dma source(%arg6 : memref<128x16xf32, #tpu.memory_space<vmem>>) target(%dma_start3A_73 : memref<128x16xf32, #tpu.memory_space<vmem_shared>>) target_semaphore(%run_scoped3A : memref<!tpu.dma_semaphore, #tpu.memory_space<semaphore_mem>>)
      %dma_wait3A = arith.constant 0 : i32
      %dma_wait3A_74 = tpu.memref_slice %arg7[%add3A_40, %dma_wait3A] : memref<10240x16xf32, #tpu.memory_space<vmem_shared>> -> memref<128x16xf32, #tpu.memory_space<vmem_shared>>
      %dma_wait3A_75 = arith.constant 0 : i32
      %dma_wait3A_76 = tpu.memref_slice %arg7[%add3A_40, %dma_wait3A_75] : memref<10240x16xf32, #tpu.memory_space<vmem_shared>> -> memref<128x16xf32, #tpu.memory_space<vmem_shared>>
      tpu.wait_dma2 semaphore(%run_scoped3A : memref<!tpu.dma_semaphore, #tpu.memory_space<semaphore_mem>>) src(%arg6 : memref<128x16xf32, #tpu.memory_space<vmem>>) dst(%dma_wait3A_76 : memref<128x16xf32, #tpu.memory_space<vmem_shared>>)
      tpu.yield
    }) : () -> ()
    %mul3A_41 = arith.constant 640 : i32
    %mul3A_42 = arith.muli %arg1, %mul3A_41 : i32
    %add3A_43 = arith.constant 512 : i32
    %add3A_44 = arith.addi %mul3A_42, %add3A_43 : i32
    "tpu.region"() ({
      %run_scoped3A = tpu.sem_alloc : memref<!tpu.dma_semaphore, #tpu.memory_space<semaphore_mem>>
      %dma_start3A = arith.constant 0 : i32
      %dma_start3A_71 = tpu.memref_slice %arg7[%add3A_44, %dma_start3A] : memref<10240x16xf32, #tpu.memory_space<vmem_shared>> -> memref<128x16xf32, #tpu.memory_space<vmem_shared>>
      %dma_start3A_72 = arith.constant 0 : i32
      %dma_start3A_73 = tpu.memref_slice %arg7[%add3A_44, %dma_start3A_72] : memref<10240x16xf32, #tpu.memory_space<vmem_shared>> -> memref<128x16xf32, #tpu.memory_space<vmem_shared>>
      tpu.enqueue_dma source(%arg6 : memref<128x16xf32, #tpu.memory_space<vmem>>) target(%dma_start3A_73 : memref<128x16xf32, #tpu.memory_space<vmem_shared>>) target_semaphore(%run_scoped3A : memref<!tpu.dma_semaphore, #tpu.memory_space<semaphore_mem>>)
      %dma_wait3A = arith.constant 0 : i32
      %dma_wait3A_74 = tpu.memref_slice %arg7[%add3A_44, %dma_wait3A] : memref<10240x16xf32, #tpu.memory_space<vmem_shared>> -> memref<128x16xf32, #tpu.memory_space<vmem_shared>>
      %dma_wait3A_75 = arith.constant 0 : i32
      %dma_wait3A_76 = tpu.memref_slice %arg7[%add3A_44, %dma_wait3A_75] : memref<10240x16xf32, #tpu.memory_space<vmem_shared>> -> memref<128x16xf32, #tpu.memory_space<vmem_shared>>
      tpu.wait_dma2 semaphore(%run_scoped3A : memref<!tpu.dma_semaphore, #tpu.memory_space<semaphore_mem>>) src(%arg6 : memref<128x16xf32, #tpu.memory_space<vmem>>) dst(%dma_wait3A_76 : memref<128x16xf32, #tpu.memory_space<vmem_shared>>)
      tpu.yield
    }) : () -> ()
    %barrier3A = arith.constant 0 : index
    tpu.barrier barrier_id(%barrier3A)
    %add3A_45 = arith.addi %sub3A, %add3A_8 : i32
    %while3A = arith.constant 0 : i32
    %while3A_46 = arith.subi %add3A_45, %sub3A : i32
    %while3A_47 = arith.addi %sub3A, %while3A_46 : i32
    %while3A_48 = arith.constant 1 : i32
    %while3A_49 = arith.divsi %while3A_46, %while3A_48 : i32
    %while3A_50 = arith.muli %while3A_49, %while3A_48 : i32
    %while3A_51 = arith.addi %sub3A, %while3A_50 : i32
    %while3A_52 = arith.constant 1 : i32
    scf.for %while3A_71 = %sub3A to %while3A_51 step %while3A_52  : i32 {
      %dma_start3A = arith.constant 1 : i32
      %dma_start3A_72 = arith.constant 0 : i32
      %dma_start3A_73 = tpu.memref_slice %arg4[%while3A_71, %dma_start3A, %dma_start3A_72] : memref<79x2x128xi32, #tpu.memory_space<vmem>> -> memref<1x1x128xi32, #tpu.memory_space<vmem>>
      %dma_start3A_74 = tpu.memref_squeeze %dma_start3A_73 : memref<1x1x128xi32, #tpu.memory_space<vmem>> -> memref<128xi32, #tpu.memory_space<vmem>>
      %dma_start3A_75 = arith.constant 0 : i32
      %dma_start3A_76 = arith.constant 0 : i32
      %dma_start3A_77 = tpu.memref_slice %arg7[%dma_start3A_75, %dma_start3A_76] : memref<10240x16xf32, #tpu.memory_space<vmem_shared>> -> memref<10240x16xf32, #tpu.memory_space<vmem_shared>>
      tpu.enqueue_indirect_dma source(%arg5 : memref<128x16xf32, #tpu.memory_space<vmem>>) target(%dma_start3A_77 : memref<10240x16xf32, #tpu.memory_space<vmem_shared>>) offsets(%dma_start3A_74 : memref<128xi32, #tpu.memory_space<vmem>>) semaphore(%arg8 : memref<!tpu.dma_semaphore, #tpu.memory_space<semaphore_mem>>) {add = true}
    }
    %while3A_53 = arith.constant 1 : i32
    scf.for %while3A_71 = %while3A_51 to %while3A_47 step %while3A_53  : i32 {
      %dma_start3A = arith.constant 1 : i32
      %dma_start3A_72 = arith.constant 0 : i32
      %dma_start3A_73 = tpu.memref_slice %arg4[%while3A_71, %dma_start3A, %dma_start3A_72] : memref<79x2x128xi32, #tpu.memory_space<vmem>> -> memref<1x1x128xi32, #tpu.memory_space<vmem>>
      %dma_start3A_74 = tpu.memref_squeeze %dma_start3A_73 : memref<1x1x128xi32, #tpu.memory_space<vmem>> -> memref<128xi32, #tpu.memory_space<vmem>>
      %dma_start3A_75 = arith.constant 0 : i32
      %dma_start3A_76 = arith.constant 0 : i32
      %dma_start3A_77 = tpu.memref_slice %arg7[%dma_start3A_75, %dma_start3A_76] : memref<10240x16xf32, #tpu.memory_space<vmem_shared>> -> memref<10240x16xf32, #tpu.memory_space<vmem_shared>>
      tpu.enqueue_indirect_dma source(%arg5 : memref<128x16xf32, #tpu.memory_space<vmem>>) target(%dma_start3A_77 : memref<10240x16xf32, #tpu.memory_space<vmem_shared>>) offsets(%dma_start3A_74 : memref<128xi32, #tpu.memory_space<vmem>>) semaphore(%arg8 : memref<!tpu.dma_semaphore, #tpu.memory_space<semaphore_mem>>) {add = true}
    }
    %add3A_54 = arith.addi %sub3A, %add3A_8 : i32
    %while3A_55 = arith.constant 0 : i32
    %while3A_56 = arith.subi %add3A_54, %sub3A : i32
    %while3A_57 = arith.addi %sub3A, %while3A_56 : i32
    %while3A_58 = arith.constant 1 : i32
    %while3A_59 = arith.divsi %while3A_56, %while3A_58 : i32
    %while3A_60 = arith.muli %while3A_59, %while3A_58 : i32
    %while3A_61 = arith.addi %sub3A, %while3A_60 : i32
    %while3A_62 = arith.constant 1 : i32
    scf.for %while3A_71 = %sub3A to %while3A_61 step %while3A_62  : i32 {
      %dma_wait3A = arith.constant 1 : i32
      %dma_wait3A_72 = arith.constant 0 : i32
      %dma_wait3A_73 = tpu.memref_slice %arg4[%while3A_71, %dma_wait3A, %dma_wait3A_72] : memref<79x2x128xi32, #tpu.memory_space<vmem>> -> memref<1x1x128xi32, #tpu.memory_space<vmem>>
      %dma_wait3A_74 = tpu.memref_squeeze %dma_wait3A_73 : memref<1x1x128xi32, #tpu.memory_space<vmem>> -> memref<128xi32, #tpu.memory_space<vmem>>
      %dma_wait3A_75 = arith.constant 0 : i32
      %dma_wait3A_76 = arith.constant 0 : i32
      %dma_wait3A_77 = tpu.memref_slice %arg7[%dma_wait3A_75, %dma_wait3A_76] : memref<10240x16xf32, #tpu.memory_space<vmem_shared>> -> memref<10240x16xf32, #tpu.memory_space<vmem_shared>>
      tpu.wait_indirect_dma semaphore(%arg8 : memref<!tpu.dma_semaphore, #tpu.memory_space<semaphore_mem>>) src(%arg5 : memref<128x16xf32, #tpu.memory_space<vmem>>) dst(%dma_wait3A_77 : memref<10240x16xf32, #tpu.memory_space<vmem_shared>>)
    }
    %while3A_63 = arith.constant 1 : i32
    scf.for %while3A_71 = %while3A_61 to %while3A_57 step %while3A_63  : i32 {
      %dma_wait3A = arith.constant 1 : i32
      %dma_wait3A_72 = arith.constant 0 : i32
      %dma_wait3A_73 = tpu.memref_slice %arg4[%while3A_71, %dma_wait3A, %dma_wait3A_72] : memref<79x2x128xi32, #tpu.memory_space<vmem>> -> memref<1x1x128xi32, #tpu.memory_space<vmem>>
      %dma_wait3A_74 = tpu.memref_squeeze %dma_wait3A_73 : memref<1x1x128xi32, #tpu.memory_space<vmem>> -> memref<128xi32, #tpu.memory_space<vmem>>
      %dma_wait3A_75 = arith.constant 0 : i32
      %dma_wait3A_76 = arith.constant 0 : i32
      %dma_wait3A_77 = tpu.memref_slice %arg7[%dma_wait3A_75, %dma_wait3A_76] : memref<10240x16xf32, #tpu.memory_space<vmem_shared>> -> memref<10240x16xf32, #tpu.memory_space<vmem_shared>>
      tpu.wait_indirect_dma semaphore(%arg8 : memref<!tpu.dma_semaphore, #tpu.memory_space<semaphore_mem>>) src(%arg5 : memref<128x16xf32, #tpu.memory_space<vmem>>) dst(%dma_wait3A_77 : memref<10240x16xf32, #tpu.memory_space<vmem_shared>>)
    }
    %barrier3A_64 = arith.constant 0 : index
    tpu.barrier barrier_id(%barrier3A_64)
    %mul3A_65 = arith.constant 640 : i32
    %mul3A_66 = arith.muli %arg1, %mul3A_65 : i32
    %mul3A_67 = arith.constant 640 : i32
    %mul3A_68 = arith.muli %arg1, %mul3A_67 : i32
    %mul3A_69 = arith.constant 16 : i32
    %mul3A_70 = arith.muli %arg0, %mul3A_69 : i32
    "tpu.region"() ({
      %run_scoped3A = tpu.sem_alloc : memref<!tpu.dma_semaphore, #tpu.memory_space<semaphore_mem>>
      %dma_start3A = tpu.memref_slice %arg3[%mul3A_68, %mul3A_70] : memref<10240x128xf32, #tpu.memory_space<hbm>> -> memref<640x16xf32, #tpu.memory_space<hbm>>
      %dma_start3A_71 = arith.constant 0 : i32
      %dma_start3A_72 = tpu.memref_slice %arg7[%mul3A_66, %dma_start3A_71] : memref<10240x16xf32, #tpu.memory_space<vmem_shared>> -> memref<640x16xf32, #tpu.memory_space<vmem_shared>>
      tpu.enqueue_dma source(%dma_start3A_72 : memref<640x16xf32, #tpu.memory_space<vmem_shared>>) target(%dma_start3A : memref<640x16xf32, #tpu.memory_space<hbm>>) target_semaphore(%run_scoped3A : memref<!tpu.dma_semaphore, #tpu.memory_space<semaphore_mem>>)
      %dma_wait3A = tpu.memref_slice %arg3[%mul3A_68, %mul3A_70] : memref<10240x128xf32, #tpu.memory_space<hbm>> -> memref<640x16xf32, #tpu.memory_space<hbm>>
      %dma_wait3A_73 = arith.constant 0 : i32
      %dma_wait3A_74 = tpu.memref_slice %arg7[%mul3A_66, %dma_wait3A_73] : memref<10240x16xf32, #tpu.memory_space<vmem_shared>> -> memref<640x16xf32, #tpu.memory_space<vmem_shared>>
      tpu.wait_dma2 semaphore(%run_scoped3A : memref<!tpu.dma_semaphore, #tpu.memory_space<semaphore_mem>>) src(%dma_wait3A_74 : memref<640x16xf32, #tpu.memory_space<vmem_shared>>) dst(%dma_wait3A : memref<640x16xf32, #tpu.memory_space<hbm>>)
      tpu.yield
    }) : () -> ()
    return
  }
}

#map = affine_map<(d0, d1) -> (0)>
#map1 = affine_map<(d0, d1) -> (0, 0)>
module attributes {stable_mosaic.version = 14 : i64} {
  func.func @prop_kernel(%arg0: i32, %arg1: i32, %arg2: memref<640000xi32, #tpu.memory_space<hbm>>, %arg3: memref<320000xi32, #tpu.memory_space<hbm>>, %arg4: memref<20000x64xf32, #tpu.memory_space<hbm>>, %arg5: memref<10240x128xf32, #tpu.memory_space<hbm>>, %arg6: memref<20000xi32, #tpu.memory_space<vmem>>, %arg7: memref<20000xi32, #tpu.memory_space<vmem>>, %arg8: memref<3x200x64xf32, #tpu.memory_space<vmem>>, %arg9: memref<10240x64xf32, #tpu.memory_space<vmem_shared>>, %arg10: memref<!tpu.dma_semaphore, #tpu.memory_space<semaphore_mem>>, %arg11: memref<!tpu.dma_semaphore, #tpu.memory_space<semaphore_mem>>, %arg12: memref<!tpu.dma_semaphore, #tpu.memory_space<semaphore_mem>>) attributes {dimension_semantics = [#tpu.dimension_semantics<core_parallel>, #tpu.dimension_semantics<subcore_parallel>], iteration_bounds = array<i64: 2, 16>, scalar_prefetch = 0 : i64, scratch_operands = 7 : i64, tpu.core_type = #tpu.core_type<sc_vector_subcore>, window_params = [{transform_indices = #map}, {transform_indices = #map}, {transform_indices = #map1}, {transform_indices = #map1}]} {
    %mul3A = arith.constant 320000 : i32
    %mul3A_0 = arith.muli %arg0, %mul3A : i32
    %mul3A_1 = arith.constant 20000 : i32
    %mul3A_2 = arith.muli %arg1, %mul3A_1 : i32
    %add3A = arith.addi %mul3A_0, %mul3A_2 : i32
    "tpu.region"() ({
      %run_scoped3A_130 = tpu.sem_alloc : memref<!tpu.dma_semaphore, #tpu.memory_space<semaphore_mem>>
      %dma_start3A_131 = tpu.memref_slice %arg2[%add3A] : memref<640000xi32, #tpu.memory_space<hbm>> -> memref<20000xi32, #tpu.memory_space<hbm>>
      %dma_start3A_132 = tpu.memref_slice %arg2[%add3A] : memref<640000xi32, #tpu.memory_space<hbm>> -> memref<20000xi32, #tpu.memory_space<hbm>>
      tpu.enqueue_dma source(%dma_start3A_132 : memref<20000xi32, #tpu.memory_space<hbm>>) target(%arg6 : memref<20000xi32, #tpu.memory_space<vmem>>) target_semaphore(%run_scoped3A_130 : memref<!tpu.dma_semaphore, #tpu.memory_space<semaphore_mem>>)
      %dma_wait3A_133 = tpu.memref_slice %arg2[%add3A] : memref<640000xi32, #tpu.memory_space<hbm>> -> memref<20000xi32, #tpu.memory_space<hbm>>
      %dma_wait3A_134 = tpu.memref_slice %arg2[%add3A] : memref<640000xi32, #tpu.memory_space<hbm>> -> memref<20000xi32, #tpu.memory_space<hbm>>
      tpu.wait_dma2 semaphore(%run_scoped3A_130 : memref<!tpu.dma_semaphore, #tpu.memory_space<semaphore_mem>>) src(%dma_wait3A_134 : memref<20000xi32, #tpu.memory_space<hbm>>) dst(%arg6 : memref<20000xi32, #tpu.memory_space<vmem>>)
      tpu.yield
    }) : () -> ()
    %mul3A_3 = arith.constant 20000 : i32
    %mul3A_4 = arith.muli %arg1, %mul3A_3 : i32
    "tpu.region"() ({
      %run_scoped3A_130 = tpu.sem_alloc : memref<!tpu.dma_semaphore, #tpu.memory_space<semaphore_mem>>
      %dma_start3A_131 = tpu.memref_slice %arg3[%mul3A_4] : memref<320000xi32, #tpu.memory_space<hbm>> -> memref<20000xi32, #tpu.memory_space<hbm>>
      %dma_start3A_132 = tpu.memref_slice %arg3[%mul3A_4] : memref<320000xi32, #tpu.memory_space<hbm>> -> memref<20000xi32, #tpu.memory_space<hbm>>
      tpu.enqueue_dma source(%dma_start3A_132 : memref<20000xi32, #tpu.memory_space<hbm>>) target(%arg7 : memref<20000xi32, #tpu.memory_space<vmem>>) target_semaphore(%run_scoped3A_130 : memref<!tpu.dma_semaphore, #tpu.memory_space<semaphore_mem>>)
      %dma_wait3A_133 = tpu.memref_slice %arg3[%mul3A_4] : memref<320000xi32, #tpu.memory_space<hbm>> -> memref<20000xi32, #tpu.memory_space<hbm>>
      %dma_wait3A_134 = tpu.memref_slice %arg3[%mul3A_4] : memref<320000xi32, #tpu.memory_space<hbm>> -> memref<20000xi32, #tpu.memory_space<hbm>>
      tpu.wait_dma2 semaphore(%run_scoped3A_130 : memref<!tpu.dma_semaphore, #tpu.memory_space<semaphore_mem>>) src(%dma_wait3A_134 : memref<20000xi32, #tpu.memory_space<hbm>>) dst(%arg7 : memref<20000xi32, #tpu.memory_space<vmem>>)
      tpu.yield
    }) : () -> ()
    %broadcast_in_dim3A = arith.constant 0.000000e+00 : f32
    %broadcast_in_dim3A_5 = vector.broadcast %broadcast_in_dim3A : f32 to vector<16xf32>
    %scan3A = arith.constant 0 : i32
    %scan3A_6 = arith.constant 0 : i32
    %scan3A_7 = arith.constant 128 : i32
    %scan3A_8 = arith.addi %scan3A_6, %scan3A_7 : i32
    %scan3A_9 = arith.constant 1 : i32
    scf.for %scan3A_130 = %scan3A_6 to %scan3A_8 step %scan3A_9  : i32 {
      %swap3A = arith.constant 2 : i32
      %swap3A_131 = arith.index_cast %swap3A : i32 to index
      %swap3A_132 = arith.index_cast %scan3A_130 : i32 to index
      %swap3A_133 = arith.constant 0 : index
      %swap3A_134 = tpu.vector_load %arg8[%swap3A_131, %swap3A_132, %swap3A_133] {strides = array<i32>} : memref<3x200x64xf32, #tpu.memory_space<vmem>>, vector<1x1x16xf32>,
      %swap3A_135 = vector.shape_cast %swap3A_134 : vector<1x1x16xf32> to vector<16xf32>
      %swap3A_136 = vector.shape_cast %broadcast_in_dim3A_5 : vector<16xf32> to vector<1x1x16xf32>
      tpu.vector_store %arg8[%swap3A_131, %swap3A_132, %swap3A_133], %swap3A_136 {strides = array<i32>} : memref<3x200x64xf32, #tpu.memory_space<vmem>>, vector<1x1x16xf32>,
      %swap3A_137 = arith.constant 2 : i32
      %swap3A_138 = arith.index_cast %swap3A_137 : i32 to index
      %swap3A_139 = arith.index_cast %scan3A_130 : i32 to index
      %swap3A_140 = arith.constant 16 : index
      %swap3A_141 = tpu.vector_load %arg8[%swap3A_138, %swap3A_139, %swap3A_140] {strides = array<i32>} : memref<3x200x64xf32, #tpu.memory_space<vmem>>, vector<1x1x16xf32>,
      %swap3A_142 = vector.shape_cast %swap3A_141 : vector<1x1x16xf32> to vector<16xf32>
      %swap3A_143 = vector.shape_cast %broadcast_in_dim3A_5 : vector<16xf32> to vector<1x1x16xf32>
      tpu.vector_store %arg8[%swap3A_138, %swap3A_139, %swap3A_140], %swap3A_143 {strides = array<i32>} : memref<3x200x64xf32, #tpu.memory_space<vmem>>, vector<1x1x16xf32>,
      %swap3A_144 = arith.constant 2 : i32
      %swap3A_145 = arith.index_cast %swap3A_144 : i32 to index
      %swap3A_146 = arith.index_cast %scan3A_130 : i32 to index
      %swap3A_147 = arith.constant 32 : index
      %swap3A_148 = tpu.vector_load %arg8[%swap3A_145, %swap3A_146, %swap3A_147] {strides = array<i32>} : memref<3x200x64xf32, #tpu.memory_space<vmem>>, vector<1x1x16xf32>,
      %swap3A_149 = vector.shape_cast %swap3A_148 : vector<1x1x16xf32> to vector<16xf32>
      %swap3A_150 = vector.shape_cast %broadcast_in_dim3A_5 : vector<16xf32> to vector<1x1x16xf32>
      tpu.vector_store %arg8[%swap3A_145, %swap3A_146, %swap3A_147], %swap3A_150 {strides = array<i32>} : memref<3x200x64xf32, #tpu.memory_space<vmem>>, vector<1x1x16xf32>,
      %swap3A_151 = arith.constant 2 : i32
      %swap3A_152 = arith.index_cast %swap3A_151 : i32 to index
      %swap3A_153 = arith.index_cast %scan3A_130 : i32 to index
      %swap3A_154 = arith.constant 48 : index
      %swap3A_155 = tpu.vector_load %arg8[%swap3A_152, %swap3A_153, %swap3A_154] {strides = array<i32>} : memref<3x200x64xf32, #tpu.memory_space<vmem>>, vector<1x1x16xf32>,
      %swap3A_156 = vector.shape_cast %swap3A_155 : vector<1x1x16xf32> to vector<16xf32>
      %swap3A_157 = vector.shape_cast %broadcast_in_dim3A_5 : vector<16xf32> to vector<1x1x16xf32>
      tpu.vector_store %arg8[%swap3A_152, %swap3A_153, %swap3A_154], %swap3A_157 {strides = array<i32>} : memref<3x200x64xf32, #tpu.memory_space<vmem>>, vector<1x1x16xf32>,
    }
    %scan3A_10 = arith.constant 128 : i32
    %mul3A_11 = arith.constant 640 : i32
    %mul3A_12 = arith.muli %arg1, %mul3A_11 : i32
    %add3A_13 = arith.constant 0 : i32
    %add3A_14 = arith.addi %mul3A_12, %add3A_13 : i32
    %run_scoped3A = arith.constant 2 : i32
    "tpu.region"() ({
      %run_scoped3A_130 = tpu.sem_alloc : memref<!tpu.dma_semaphore, #tpu.memory_space<semaphore_mem>>
      %dma_start3A_131 = arith.constant 0 : i32
      %dma_start3A_132 = arith.constant 0 : i32
      %dma_start3A_133 = tpu.memref_slice %arg8[%run_scoped3A, %dma_start3A_131, %dma_start3A_132] : memref<3x200x64xf32, #tpu.memory_space<vmem>> -> memref<1x128x64xf32, #tpu.memory_space<vmem>>
      %dma_start3A_134 = tpu.memref_squeeze %dma_start3A_133 : memref<1x128x64xf32, #tpu.memory_space<vmem>> -> memref<128x64xf32, #tpu.memory_space<vmem>>
      %dma_start3A_135 = arith.constant 0 : i32
      %dma_start3A_136 = tpu.memref_slice %arg9[%add3A_14, %dma_start3A_135] : memref<10240x64xf32, #tpu.memory_space<vmem_shared>> -> memref<128x64xf32, #tpu.memory_space<vmem_shared>>
      %dma_start3A_137 = arith.constant 0 : i32
      %dma_start3A_138 = tpu.memref_slice %arg9[%add3A_14, %dma_start3A_137] : memref<10240x64xf32, #tpu.memory_space<vmem_shared>> -> memref<128x64xf32, #tpu.memory_space<vmem_shared>>
      %dma_start3A_139 = arith.constant 0 : i32
      %dma_start3A_140 = arith.constant 0 : i32
      %dma_start3A_141 = tpu.memref_slice %arg8[%run_scoped3A, %dma_start3A_139, %dma_start3A_140] : memref<3x200x64xf32, #tpu.memory_space<vmem>> -> memref<1x128x64xf32, #tpu.memory_space<vmem>>
      %dma_start3A_142 = tpu.memref_squeeze %dma_start3A_141 : memref<1x128x64xf32, #tpu.memory_space<vmem>> -> memref<128x64xf32, #tpu.memory_space<vmem>>
      tpu.enqueue_dma source(%dma_start3A_142 : memref<128x64xf32, #tpu.memory_space<vmem>>) target(%dma_start3A_138 : memref<128x64xf32, #tpu.memory_space<vmem_shared>>) target_semaphore(%run_scoped3A_130 : memref<!tpu.dma_semaphore, #tpu.memory_space<semaphore_mem>>)
      %dma_wait3A_143 = arith.constant 0 : i32
      %dma_wait3A_144 = arith.constant 0 : i32
      %dma_wait3A_145 = tpu.memref_slice %arg8[%run_scoped3A, %dma_wait3A_143, %dma_wait3A_144] : memref<3x200x64xf32, #tpu.memory_space<vmem>> -> memref<1x128x64xf32, #tpu.memory_space<vmem>>
      %dma_wait3A_146 = tpu.memref_squeeze %dma_wait3A_145 : memref<1x128x64xf32, #tpu.memory_space<vmem>> -> memref<128x64xf32, #tpu.memory_space<vmem>>
      %dma_wait3A_147 = arith.constant 0 : i32
      %dma_wait3A_148 = tpu.memref_slice %arg9[%add3A_14, %dma_wait3A_147] : memref<10240x64xf32, #tpu.memory_space<vmem_shared>> -> memref<128x64xf32, #tpu.memory_space<vmem_shared>>
      %dma_wait3A_149 = arith.constant 0 : i32
      %dma_wait3A_150 = tpu.memref_slice %arg9[%add3A_14, %dma_wait3A_149] : memref<10240x64xf32, #tpu.memory_space<vmem_shared>> -> memref<128x64xf32, #tpu.memory_space<vmem_shared>>
      %dma_wait3A_151 = arith.constant 0 : i32
      %dma_wait3A_152 = arith.constant 0 : i32
      %dma_wait3A_153 = tpu.memref_slice %arg8[%run_scoped3A, %dma_wait3A_151, %dma_wait3A_152] : memref<3x200x64xf32, #tpu.memory_space<vmem>> -> memref<1x128x64xf32, #tpu.memory_space<vmem>>
      %dma_wait3A_154 = tpu.memref_squeeze %dma_wait3A_153 : memref<1x128x64xf32, #tpu.memory_space<vmem>> -> memref<128x64xf32, #tpu.memory_space<vmem>>
      tpu.wait_dma2 semaphore(%run_scoped3A_130 : memref<!tpu.dma_semaphore, #tpu.memory_space<semaphore_mem>>) src(%dma_wait3A_154 : memref<128x64xf32, #tpu.memory_space<vmem>>) dst(%dma_wait3A_150 : memref<128x64xf32, #tpu.memory_space<vmem_shared>>)
      tpu.yield
    }) : () -> ()
    %mul3A_15 = arith.constant 640 : i32
    %mul3A_16 = arith.muli %arg1, %mul3A_15 : i32
    %add3A_17 = arith.constant 128 : i32
    %add3A_18 = arith.addi %mul3A_16, %add3A_17 : i32
    %run_scoped3A_19 = arith.constant 2 : i32
    "tpu.region"() ({
      %run_scoped3A_130 = tpu.sem_alloc : memref<!tpu.dma_semaphore, #tpu.memory_space<semaphore_mem>>
      %dma_start3A_131 = arith.constant 0 : i32
      %dma_start3A_132 = arith.constant 0 : i32
      %dma_start3A_133 = tpu.memref_slice %arg8[%run_scoped3A_19, %dma_start3A_131, %dma_start3A_132] : memref<3x200x64xf32, #tpu.memory_space<vmem>> -> memref<1x128x64xf32, #tpu.memory_space<vmem>>
      %dma_start3A_134 = tpu.memref_squeeze %dma_start3A_133 : memref<1x128x64xf32, #tpu.memory_space<vmem>> -> memref<128x64xf32, #tpu.memory_space<vmem>>
      %dma_start3A_135 = arith.constant 0 : i32
      %dma_start3A_136 = tpu.memref_slice %arg9[%add3A_18, %dma_start3A_135] : memref<10240x64xf32, #tpu.memory_space<vmem_shared>> -> memref<128x64xf32, #tpu.memory_space<vmem_shared>>
      %dma_start3A_137 = arith.constant 0 : i32
      %dma_start3A_138 = tpu.memref_slice %arg9[%add3A_18, %dma_start3A_137] : memref<10240x64xf32, #tpu.memory_space<vmem_shared>> -> memref<128x64xf32, #tpu.memory_space<vmem_shared>>
      %dma_start3A_139 = arith.constant 0 : i32
      %dma_start3A_140 = arith.constant 0 : i32
      %dma_start3A_141 = tpu.memref_slice %arg8[%run_scoped3A_19, %dma_start3A_139, %dma_start3A_140] : memref<3x200x64xf32, #tpu.memory_space<vmem>> -> memref<1x128x64xf32, #tpu.memory_space<vmem>>
      %dma_start3A_142 = tpu.memref_squeeze %dma_start3A_141 : memref<1x128x64xf32, #tpu.memory_space<vmem>> -> memref<128x64xf32, #tpu.memory_space<vmem>>
      tpu.enqueue_dma source(%dma_start3A_142 : memref<128x64xf32, #tpu.memory_space<vmem>>) target(%dma_start3A_138 : memref<128x64xf32, #tpu.memory_space<vmem_shared>>) target_semaphore(%run_scoped3A_130 : memref<!tpu.dma_semaphore, #tpu.memory_space<semaphore_mem>>)
      %dma_wait3A_143 = arith.constant 0 : i32
      %dma_wait3A_144 = arith.constant 0 : i32
      %dma_wait3A_145 = tpu.memref_slice %arg8[%run_scoped3A_19, %dma_wait3A_143, %dma_wait3A_144] : memref<3x200x64xf32, #tpu.memory_space<vmem>> -> memref<1x128x64xf32, #tpu.memory_space<vmem>>
      %dma_wait3A_146 = tpu.memref_squeeze %dma_wait3A_145 : memref<1x128x64xf32, #tpu.memory_space<vmem>> -> memref<128x64xf32, #tpu.memory_space<vmem>>
      %dma_wait3A_147 = arith.constant 0 : i32
      %dma_wait3A_148 = tpu.memref_slice %arg9[%add3A_18, %dma_wait3A_147] : memref<10240x64xf32, #tpu.memory_space<vmem_shared>> -> memref<128x64xf32, #tpu.memory_space<vmem_shared>>
      %dma_wait3A_149 = arith.constant 0 : i32
      %dma_wait3A_150 = tpu.memref_slice %arg9[%add3A_18, %dma_wait3A_149] : memref<10240x64xf32, #tpu.memory_space<vmem_shared>> -> memref<128x64xf32, #tpu.memory_space<vmem_shared>>
      %dma_wait3A_151 = arith.constant 0 : i32
      %dma_wait3A_152 = arith.constant 0 : i32
      %dma_wait3A_153 = tpu.memref_slice %arg8[%run_scoped3A_19, %dma_wait3A_151, %dma_wait3A_152] : memref<3x200x64xf32, #tpu.memory_space<vmem>> -> memref<1x128x64xf32, #tpu.memory_space<vmem>>
      %dma_wait3A_154 = tpu.memref_squeeze %dma_wait3A_153 : memref<1x128x64xf32, #tpu.memory_space<vmem>> -> memref<128x64xf32, #tpu.memory_space<vmem>>
      tpu.wait_dma2 semaphore(%run_scoped3A_130 : memref<!tpu.dma_semaphore, #tpu.memory_space<semaphore_mem>>) src(%dma_wait3A_154 : memref<128x64xf32, #tpu.memory_space<vmem>>) dst(%dma_wait3A_150 : memref<128x64xf32, #tpu.memory_space<vmem_shared>>)
      tpu.yield
    }) : () -> ()
    %mul3A_20 = arith.constant 640 : i32
    %mul3A_21 = arith.muli %arg1, %mul3A_20 : i32
    %add3A_22 = arith.constant 256 : i32
    %add3A_23 = arith.addi %mul3A_21, %add3A_22 : i32
    %run_scoped3A_24 = arith.constant 2 : i32
    "tpu.region"() ({
      %run_scoped3A_130 = tpu.sem_alloc : memref<!tpu.dma_semaphore, #tpu.memory_space<semaphore_mem>>
      %dma_start3A_131 = arith.constant 0 : i32
      %dma_start3A_132 = arith.constant 0 : i32
      %dma_start3A_133 = tpu.memref_slice %arg8[%run_scoped3A_24, %dma_start3A_131, %dma_start3A_132] : memref<3x200x64xf32, #tpu.memory_space<vmem>> -> memref<1x128x64xf32, #tpu.memory_space<vmem>>
      %dma_start3A_134 = tpu.memref_squeeze %dma_start3A_133 : memref<1x128x64xf32, #tpu.memory_space<vmem>> -> memref<128x64xf32, #tpu.memory_space<vmem>>
      %dma_start3A_135 = arith.constant 0 : i32
      %dma_start3A_136 = tpu.memref_slice %arg9[%add3A_23, %dma_start3A_135] : memref<10240x64xf32, #tpu.memory_space<vmem_shared>> -> memref<128x64xf32, #tpu.memory_space<vmem_shared>>
      %dma_start3A_137 = arith.constant 0 : i32
      %dma_start3A_138 = tpu.memref_slice %arg9[%add3A_23, %dma_start3A_137] : memref<10240x64xf32, #tpu.memory_space<vmem_shared>> -> memref<128x64xf32, #tpu.memory_space<vmem_shared>>
      %dma_start3A_139 = arith.constant 0 : i32
      %dma_start3A_140 = arith.constant 0 : i32
      %dma_start3A_141 = tpu.memref_slice %arg8[%run_scoped3A_24, %dma_start3A_139, %dma_start3A_140] : memref<3x200x64xf32, #tpu.memory_space<vmem>> -> memref<1x128x64xf32, #tpu.memory_space<vmem>>
      %dma_start3A_142 = tpu.memref_squeeze %dma_start3A_141 : memref<1x128x64xf32, #tpu.memory_space<vmem>> -> memref<128x64xf32, #tpu.memory_space<vmem>>
      tpu.enqueue_dma source(%dma_start3A_142 : memref<128x64xf32, #tpu.memory_space<vmem>>) target(%dma_start3A_138 : memref<128x64xf32, #tpu.memory_space<vmem_shared>>) target_semaphore(%run_scoped3A_130 : memref<!tpu.dma_semaphore, #tpu.memory_space<semaphore_mem>>)
      %dma_wait3A_143 = arith.constant 0 : i32
      %dma_wait3A_144 = arith.constant 0 : i32
      %dma_wait3A_145 = tpu.memref_slice %arg8[%run_scoped3A_24, %dma_wait3A_143, %dma_wait3A_144] : memref<3x200x64xf32, #tpu.memory_space<vmem>> -> memref<1x128x64xf32, #tpu.memory_space<vmem>>
      %dma_wait3A_146 = tpu.memref_squeeze %dma_wait3A_145 : memref<1x128x64xf32, #tpu.memory_space<vmem>> -> memref<128x64xf32, #tpu.memory_space<vmem>>
      %dma_wait3A_147 = arith.constant 0 : i32
      %dma_wait3A_148 = tpu.memref_slice %arg9[%add3A_23, %dma_wait3A_147] : memref<10240x64xf32, #tpu.memory_space<vmem_shared>> -> memref<128x64xf32, #tpu.memory_space<vmem_shared>>
      %dma_wait3A_149 = arith.constant 0 : i32
      %dma_wait3A_150 = tpu.memref_slice %arg9[%add3A_23, %dma_wait3A_149] : memref<10240x64xf32, #tpu.memory_space<vmem_shared>> -> memref<128x64xf32, #tpu.memory_space<vmem_shared>>
      %dma_wait3A_151 = arith.constant 0 : i32
      %dma_wait3A_152 = arith.constant 0 : i32
      %dma_wait3A_153 = tpu.memref_slice %arg8[%run_scoped3A_24, %dma_wait3A_151, %dma_wait3A_152] : memref<3x200x64xf32, #tpu.memory_space<vmem>> -> memref<1x128x64xf32, #tpu.memory_space<vmem>>
      %dma_wait3A_154 = tpu.memref_squeeze %dma_wait3A_153 : memref<1x128x64xf32, #tpu.memory_space<vmem>> -> memref<128x64xf32, #tpu.memory_space<vmem>>
      tpu.wait_dma2 semaphore(%run_scoped3A_130 : memref<!tpu.dma_semaphore, #tpu.memory_space<semaphore_mem>>) src(%dma_wait3A_154 : memref<128x64xf32, #tpu.memory_space<vmem>>) dst(%dma_wait3A_150 : memref<128x64xf32, #tpu.memory_space<vmem_shared>>)
      tpu.yield
    }) : () -> ()
    %mul3A_25 = arith.constant 640 : i32
    %mul3A_26 = arith.muli %arg1, %mul3A_25 : i32
    %add3A_27 = arith.constant 384 : i32
    %add3A_28 = arith.addi %mul3A_26, %add3A_27 : i32
    %run_scoped3A_29 = arith.constant 2 : i32
    "tpu.region"() ({
      %run_scoped3A_130 = tpu.sem_alloc : memref<!tpu.dma_semaphore, #tpu.memory_space<semaphore_mem>>
      %dma_start3A_131 = arith.constant 0 : i32
      %dma_start3A_132 = arith.constant 0 : i32
      %dma_start3A_133 = tpu.memref_slice %arg8[%run_scoped3A_29, %dma_start3A_131, %dma_start3A_132] : memref<3x200x64xf32, #tpu.memory_space<vmem>> -> memref<1x128x64xf32, #tpu.memory_space<vmem>>
      %dma_start3A_134 = tpu.memref_squeeze %dma_start3A_133 : memref<1x128x64xf32, #tpu.memory_space<vmem>> -> memref<128x64xf32, #tpu.memory_space<vmem>>
      %dma_start3A_135 = arith.constant 0 : i32
      %dma_start3A_136 = tpu.memref_slice %arg9[%add3A_28, %dma_start3A_135] : memref<10240x64xf32, #tpu.memory_space<vmem_shared>> -> memref<128x64xf32, #tpu.memory_space<vmem_shared>>
      %dma_start3A_137 = arith.constant 0 : i32
      %dma_start3A_138 = tpu.memref_slice %arg9[%add3A_28, %dma_start3A_137] : memref<10240x64xf32, #tpu.memory_space<vmem_shared>> -> memref<128x64xf32, #tpu.memory_space<vmem_shared>>
      %dma_start3A_139 = arith.constant 0 : i32
      %dma_start3A_140 = arith.constant 0 : i32
      %dma_start3A_141 = tpu.memref_slice %arg8[%run_scoped3A_29, %dma_start3A_139, %dma_start3A_140] : memref<3x200x64xf32, #tpu.memory_space<vmem>> -> memref<1x128x64xf32, #tpu.memory_space<vmem>>
      %dma_start3A_142 = tpu.memref_squeeze %dma_start3A_141 : memref<1x128x64xf32, #tpu.memory_space<vmem>> -> memref<128x64xf32, #tpu.memory_space<vmem>>
      tpu.enqueue_dma source(%dma_start3A_142 : memref<128x64xf32, #tpu.memory_space<vmem>>) target(%dma_start3A_138 : memref<128x64xf32, #tpu.memory_space<vmem_shared>>) target_semaphore(%run_scoped3A_130 : memref<!tpu.dma_semaphore, #tpu.memory_space<semaphore_mem>>)
      %dma_wait3A_143 = arith.constant 0 : i32
      %dma_wait3A_144 = arith.constant 0 : i32
      %dma_wait3A_145 = tpu.memref_slice %arg8[%run_scoped3A_29, %dma_wait3A_143, %dma_wait3A_144] : memref<3x200x64xf32, #tpu.memory_space<vmem>> -> memref<1x128x64xf32, #tpu.memory_space<vmem>>
      %dma_wait3A_146 = tpu.memref_squeeze %dma_wait3A_145 : memref<1x128x64xf32, #tpu.memory_space<vmem>> -> memref<128x64xf32, #tpu.memory_space<vmem>>
      %dma_wait3A_147 = arith.constant 0 : i32
      %dma_wait3A_148 = tpu.memref_slice %arg9[%add3A_28, %dma_wait3A_147] : memref<10240x64xf32, #tpu.memory_space<vmem_shared>> -> memref<128x64xf32, #tpu.memory_space<vmem_shared>>
      %dma_wait3A_149 = arith.constant 0 : i32
      %dma_wait3A_150 = tpu.memref_slice %arg9[%add3A_28, %dma_wait3A_149] : memref<10240x64xf32, #tpu.memory_space<vmem_shared>> -> memref<128x64xf32, #tpu.memory_space<vmem_shared>>
      %dma_wait3A_151 = arith.constant 0 : i32
      %dma_wait3A_152 = arith.constant 0 : i32
      %dma_wait3A_153 = tpu.memref_slice %arg8[%run_scoped3A_29, %dma_wait3A_151, %dma_wait3A_152] : memref<3x200x64xf32, #tpu.memory_space<vmem>> -> memref<1x128x64xf32, #tpu.memory_space<vmem>>
      %dma_wait3A_154 = tpu.memref_squeeze %dma_wait3A_153 : memref<1x128x64xf32, #tpu.memory_space<vmem>> -> memref<128x64xf32, #tpu.memory_space<vmem>>
      tpu.wait_dma2 semaphore(%run_scoped3A_130 : memref<!tpu.dma_semaphore, #tpu.memory_space<semaphore_mem>>) src(%dma_wait3A_154 : memref<128x64xf32, #tpu.memory_space<vmem>>) dst(%dma_wait3A_150 : memref<128x64xf32, #tpu.memory_space<vmem_shared>>)
      tpu.yield
    }) : () -> ()
    %mul3A_30 = arith.constant 640 : i32
    %mul3A_31 = arith.muli %arg1, %mul3A_30 : i32
    %add3A_32 = arith.constant 512 : i32
    %add3A_33 = arith.addi %mul3A_31, %add3A_32 : i32
    %run_scoped3A_34 = arith.constant 2 : i32
    "tpu.region"() ({
      %run_scoped3A_130 = tpu.sem_alloc : memref<!tpu.dma_semaphore, #tpu.memory_space<semaphore_mem>>
      %dma_start3A_131 = arith.constant 0 : i32
      %dma_start3A_132 = arith.constant 0 : i32
      %dma_start3A_133 = tpu.memref_slice %arg8[%run_scoped3A_34, %dma_start3A_131, %dma_start3A_132] : memref<3x200x64xf32, #tpu.memory_space<vmem>> -> memref<1x128x64xf32, #tpu.memory_space<vmem>>
      %dma_start3A_134 = tpu.memref_squeeze %dma_start3A_133 : memref<1x128x64xf32, #tpu.memory_space<vmem>> -> memref<128x64xf32, #tpu.memory_space<vmem>>
      %dma_start3A_135 = arith.constant 0 : i32
      %dma_start3A_136 = tpu.memref_slice %arg9[%add3A_33, %dma_start3A_135] : memref<10240x64xf32, #tpu.memory_space<vmem_shared>> -> memref<128x64xf32, #tpu.memory_space<vmem_shared>>
      %dma_start3A_137 = arith.constant 0 : i32
      %dma_start3A_138 = tpu.memref_slice %arg9[%add3A_33, %dma_start3A_137] : memref<10240x64xf32, #tpu.memory_space<vmem_shared>> -> memref<128x64xf32, #tpu.memory_space<vmem_shared>>
      %dma_start3A_139 = arith.constant 0 : i32
      %dma_start3A_140 = arith.constant 0 : i32
      %dma_start3A_141 = tpu.memref_slice %arg8[%run_scoped3A_34, %dma_start3A_139, %dma_start3A_140] : memref<3x200x64xf32, #tpu.memory_space<vmem>> -> memref<1x128x64xf32, #tpu.memory_space<vmem>>
      %dma_start3A_142 = tpu.memref_squeeze %dma_start3A_141 : memref<1x128x64xf32, #tpu.memory_space<vmem>> -> memref<128x64xf32, #tpu.memory_space<vmem>>
      tpu.enqueue_dma source(%dma_start3A_142 : memref<128x64xf32, #tpu.memory_space<vmem>>) target(%dma_start3A_138 : memref<128x64xf32, #tpu.memory_space<vmem_shared>>) target_semaphore(%run_scoped3A_130 : memref<!tpu.dma_semaphore, #tpu.memory_space<semaphore_mem>>)
      %dma_wait3A_143 = arith.constant 0 : i32
      %dma_wait3A_144 = arith.constant 0 : i32
      %dma_wait3A_145 = tpu.memref_slice %arg8[%run_scoped3A_34, %dma_wait3A_143, %dma_wait3A_144] : memref<3x200x64xf32, #tpu.memory_space<vmem>> -> memref<1x128x64xf32, #tpu.memory_space<vmem>>
      %dma_wait3A_146 = tpu.memref_squeeze %dma_wait3A_145 : memref<1x128x64xf32, #tpu.memory_space<vmem>> -> memref<128x64xf32, #tpu.memory_space<vmem>>
      %dma_wait3A_147 = arith.constant 0 : i32
      %dma_wait3A_148 = tpu.memref_slice %arg9[%add3A_33, %dma_wait3A_147] : memref<10240x64xf32, #tpu.memory_space<vmem_shared>> -> memref<128x64xf32, #tpu.memory_space<vmem_shared>>
      %dma_wait3A_149 = arith.constant 0 : i32
      %dma_wait3A_150 = tpu.memref_slice %arg9[%add3A_33, %dma_wait3A_149] : memref<10240x64xf32, #tpu.memory_space<vmem_shared>> -> memref<128x64xf32, #tpu.memory_space<vmem_shared>>
      %dma_wait3A_151 = arith.constant 0 : i32
      %dma_wait3A_152 = arith.constant 0 : i32
      %dma_wait3A_153 = tpu.memref_slice %arg8[%run_scoped3A_34, %dma_wait3A_151, %dma_wait3A_152] : memref<3x200x64xf32, #tpu.memory_space<vmem>> -> memref<1x128x64xf32, #tpu.memory_space<vmem>>
      %dma_wait3A_154 = tpu.memref_squeeze %dma_wait3A_153 : memref<1x128x64xf32, #tpu.memory_space<vmem>> -> memref<128x64xf32, #tpu.memory_space<vmem>>
      tpu.wait_dma2 semaphore(%run_scoped3A_130 : memref<!tpu.dma_semaphore, #tpu.memory_space<semaphore_mem>>) src(%dma_wait3A_154 : memref<128x64xf32, #tpu.memory_space<vmem>>) dst(%dma_wait3A_150 : memref<128x64xf32, #tpu.memory_space<vmem_shared>>)
      tpu.yield
    }) : () -> ()
    %dma_start3A = arith.constant 0 : i32
    %dma_start3A_35 = arith.constant 0 : i32
    %dma_start3A_36 = arith.constant 0 : i32
    %dma_start3A_37 = tpu.memref_slice %arg8[%dma_start3A, %dma_start3A_35, %dma_start3A_36] : memref<3x200x64xf32, #tpu.memory_space<vmem>> -> memref<1x200x64xf32, #tpu.memory_space<vmem>>
    %dma_start3A_38 = tpu.memref_squeeze %dma_start3A_37 : memref<1x200x64xf32, #tpu.memory_space<vmem>> -> memref<200x64xf32, #tpu.memory_space<vmem>>
    %dma_start3A_39 = arith.constant 0 : i32
    %dma_start3A_40 = tpu.memref_slice %arg6[%dma_start3A_39] : memref<20000xi32, #tpu.memory_space<vmem>> -> memref<200xi32, #tpu.memory_space<vmem>>
    %dma_start3A_41 = arith.constant 0 : i32
    %dma_start3A_42 = arith.constant 0 : i32
    %dma_start3A_43 = tpu.memref_slice %arg4[%dma_start3A_41, %dma_start3A_42] : memref<20000x64xf32, #tpu.memory_space<hbm>> -> memref<20000x64xf32, #tpu.memory_space<hbm>>
    tpu.enqueue_indirect_dma source(%dma_start3A_43 : memref<20000x64xf32, #tpu.memory_space<hbm>>) target(%dma_start3A_38 : memref<200x64xf32, #tpu.memory_space<vmem>>) offsets(%dma_start3A_40 : memref<200xi32, #tpu.memory_space<vmem>>) semaphore(%arg10 : memref<!tpu.dma_semaphore, #tpu.memory_space<semaphore_mem>>)
    %dma_start3A_44 = arith.constant 1 : i32
    %dma_start3A_45 = arith.constant 0 : i32
    %dma_start3A_46 = arith.constant 0 : i32
    %dma_start3A_47 = tpu.memref_slice %arg8[%dma_start3A_44, %dma_start3A_45, %dma_start3A_46] : memref<3x200x64xf32, #tpu.memory_space<vmem>> -> memref<1x200x64xf32, #tpu.memory_space<vmem>>
    %dma_start3A_48 = tpu.memref_squeeze %dma_start3A_47 : memref<1x200x64xf32, #tpu.memory_space<vmem>> -> memref<200x64xf32, #tpu.memory_space<vmem>>
    %dma_start3A_49 = arith.constant 200 : i32
    %dma_start3A_50 = tpu.memref_slice %arg6[%dma_start3A_49] : memref<20000xi32, #tpu.memory_space<vmem>> -> memref<200xi32, #tpu.memory_space<vmem>>
    %dma_start3A_51 = arith.constant 0 : i32
    %dma_start3A_52 = arith.constant 0 : i32
    %dma_start3A_53 = tpu.memref_slice %arg4[%dma_start3A_51, %dma_start3A_52] : memref<20000x64xf32, #tpu.memory_space<hbm>> -> memref<20000x64xf32, #tpu.memory_space<hbm>>
    tpu.enqueue_indirect_dma source(%dma_start3A_53 : memref<20000x64xf32, #tpu.memory_space<hbm>>) target(%dma_start3A_48 : memref<200x64xf32, #tpu.memory_space<vmem>>) offsets(%dma_start3A_50 : memref<200xi32, #tpu.memory_space<vmem>>) semaphore(%arg11 : memref<!tpu.dma_semaphore, #tpu.memory_space<semaphore_mem>>)
    %barrier3A = arith.constant 0 : index
    tpu.barrier barrier_id(%barrier3A)
    %scan3A_54 = arith.constant 0 : i32
    %scan3A_55 = arith.constant 0 : i32
    %scan3A_56 = arith.constant 16 : i32
    %scan3A_57 = arith.addi %scan3A_55, %scan3A_56 : i32
    %scan3A_58 = arith.constant 1 : i32
    scf.for %scan3A_130 = %scan3A_55 to %scan3A_57 step %scan3A_58  : i32 {
      %mul3A_131 = arith.constant 6 : i32
      %mul3A_132 = arith.muli %mul3A_131, %scan3A_130 : i32
      %add3A_133 = arith.constant 0 : i32
      %add3A_134 = arith.addi %mul3A_132, %add3A_133 : i32
      %add3A_135 = arith.constant 2 : i32
      %add3A_136 = arith.addi %add3A_134, %add3A_135 : i32
      %mul3A_137 = arith.constant 200 : i32
      %mul3A_138 = arith.muli %add3A_136, %mul3A_137 : i32
      %dma_start3A_139 = arith.constant 2 : i32
      %dma_start3A_140 = arith.constant 0 : i32
      %dma_start3A_141 = arith.constant 0 : i32
      %dma_start3A_142 = tpu.memref_slice %arg8[%dma_start3A_139, %dma_start3A_140, %dma_start3A_141] : memref<3x200x64xf32, #tpu.memory_space<vmem>> -> memref<1x200x64xf32, #tpu.memory_space<vmem>>
      %dma_start3A_143 = tpu.memref_squeeze %dma_start3A_142 : memref<1x200x64xf32, #tpu.memory_space<vmem>> -> memref<200x64xf32, #tpu.memory_space<vmem>>
      %dma_start3A_144 = tpu.memref_slice %arg6[%mul3A_138] : memref<20000xi32, #tpu.memory_space<vmem>> -> memref<200xi32, #tpu.memory_space<vmem>>
      %dma_start3A_145 = arith.constant 0 : i32
      %dma_start3A_146 = arith.constant 0 : i32
      %dma_start3A_147 = tpu.memref_slice %arg4[%dma_start3A_145, %dma_start3A_146] : memref<20000x64xf32, #tpu.memory_space<hbm>> -> memref<20000x64xf32, #tpu.memory_space<hbm>>
      tpu.enqueue_indirect_dma source(%dma_start3A_147 : memref<20000x64xf32, #tpu.memory_space<hbm>>) target(%dma_start3A_143 : memref<200x64xf32, #tpu.memory_space<vmem>>) offsets(%dma_start3A_144 : memref<200xi32, #tpu.memory_space<vmem>>) semaphore(%arg12 : memref<!tpu.dma_semaphore, #tpu.memory_space<semaphore_mem>>)
      %mul3A_148 = arith.constant 200 : i32
      %mul3A_149 = arith.muli %add3A_134, %mul3A_148 : i32
      %dma_wait3A_150 = arith.constant 0 : i32
      %dma_wait3A_151 = arith.constant 0 : i32
      %dma_wait3A_152 = arith.constant 0 : i32
      %dma_wait3A_153 = tpu.memref_slice %arg8[%dma_wait3A_150, %dma_wait3A_151, %dma_wait3A_152] : memref<3x200x64xf32, #tpu.memory_space<vmem>> -> memref<1x200x64xf32, #tpu.memory_space<vmem>>
      %dma_wait3A_154 = tpu.memref_squeeze %dma_wait3A_153 : memref<1x200x64xf32, #tpu.memory_space<vmem>> -> memref<200x64xf32, #tpu.memory_space<vmem>>
      %dma_wait3A_155 = tpu.memref_slice %arg6[%mul3A_149] : memref<20000xi32, #tpu.memory_space<vmem>> -> memref<200xi32, #tpu.memory_space<vmem>>
      %dma_wait3A_156 = arith.constant 0 : i32
      %dma_wait3A_157 = arith.constant 0 : i32
      %dma_wait3A_158 = tpu.memref_slice %arg4[%dma_wait3A_156, %dma_wait3A_157] : memref<20000x64xf32, #tpu.memory_space<hbm>> -> memref<20000x64xf32, #tpu.memory_space<hbm>>
      tpu.wait_indirect_dma semaphore(%arg10 : memref<!tpu.dma_semaphore, #tpu.memory_space<semaphore_mem>>) src(%dma_wait3A_158 : memref<20000x64xf32, #tpu.memory_space<hbm>>) dst(%dma_wait3A_154 : memref<200x64xf32, #tpu.memory_space<vmem>>)
      %mul3A_159 = arith.constant 200 : i32
      %mul3A_160 = arith.muli %add3A_134, %mul3A_159 : i32
      %run_scoped3A_161 = arith.constant 0 : i32
      "tpu.region"() ({
        %run_scoped3A_307 = tpu.sem_alloc : memref<!tpu.dma_semaphore, #tpu.memory_space<semaphore_mem>>
        %dma_start3A_308 = arith.constant 0 : i32
        %dma_start3A_309 = arith.constant 0 : i32
        %dma_start3A_310 = tpu.memref_slice %arg8[%run_scoped3A_161, %dma_start3A_308, %dma_start3A_309] : memref<3x200x64xf32, #tpu.memory_space<vmem>> -> memref<1x200x64xf32, #tpu.memory_space<vmem>>
        %dma_start3A_311 = tpu.memref_squeeze %dma_start3A_310 : memref<1x200x64xf32, #tpu.memory_space<vmem>> -> memref<200x64xf32, #tpu.memory_space<vmem>>
        %dma_start3A_312 = tpu.memref_slice %arg7[%mul3A_160] : memref<20000xi32, #tpu.memory_space<vmem>> -> memref<200xi32, #tpu.memory_space<vmem>>
        %dma_start3A_313 = arith.constant 0 : i32
        %dma_start3A_314 = arith.constant 0 : i32
        %dma_start3A_315 = tpu.memref_slice %arg9[%dma_start3A_313, %dma_start3A_314] : memref<10240x64xf32, #tpu.memory_space<vmem_shared>> -> memref<10240x64xf32, #tpu.memory_space<vmem_shared>>
        tpu.enqueue_indirect_dma source(%dma_start3A_311 : memref<200x64xf32, #tpu.memory_space<vmem>>) target(%dma_start3A_315 : memref<10240x64xf32, #tpu.memory_space<vmem_shared>>) offsets(%dma_start3A_312 : memref<200xi32, #tpu.memory_space<vmem>>) semaphore(%run_scoped3A_307 : memref<!tpu.dma_semaphore, #tpu.memory_space<semaphore_mem>>) {add = true}
        %dma_wait3A_316 = arith.constant 0 : i32
        %dma_wait3A_317 = arith.constant 0 : i32
        %dma_wait3A_318 = tpu.memref_slice %arg8[%run_scoped3A_161, %dma_wait3A_316, %dma_wait3A_317] : memref<3x200x64xf32, #tpu.memory_space<vmem>> -> memref<1x200x64xf32, #tpu.memory_space<vmem>>
        %dma_wait3A_319 = tpu.memref_squeeze %dma_wait3A_318 : memref<1x200x64xf32, #tpu.memory_space<vmem>> -> memref<200x64xf32, #tpu.memory_space<vmem>>
        %dma_wait3A_320 = tpu.memref_slice %arg7[%mul3A_160] : memref<20000xi32, #tpu.memory_space<vmem>> -> memref<200xi32, #tpu.memory_space<vmem>>
        %dma_wait3A_321 = arith.constant 0 : i32
        %dma_wait3A_322 = arith.constant 0 : i32
        %dma_wait3A_323 = tpu.memref_slice %arg9[%dma_wait3A_321, %dma_wait3A_322] : memref<10240x64xf32, #tpu.memory_space<vmem_shared>> -> memref<10240x64xf32, #tpu.memory_space<vmem_shared>>
        tpu.wait_indirect_dma semaphore(%run_scoped3A_307 : memref<!tpu.dma_semaphore, #tpu.memory_space<semaphore_mem>>) src(%dma_wait3A_319 : memref<200x64xf32, #tpu.memory_space<vmem>>) dst(%dma_wait3A_323 : memref<10240x64xf32, #tpu.memory_space<vmem_shared>>)
        tpu.yield
      }) : () -> ()
      %add3A_162 = arith.constant 1 : i32
      %add3A_163 = arith.addi %mul3A_132, %add3A_162 : i32
      %add3A_164 = arith.constant 2 : i32
      %add3A_165 = arith.addi %add3A_163, %add3A_164 : i32
      %mul3A_166 = arith.constant 200 : i32
      %mul3A_167 = arith.muli %add3A_165, %mul3A_166 : i32
      %dma_start3A_168 = arith.constant 0 : i32
      %dma_start3A_169 = arith.constant 0 : i32
      %dma_start3A_170 = arith.constant 0 : i32
      %dma_start3A_171 = tpu.memref_slice %arg8[%dma_start3A_168, %dma_start3A_169, %dma_start3A_170] : memref<3x200x64xf32, #tpu.memory_space<vmem>> -> memref<1x200x64xf32, #tpu.memory_space<vmem>>
      %dma_start3A_172 = tpu.memref_squeeze %dma_start3A_171 : memref<1x200x64xf32, #tpu.memory_space<vmem>> -> memref<200x64xf32, #tpu.memory_space<vmem>>
      %dma_start3A_173 = tpu.memref_slice %arg6[%mul3A_167] : memref<20000xi32, #tpu.memory_space<vmem>> -> memref<200xi32, #tpu.memory_space<vmem>>
      %dma_start3A_174 = arith.constant 0 : i32
      %dma_start3A_175 = arith.constant 0 : i32
      %dma_start3A_176 = tpu.memref_slice %arg4[%dma_start3A_174, %dma_start3A_175] : memref<20000x64xf32, #tpu.memory_space<hbm>> -> memref<20000x64xf32, #tpu.memory_space<hbm>>
      tpu.enqueue_indirect_dma source(%dma_start3A_176 : memref<20000x64xf32, #tpu.memory_space<hbm>>) target(%dma_start3A_172 : memref<200x64xf32, #tpu.memory_space<vmem>>) offsets(%dma_start3A_173 : memref<200xi32, #tpu.memory_space<vmem>>) semaphore(%arg10 : memref<!tpu.dma_semaphore, #tpu.memory_space<semaphore_mem>>)
      %mul3A_177 = arith.constant 200 : i32
      %mul3A_178 = arith.muli %add3A_163, %mul3A_177 : i32
      %dma_wait3A_179 = arith.constant 1 : i32
      %dma_wait3A_180 = arith.constant 0 : i32
      %dma_wait3A_181 = arith.constant 0 : i32
      %dma_wait3A_182 = tpu.memref_slice %arg8[%dma_wait3A_179, %dma_wait3A_180, %dma_wait3A_181] : memref<3x200x64xf32, #tpu.memory_space<vmem>> -> memref<1x200x64xf32, #tpu.memory_space<vmem>>
      %dma_wait3A_183 = tpu.memref_squeeze %dma_wait3A_182 : memref<1x200x64xf32, #tpu.memory_space<vmem>> -> memref<200x64xf32, #tpu.memory_space<vmem>>
      %dma_wait3A_184 = tpu.memref_slice %arg6[%mul3A_178] : memref<20000xi32, #tpu.memory_space<vmem>> -> memref<200xi32, #tpu.memory_space<vmem>>
      %dma_wait3A_185 = arith.constant 0 : i32
      %dma_wait3A_186 = arith.constant 0 : i32
      %dma_wait3A_187 = tpu.memref_slice %arg4[%dma_wait3A_185, %dma_wait3A_186] : memref<20000x64xf32, #tpu.memory_space<hbm>> -> memref<20000x64xf32, #tpu.memory_space<hbm>>
      tpu.wait_indirect_dma semaphore(%arg11 : memref<!tpu.dma_semaphore, #tpu.memory_space<semaphore_mem>>) src(%dma_wait3A_187 : memref<20000x64xf32, #tpu.memory_space<hbm>>) dst(%dma_wait3A_183 : memref<200x64xf32, #tpu.memory_space<vmem>>)
      %mul3A_188 = arith.constant 200 : i32
      %mul3A_189 = arith.muli %add3A_163, %mul3A_188 : i32
      %run_scoped3A_190 = arith.constant 1 : i32
      "tpu.region"() ({
        %run_scoped3A_307 = tpu.sem_alloc : memref<!tpu.dma_semaphore, #tpu.memory_space<semaphore_mem>>
        %dma_start3A_308 = arith.constant 0 : i32
        %dma_start3A_309 = arith.constant 0 : i32
        %dma_start3A_310 = tpu.memref_slice %arg8[%run_scoped3A_190, %dma_start3A_308, %dma_start3A_309] : memref<3x200x64xf32, #tpu.memory_space<vmem>> -> memref<1x200x64xf32, #tpu.memory_space<vmem>>
        %dma_start3A_311 = tpu.memref_squeeze %dma_start3A_310 : memref<1x200x64xf32, #tpu.memory_space<vmem>> -> memref<200x64xf32, #tpu.memory_space<vmem>>
        %dma_start3A_312 = tpu.memref_slice %arg7[%mul3A_189] : memref<20000xi32, #tpu.memory_space<vmem>> -> memref<200xi32, #tpu.memory_space<vmem>>
        %dma_start3A_313 = arith.constant 0 : i32
        %dma_start3A_314 = arith.constant 0 : i32
        %dma_start3A_315 = tpu.memref_slice %arg9[%dma_start3A_313, %dma_start3A_314] : memref<10240x64xf32, #tpu.memory_space<vmem_shared>> -> memref<10240x64xf32, #tpu.memory_space<vmem_shared>>
        tpu.enqueue_indirect_dma source(%dma_start3A_311 : memref<200x64xf32, #tpu.memory_space<vmem>>) target(%dma_start3A_315 : memref<10240x64xf32, #tpu.memory_space<vmem_shared>>) offsets(%dma_start3A_312 : memref<200xi32, #tpu.memory_space<vmem>>) semaphore(%run_scoped3A_307 : memref<!tpu.dma_semaphore, #tpu.memory_space<semaphore_mem>>) {add = true}
        %dma_wait3A_316 = arith.constant 0 : i32
        %dma_wait3A_317 = arith.constant 0 : i32
        %dma_wait3A_318 = tpu.memref_slice %arg8[%run_scoped3A_190, %dma_wait3A_316, %dma_wait3A_317] : memref<3x200x64xf32, #tpu.memory_space<vmem>> -> memref<1x200x64xf32, #tpu.memory_space<vmem>>
        %dma_wait3A_319 = tpu.memref_squeeze %dma_wait3A_318 : memref<1x200x64xf32, #tpu.memory_space<vmem>> -> memref<200x64xf32, #tpu.memory_space<vmem>>
        %dma_wait3A_320 = tpu.memref_slice %arg7[%mul3A_189] : memref<20000xi32, #tpu.memory_space<vmem>> -> memref<200xi32, #tpu.memory_space<vmem>>
        %dma_wait3A_321 = arith.constant 0 : i32
        %dma_wait3A_322 = arith.constant 0 : i32
        %dma_wait3A_323 = tpu.memref_slice %arg9[%dma_wait3A_321, %dma_wait3A_322] : memref<10240x64xf32, #tpu.memory_space<vmem_shared>> -> memref<10240x64xf32, #tpu.memory_space<vmem_shared>>
        tpu.wait_indirect_dma semaphore(%run_scoped3A_307 : memref<!tpu.dma_semaphore, #tpu.memory_space<semaphore_mem>>) src(%dma_wait3A_319 : memref<200x64xf32, #tpu.memory_space<vmem>>) dst(%dma_wait3A_323 : memref<10240x64xf32, #tpu.memory_space<vmem_shared>>)
        tpu.yield
      }) : () -> ()
      %add3A_191 = arith.constant 2 : i32
      %add3A_192 = arith.addi %mul3A_132, %add3A_191 : i32
      %add3A_193 = arith.constant 2 : i32
      %add3A_194 = arith.addi %add3A_192, %add3A_193 : i32
      %mul3A_195 = arith.constant 200 : i32
      %mul3A_196 = arith.muli %add3A_194, %mul3A_195 : i32
      %dma_start3A_197 = arith.constant 1 : i32
      %dma_start3A_198 = arith.constant 0 : i32
      %dma_start3A_199 = arith.constant 0 : i32
      %dma_start3A_200 = tpu.memref_slice %arg8[%dma_start3A_197, %dma_start3A_198, %dma_start3A_199] : memref<3x200x64xf32, #tpu.memory_space<vmem>> -> memref<1x200x64xf32, #tpu.memory_space<vmem>>
      %dma_start3A_201 = tpu.memref_squeeze %dma_start3A_200 : memref<1x200x64xf32, #tpu.memory_space<vmem>> -> memref<200x64xf32, #tpu.memory_space<vmem>>
      %dma_start3A_202 = tpu.memref_slice %arg6[%mul3A_196] : memref<20000xi32, #tpu.memory_space<vmem>> -> memref<200xi32, #tpu.memory_space<vmem>>
      %dma_start3A_203 = arith.constant 0 : i32
      %dma_start3A_204 = arith.constant 0 : i32
      %dma_start3A_205 = tpu.memref_slice %arg4[%dma_start3A_203, %dma_start3A_204] : memref<20000x64xf32, #tpu.memory_space<hbm>> -> memref<20000x64xf32, #tpu.memory_space<hbm>>
      tpu.enqueue_indirect_dma source(%dma_start3A_205 : memref<20000x64xf32, #tpu.memory_space<hbm>>) target(%dma_start3A_201 : memref<200x64xf32, #tpu.memory_space<vmem>>) offsets(%dma_start3A_202 : memref<200xi32, #tpu.memory_space<vmem>>) semaphore(%arg11 : memref<!tpu.dma_semaphore, #tpu.memory_space<semaphore_mem>>)
      %mul3A_206 = arith.constant 200 : i32
      %mul3A_207 = arith.muli %add3A_192, %mul3A_206 : i32
      %dma_wait3A_208 = arith.constant 2 : i32
      %dma_wait3A_209 = arith.constant 0 : i32
      %dma_wait3A_210 = arith.constant 0 : i32
      %dma_wait3A_211 = tpu.memref_slice %arg8[%dma_wait3A_208, %dma_wait3A_209, %dma_wait3A_210] : memref<3x200x64xf32, #tpu.memory_space<vmem>> -> memref<1x200x64xf32, #tpu.memory_space<vmem>>
      %dma_wait3A_212 = tpu.memref_squeeze %dma_wait3A_211 : memref<1x200x64xf32, #tpu.memory_space<vmem>> -> memref<200x64xf32, #tpu.memory_space<vmem>>
      %dma_wait3A_213 = tpu.memref_slice %arg6[%mul3A_207] : memref<20000xi32, #tpu.memory_space<vmem>> -> memref<200xi32, #tpu.memory_space<vmem>>
      %dma_wait3A_214 = arith.constant 0 : i32
      %dma_wait3A_215 = arith.constant 0 : i32
      %dma_wait3A_216 = tpu.memref_slice %arg4[%dma_wait3A_214, %dma_wait3A_215] : memref<20000x64xf32, #tpu.memory_space<hbm>> -> memref<20000x64xf32, #tpu.memory_space<hbm>>
      tpu.wait_indirect_dma semaphore(%arg12 : memref<!tpu.dma_semaphore, #tpu.memory_space<semaphore_mem>>) src(%dma_wait3A_216 : memref<20000x64xf32, #tpu.memory_space<hbm>>) dst(%dma_wait3A_212 : memref<200x64xf32, #tpu.memory_space<vmem>>)
      %mul3A_217 = arith.constant 200 : i32
      %mul3A_218 = arith.muli %add3A_192, %mul3A_217 : i32
      %run_scoped3A_219 = arith.constant 2 : i32
      "tpu.region"() ({
        %run_scoped3A_307 = tpu.sem_alloc : memref<!tpu.dma_semaphore, #tpu.memory_space<semaphore_mem>>
        %dma_start3A_308 = arith.constant 0 : i32
        %dma_start3A_309 = arith.constant 0 : i32
        %dma_start3A_310 = tpu.memref_slice %arg8[%run_scoped3A_219, %dma_start3A_308, %dma_start3A_309] : memref<3x200x64xf32, #tpu.memory_space<vmem>> -> memref<1x200x64xf32, #tpu.memory_space<vmem>>
        %dma_start3A_311 = tpu.memref_squeeze %dma_start3A_310 : memref<1x200x64xf32, #tpu.memory_space<vmem>> -> memref<200x64xf32, #tpu.memory_space<vmem>>
        %dma_start3A_312 = tpu.memref_slice %arg7[%mul3A_218] : memref<20000xi32, #tpu.memory_space<vmem>> -> memref<200xi32, #tpu.memory_space<vmem>>
        %dma_start3A_313 = arith.constant 0 : i32
        %dma_start3A_314 = arith.constant 0 : i32
        %dma_start3A_315 = tpu.memref_slice %arg9[%dma_start3A_313, %dma_start3A_314] : memref<10240x64xf32, #tpu.memory_space<vmem_shared>> -> memref<10240x64xf32, #tpu.memory_space<vmem_shared>>
        tpu.enqueue_indirect_dma source(%dma_start3A_311 : memref<200x64xf32, #tpu.memory_space<vmem>>) target(%dma_start3A_315 : memref<10240x64xf32, #tpu.memory_space<vmem_shared>>) offsets(%dma_start3A_312 : memref<200xi32, #tpu.memory_space<vmem>>) semaphore(%run_scoped3A_307 : memref<!tpu.dma_semaphore, #tpu.memory_space<semaphore_mem>>) {add = true}
        %dma_wait3A_316 = arith.constant 0 : i32
        %dma_wait3A_317 = arith.constant 0 : i32
        %dma_wait3A_318 = tpu.memref_slice %arg8[%run_scoped3A_219, %dma_wait3A_316, %dma_wait3A_317] : memref<3x200x64xf32, #tpu.memory_space<vmem>> -> memref<1x200x64xf32, #tpu.memory_space<vmem>>
        %dma_wait3A_319 = tpu.memref_squeeze %dma_wait3A_318 : memref<1x200x64xf32, #tpu.memory_space<vmem>> -> memref<200x64xf32, #tpu.memory_space<vmem>>
        %dma_wait3A_320 = tpu.memref_slice %arg7[%mul3A_218] : memref<20000xi32, #tpu.memory_space<vmem>> -> memref<200xi32, #tpu.memory_space<vmem>>
        %dma_wait3A_321 = arith.constant 0 : i32
        %dma_wait3A_322 = arith.constant 0 : i32
        %dma_wait3A_323 = tpu.memref_slice %arg9[%dma_wait3A_321, %dma_wait3A_322] : memref<10240x64xf32, #tpu.memory_space<vmem_shared>> -> memref<10240x64xf32, #tpu.memory_space<vmem_shared>>
        tpu.wait_indirect_dma semaphore(%run_scoped3A_307 : memref<!tpu.dma_semaphore, #tpu.memory_space<semaphore_mem>>) src(%dma_wait3A_319 : memref<200x64xf32, #tpu.memory_space<vmem>>) dst(%dma_wait3A_323 : memref<10240x64xf32, #tpu.memory_space<vmem_shared>>)
        tpu.yield
      }) : () -> ()
      %add3A_220 = arith.constant 3 : i32
      %add3A_221 = arith.addi %mul3A_132, %add3A_220 : i32
      %add3A_222 = arith.constant 2 : i32
      %add3A_223 = arith.addi %add3A_221, %add3A_222 : i32
      %mul3A_224 = arith.constant 200 : i32
      %mul3A_225 = arith.muli %add3A_223, %mul3A_224 : i32
      %dma_start3A_226 = arith.constant 2 : i32
      %dma_start3A_227 = arith.constant 0 : i32
      %dma_start3A_228 = arith.constant 0 : i32
      %dma_start3A_229 = tpu.memref_slice %arg8[%dma_start3A_226, %dma_start3A_227, %dma_start3A_228] : memref<3x200x64xf32, #tpu.memory_space<vmem>> -> memref<1x200x64xf32, #tpu.memory_space<vmem>>
      %dma_start3A_230 = tpu.memref_squeeze %dma_start3A_229 : memref<1x200x64xf32, #tpu.memory_space<vmem>> -> memref<200x64xf32, #tpu.memory_space<vmem>>
      %dma_start3A_231 = tpu.memref_slice %arg6[%mul3A_225] : memref<20000xi32, #tpu.memory_space<vmem>> -> memref<200xi32, #tpu.memory_space<vmem>>
      %dma_start3A_232 = arith.constant 0 : i32
      %dma_start3A_233 = arith.constant 0 : i32
      %dma_start3A_234 = tpu.memref_slice %arg4[%dma_start3A_232, %dma_start3A_233] : memref<20000x64xf32, #tpu.memory_space<hbm>> -> memref<20000x64xf32, #tpu.memory_space<hbm>>
      tpu.enqueue_indirect_dma source(%dma_start3A_234 : memref<20000x64xf32, #tpu.memory_space<hbm>>) target(%dma_start3A_230 : memref<200x64xf32, #tpu.memory_space<vmem>>) offsets(%dma_start3A_231 : memref<200xi32, #tpu.memory_space<vmem>>) semaphore(%arg12 : memref<!tpu.dma_semaphore, #tpu.memory_space<semaphore_mem>>)
      %mul3A_235 = arith.constant 200 : i32
      %mul3A_236 = arith.muli %add3A_221, %mul3A_235 : i32
      %dma_wait3A_237 = arith.constant 0 : i32
      %dma_wait3A_238 = arith.constant 0 : i32
      %dma_wait3A_239 = arith.constant 0 : i32
      %dma_wait3A_240 = tpu.memref_slice %arg8[%dma_wait3A_237, %dma_wait3A_238, %dma_wait3A_239] : memref<3x200x64xf32, #tpu.memory_space<vmem>> -> memref<1x200x64xf32, #tpu.memory_space<vmem>>
      %dma_wait3A_241 = tpu.memref_squeeze %dma_wait3A_240 : memref<1x200x64xf32, #tpu.memory_space<vmem>> -> memref<200x64xf32, #tpu.memory_space<vmem>>
      %dma_wait3A_242 = tpu.memref_slice %arg6[%mul3A_236] : memref<20000xi32, #tpu.memory_space<vmem>> -> memref<200xi32, #tpu.memory_space<vmem>>
      %dma_wait3A_243 = arith.constant 0 : i32
      %dma_wait3A_244 = arith.constant 0 : i32
      %dma_wait3A_245 = tpu.memref_slice %arg4[%dma_wait3A_243, %dma_wait3A_244] : memref<20000x64xf32, #tpu.memory_space<hbm>> -> memref<20000x64xf32, #tpu.memory_space<hbm>>
      tpu.wait_indirect_dma semaphore(%arg10 : memref<!tpu.dma_semaphore, #tpu.memory_space<semaphore_mem>>) src(%dma_wait3A_245 : memref<20000x64xf32, #tpu.memory_space<hbm>>) dst(%dma_wait3A_241 : memref<200x64xf32, #tpu.memory_space<vmem>>)
      %mul3A_246 = arith.constant 200 : i32
      %mul3A_247 = arith.muli %add3A_221, %mul3A_246 : i32
      %run_scoped3A_248 = arith.constant 0 : i32
      "tpu.region"() ({
        %run_scoped3A_307 = tpu.sem_alloc : memref<!tpu.dma_semaphore, #tpu.memory_space<semaphore_mem>>
        %dma_start3A_308 = arith.constant 0 : i32
        %dma_start3A_309 = arith.constant 0 : i32
        %dma_start3A_310 = tpu.memref_slice %arg8[%run_scoped3A_248, %dma_start3A_308, %dma_start3A_309] : memref<3x200x64xf32, #tpu.memory_space<vmem>> -> memref<1x200x64xf32, #tpu.memory_space<vmem>>
        %dma_start3A_311 = tpu.memref_squeeze %dma_start3A_310 : memref<1x200x64xf32, #tpu.memory_space<vmem>> -> memref<200x64xf32, #tpu.memory_space<vmem>>
        %dma_start3A_312 = tpu.memref_slice %arg7[%mul3A_247] : memref<20000xi32, #tpu.memory_space<vmem>> -> memref<200xi32, #tpu.memory_space<vmem>>
        %dma_start3A_313 = arith.constant 0 : i32
        %dma_start3A_314 = arith.constant 0 : i32
        %dma_start3A_315 = tpu.memref_slice %arg9[%dma_start3A_313, %dma_start3A_314] : memref<10240x64xf32, #tpu.memory_space<vmem_shared>> -> memref<10240x64xf32, #tpu.memory_space<vmem_shared>>
        tpu.enqueue_indirect_dma source(%dma_start3A_311 : memref<200x64xf32, #tpu.memory_space<vmem>>) target(%dma_start3A_315 : memref<10240x64xf32, #tpu.memory_space<vmem_shared>>) offsets(%dma_start3A_312 : memref<200xi32, #tpu.memory_space<vmem>>) semaphore(%run_scoped3A_307 : memref<!tpu.dma_semaphore, #tpu.memory_space<semaphore_mem>>) {add = true}
        %dma_wait3A_316 = arith.constant 0 : i32
        %dma_wait3A_317 = arith.constant 0 : i32
        %dma_wait3A_318 = tpu.memref_slice %arg8[%run_scoped3A_248, %dma_wait3A_316, %dma_wait3A_317] : memref<3x200x64xf32, #tpu.memory_space<vmem>> -> memref<1x200x64xf32, #tpu.memory_space<vmem>>
        %dma_wait3A_319 = tpu.memref_squeeze %dma_wait3A_318 : memref<1x200x64xf32, #tpu.memory_space<vmem>> -> memref<200x64xf32, #tpu.memory_space<vmem>>
        %dma_wait3A_320 = tpu.memref_slice %arg7[%mul3A_247] : memref<20000xi32, #tpu.memory_space<vmem>> -> memref<200xi32, #tpu.memory_space<vmem>>
        %dma_wait3A_321 = arith.constant 0 : i32
        %dma_wait3A_322 = arith.constant 0 : i32
        %dma_wait3A_323 = tpu.memref_slice %arg9[%dma_wait3A_321, %dma_wait3A_322] : memref<10240x64xf32, #tpu.memory_space<vmem_shared>> -> memref<10240x64xf32, #tpu.memory_space<vmem_shared>>
        tpu.wait_indirect_dma semaphore(%run_scoped3A_307 : memref<!tpu.dma_semaphore, #tpu.memory_space<semaphore_mem>>) src(%dma_wait3A_319 : memref<200x64xf32, #tpu.memory_space<vmem>>) dst(%dma_wait3A_323 : memref<10240x64xf32, #tpu.memory_space<vmem_shared>>)
        tpu.yield
      }) : () -> ()
      %add3A_249 = arith.constant 4 : i32
      %add3A_250 = arith.addi %mul3A_132, %add3A_249 : i32
      %add3A_251 = arith.constant 2 : i32
      %add3A_252 = arith.addi %add3A_250, %add3A_251 : i32
      %mul3A_253 = arith.constant 200 : i32
      %mul3A_254 = arith.muli %add3A_252, %mul3A_253 : i32
      %dma_start3A_255 = arith.constant 0 : i32
      %dma_start3A_256 = arith.constant 0 : i32
      %dma_start3A_257 = arith.constant 0 : i32
      %dma_start3A_258 = tpu.memref_slice %arg8[%dma_start3A_255, %dma_start3A_256, %dma_start3A_257] : memref<3x200x64xf32, #tpu.memory_space<vmem>> -> memref<1x200x64xf32, #tpu.memory_space<vmem>>
      %dma_start3A_259 = tpu.memref_squeeze %dma_start3A_258 : memref<1x200x64xf32, #tpu.memory_space<vmem>> -> memref<200x64xf32, #tpu.memory_space<vmem>>
      %dma_start3A_260 = tpu.memref_slice %arg6[%mul3A_254] : memref<20000xi32, #tpu.memory_space<vmem>> -> memref<200xi32, #tpu.memory_space<vmem>>
      %dma_start3A_261 = arith.constant 0 : i32
      %dma_start3A_262 = arith.constant 0 : i32
      %dma_start3A_263 = tpu.memref_slice %arg4[%dma_start3A_261, %dma_start3A_262] : memref<20000x64xf32, #tpu.memory_space<hbm>> -> memref<20000x64xf32, #tpu.memory_space<hbm>>
      tpu.enqueue_indirect_dma source(%dma_start3A_263 : memref<20000x64xf32, #tpu.memory_space<hbm>>) target(%dma_start3A_259 : memref<200x64xf32, #tpu.memory_space<vmem>>) offsets(%dma_start3A_260 : memref<200xi32, #tpu.memory_space<vmem>>) semaphore(%arg10 : memref<!tpu.dma_semaphore, #tpu.memory_space<semaphore_mem>>)
      %mul3A_264 = arith.constant 200 : i32
      %mul3A_265 = arith.muli %add3A_250, %mul3A_264 : i32
      %dma_wait3A_266 = arith.constant 1 : i32
      %dma_wait3A_267 = arith.constant 0 : i32
      %dma_wait3A_268 = arith.constant 0 : i32
      %dma_wait3A_269 = tpu.memref_slice %arg8[%dma_wait3A_266, %dma_wait3A_267, %dma_wait3A_268] : memref<3x200x64xf32, #tpu.memory_space<vmem>> -> memref<1x200x64xf32, #tpu.memory_space<vmem>>
      %dma_wait3A_270 = tpu.memref_squeeze %dma_wait3A_269 : memref<1x200x64xf32, #tpu.memory_space<vmem>> -> memref<200x64xf32, #tpu.memory_space<vmem>>
      %dma_wait3A_271 = tpu.memref_slice %arg6[%mul3A_265] : memref<20000xi32, #tpu.memory_space<vmem>> -> memref<200xi32, #tpu.memory_space<vmem>>
      %dma_wait3A_272 = arith.constant 0 : i32
      %dma_wait3A_273 = arith.constant 0 : i32
      %dma_wait3A_274 = tpu.memref_slice %arg4[%dma_wait3A_272, %dma_wait3A_273] : memref<20000x64xf32, #tpu.memory_space<hbm>> -> memref<20000x64xf32, #tpu.memory_space<hbm>>
      tpu.wait_indirect_dma semaphore(%arg11 : memref<!tpu.dma_semaphore, #tpu.memory_space<semaphore_mem>>) src(%dma_wait3A_274 : memref<20000x64xf32, #tpu.memory_space<hbm>>) dst(%dma_wait3A_270 : memref<200x64xf32, #tpu.memory_space<vmem>>)
      %mul3A_275 = arith.constant 200 : i32
      %mul3A_276 = arith.muli %add3A_250, %mul3A_275 : i32
      %run_scoped3A_277 = arith.constant 1 : i32
      "tpu.region"() ({
        %run_scoped3A_307 = tpu.sem_alloc : memref<!tpu.dma_semaphore, #tpu.memory_space<semaphore_mem>>
        %dma_start3A_308 = arith.constant 0 : i32
        %dma_start3A_309 = arith.constant 0 : i32
        %dma_start3A_310 = tpu.memref_slice %arg8[%run_scoped3A_277, %dma_start3A_308, %dma_start3A_309] : memref<3x200x64xf32, #tpu.memory_space<vmem>> -> memref<1x200x64xf32, #tpu.memory_space<vmem>>
        %dma_start3A_311 = tpu.memref_squeeze %dma_start3A_310 : memref<1x200x64xf32, #tpu.memory_space<vmem>> -> memref<200x64xf32, #tpu.memory_space<vmem>>
        %dma_start3A_312 = tpu.memref_slice %arg7[%mul3A_276] : memref<20000xi32, #tpu.memory_space<vmem>> -> memref<200xi32, #tpu.memory_space<vmem>>
        %dma_start3A_313 = arith.constant 0 : i32
        %dma_start3A_314 = arith.constant 0 : i32
        %dma_start3A_315 = tpu.memref_slice %arg9[%dma_start3A_313, %dma_start3A_314] : memref<10240x64xf32, #tpu.memory_space<vmem_shared>> -> memref<10240x64xf32, #tpu.memory_space<vmem_shared>>
        tpu.enqueue_indirect_dma source(%dma_start3A_311 : memref<200x64xf32, #tpu.memory_space<vmem>>) target(%dma_start3A_315 : memref<10240x64xf32, #tpu.memory_space<vmem_shared>>) offsets(%dma_start3A_312 : memref<200xi32, #tpu.memory_space<vmem>>) semaphore(%run_scoped3A_307 : memref<!tpu.dma_semaphore, #tpu.memory_space<semaphore_mem>>) {add = true}
        %dma_wait3A_316 = arith.constant 0 : i32
        %dma_wait3A_317 = arith.constant 0 : i32
        %dma_wait3A_318 = tpu.memref_slice %arg8[%run_scoped3A_277, %dma_wait3A_316, %dma_wait3A_317] : memref<3x200x64xf32, #tpu.memory_space<vmem>> -> memref<1x200x64xf32, #tpu.memory_space<vmem>>
        %dma_wait3A_319 = tpu.memref_squeeze %dma_wait3A_318 : memref<1x200x64xf32, #tpu.memory_space<vmem>> -> memref<200x64xf32, #tpu.memory_space<vmem>>
        %dma_wait3A_320 = tpu.memref_slice %arg7[%mul3A_276] : memref<20000xi32, #tpu.memory_space<vmem>> -> memref<200xi32, #tpu.memory_space<vmem>>
        %dma_wait3A_321 = arith.constant 0 : i32
        %dma_wait3A_322 = arith.constant 0 : i32
        %dma_wait3A_323 = tpu.memref_slice %arg9[%dma_wait3A_321, %dma_wait3A_322] : memref<10240x64xf32, #tpu.memory_space<vmem_shared>> -> memref<10240x64xf32, #tpu.memory_space<vmem_shared>>
        tpu.wait_indirect_dma semaphore(%run_scoped3A_307 : memref<!tpu.dma_semaphore, #tpu.memory_space<semaphore_mem>>) src(%dma_wait3A_319 : memref<200x64xf32, #tpu.memory_space<vmem>>) dst(%dma_wait3A_323 : memref<10240x64xf32, #tpu.memory_space<vmem_shared>>)
        tpu.yield
      }) : () -> ()
      %add3A_278 = arith.constant 5 : i32
      %add3A_279 = arith.addi %mul3A_132, %add3A_278 : i32
      %add3A_280 = arith.constant 2 : i32
      %add3A_281 = arith.addi %add3A_279, %add3A_280 : i32
      %mul3A_282 = arith.constant 200 : i32
      %mul3A_283 = arith.muli %add3A_281, %mul3A_282 : i32
      %dma_start3A_284 = arith.constant 1 : i32
      %dma_start3A_285 = arith.constant 0 : i32
      %dma_start3A_286 = arith.constant 0 : i32
      %dma_start3A_287 = tpu.memref_slice %arg8[%dma_start3A_284, %dma_start3A_285, %dma_start3A_286] : memref<3x200x64xf32, #tpu.memory_space<vmem>> -> memref<1x200x64xf32, #tpu.memory_space<vmem>>
      %dma_start3A_288 = tpu.memref_squeeze %dma_start3A_287 : memref<1x200x64xf32, #tpu.memory_space<vmem>> -> memref<200x64xf32, #tpu.memory_space<vmem>>
      %dma_start3A_289 = tpu.memref_slice %arg6[%mul3A_283] : memref<20000xi32, #tpu.memory_space<vmem>> -> memref<200xi32, #tpu.memory_space<vmem>>
      %dma_start3A_290 = arith.constant 0 : i32
      %dma_start3A_291 = arith.constant 0 : i32
      %dma_start3A_292 = tpu.memref_slice %arg4[%dma_start3A_290, %dma_start3A_291] : memref<20000x64xf32, #tpu.memory_space<hbm>> -> memref<20000x64xf32, #tpu.memory_space<hbm>>
      tpu.enqueue_indirect_dma source(%dma_start3A_292 : memref<20000x64xf32, #tpu.memory_space<hbm>>) target(%dma_start3A_288 : memref<200x64xf32, #tpu.memory_space<vmem>>) offsets(%dma_start3A_289 : memref<200xi32, #tpu.memory_space<vmem>>) semaphore(%arg11 : memref<!tpu.dma_semaphore, #tpu.memory_space<semaphore_mem>>)
      %mul3A_293 = arith.constant 200 : i32
      %mul3A_294 = arith.muli %add3A_279, %mul3A_293 : i32
      %dma_wait3A_295 = arith.constant 2 : i32
      %dma_wait3A_296 = arith.constant 0 : i32
      %dma_wait3A_297 = arith.constant 0 : i32
      %dma_wait3A_298 = tpu.memref_slice %arg8[%dma_wait3A_295, %dma_wait3A_296, %dma_wait3A_297] : memref<3x200x64xf32, #tpu.memory_space<vmem>> -> memref<1x200x64xf32, #tpu.memory_space<vmem>>
      %dma_wait3A_299 = tpu.memref_squeeze %dma_wait3A_298 : memref<1x200x64xf32, #tpu.memory_space<vmem>> -> memref<200x64xf32, #tpu.memory_space<vmem>>
      %dma_wait3A_300 = tpu.memref_slice %arg6[%mul3A_294] : memref<20000xi32, #tpu.memory_space<vmem>> -> memref<200xi32, #tpu.memory_space<vmem>>
      %dma_wait3A_301 = arith.constant 0 : i32
      %dma_wait3A_302 = arith.constant 0 : i32
      %dma_wait3A_303 = tpu.memref_slice %arg4[%dma_wait3A_301, %dma_wait3A_302] : memref<20000x64xf32, #tpu.memory_space<hbm>> -> memref<20000x64xf32, #tpu.memory_space<hbm>>
      tpu.wait_indirect_dma semaphore(%arg12 : memref<!tpu.dma_semaphore, #tpu.memory_space<semaphore_mem>>) src(%dma_wait3A_303 : memref<20000x64xf32, #tpu.memory_space<hbm>>) dst(%dma_wait3A_299 : memref<200x64xf32, #tpu.memory_space<vmem>>)
      %mul3A_304 = arith.constant 200 : i32
      %mul3A_305 = arith.muli %add3A_279, %mul3A_304 : i32
      %run_scoped3A_306 = arith.constant 2 : i32
      "tpu.region"() ({
        %run_scoped3A_307 = tpu.sem_alloc : memref<!tpu.dma_semaphore, #tpu.memory_space<semaphore_mem>>
        %dma_start3A_308 = arith.constant 0 : i32
        %dma_start3A_309 = arith.constant 0 : i32
        %dma_start3A_310 = tpu.memref_slice %arg8[%run_scoped3A_306, %dma_start3A_308, %dma_start3A_309] : memref<3x200x64xf32, #tpu.memory_space<vmem>> -> memref<1x200x64xf32, #tpu.memory_space<vmem>>
        %dma_start3A_311 = tpu.memref_squeeze %dma_start3A_310 : memref<1x200x64xf32, #tpu.memory_space<vmem>> -> memref<200x64xf32, #tpu.memory_space<vmem>>
        %dma_start3A_312 = tpu.memref_slice %arg7[%mul3A_305] : memref<20000xi32, #tpu.memory_space<vmem>> -> memref<200xi32, #tpu.memory_space<vmem>>
        %dma_start3A_313 = arith.constant 0 : i32
        %dma_start3A_314 = arith.constant 0 : i32
        %dma_start3A_315 = tpu.memref_slice %arg9[%dma_start3A_313, %dma_start3A_314] : memref<10240x64xf32, #tpu.memory_space<vmem_shared>> -> memref<10240x64xf32, #tpu.memory_space<vmem_shared>>
        tpu.enqueue_indirect_dma source(%dma_start3A_311 : memref<200x64xf32, #tpu.memory_space<vmem>>) target(%dma_start3A_315 : memref<10240x64xf32, #tpu.memory_space<vmem_shared>>) offsets(%dma_start3A_312 : memref<200xi32, #tpu.memory_space<vmem>>) semaphore(%run_scoped3A_307 : memref<!tpu.dma_semaphore, #tpu.memory_space<semaphore_mem>>) {add = true}
        %dma_wait3A_316 = arith.constant 0 : i32
        %dma_wait3A_317 = arith.constant 0 : i32
        %dma_wait3A_318 = tpu.memref_slice %arg8[%run_scoped3A_306, %dma_wait3A_316, %dma_wait3A_317] : memref<3x200x64xf32, #tpu.memory_space<vmem>> -> memref<1x200x64xf32, #tpu.memory_space<vmem>>
        %dma_wait3A_319 = tpu.memref_squeeze %dma_wait3A_318 : memref<1x200x64xf32, #tpu.memory_space<vmem>> -> memref<200x64xf32, #tpu.memory_space<vmem>>
        %dma_wait3A_320 = tpu.memref_slice %arg7[%mul3A_305] : memref<20000xi32, #tpu.memory_space<vmem>> -> memref<200xi32, #tpu.memory_space<vmem>>
        %dma_wait3A_321 = arith.constant 0 : i32
        %dma_wait3A_322 = arith.constant 0 : i32
        %dma_wait3A_323 = tpu.memref_slice %arg9[%dma_wait3A_321, %dma_wait3A_322] : memref<10240x64xf32, #tpu.memory_space<vmem_shared>> -> memref<10240x64xf32, #tpu.memory_space<vmem_shared>>
        tpu.wait_indirect_dma semaphore(%run_scoped3A_307 : memref<!tpu.dma_semaphore, #tpu.memory_space<semaphore_mem>>) src(%dma_wait3A_319 : memref<200x64xf32, #tpu.memory_space<vmem>>) dst(%dma_wait3A_323 : memref<10240x64xf32, #tpu.memory_space<vmem_shared>>)
        tpu.yield
      }) : () -> ()
    }
    %scan3A_59 = arith.constant 16 : i32
    %dma_start3A_60 = arith.constant 2 : i32
    %dma_start3A_61 = arith.constant 0 : i32
    %dma_start3A_62 = arith.constant 0 : i32
    %dma_start3A_63 = tpu.memref_slice %arg8[%dma_start3A_60, %dma_start3A_61, %dma_start3A_62] : memref<3x200x64xf32, #tpu.memory_space<vmem>> -> memref<1x200x64xf32, #tpu.memory_space<vmem>>
    %dma_start3A_64 = tpu.memref_squeeze %dma_start3A_63 : memref<1x200x64xf32, #tpu.memory_space<vmem>> -> memref<200x64xf32, #tpu.memory_space<vmem>>
    %dma_start3A_65 = arith.constant 19600 : i32
    %dma_start3A_66 = tpu.memref_slice %arg6[%dma_start3A_65] : memref<20000xi32, #tpu.memory_space<vmem>> -> memref<200xi32, #tpu.memory_space<vmem>>
    %dma_start3A_67 = arith.constant 0 : i32
    %dma_start3A_68 = arith.constant 0 : i32
    %dma_start3A_69 = tpu.memref_slice %arg4[%dma_start3A_67, %dma_start3A_68] : memref<20000x64xf32, #tpu.memory_space<hbm>> -> memref<20000x64xf32, #tpu.memory_space<hbm>>
    tpu.enqueue_indirect_dma source(%dma_start3A_69 : memref<20000x64xf32, #tpu.memory_space<hbm>>) target(%dma_start3A_64 : memref<200x64xf32, #tpu.memory_space<vmem>>) offsets(%dma_start3A_66 : memref<200xi32, #tpu.memory_space<vmem>>) semaphore(%arg12 : memref<!tpu.dma_semaphore, #tpu.memory_space<semaphore_mem>>)
    %dma_wait3A = arith.constant 0 : i32
    %dma_wait3A_70 = arith.constant 0 : i32
    %dma_wait3A_71 = arith.constant 0 : i32
    %dma_wait3A_72 = tpu.memref_slice %arg8[%dma_wait3A, %dma_wait3A_70, %dma_wait3A_71] : memref<3x200x64xf32, #tpu.memory_space<vmem>> -> memref<1x200x64xf32, #tpu.memory_space<vmem>>
    %dma_wait3A_73 = tpu.memref_squeeze %dma_wait3A_72 : memref<1x200x64xf32, #tpu.memory_space<vmem>> -> memref<200x64xf32, #tpu.memory_space<vmem>>
    %dma_wait3A_74 = arith.constant 19200 : i32
    %dma_wait3A_75 = tpu.memref_slice %arg6[%dma_wait3A_74] : memref<20000xi32, #tpu.memory_space<vmem>> -> memref<200xi32, #tpu.memory_space<vmem>>
    %dma_wait3A_76 = arith.constant 0 : i32
    %dma_wait3A_77 = arith.constant 0 : i32
    %dma_wait3A_78 = tpu.memref_slice %arg4[%dma_wait3A_76, %dma_wait3A_77] : memref<20000x64xf32, #tpu.memory_space<hbm>> -> memref<20000x64xf32, #tpu.memory_space<hbm>>
    tpu.wait_indirect_dma semaphore(%arg10 : memref<!tpu.dma_semaphore, #tpu.memory_space<semaphore_mem>>) src(%dma_wait3A_78 : memref<20000x64xf32, #tpu.memory_space<hbm>>) dst(%dma_wait3A_73 : memref<200x64xf32, #tpu.memory_space<vmem>>)
    %run_scoped3A_79 = arith.constant 0 : i32
    "tpu.region"() ({
      %run_scoped3A_130 = tpu.sem_alloc : memref<!tpu.dma_semaphore, #tpu.memory_space<semaphore_mem>>
      %dma_start3A_131 = arith.constant 0 : i32
      %dma_start3A_132 = arith.constant 0 : i32
      %dma_start3A_133 = tpu.memref_slice %arg8[%run_scoped3A_79, %dma_start3A_131, %dma_start3A_132] : memref<3x200x64xf32, #tpu.memory_space<vmem>> -> memref<1x200x64xf32, #tpu.memory_space<vmem>>
      %dma_start3A_134 = tpu.memref_squeeze %dma_start3A_133 : memref<1x200x64xf32, #tpu.memory_space<vmem>> -> memref<200x64xf32, #tpu.memory_space<vmem>>
      %dma_start3A_135 = arith.constant 19200 : i32
      %dma_start3A_136 = tpu.memref_slice %arg7[%dma_start3A_135] : memref<20000xi32, #tpu.memory_space<vmem>> -> memref<200xi32, #tpu.memory_space<vmem>>
      %dma_start3A_137 = arith.constant 0 : i32
      %dma_start3A_138 = arith.constant 0 : i32
      %dma_start3A_139 = tpu.memref_slice %arg9[%dma_start3A_137, %dma_start3A_138] : memref<10240x64xf32, #tpu.memory_space<vmem_shared>> -> memref<10240x64xf32, #tpu.memory_space<vmem_shared>>
      tpu.enqueue_indirect_dma source(%dma_start3A_134 : memref<200x64xf32, #tpu.memory_space<vmem>>) target(%dma_start3A_139 : memref<10240x64xf32, #tpu.memory_space<vmem_shared>>) offsets(%dma_start3A_136 : memref<200xi32, #tpu.memory_space<vmem>>) semaphore(%run_scoped3A_130 : memref<!tpu.dma_semaphore, #tpu.memory_space<semaphore_mem>>) {add = true}
      %dma_wait3A_140 = arith.constant 0 : i32
      %dma_wait3A_141 = arith.constant 0 : i32
      %dma_wait3A_142 = tpu.memref_slice %arg8[%run_scoped3A_79, %dma_wait3A_140, %dma_wait3A_141] : memref<3x200x64xf32, #tpu.memory_space<vmem>> -> memref<1x200x64xf32, #tpu.memory_space<vmem>>
      %dma_wait3A_143 = tpu.memref_squeeze %dma_wait3A_142 : memref<1x200x64xf32, #tpu.memory_space<vmem>> -> memref<200x64xf32, #tpu.memory_space<vmem>>
      %dma_wait3A_144 = arith.constant 19200 : i32
      %dma_wait3A_145 = tpu.memref_slice %arg7[%dma_wait3A_144] : memref<20000xi32, #tpu.memory_space<vmem>> -> memref<200xi32, #tpu.memory_space<vmem>>
      %dma_wait3A_146 = arith.constant 0 : i32
      %dma_wait3A_147 = arith.constant 0 : i32
      %dma_wait3A_148 = tpu.memref_slice %arg9[%dma_wait3A_146, %dma_wait3A_147] : memref<10240x64xf32, #tpu.memory_space<vmem_shared>> -> memref<10240x64xf32, #tpu.memory_space<vmem_shared>>
      tpu.wait_indirect_dma semaphore(%run_scoped3A_130 : memref<!tpu.dma_semaphore, #tpu.memory_space<semaphore_mem>>) src(%dma_wait3A_143 : memref<200x64xf32, #tpu.memory_space<vmem>>) dst(%dma_wait3A_148 : memref<10240x64xf32, #tpu.memory_space<vmem_shared>>)
      tpu.yield
    }) : () -> ()
    %dma_start3A_80 = arith.constant 0 : i32
    %dma_start3A_81 = arith.constant 0 : i32
    %dma_start3A_82 = arith.constant 0 : i32
    %dma_start3A_83 = tpu.memref_slice %arg8[%dma_start3A_80, %dma_start3A_81, %dma_start3A_82] : memref<3x200x64xf32, #tpu.memory_space<vmem>> -> memref<1x200x64xf32, #tpu.memory_space<vmem>>
    %dma_start3A_84 = tpu.memref_squeeze %dma_start3A_83 : memref<1x200x64xf32, #tpu.memory_space<vmem>> -> memref<200x64xf32, #tpu.memory_space<vmem>>
    %dma_start3A_85 = arith.constant 19800 : i32
    %dma_start3A_86 = tpu.memref_slice %arg6[%dma_start3A_85] : memref<20000xi32, #tpu.memory_space<vmem>> -> memref<200xi32, #tpu.memory_space<vmem>>
    %dma_start3A_87 = arith.constant 0 : i32
    %dma_start3A_88 = arith.constant 0 : i32
    %dma_start3A_89 = tpu.memref_slice %arg4[%dma_start3A_87, %dma_start3A_88] : memref<20000x64xf32, #tpu.memory_space<hbm>> -> memref<20000x64xf32, #tpu.memory_space<hbm>>
    tpu.enqueue_indirect_dma source(%dma_start3A_89 : memref<20000x64xf32, #tpu.memory_space<hbm>>) target(%dma_start3A_84 : memref<200x64xf32, #tpu.memory_space<vmem>>) offsets(%dma_start3A_86 : memref<200xi32, #tpu.memory_space<vmem>>) semaphore(%arg10 : memref<!tpu.dma_semaphore, #tpu.memory_space<semaphore_mem>>)
    %dma_wait3A_90 = arith.constant 1 : i32
    %dma_wait3A_91 = arith.constant 0 : i32
    %dma_wait3A_92 = arith.constant 0 : i32
    %dma_wait3A_93 = tpu.memref_slice %arg8[%dma_wait3A_90, %dma_wait3A_91, %dma_wait3A_92] : memref<3x200x64xf32, #tpu.memory_space<vmem>> -> memref<1x200x64xf32, #tpu.memory_space<vmem>>
    %dma_wait3A_94 = tpu.memref_squeeze %dma_wait3A_93 : memref<1x200x64xf32, #tpu.memory_space<vmem>> -> memref<200x64xf32, #tpu.memory_space<vmem>>
    %dma_wait3A_95 = arith.constant 19400 : i32
    %dma_wait3A_96 = tpu.memref_slice %arg6[%dma_wait3A_95] : memref<20000xi32, #tpu.memory_space<vmem>> -> memref<200xi32, #tpu.memory_space<vmem>>
    %dma_wait3A_97 = arith.constant 0 : i32
    %dma_wait3A_98 = arith.constant 0 : i32
    %dma_wait3A_99 = tpu.memref_slice %arg4[%dma_wait3A_97, %dma_wait3A_98] : memref<20000x64xf32, #tpu.memory_space<hbm>> -> memref<20000x64xf32, #tpu.memory_space<hbm>>
    tpu.wait_indirect_dma semaphore(%arg11 : memref<!tpu.dma_semaphore, #tpu.memory_space<semaphore_mem>>) src(%dma_wait3A_99 : memref<20000x64xf32, #tpu.memory_space<hbm>>) dst(%dma_wait3A_94 : memref<200x64xf32, #tpu.memory_space<vmem>>)
    %run_scoped3A_100 = arith.constant 1 : i32
    "tpu.region"() ({
      %run_scoped3A_130 = tpu.sem_alloc : memref<!tpu.dma_semaphore, #tpu.memory_space<semaphore_mem>>
      %dma_start3A_131 = arith.constant 0 : i32
      %dma_start3A_132 = arith.constant 0 : i32
      %dma_start3A_133 = tpu.memref_slice %arg8[%run_scoped3A_100, %dma_start3A_131, %dma_start3A_132] : memref<3x200x64xf32, #tpu.memory_space<vmem>> -> memref<1x200x64xf32, #tpu.memory_space<vmem>>
      %dma_start3A_134 = tpu.memref_squeeze %dma_start3A_133 : memref<1x200x64xf32, #tpu.memory_space<vmem>> -> memref<200x64xf32, #tpu.memory_space<vmem>>
      %dma_start3A_135 = arith.constant 19400 : i32
      %dma_start3A_136 = tpu.memref_slice %arg7[%dma_start3A_135] : memref<20000xi32, #tpu.memory_space<vmem>> -> memref<200xi32, #tpu.memory_space<vmem>>
      %dma_start3A_137 = arith.constant 0 : i32
      %dma_start3A_138 = arith.constant 0 : i32
      %dma_start3A_139 = tpu.memref_slice %arg9[%dma_start3A_137, %dma_start3A_138] : memref<10240x64xf32, #tpu.memory_space<vmem_shared>> -> memref<10240x64xf32, #tpu.memory_space<vmem_shared>>
      tpu.enqueue_indirect_dma source(%dma_start3A_134 : memref<200x64xf32, #tpu.memory_space<vmem>>) target(%dma_start3A_139 : memref<10240x64xf32, #tpu.memory_space<vmem_shared>>) offsets(%dma_start3A_136 : memref<200xi32, #tpu.memory_space<vmem>>) semaphore(%run_scoped3A_130 : memref<!tpu.dma_semaphore, #tpu.memory_space<semaphore_mem>>) {add = true}
      %dma_wait3A_140 = arith.constant 0 : i32
      %dma_wait3A_141 = arith.constant 0 : i32
      %dma_wait3A_142 = tpu.memref_slice %arg8[%run_scoped3A_100, %dma_wait3A_140, %dma_wait3A_141] : memref<3x200x64xf32, #tpu.memory_space<vmem>> -> memref<1x200x64xf32, #tpu.memory_space<vmem>>
      %dma_wait3A_143 = tpu.memref_squeeze %dma_wait3A_142 : memref<1x200x64xf32, #tpu.memory_space<vmem>> -> memref<200x64xf32, #tpu.memory_space<vmem>>
      %dma_wait3A_144 = arith.constant 19400 : i32
      %dma_wait3A_145 = tpu.memref_slice %arg7[%dma_wait3A_144] : memref<20000xi32, #tpu.memory_space<vmem>> -> memref<200xi32, #tpu.memory_space<vmem>>
      %dma_wait3A_146 = arith.constant 0 : i32
      %dma_wait3A_147 = arith.constant 0 : i32
      %dma_wait3A_148 = tpu.memref_slice %arg9[%dma_wait3A_146, %dma_wait3A_147] : memref<10240x64xf32, #tpu.memory_space<vmem_shared>> -> memref<10240x64xf32, #tpu.memory_space<vmem_shared>>
      tpu.wait_indirect_dma semaphore(%run_scoped3A_130 : memref<!tpu.dma_semaphore, #tpu.memory_space<semaphore_mem>>) src(%dma_wait3A_143 : memref<200x64xf32, #tpu.memory_space<vmem>>) dst(%dma_wait3A_148 : memref<10240x64xf32, #tpu.memory_space<vmem_shared>>)
      tpu.yield
    }) : () -> ()
    %dma_wait3A_101 = arith.constant 2 : i32
    %dma_wait3A_102 = arith.constant 0 : i32
    %dma_wait3A_103 = arith.constant 0 : i32
    %dma_wait3A_104 = tpu.memref_slice %arg8[%dma_wait3A_101, %dma_wait3A_102, %dma_wait3A_103] : memref<3x200x64xf32, #tpu.memory_space<vmem>> -> memref<1x200x64xf32, #tpu.memory_space<vmem>>
    %dma_wait3A_105 = tpu.memref_squeeze %dma_wait3A_104 : memref<1x200x64xf32, #tpu.memory_space<vmem>> -> memref<200x64xf32, #tpu.memory_space<vmem>>
    %dma_wait3A_106 = arith.constant 19600 : i32
    %dma_wait3A_107 = tpu.memref_slice %arg6[%dma_wait3A_106] : memref<20000xi32, #tpu.memory_space<vmem>> -> memref<200xi32, #tpu.memory_space<vmem>>
    %dma_wait3A_108 = arith.constant 0 : i32
    %dma_wait3A_109 = arith.constant 0 : i32
    %dma_wait3A_110 = tpu.memref_slice %arg4[%dma_wait3A_108, %dma_wait3A_109] : memref<20000x64xf32, #tpu.memory_space<hbm>> -> memref<20000x64xf32, #tpu.memory_space<hbm>>
    tpu.wait_indirect_dma semaphore(%arg12 : memref<!tpu.dma_semaphore, #tpu.memory_space<semaphore_mem>>) src(%dma_wait3A_110 : memref<20000x64xf32, #tpu.memory_space<hbm>>) dst(%dma_wait3A_105 : memref<200x64xf32, #tpu.memory_space<vmem>>)
    %run_scoped3A_111 = arith.constant 2 : i32
    "tpu.region"() ({
      %run_scoped3A_130 = tpu.sem_alloc : memref<!tpu.dma_semaphore, #tpu.memory_space<semaphore_mem>>
      %dma_start3A_131 = arith.constant 0 : i32
      %dma_start3A_132 = arith.constant 0 : i32
      %dma_start3A_133 = tpu.memref_slice %arg8[%run_scoped3A_111, %dma_start3A_131, %dma_start3A_132] : memref<3x200x64xf32, #tpu.memory_space<vmem>> -> memref<1x200x64xf32, #tpu.memory_space<vmem>>
      %dma_start3A_134 = tpu.memref_squeeze %dma_start3A_133 : memref<1x200x64xf32, #tpu.memory_space<vmem>> -> memref<200x64xf32, #tpu.memory_space<vmem>>
      %dma_start3A_135 = arith.constant 19600 : i32
      %dma_start3A_136 = tpu.memref_slice %arg7[%dma_start3A_135] : memref<20000xi32, #tpu.memory_space<vmem>> -> memref<200xi32, #tpu.memory_space<vmem>>
      %dma_start3A_137 = arith.constant 0 : i32
      %dma_start3A_138 = arith.constant 0 : i32
      %dma_start3A_139 = tpu.memref_slice %arg9[%dma_start3A_137, %dma_start3A_138] : memref<10240x64xf32, #tpu.memory_space<vmem_shared>> -> memref<10240x64xf32, #tpu.memory_space<vmem_shared>>
      tpu.enqueue_indirect_dma source(%dma_start3A_134 : memref<200x64xf32, #tpu.memory_space<vmem>>) target(%dma_start3A_139 : memref<10240x64xf32, #tpu.memory_space<vmem_shared>>) offsets(%dma_start3A_136 : memref<200xi32, #tpu.memory_space<vmem>>) semaphore(%run_scoped3A_130 : memref<!tpu.dma_semaphore, #tpu.memory_space<semaphore_mem>>) {add = true}
      %dma_wait3A_140 = arith.constant 0 : i32
      %dma_wait3A_141 = arith.constant 0 : i32
      %dma_wait3A_142 = tpu.memref_slice %arg8[%run_scoped3A_111, %dma_wait3A_140, %dma_wait3A_141] : memref<3x200x64xf32, #tpu.memory_space<vmem>> -> memref<1x200x64xf32, #tpu.memory_space<vmem>>
      %dma_wait3A_143 = tpu.memref_squeeze %dma_wait3A_142 : memref<1x200x64xf32, #tpu.memory_space<vmem>> -> memref<200x64xf32, #tpu.memory_space<vmem>>
      %dma_wait3A_144 = arith.constant 19600 : i32
      %dma_wait3A_145 = tpu.memref_slice %arg7[%dma_wait3A_144] : memref<20000xi32, #tpu.memory_space<vmem>> -> memref<200xi32, #tpu.memory_space<vmem>>
      %dma_wait3A_146 = arith.constant 0 : i32
      %dma_wait3A_147 = arith.constant 0 : i32
      %dma_wait3A_148 = tpu.memref_slice %arg9[%dma_wait3A_146, %dma_wait3A_147] : memref<10240x64xf32, #tpu.memory_space<vmem_shared>> -> memref<10240x64xf32, #tpu.memory_space<vmem_shared>>
      tpu.wait_indirect_dma semaphore(%run_scoped3A_130 : memref<!tpu.dma_semaphore, #tpu.memory_space<semaphore_mem>>) src(%dma_wait3A_143 : memref<200x64xf32, #tpu.memory_space<vmem>>) dst(%dma_wait3A_148 : memref<10240x64xf32, #tpu.memory_space<vmem_shared>>)
      tpu.yield
    }) : () -> ()
    %dma_wait3A_112 = arith.constant 0 : i32
    %dma_wait3A_113 = arith.constant 0 : i32
    %dma_wait3A_114 = arith.constant 0 : i32
    %dma_wait3A_115 = tpu.memref_slice %arg8[%dma_wait3A_112, %dma_wait3A_113, %dma_wait3A_114] : memref<3x200x64xf32, #tpu.memory_space<vmem>> -> memref<1x200x64xf32, #tpu.memory_space<vmem>>
    %dma_wait3A_116 = tpu.memref_squeeze %dma_wait3A_115 : memref<1x200x64xf32, #tpu.memory_space<vmem>> -> memref<200x64xf32, #tpu.memory_space<vmem>>
    %dma_wait3A_117 = arith.constant 19800 : i32
    %dma_wait3A_118 = tpu.memref_slice %arg6[%dma_wait3A_117] : memref<20000xi32, #tpu.memory_space<vmem>> -> memref<200xi32, #tpu.memory_space<vmem>>
    %dma_wait3A_119 = arith.constant 0 : i32
    %dma_wait3A_120 = arith.constant 0 : i32
    %dma_wait3A_121 = tpu.memref_slice %arg4[%dma_wait3A_119, %dma_wait3A_120] : memref<20000x64xf32, #tpu.memory_space<hbm>> -> memref<20000x64xf32, #tpu.memory_space<hbm>>
    tpu.wait_indirect_dma semaphore(%arg10 : memref<!tpu.dma_semaphore, #tpu.memory_space<semaphore_mem>>) src(%dma_wait3A_121 : memref<20000x64xf32, #tpu.memory_space<hbm>>) dst(%dma_wait3A_116 : memref<200x64xf32, #tpu.memory_space<vmem>>)
    %run_scoped3A_122 = arith.constant 0 : i32
    "tpu.region"() ({
      %run_scoped3A_130 = tpu.sem_alloc : memref<!tpu.dma_semaphore, #tpu.memory_space<semaphore_mem>>
      %dma_start3A_131 = arith.constant 0 : i32
      %dma_start3A_132 = arith.constant 0 : i32
      %dma_start3A_133 = tpu.memref_slice %arg8[%run_scoped3A_122, %dma_start3A_131, %dma_start3A_132] : memref<3x200x64xf32, #tpu.memory_space<vmem>> -> memref<1x200x64xf32, #tpu.memory_space<vmem>>
      %dma_start3A_134 = tpu.memref_squeeze %dma_start3A_133 : memref<1x200x64xf32, #tpu.memory_space<vmem>> -> memref<200x64xf32, #tpu.memory_space<vmem>>
      %dma_start3A_135 = arith.constant 19800 : i32
      %dma_start3A_136 = tpu.memref_slice %arg7[%dma_start3A_135] : memref<20000xi32, #tpu.memory_space<vmem>> -> memref<200xi32, #tpu.memory_space<vmem>>
      %dma_start3A_137 = arith.constant 0 : i32
      %dma_start3A_138 = arith.constant 0 : i32
      %dma_start3A_139 = tpu.memref_slice %arg9[%dma_start3A_137, %dma_start3A_138] : memref<10240x64xf32, #tpu.memory_space<vmem_shared>> -> memref<10240x64xf32, #tpu.memory_space<vmem_shared>>
      tpu.enqueue_indirect_dma source(%dma_start3A_134 : memref<200x64xf32, #tpu.memory_space<vmem>>) target(%dma_start3A_139 : memref<10240x64xf32, #tpu.memory_space<vmem_shared>>) offsets(%dma_start3A_136 : memref<200xi32, #tpu.memory_space<vmem>>) semaphore(%run_scoped3A_130 : memref<!tpu.dma_semaphore, #tpu.memory_space<semaphore_mem>>) {add = true}
      %dma_wait3A_140 = arith.constant 0 : i32
      %dma_wait3A_141 = arith.constant 0 : i32
      %dma_wait3A_142 = tpu.memref_slice %arg8[%run_scoped3A_122, %dma_wait3A_140, %dma_wait3A_141] : memref<3x200x64xf32, #tpu.memory_space<vmem>> -> memref<1x200x64xf32, #tpu.memory_space<vmem>>
      %dma_wait3A_143 = tpu.memref_squeeze %dma_wait3A_142 : memref<1x200x64xf32, #tpu.memory_space<vmem>> -> memref<200x64xf32, #tpu.memory_space<vmem>>
      %dma_wait3A_144 = arith.constant 19800 : i32
      %dma_wait3A_145 = tpu.memref_slice %arg7[%dma_wait3A_144] : memref<20000xi32, #tpu.memory_space<vmem>> -> memref<200xi32, #tpu.memory_space<vmem>>
      %dma_wait3A_146 = arith.constant 0 : i32
      %dma_wait3A_147 = arith.constant 0 : i32
      %dma_wait3A_148 = tpu.memref_slice %arg9[%dma_wait3A_146, %dma_wait3A_147] : memref<10240x64xf32, #tpu.memory_space<vmem_shared>> -> memref<10240x64xf32, #tpu.memory_space<vmem_shared>>
      tpu.wait_indirect_dma semaphore(%run_scoped3A_130 : memref<!tpu.dma_semaphore, #tpu.memory_space<semaphore_mem>>) src(%dma_wait3A_143 : memref<200x64xf32, #tpu.memory_space<vmem>>) dst(%dma_wait3A_148 : memref<10240x64xf32, #tpu.memory_space<vmem_shared>>)
      tpu.yield
    }) : () -> ()
    %barrier3A_123 = arith.constant 0 : index
    tpu.barrier barrier_id(%barrier3A_123)
    %mul3A_124 = arith.constant 640 : i32
    %mul3A_125 = arith.muli %arg1, %mul3A_124 : i32
    %mul3A_126 = arith.constant 640 : i32
    %mul3A_127 = arith.muli %arg1, %mul3A_126 : i32
    %mul3A_128 = arith.constant 64 : i32
    %mul3A_129 = arith.muli %arg0, %mul3A_128 : i32
    "tpu.region"() ({
      %run_scoped3A_130 = tpu.sem_alloc : memref<!tpu.dma_semaphore, #tpu.memory_space<semaphore_mem>>
      %dma_start3A_131 = tpu.memref_slice %arg5[%mul3A_127, %mul3A_129] : memref<10240x128xf32, #tpu.memory_space<hbm>> -> memref<640x64xf32, #tpu.memory_space<hbm>>
      %dma_start3A_132 = arith.constant 0 : i32
      %dma_start3A_133 = tpu.memref_slice %arg9[%mul3A_125, %dma_start3A_132] : memref<10240x64xf32, #tpu.memory_space<vmem_shared>> -> memref<640x64xf32, #tpu.memory_space<vmem_shared>>
      tpu.enqueue_dma source(%dma_start3A_133 : memref<640x64xf32, #tpu.memory_space<vmem_shared>>) target(%dma_start3A_131 : memref<640x64xf32, #tpu.memory_space<hbm>>) target_semaphore(%run_scoped3A_130 : memref<!tpu.dma_semaphore, #tpu.memory_space<semaphore_mem>>)
      %dma_wait3A_134 = tpu.memref_slice %arg5[%mul3A_127, %mul3A_129] : memref<10240x128xf32, #tpu.memory_space<hbm>> -> memref<640x64xf32, #tpu.memory_space<hbm>>
      %dma_wait3A_135 = arith.constant 0 : i32
      %dma_wait3A_136 = tpu.memref_slice %arg9[%mul3A_125, %dma_wait3A_135] : memref<10240x64xf32, #tpu.memory_space<vmem_shared>> -> memref<640x64xf32, #tpu.memory_space<vmem_shared>>
      tpu.wait_dma2 semaphore(%run_scoped3A_130 : memref<!tpu.dma_semaphore, #tpu.memory_space<semaphore_mem>>) src(%dma_wait3A_136 : memref<640x64xf32, #tpu.memory_space<vmem_shared>>) dst(%dma_wait3A_134 : memref<640x64xf32, #tpu.memory_space<hbm>>)
      tpu.yield
    }) : () -> ()
    return
  }
}

#map = affine_map<(d0, d1) -> (0)>
#map1 = affine_map<(d0, d1) -> (0, 0)>
module attributes {stable_mosaic.version = 14 : i64} {
  func.func @prop_kernel(%arg0: i32, %arg1: i32, %arg2: memref<640000xi32, #tpu.memory_space<hbm>>, %arg3: memref<320000xi32, #tpu.memory_space<hbm>>, %arg4: memref<20000x64xf32, #tpu.memory_space<hbm>>, %arg5: memref<10240x128xf32, #tpu.memory_space<hbm>>, %arg6: memref<20000xi32, #tpu.memory_space<vmem>>, %arg7: memref<20000xi32, #tpu.memory_space<vmem>>, %arg8: memref<3x200x64xf32, #tpu.memory_space<vmem>>, %arg9: memref<10240x64xf32, #tpu.memory_space<vmem_shared>>, %arg10: memref<!tpu.dma_semaphore, #tpu.memory_space<semaphore_mem>>, %arg11: memref<!tpu.dma_semaphore, #tpu.memory_space<semaphore_mem>>, %arg12: memref<!tpu.dma_semaphore, #tpu.memory_space<semaphore_mem>>) attributes {dimension_semantics = [#tpu.dimension_semantics<core_parallel>, #tpu.dimension_semantics<subcore_parallel>], iteration_bounds = array<i64: 2, 16>, scalar_prefetch = 0 : i64, scratch_operands = 7 : i64, tpu.core_type = #tpu.core_type<sc_vector_subcore>, window_params = [{transform_indices = #map}, {transform_indices = #map}, {transform_indices = #map1}, {transform_indices = #map1}]} {
    %mul3A = arith.constant 320000 : i32
    %mul3A_0 = arith.muli %arg0, %mul3A : i32
    %mul3A_1 = arith.constant 20000 : i32
    %mul3A_2 = arith.muli %arg1, %mul3A_1 : i32
    %add3A = arith.addi %mul3A_0, %mul3A_2 : i32
    "tpu.region"() ({
      %run_scoped3A_130 = tpu.sem_alloc : memref<!tpu.dma_semaphore, #tpu.memory_space<semaphore_mem>>
      %dma_start3A_131 = tpu.memref_slice %arg2[%add3A] : memref<640000xi32, #tpu.memory_space<hbm>> -> memref<20000xi32, #tpu.memory_space<hbm>>
      %dma_start3A_132 = tpu.memref_slice %arg2[%add3A] : memref<640000xi32, #tpu.memory_space<hbm>> -> memref<20000xi32, #tpu.memory_space<hbm>>
      tpu.enqueue_dma source(%dma_start3A_132 : memref<20000xi32, #tpu.memory_space<hbm>>) target(%arg6 : memref<20000xi32, #tpu.memory_space<vmem>>) target_semaphore(%run_scoped3A_130 : memref<!tpu.dma_semaphore, #tpu.memory_space<semaphore_mem>>)
      %dma_wait3A_133 = tpu.memref_slice %arg2[%add3A] : memref<640000xi32, #tpu.memory_space<hbm>> -> memref<20000xi32, #tpu.memory_space<hbm>>
      %dma_wait3A_134 = tpu.memref_slice %arg2[%add3A] : memref<640000xi32, #tpu.memory_space<hbm>> -> memref<20000xi32, #tpu.memory_space<hbm>>
      tpu.wait_dma2 semaphore(%run_scoped3A_130 : memref<!tpu.dma_semaphore, #tpu.memory_space<semaphore_mem>>) src(%dma_wait3A_134 : memref<20000xi32, #tpu.memory_space<hbm>>) dst(%arg6 : memref<20000xi32, #tpu.memory_space<vmem>>)
      tpu.yield
    }) : () -> ()
    %mul3A_3 = arith.constant 20000 : i32
    %mul3A_4 = arith.muli %arg1, %mul3A_3 : i32
    "tpu.region"() ({
      %run_scoped3A_130 = tpu.sem_alloc : memref<!tpu.dma_semaphore, #tpu.memory_space<semaphore_mem>>
      %dma_start3A_131 = tpu.memref_slice %arg3[%mul3A_4] : memref<320000xi32, #tpu.memory_space<hbm>> -> memref<20000xi32, #tpu.memory_space<hbm>>
      %dma_start3A_132 = tpu.memref_slice %arg3[%mul3A_4] : memref<320000xi32, #tpu.memory_space<hbm>> -> memref<20000xi32, #tpu.memory_space<hbm>>
      tpu.enqueue_dma source(%dma_start3A_132 : memref<20000xi32, #tpu.memory_space<hbm>>) target(%arg7 : memref<20000xi32, #tpu.memory_space<vmem>>) target_semaphore(%run_scoped3A_130 : memref<!tpu.dma_semaphore, #tpu.memory_space<semaphore_mem>>)
      %dma_wait3A_133 = tpu.memref_slice %arg3[%mul3A_4] : memref<320000xi32, #tpu.memory_space<hbm>> -> memref<20000xi32, #tpu.memory_space<hbm>>
      %dma_wait3A_134 = tpu.memref_slice %arg3[%mul3A_4] : memref<320000xi32, #tpu.memory_space<hbm>> -> memref<20000xi32, #tpu.memory_space<hbm>>
      tpu.wait_dma2 semaphore(%run_scoped3A_130 : memref<!tpu.dma_semaphore, #tpu.memory_space<semaphore_mem>>) src(%dma_wait3A_134 : memref<20000xi32, #tpu.memory_space<hbm>>) dst(%arg7 : memref<20000xi32, #tpu.memory_space<vmem>>)
      tpu.yield
    }) : () -> ()
    %broadcast_in_dim3A = arith.constant 0.000000e+00 : f32
    %broadcast_in_dim3A_5 = vector.broadcast %broadcast_in_dim3A : f32 to vector<16xf32>
    %scan3A = arith.constant 0 : i32
    %scan3A_6 = arith.constant 0 : i32
    %scan3A_7 = arith.constant 128 : i32
    %scan3A_8 = arith.addi %scan3A_6, %scan3A_7 : i32
    %scan3A_9 = arith.constant 1 : i32
    scf.for %scan3A_130 = %scan3A_6 to %scan3A_8 step %scan3A_9  : i32 {
      %swap3A = arith.constant 2 : i32
      %swap3A_131 = arith.index_cast %swap3A : i32 to index
      %swap3A_132 = arith.index_cast %scan3A_130 : i32 to index
      %swap3A_133 = arith.constant 0 : index
      %swap3A_134 = tpu.vector_load %arg8[%swap3A_131, %swap3A_132, %swap3A_133] {strides = array<i32>} : memref<3x200x64xf32, #tpu.memory_space<vmem>>, vector<1x1x16xf32>,
      %swap3A_135 = vector.shape_cast %swap3A_134 : vector<1x1x16xf32> to vector<16xf32>
      %swap3A_136 = vector.shape_cast %broadcast_in_dim3A_5 : vector<16xf32> to vector<1x1x16xf32>
      tpu.vector_store %arg8[%swap3A_131, %swap3A_132, %swap3A_133], %swap3A_136 {strides = array<i32>} : memref<3x200x64xf32, #tpu.memory_space<vmem>>, vector<1x1x16xf32>,
      %swap3A_137 = arith.constant 2 : i32
      %swap3A_138 = arith.index_cast %swap3A_137 : i32 to index
      %swap3A_139 = arith.index_cast %scan3A_130 : i32 to index
      %swap3A_140 = arith.constant 16 : index
      %swap3A_141 = tpu.vector_load %arg8[%swap3A_138, %swap3A_139, %swap3A_140] {strides = array<i32>} : memref<3x200x64xf32, #tpu.memory_space<vmem>>, vector<1x1x16xf32>,
      %swap3A_142 = vector.shape_cast %swap3A_141 : vector<1x1x16xf32> to vector<16xf32>
      %swap3A_143 = vector.shape_cast %broadcast_in_dim3A_5 : vector<16xf32> to vector<1x1x16xf32>
      tpu.vector_store %arg8[%swap3A_138, %swap3A_139, %swap3A_140], %swap3A_143 {strides = array<i32>} : memref<3x200x64xf32, #tpu.memory_space<vmem>>, vector<1x1x16xf32>,
      %swap3A_144 = arith.constant 2 : i32
      %swap3A_145 = arith.index_cast %swap3A_144 : i32 to index
      %swap3A_146 = arith.index_cast %scan3A_130 : i32 to index
      %swap3A_147 = arith.constant 32 : index
      %swap3A_148 = tpu.vector_load %arg8[%swap3A_145, %swap3A_146, %swap3A_147] {strides = array<i32>} : memref<3x200x64xf32, #tpu.memory_space<vmem>>, vector<1x1x16xf32>,
      %swap3A_149 = vector.shape_cast %swap3A_148 : vector<1x1x16xf32> to vector<16xf32>
      %swap3A_150 = vector.shape_cast %broadcast_in_dim3A_5 : vector<16xf32> to vector<1x1x16xf32>
      tpu.vector_store %arg8[%swap3A_145, %swap3A_146, %swap3A_147], %swap3A_150 {strides = array<i32>} : memref<3x200x64xf32, #tpu.memory_space<vmem>>, vector<1x1x16xf32>,
      %swap3A_151 = arith.constant 2 : i32
      %swap3A_152 = arith.index_cast %swap3A_151 : i32 to index
      %swap3A_153 = arith.index_cast %scan3A_130 : i32 to index
      %swap3A_154 = arith.constant 48 : index
      %swap3A_155 = tpu.vector_load %arg8[%swap3A_152, %swap3A_153, %swap3A_154] {strides = array<i32>} : memref<3x200x64xf32, #tpu.memory_space<vmem>>, vector<1x1x16xf32>,
      %swap3A_156 = vector.shape_cast %swap3A_155 : vector<1x1x16xf32> to vector<16xf32>
      %swap3A_157 = vector.shape_cast %broadcast_in_dim3A_5 : vector<16xf32> to vector<1x1x16xf32>
      tpu.vector_store %arg8[%swap3A_152, %swap3A_153, %swap3A_154], %swap3A_157 {strides = array<i32>} : memref<3x200x64xf32, #tpu.memory_space<vmem>>, vector<1x1x16xf32>,
    }
    %scan3A_10 = arith.constant 128 : i32
    %mul3A_11 = arith.constant 640 : i32
    %mul3A_12 = arith.muli %arg1, %mul3A_11 : i32
    %add3A_13 = arith.constant 0 : i32
    %add3A_14 = arith.addi %mul3A_12, %add3A_13 : i32
    %run_scoped3A = arith.constant 2 : i32
    "tpu.region"() ({
      %run_scoped3A_130 = tpu.sem_alloc : memref<!tpu.dma_semaphore, #tpu.memory_space<semaphore_mem>>
      %dma_start3A_131 = arith.constant 0 : i32
      %dma_start3A_132 = arith.constant 0 : i32
      %dma_start3A_133 = tpu.memref_slice %arg8[%run_scoped3A, %dma_start3A_131, %dma_start3A_132] : memref<3x200x64xf32, #tpu.memory_space<vmem>> -> memref<1x128x64xf32, #tpu.memory_space<vmem>>
      %dma_start3A_134 = tpu.memref_squeeze %dma_start3A_133 : memref<1x128x64xf32, #tpu.memory_space<vmem>> -> memref<128x64xf32, #tpu.memory_space<vmem>>
      %dma_start3A_135 = arith.constant 0 : i32
      %dma_start3A_136 = tpu.memref_slice %arg9[%add3A_14, %dma_start3A_135] : memref<10240x64xf32, #tpu.memory_space<vmem_shared>> -> memref<128x64xf32, #tpu.memory_space<vmem_shared>>
      %dma_start3A_137 = arith.constant 0 : i32
      %dma_start3A_138 = tpu.memref_slice %arg9[%add3A_14, %dma_start3A_137] : memref<10240x64xf32, #tpu.memory_space<vmem_shared>> -> memref<128x64xf32, #tpu.memory_space<vmem_shared>>
      %dma_start3A_139 = arith.constant 0 : i32
      %dma_start3A_140 = arith.constant 0 : i32
      %dma_start3A_141 = tpu.memref_slice %arg8[%run_scoped3A, %dma_start3A_139, %dma_start3A_140] : memref<3x200x64xf32, #tpu.memory_space<vmem>> -> memref<1x128x64xf32, #tpu.memory_space<vmem>>
      %dma_start3A_142 = tpu.memref_squeeze %dma_start3A_141 : memref<1x128x64xf32, #tpu.memory_space<vmem>> -> memref<128x64xf32, #tpu.memory_space<vmem>>
      tpu.enqueue_dma source(%dma_start3A_142 : memref<128x64xf32, #tpu.memory_space<vmem>>) target(%dma_start3A_138 : memref<128x64xf32, #tpu.memory_space<vmem_shared>>) target_semaphore(%run_scoped3A_130 : memref<!tpu.dma_semaphore, #tpu.memory_space<semaphore_mem>>)
      %dma_wait3A_143 = arith.constant 0 : i32
      %dma_wait3A_144 = arith.constant 0 : i32
      %dma_wait3A_145 = tpu.memref_slice %arg8[%run_scoped3A, %dma_wait3A_143, %dma_wait3A_144] : memref<3x200x64xf32, #tpu.memory_space<vmem>> -> memref<1x128x64xf32, #tpu.memory_space<vmem>>
      %dma_wait3A_146 = tpu.memref_squeeze %dma_wait3A_145 : memref<1x128x64xf32, #tpu.memory_space<vmem>> -> memref<128x64xf32, #tpu.memory_space<vmem>>
      %dma_wait3A_147 = arith.constant 0 : i32
      %dma_wait3A_148 = tpu.memref_slice %arg9[%add3A_14, %dma_wait3A_147] : memref<10240x64xf32, #tpu.memory_space<vmem_shared>> -> memref<128x64xf32, #tpu.memory_space<vmem_shared>>
      %dma_wait3A_149 = arith.constant 0 : i32
      %dma_wait3A_150 = tpu.memref_slice %arg9[%add3A_14, %dma_wait3A_149] : memref<10240x64xf32, #tpu.memory_space<vmem_shared>> -> memref<128x64xf32, #tpu.memory_space<vmem_shared>>
      %dma_wait3A_151 = arith.constant 0 : i32
      %dma_wait3A_152 = arith.constant 0 : i32
      %dma_wait3A_153 = tpu.memref_slice %arg8[%run_scoped3A, %dma_wait3A_151, %dma_wait3A_152] : memref<3x200x64xf32, #tpu.memory_space<vmem>> -> memref<1x128x64xf32, #tpu.memory_space<vmem>>
      %dma_wait3A_154 = tpu.memref_squeeze %dma_wait3A_153 : memref<1x128x64xf32, #tpu.memory_space<vmem>> -> memref<128x64xf32, #tpu.memory_space<vmem>>
      tpu.wait_dma2 semaphore(%run_scoped3A_130 : memref<!tpu.dma_semaphore, #tpu.memory_space<semaphore_mem>>) src(%dma_wait3A_154 : memref<128x64xf32, #tpu.memory_space<vmem>>) dst(%dma_wait3A_150 : memref<128x64xf32, #tpu.memory_space<vmem_shared>>)
      tpu.yield
    }) : () -> ()
    %mul3A_15 = arith.constant 640 : i32
    %mul3A_16 = arith.muli %arg1, %mul3A_15 : i32
    %add3A_17 = arith.constant 128 : i32
    %add3A_18 = arith.addi %mul3A_16, %add3A_17 : i32
    %run_scoped3A_19 = arith.constant 2 : i32
    "tpu.region"() ({
      %run_scoped3A_130 = tpu.sem_alloc : memref<!tpu.dma_semaphore, #tpu.memory_space<semaphore_mem>>
      %dma_start3A_131 = arith.constant 0 : i32
      %dma_start3A_132 = arith.constant 0 : i32
      %dma_start3A_133 = tpu.memref_slice %arg8[%run_scoped3A_19, %dma_start3A_131, %dma_start3A_132] : memref<3x200x64xf32, #tpu.memory_space<vmem>> -> memref<1x128x64xf32, #tpu.memory_space<vmem>>
      %dma_start3A_134 = tpu.memref_squeeze %dma_start3A_133 : memref<1x128x64xf32, #tpu.memory_space<vmem>> -> memref<128x64xf32, #tpu.memory_space<vmem>>
      %dma_start3A_135 = arith.constant 0 : i32
      %dma_start3A_136 = tpu.memref_slice %arg9[%add3A_18, %dma_start3A_135] : memref<10240x64xf32, #tpu.memory_space<vmem_shared>> -> memref<128x64xf32, #tpu.memory_space<vmem_shared>>
      %dma_start3A_137 = arith.constant 0 : i32
      %dma_start3A_138 = tpu.memref_slice %arg9[%add3A_18, %dma_start3A_137] : memref<10240x64xf32, #tpu.memory_space<vmem_shared>> -> memref<128x64xf32, #tpu.memory_space<vmem_shared>>
      %dma_start3A_139 = arith.constant 0 : i32
      %dma_start3A_140 = arith.constant 0 : i32
      %dma_start3A_141 = tpu.memref_slice %arg8[%run_scoped3A_19, %dma_start3A_139, %dma_start3A_140] : memref<3x200x64xf32, #tpu.memory_space<vmem>> -> memref<1x128x64xf32, #tpu.memory_space<vmem>>
      %dma_start3A_142 = tpu.memref_squeeze %dma_start3A_141 : memref<1x128x64xf32, #tpu.memory_space<vmem>> -> memref<128x64xf32, #tpu.memory_space<vmem>>
      tpu.enqueue_dma source(%dma_start3A_142 : memref<128x64xf32, #tpu.memory_space<vmem>>) target(%dma_start3A_138 : memref<128x64xf32, #tpu.memory_space<vmem_shared>>) target_semaphore(%run_scoped3A_130 : memref<!tpu.dma_semaphore, #tpu.memory_space<semaphore_mem>>)
      %dma_wait3A_143 = arith.constant 0 : i32
      %dma_wait3A_144 = arith.constant 0 : i32
      %dma_wait3A_145 = tpu.memref_slice %arg8[%run_scoped3A_19, %dma_wait3A_143, %dma_wait3A_144] : memref<3x200x64xf32, #tpu.memory_space<vmem>> -> memref<1x128x64xf32, #tpu.memory_space<vmem>>
      %dma_wait3A_146 = tpu.memref_squeeze %dma_wait3A_145 : memref<1x128x64xf32, #tpu.memory_space<vmem>> -> memref<128x64xf32, #tpu.memory_space<vmem>>
      %dma_wait3A_147 = arith.constant 0 : i32
      %dma_wait3A_148 = tpu.memref_slice %arg9[%add3A_18, %dma_wait3A_147] : memref<10240x64xf32, #tpu.memory_space<vmem_shared>> -> memref<128x64xf32, #tpu.memory_space<vmem_shared>>
      %dma_wait3A_149 = arith.constant 0 : i32
      %dma_wait3A_150 = tpu.memref_slice %arg9[%add3A_18, %dma_wait3A_149] : memref<10240x64xf32, #tpu.memory_space<vmem_shared>> -> memref<128x64xf32, #tpu.memory_space<vmem_shared>>
      %dma_wait3A_151 = arith.constant 0 : i32
      %dma_wait3A_152 = arith.constant 0 : i32
      %dma_wait3A_153 = tpu.memref_slice %arg8[%run_scoped3A_19, %dma_wait3A_151, %dma_wait3A_152] : memref<3x200x64xf32, #tpu.memory_space<vmem>> -> memref<1x128x64xf32, #tpu.memory_space<vmem>>
      %dma_wait3A_154 = tpu.memref_squeeze %dma_wait3A_153 : memref<1x128x64xf32, #tpu.memory_space<vmem>> -> memref<128x64xf32, #tpu.memory_space<vmem>>
      tpu.wait_dma2 semaphore(%run_scoped3A_130 : memref<!tpu.dma_semaphore, #tpu.memory_space<semaphore_mem>>) src(%dma_wait3A_154 : memref<128x64xf32, #tpu.memory_space<vmem>>) dst(%dma_wait3A_150 : memref<128x64xf32, #tpu.memory_space<vmem_shared>>)
      tpu.yield
    }) : () -> ()
    %mul3A_20 = arith.constant 640 : i32
    %mul3A_21 = arith.muli %arg1, %mul3A_20 : i32
    %add3A_22 = arith.constant 256 : i32
    %add3A_23 = arith.addi %mul3A_21, %add3A_22 : i32
    %run_scoped3A_24 = arith.constant 2 : i32
    "tpu.region"() ({
      %run_scoped3A_130 = tpu.sem_alloc : memref<!tpu.dma_semaphore, #tpu.memory_space<semaphore_mem>>
      %dma_start3A_131 = arith.constant 0 : i32
      %dma_start3A_132 = arith.constant 0 : i32
      %dma_start3A_133 = tpu.memref_slice %arg8[%run_scoped3A_24, %dma_start3A_131, %dma_start3A_132] : memref<3x200x64xf32, #tpu.memory_space<vmem>> -> memref<1x128x64xf32, #tpu.memory_space<vmem>>
      %dma_start3A_134 = tpu.memref_squeeze %dma_start3A_133 : memref<1x128x64xf32, #tpu.memory_space<vmem>> -> memref<128x64xf32, #tpu.memory_space<vmem>>
      %dma_start3A_135 = arith.constant 0 : i32
      %dma_start3A_136 = tpu.memref_slice %arg9[%add3A_23, %dma_start3A_135] : memref<10240x64xf32, #tpu.memory_space<vmem_shared>> -> memref<128x64xf32, #tpu.memory_space<vmem_shared>>
      %dma_start3A_137 = arith.constant 0 : i32
      %dma_start3A_138 = tpu.memref_slice %arg9[%add3A_23, %dma_start3A_137] : memref<10240x64xf32, #tpu.memory_space<vmem_shared>> -> memref<128x64xf32, #tpu.memory_space<vmem_shared>>
      %dma_start3A_139 = arith.constant 0 : i32
      %dma_start3A_140 = arith.constant 0 : i32
      %dma_start3A_141 = tpu.memref_slice %arg8[%run_scoped3A_24, %dma_start3A_139, %dma_start3A_140] : memref<3x200x64xf32, #tpu.memory_space<vmem>> -> memref<1x128x64xf32, #tpu.memory_space<vmem>>
      %dma_start3A_142 = tpu.memref_squeeze %dma_start3A_141 : memref<1x128x64xf32, #tpu.memory_space<vmem>> -> memref<128x64xf32, #tpu.memory_space<vmem>>
      tpu.enqueue_dma source(%dma_start3A_142 : memref<128x64xf32, #tpu.memory_space<vmem>>) target(%dma_start3A_138 : memref<128x64xf32, #tpu.memory_space<vmem_shared>>) target_semaphore(%run_scoped3A_130 : memref<!tpu.dma_semaphore, #tpu.memory_space<semaphore_mem>>)
      %dma_wait3A_143 = arith.constant 0 : i32
      %dma_wait3A_144 = arith.constant 0 : i32
      %dma_wait3A_145 = tpu.memref_slice %arg8[%run_scoped3A_24, %dma_wait3A_143, %dma_wait3A_144] : memref<3x200x64xf32, #tpu.memory_space<vmem>> -> memref<1x128x64xf32, #tpu.memory_space<vmem>>
      %dma_wait3A_146 = tpu.memref_squeeze %dma_wait3A_145 : memref<1x128x64xf32, #tpu.memory_space<vmem>> -> memref<128x64xf32, #tpu.memory_space<vmem>>
      %dma_wait3A_147 = arith.constant 0 : i32
      %dma_wait3A_148 = tpu.memref_slice %arg9[%add3A_23, %dma_wait3A_147] : memref<10240x64xf32, #tpu.memory_space<vmem_shared>> -> memref<128x64xf32, #tpu.memory_space<vmem_shared>>
      %dma_wait3A_149 = arith.constant 0 : i32
      %dma_wait3A_150 = tpu.memref_slice %arg9[%add3A_23, %dma_wait3A_149] : memref<10240x64xf32, #tpu.memory_space<vmem_shared>> -> memref<128x64xf32, #tpu.memory_space<vmem_shared>>
      %dma_wait3A_151 = arith.constant 0 : i32
      %dma_wait3A_152 = arith.constant 0 : i32
      %dma_wait3A_153 = tpu.memref_slice %arg8[%run_scoped3A_24, %dma_wait3A_151, %dma_wait3A_152] : memref<3x200x64xf32, #tpu.memory_space<vmem>> -> memref<1x128x64xf32, #tpu.memory_space<vmem>>
      %dma_wait3A_154 = tpu.memref_squeeze %dma_wait3A_153 : memref<1x128x64xf32, #tpu.memory_space<vmem>> -> memref<128x64xf32, #tpu.memory_space<vmem>>
      tpu.wait_dma2 semaphore(%run_scoped3A_130 : memref<!tpu.dma_semaphore, #tpu.memory_space<semaphore_mem>>) src(%dma_wait3A_154 : memref<128x64xf32, #tpu.memory_space<vmem>>) dst(%dma_wait3A_150 : memref<128x64xf32, #tpu.memory_space<vmem_shared>>)
      tpu.yield
    }) : () -> ()
    %mul3A_25 = arith.constant 640 : i32
    %mul3A_26 = arith.muli %arg1, %mul3A_25 : i32
    %add3A_27 = arith.constant 384 : i32
    %add3A_28 = arith.addi %mul3A_26, %add3A_27 : i32
    %run_scoped3A_29 = arith.constant 2 : i32
    "tpu.region"() ({
      %run_scoped3A_130 = tpu.sem_alloc : memref<!tpu.dma_semaphore, #tpu.memory_space<semaphore_mem>>
      %dma_start3A_131 = arith.constant 0 : i32
      %dma_start3A_132 = arith.constant 0 : i32
      %dma_start3A_133 = tpu.memref_slice %arg8[%run_scoped3A_29, %dma_start3A_131, %dma_start3A_132] : memref<3x200x64xf32, #tpu.memory_space<vmem>> -> memref<1x128x64xf32, #tpu.memory_space<vmem>>
      %dma_start3A_134 = tpu.memref_squeeze %dma_start3A_133 : memref<1x128x64xf32, #tpu.memory_space<vmem>> -> memref<128x64xf32, #tpu.memory_space<vmem>>
      %dma_start3A_135 = arith.constant 0 : i32
      %dma_start3A_136 = tpu.memref_slice %arg9[%add3A_28, %dma_start3A_135] : memref<10240x64xf32, #tpu.memory_space<vmem_shared>> -> memref<128x64xf32, #tpu.memory_space<vmem_shared>>
      %dma_start3A_137 = arith.constant 0 : i32
      %dma_start3A_138 = tpu.memref_slice %arg9[%add3A_28, %dma_start3A_137] : memref<10240x64xf32, #tpu.memory_space<vmem_shared>> -> memref<128x64xf32, #tpu.memory_space<vmem_shared>>
      %dma_start3A_139 = arith.constant 0 : i32
      %dma_start3A_140 = arith.constant 0 : i32
      %dma_start3A_141 = tpu.memref_slice %arg8[%run_scoped3A_29, %dma_start3A_139, %dma_start3A_140] : memref<3x200x64xf32, #tpu.memory_space<vmem>> -> memref<1x128x64xf32, #tpu.memory_space<vmem>>
      %dma_start3A_142 = tpu.memref_squeeze %dma_start3A_141 : memref<1x128x64xf32, #tpu.memory_space<vmem>> -> memref<128x64xf32, #tpu.memory_space<vmem>>
      tpu.enqueue_dma source(%dma_start3A_142 : memref<128x64xf32, #tpu.memory_space<vmem>>) target(%dma_start3A_138 : memref<128x64xf32, #tpu.memory_space<vmem_shared>>) target_semaphore(%run_scoped3A_130 : memref<!tpu.dma_semaphore, #tpu.memory_space<semaphore_mem>>)
      %dma_wait3A_143 = arith.constant 0 : i32
      %dma_wait3A_144 = arith.constant 0 : i32
      %dma_wait3A_145 = tpu.memref_slice %arg8[%run_scoped3A_29, %dma_wait3A_143, %dma_wait3A_144] : memref<3x200x64xf32, #tpu.memory_space<vmem>> -> memref<1x128x64xf32, #tpu.memory_space<vmem>>
      %dma_wait3A_146 = tpu.memref_squeeze %dma_wait3A_145 : memref<1x128x64xf32, #tpu.memory_space<vmem>> -> memref<128x64xf32, #tpu.memory_space<vmem>>
      %dma_wait3A_147 = arith.constant 0 : i32
      %dma_wait3A_148 = tpu.memref_slice %arg9[%add3A_28, %dma_wait3A_147] : memref<10240x64xf32, #tpu.memory_space<vmem_shared>> -> memref<128x64xf32, #tpu.memory_space<vmem_shared>>
      %dma_wait3A_149 = arith.constant 0 : i32
      %dma_wait3A_150 = tpu.memref_slice %arg9[%add3A_28, %dma_wait3A_149] : memref<10240x64xf32, #tpu.memory_space<vmem_shared>> -> memref<128x64xf32, #tpu.memory_space<vmem_shared>>
      %dma_wait3A_151 = arith.constant 0 : i32
      %dma_wait3A_152 = arith.constant 0 : i32
      %dma_wait3A_153 = tpu.memref_slice %arg8[%run_scoped3A_29, %dma_wait3A_151, %dma_wait3A_152] : memref<3x200x64xf32, #tpu.memory_space<vmem>> -> memref<1x128x64xf32, #tpu.memory_space<vmem>>
      %dma_wait3A_154 = tpu.memref_squeeze %dma_wait3A_153 : memref<1x128x64xf32, #tpu.memory_space<vmem>> -> memref<128x64xf32, #tpu.memory_space<vmem>>
      tpu.wait_dma2 semaphore(%run_scoped3A_130 : memref<!tpu.dma_semaphore, #tpu.memory_space<semaphore_mem>>) src(%dma_wait3A_154 : memref<128x64xf32, #tpu.memory_space<vmem>>) dst(%dma_wait3A_150 : memref<128x64xf32, #tpu.memory_space<vmem_shared>>)
      tpu.yield
    }) : () -> ()
    %mul3A_30 = arith.constant 640 : i32
    %mul3A_31 = arith.muli %arg1, %mul3A_30 : i32
    %add3A_32 = arith.constant 512 : i32
    %add3A_33 = arith.addi %mul3A_31, %add3A_32 : i32
    %run_scoped3A_34 = arith.constant 2 : i32
    "tpu.region"() ({
      %run_scoped3A_130 = tpu.sem_alloc : memref<!tpu.dma_semaphore, #tpu.memory_space<semaphore_mem>>
      %dma_start3A_131 = arith.constant 0 : i32
      %dma_start3A_132 = arith.constant 0 : i32
      %dma_start3A_133 = tpu.memref_slice %arg8[%run_scoped3A_34, %dma_start3A_131, %dma_start3A_132] : memref<3x200x64xf32, #tpu.memory_space<vmem>> -> memref<1x128x64xf32, #tpu.memory_space<vmem>>
      %dma_start3A_134 = tpu.memref_squeeze %dma_start3A_133 : memref<1x128x64xf32, #tpu.memory_space<vmem>> -> memref<128x64xf32, #tpu.memory_space<vmem>>
      %dma_start3A_135 = arith.constant 0 : i32
      %dma_start3A_136 = tpu.memref_slice %arg9[%add3A_33, %dma_start3A_135] : memref<10240x64xf32, #tpu.memory_space<vmem_shared>> -> memref<128x64xf32, #tpu.memory_space<vmem_shared>>
      %dma_start3A_137 = arith.constant 0 : i32
      %dma_start3A_138 = tpu.memref_slice %arg9[%add3A_33, %dma_start3A_137] : memref<10240x64xf32, #tpu.memory_space<vmem_shared>> -> memref<128x64xf32, #tpu.memory_space<vmem_shared>>
      %dma_start3A_139 = arith.constant 0 : i32
      %dma_start3A_140 = arith.constant 0 : i32
      %dma_start3A_141 = tpu.memref_slice %arg8[%run_scoped3A_34, %dma_start3A_139, %dma_start3A_140] : memref<3x200x64xf32, #tpu.memory_space<vmem>> -> memref<1x128x64xf32, #tpu.memory_space<vmem>>
      %dma_start3A_142 = tpu.memref_squeeze %dma_start3A_141 : memref<1x128x64xf32, #tpu.memory_space<vmem>> -> memref<128x64xf32, #tpu.memory_space<vmem>>
      tpu.enqueue_dma source(%dma_start3A_142 : memref<128x64xf32, #tpu.memory_space<vmem>>) target(%dma_start3A_138 : memref<128x64xf32, #tpu.memory_space<vmem_shared>>) target_semaphore(%run_scoped3A_130 : memref<!tpu.dma_semaphore, #tpu.memory_space<semaphore_mem>>)
      %dma_wait3A_143 = arith.constant 0 : i32
      %dma_wait3A_144 = arith.constant 0 : i32
      %dma_wait3A_145 = tpu.memref_slice %arg8[%run_scoped3A_34, %dma_wait3A_143, %dma_wait3A_144] : memref<3x200x64xf32, #tpu.memory_space<vmem>> -> memref<1x128x64xf32, #tpu.memory_space<vmem>>
      %dma_wait3A_146 = tpu.memref_squeeze %dma_wait3A_145 : memref<1x128x64xf32, #tpu.memory_space<vmem>> -> memref<128x64xf32, #tpu.memory_space<vmem>>
      %dma_wait3A_147 = arith.constant 0 : i32
      %dma_wait3A_148 = tpu.memref_slice %arg9[%add3A_33, %dma_wait3A_147] : memref<10240x64xf32, #tpu.memory_space<vmem_shared>> -> memref<128x64xf32, #tpu.memory_space<vmem_shared>>
      %dma_wait3A_149 = arith.constant 0 : i32
      %dma_wait3A_150 = tpu.memref_slice %arg9[%add3A_33, %dma_wait3A_149] : memref<10240x64xf32, #tpu.memory_space<vmem_shared>> -> memref<128x64xf32, #tpu.memory_space<vmem_shared>>
      %dma_wait3A_151 = arith.constant 0 : i32
      %dma_wait3A_152 = arith.constant 0 : i32
      %dma_wait3A_153 = tpu.memref_slice %arg8[%run_scoped3A_34, %dma_wait3A_151, %dma_wait3A_152] : memref<3x200x64xf32, #tpu.memory_space<vmem>> -> memref<1x128x64xf32, #tpu.memory_space<vmem>>
      %dma_wait3A_154 = tpu.memref_squeeze %dma_wait3A_153 : memref<1x128x64xf32, #tpu.memory_space<vmem>> -> memref<128x64xf32, #tpu.memory_space<vmem>>
      tpu.wait_dma2 semaphore(%run_scoped3A_130 : memref<!tpu.dma_semaphore, #tpu.memory_space<semaphore_mem>>) src(%dma_wait3A_154 : memref<128x64xf32, #tpu.memory_space<vmem>>) dst(%dma_wait3A_150 : memref<128x64xf32, #tpu.memory_space<vmem_shared>>)
      tpu.yield
    }) : () -> ()
    %dma_start3A = arith.constant 0 : i32
    %dma_start3A_35 = arith.constant 0 : i32
    %dma_start3A_36 = arith.constant 0 : i32
    %dma_start3A_37 = tpu.memref_slice %arg8[%dma_start3A, %dma_start3A_35, %dma_start3A_36] : memref<3x200x64xf32, #tpu.memory_space<vmem>> -> memref<1x200x64xf32, #tpu.memory_space<vmem>>
    %dma_start3A_38 = tpu.memref_squeeze %dma_start3A_37 : memref<1x200x64xf32, #tpu.memory_space<vmem>> -> memref<200x64xf32, #tpu.memory_space<vmem>>
    %dma_start3A_39 = arith.constant 0 : i32
    %dma_start3A_40 = tpu.memref_slice %arg6[%dma_start3A_39] : memref<20000xi32, #tpu.memory_space<vmem>> -> memref<200xi32, #tpu.memory_space<vmem>>
    %dma_start3A_41 = arith.constant 0 : i32
    %dma_start3A_42 = arith.constant 0 : i32
    %dma_start3A_43 = tpu.memref_slice %arg4[%dma_start3A_41, %dma_start3A_42] : memref<20000x64xf32, #tpu.memory_space<hbm>> -> memref<20000x64xf32, #tpu.memory_space<hbm>>
    tpu.enqueue_indirect_dma source(%dma_start3A_43 : memref<20000x64xf32, #tpu.memory_space<hbm>>) target(%dma_start3A_38 : memref<200x64xf32, #tpu.memory_space<vmem>>) offsets(%dma_start3A_40 : memref<200xi32, #tpu.memory_space<vmem>>) semaphore(%arg10 : memref<!tpu.dma_semaphore, #tpu.memory_space<semaphore_mem>>)
    %dma_start3A_44 = arith.constant 1 : i32
    %dma_start3A_45 = arith.constant 0 : i32
    %dma_start3A_46 = arith.constant 0 : i32
    %dma_start3A_47 = tpu.memref_slice %arg8[%dma_start3A_44, %dma_start3A_45, %dma_start3A_46] : memref<3x200x64xf32, #tpu.memory_space<vmem>> -> memref<1x200x64xf32, #tpu.memory_space<vmem>>
    %dma_start3A_48 = tpu.memref_squeeze %dma_start3A_47 : memref<1x200x64xf32, #tpu.memory_space<vmem>> -> memref<200x64xf32, #tpu.memory_space<vmem>>
    %dma_start3A_49 = arith.constant 200 : i32
    %dma_start3A_50 = tpu.memref_slice %arg6[%dma_start3A_49] : memref<20000xi32, #tpu.memory_space<vmem>> -> memref<200xi32, #tpu.memory_space<vmem>>
    %dma_start3A_51 = arith.constant 0 : i32
    %dma_start3A_52 = arith.constant 0 : i32
    %dma_start3A_53 = tpu.memref_slice %arg4[%dma_start3A_51, %dma_start3A_52] : memref<20000x64xf32, #tpu.memory_space<hbm>> -> memref<20000x64xf32, #tpu.memory_space<hbm>>
    tpu.enqueue_indirect_dma source(%dma_start3A_53 : memref<20000x64xf32, #tpu.memory_space<hbm>>) target(%dma_start3A_48 : memref<200x64xf32, #tpu.memory_space<vmem>>) offsets(%dma_start3A_50 : memref<200xi32, #tpu.memory_space<vmem>>) semaphore(%arg11 : memref<!tpu.dma_semaphore, #tpu.memory_space<semaphore_mem>>)
    %barrier3A = arith.constant 0 : index
    tpu.barrier barrier_id(%barrier3A)
    %scan3A_54 = arith.constant 0 : i32
    %scan3A_55 = arith.constant 0 : i32
    %scan3A_56 = arith.constant 16 : i32
    %scan3A_57 = arith.addi %scan3A_55, %scan3A_56 : i32
    %scan3A_58 = arith.constant 1 : i32
    scf.for %scan3A_130 = %scan3A_55 to %scan3A_57 step %scan3A_58  : i32 {
      %mul3A_131 = arith.constant 6 : i32
      %mul3A_132 = arith.muli %mul3A_131, %scan3A_130 : i32
      %add3A_133 = arith.constant 0 : i32
      %add3A_134 = arith.addi %mul3A_132, %add3A_133 : i32
      %add3A_135 = arith.constant 2 : i32
      %add3A_136 = arith.addi %add3A_134, %add3A_135 : i32
      %mul3A_137 = arith.constant 200 : i32
      %mul3A_138 = arith.muli %add3A_136, %mul3A_137 : i32
      %dma_start3A_139 = arith.constant 2 : i32
      %dma_start3A_140 = arith.constant 0 : i32
      %dma_start3A_141 = arith.constant 0 : i32
      %dma_start3A_142 = tpu.memref_slice %arg8[%dma_start3A_139, %dma_start3A_140, %dma_start3A_141] : memref<3x200x64xf32, #tpu.memory_space<vmem>> -> memref<1x200x64xf32, #tpu.memory_space<vmem>>
      %dma_start3A_143 = tpu.memref_squeeze %dma_start3A_142 : memref<1x200x64xf32, #tpu.memory_space<vmem>> -> memref<200x64xf32, #tpu.memory_space<vmem>>
      %dma_start3A_144 = tpu.memref_slice %arg6[%mul3A_138] : memref<20000xi32, #tpu.memory_space<vmem>> -> memref<200xi32, #tpu.memory_space<vmem>>
      %dma_start3A_145 = arith.constant 0 : i32
      %dma_start3A_146 = arith.constant 0 : i32
      %dma_start3A_147 = tpu.memref_slice %arg4[%dma_start3A_145, %dma_start3A_146] : memref<20000x64xf32, #tpu.memory_space<hbm>> -> memref<20000x64xf32, #tpu.memory_space<hbm>>
      tpu.enqueue_indirect_dma source(%dma_start3A_147 : memref<20000x64xf32, #tpu.memory_space<hbm>>) target(%dma_start3A_143 : memref<200x64xf32, #tpu.memory_space<vmem>>) offsets(%dma_start3A_144 : memref<200xi32, #tpu.memory_space<vmem>>) semaphore(%arg12 : memref<!tpu.dma_semaphore, #tpu.memory_space<semaphore_mem>>)
      %mul3A_148 = arith.constant 200 : i32
      %mul3A_149 = arith.muli %add3A_134, %mul3A_148 : i32
      %dma_wait3A_150 = arith.constant 0 : i32
      %dma_wait3A_151 = arith.constant 0 : i32
      %dma_wait3A_152 = arith.constant 0 : i32
      %dma_wait3A_153 = tpu.memref_slice %arg8[%dma_wait3A_150, %dma_wait3A_151, %dma_wait3A_152] : memref<3x200x64xf32, #tpu.memory_space<vmem>> -> memref<1x200x64xf32, #tpu.memory_space<vmem>>
      %dma_wait3A_154 = tpu.memref_squeeze %dma_wait3A_153 : memref<1x200x64xf32, #tpu.memory_space<vmem>> -> memref<200x64xf32, #tpu.memory_space<vmem>>
      %dma_wait3A_155 = tpu.memref_slice %arg6[%mul3A_149] : memref<20000xi32, #tpu.memory_space<vmem>> -> memref<200xi32, #tpu.memory_space<vmem>>
      %dma_wait3A_156 = arith.constant 0 : i32
      %dma_wait3A_157 = arith.constant 0 : i32
      %dma_wait3A_158 = tpu.memref_slice %arg4[%dma_wait3A_156, %dma_wait3A_157] : memref<20000x64xf32, #tpu.memory_space<hbm>> -> memref<20000x64xf32, #tpu.memory_space<hbm>>
      tpu.wait_indirect_dma semaphore(%arg10 : memref<!tpu.dma_semaphore, #tpu.memory_space<semaphore_mem>>) src(%dma_wait3A_158 : memref<20000x64xf32, #tpu.memory_space<hbm>>) dst(%dma_wait3A_154 : memref<200x64xf32, #tpu.memory_space<vmem>>)
      %mul3A_159 = arith.constant 200 : i32
      %mul3A_160 = arith.muli %add3A_134, %mul3A_159 : i32
      %run_scoped3A_161 = arith.constant 0 : i32
      "tpu.region"() ({
        %run_scoped3A_307 = tpu.sem_alloc : memref<!tpu.dma_semaphore, #tpu.memory_space<semaphore_mem>>
        %dma_start3A_308 = arith.constant 0 : i32
        %dma_start3A_309 = arith.constant 0 : i32
        %dma_start3A_310 = tpu.memref_slice %arg8[%run_scoped3A_161, %dma_start3A_308, %dma_start3A_309] : memref<3x200x64xf32, #tpu.memory_space<vmem>> -> memref<1x200x64xf32, #tpu.memory_space<vmem>>
        %dma_start3A_311 = tpu.memref_squeeze %dma_start3A_310 : memref<1x200x64xf32, #tpu.memory_space<vmem>> -> memref<200x64xf32, #tpu.memory_space<vmem>>
        %dma_start3A_312 = tpu.memref_slice %arg7[%mul3A_160] : memref<20000xi32, #tpu.memory_space<vmem>> -> memref<200xi32, #tpu.memory_space<vmem>>
        %dma_start3A_313 = arith.constant 0 : i32
        %dma_start3A_314 = arith.constant 0 : i32
        %dma_start3A_315 = tpu.memref_slice %arg9[%dma_start3A_313, %dma_start3A_314] : memref<10240x64xf32, #tpu.memory_space<vmem_shared>> -> memref<10240x64xf32, #tpu.memory_space<vmem_shared>>
        tpu.enqueue_indirect_dma source(%dma_start3A_311 : memref<200x64xf32, #tpu.memory_space<vmem>>) target(%dma_start3A_315 : memref<10240x64xf32, #tpu.memory_space<vmem_shared>>) offsets(%dma_start3A_312 : memref<200xi32, #tpu.memory_space<vmem>>) semaphore(%run_scoped3A_307 : memref<!tpu.dma_semaphore, #tpu.memory_space<semaphore_mem>>) {add = true}
        %dma_wait3A_316 = arith.constant 0 : i32
        %dma_wait3A_317 = arith.constant 0 : i32
        %dma_wait3A_318 = tpu.memref_slice %arg8[%run_scoped3A_161, %dma_wait3A_316, %dma_wait3A_317] : memref<3x200x64xf32, #tpu.memory_space<vmem>> -> memref<1x200x64xf32, #tpu.memory_space<vmem>>
        %dma_wait3A_319 = tpu.memref_squeeze %dma_wait3A_318 : memref<1x200x64xf32, #tpu.memory_space<vmem>> -> memref<200x64xf32, #tpu.memory_space<vmem>>
        %dma_wait3A_320 = tpu.memref_slice %arg7[%mul3A_160] : memref<20000xi32, #tpu.memory_space<vmem>> -> memref<200xi32, #tpu.memory_space<vmem>>
        %dma_wait3A_321 = arith.constant 0 : i32
        %dma_wait3A_322 = arith.constant 0 : i32
        %dma_wait3A_323 = tpu.memref_slice %arg9[%dma_wait3A_321, %dma_wait3A_322] : memref<10240x64xf32, #tpu.memory_space<vmem_shared>> -> memref<10240x64xf32, #tpu.memory_space<vmem_shared>>
        tpu.wait_indirect_dma semaphore(%run_scoped3A_307 : memref<!tpu.dma_semaphore, #tpu.memory_space<semaphore_mem>>) src(%dma_wait3A_319 : memref<200x64xf32, #tpu.memory_space<vmem>>) dst(%dma_wait3A_323 : memref<10240x64xf32, #tpu.memory_space<vmem_shared>>)
        tpu.yield
      }) : () -> ()
      %add3A_162 = arith.constant 1 : i32
      %add3A_163 = arith.addi %mul3A_132, %add3A_162 : i32
      %add3A_164 = arith.constant 2 : i32
      %add3A_165 = arith.addi %add3A_163, %add3A_164 : i32
      %mul3A_166 = arith.constant 200 : i32
      %mul3A_167 = arith.muli %add3A_165, %mul3A_166 : i32
      %dma_start3A_168 = arith.constant 0 : i32
      %dma_start3A_169 = arith.constant 0 : i32
      %dma_start3A_170 = arith.constant 0 : i32
      %dma_start3A_171 = tpu.memref_slice %arg8[%dma_start3A_168, %dma_start3A_169, %dma_start3A_170] : memref<3x200x64xf32, #tpu.memory_space<vmem>> -> memref<1x200x64xf32, #tpu.memory_space<vmem>>
      %dma_start3A_172 = tpu.memref_squeeze %dma_start3A_171 : memref<1x200x64xf32, #tpu.memory_space<vmem>> -> memref<200x64xf32, #tpu.memory_space<vmem>>
      %dma_start3A_173 = tpu.memref_slice %arg6[%mul3A_167] : memref<20000xi32, #tpu.memory_space<vmem>> -> memref<200xi32, #tpu.memory_space<vmem>>
      %dma_start3A_174 = arith.constant 0 : i32
      %dma_start3A_175 = arith.constant 0 : i32
      %dma_start3A_176 = tpu.memref_slice %arg4[%dma_start3A_174, %dma_start3A_175] : memref<20000x64xf32, #tpu.memory_space<hbm>> -> memref<20000x64xf32, #tpu.memory_space<hbm>>
      tpu.enqueue_indirect_dma source(%dma_start3A_176 : memref<20000x64xf32, #tpu.memory_space<hbm>>) target(%dma_start3A_172 : memref<200x64xf32, #tpu.memory_space<vmem>>) offsets(%dma_start3A_173 : memref<200xi32, #tpu.memory_space<vmem>>) semaphore(%arg10 : memref<!tpu.dma_semaphore, #tpu.memory_space<semaphore_mem>>)
      %mul3A_177 = arith.constant 200 : i32
      %mul3A_178 = arith.muli %add3A_163, %mul3A_177 : i32
      %dma_wait3A_179 = arith.constant 1 : i32
      %dma_wait3A_180 = arith.constant 0 : i32
      %dma_wait3A_181 = arith.constant 0 : i32
      %dma_wait3A_182 = tpu.memref_slice %arg8[%dma_wait3A_179, %dma_wait3A_180, %dma_wait3A_181] : memref<3x200x64xf32, #tpu.memory_space<vmem>> -> memref<1x200x64xf32, #tpu.memory_space<vmem>>
      %dma_wait3A_183 = tpu.memref_squeeze %dma_wait3A_182 : memref<1x200x64xf32, #tpu.memory_space<vmem>> -> memref<200x64xf32, #tpu.memory_space<vmem>>
      %dma_wait3A_184 = tpu.memref_slice %arg6[%mul3A_178] : memref<20000xi32, #tpu.memory_space<vmem>> -> memref<200xi32, #tpu.memory_space<vmem>>
      %dma_wait3A_185 = arith.constant 0 : i32
      %dma_wait3A_186 = arith.constant 0 : i32
      %dma_wait3A_187 = tpu.memref_slice %arg4[%dma_wait3A_185, %dma_wait3A_186] : memref<20000x64xf32, #tpu.memory_space<hbm>> -> memref<20000x64xf32, #tpu.memory_space<hbm>>
      tpu.wait_indirect_dma semaphore(%arg11 : memref<!tpu.dma_semaphore, #tpu.memory_space<semaphore_mem>>) src(%dma_wait3A_187 : memref<20000x64xf32, #tpu.memory_space<hbm>>) dst(%dma_wait3A_183 : memref<200x64xf32, #tpu.memory_space<vmem>>)
      %mul3A_188 = arith.constant 200 : i32
      %mul3A_189 = arith.muli %add3A_163, %mul3A_188 : i32
      %run_scoped3A_190 = arith.constant 1 : i32
      "tpu.region"() ({
        %run_scoped3A_307 = tpu.sem_alloc : memref<!tpu.dma_semaphore, #tpu.memory_space<semaphore_mem>>
        %dma_start3A_308 = arith.constant 0 : i32
        %dma_start3A_309 = arith.constant 0 : i32
        %dma_start3A_310 = tpu.memref_slice %arg8[%run_scoped3A_190, %dma_start3A_308, %dma_start3A_309] : memref<3x200x64xf32, #tpu.memory_space<vmem>> -> memref<1x200x64xf32, #tpu.memory_space<vmem>>
        %dma_start3A_311 = tpu.memref_squeeze %dma_start3A_310 : memref<1x200x64xf32, #tpu.memory_space<vmem>> -> memref<200x64xf32, #tpu.memory_space<vmem>>
        %dma_start3A_312 = tpu.memref_slice %arg7[%mul3A_189] : memref<20000xi32, #tpu.memory_space<vmem>> -> memref<200xi32, #tpu.memory_space<vmem>>
        %dma_start3A_313 = arith.constant 0 : i32
        %dma_start3A_314 = arith.constant 0 : i32
        %dma_start3A_315 = tpu.memref_slice %arg9[%dma_start3A_313, %dma_start3A_314] : memref<10240x64xf32, #tpu.memory_space<vmem_shared>> -> memref<10240x64xf32, #tpu.memory_space<vmem_shared>>
        tpu.enqueue_indirect_dma source(%dma_start3A_311 : memref<200x64xf32, #tpu.memory_space<vmem>>) target(%dma_start3A_315 : memref<10240x64xf32, #tpu.memory_space<vmem_shared>>) offsets(%dma_start3A_312 : memref<200xi32, #tpu.memory_space<vmem>>) semaphore(%run_scoped3A_307 : memref<!tpu.dma_semaphore, #tpu.memory_space<semaphore_mem>>) {add = true}
        %dma_wait3A_316 = arith.constant 0 : i32
        %dma_wait3A_317 = arith.constant 0 : i32
        %dma_wait3A_318 = tpu.memref_slice %arg8[%run_scoped3A_190, %dma_wait3A_316, %dma_wait3A_317] : memref<3x200x64xf32, #tpu.memory_space<vmem>> -> memref<1x200x64xf32, #tpu.memory_space<vmem>>
        %dma_wait3A_319 = tpu.memref_squeeze %dma_wait3A_318 : memref<1x200x64xf32, #tpu.memory_space<vmem>> -> memref<200x64xf32, #tpu.memory_space<vmem>>
        %dma_wait3A_320 = tpu.memref_slice %arg7[%mul3A_189] : memref<20000xi32, #tpu.memory_space<vmem>> -> memref<200xi32, #tpu.memory_space<vmem>>
        %dma_wait3A_321 = arith.constant 0 : i32
        %dma_wait3A_322 = arith.constant 0 : i32
        %dma_wait3A_323 = tpu.memref_slice %arg9[%dma_wait3A_321, %dma_wait3A_322] : memref<10240x64xf32, #tpu.memory_space<vmem_shared>> -> memref<10240x64xf32, #tpu.memory_space<vmem_shared>>
        tpu.wait_indirect_dma semaphore(%run_scoped3A_307 : memref<!tpu.dma_semaphore, #tpu.memory_space<semaphore_mem>>) src(%dma_wait3A_319 : memref<200x64xf32, #tpu.memory_space<vmem>>) dst(%dma_wait3A_323 : memref<10240x64xf32, #tpu.memory_space<vmem_shared>>)
        tpu.yield
      }) : () -> ()
      %add3A_191 = arith.constant 2 : i32
      %add3A_192 = arith.addi %mul3A_132, %add3A_191 : i32
      %add3A_193 = arith.constant 2 : i32
      %add3A_194 = arith.addi %add3A_192, %add3A_193 : i32
      %mul3A_195 = arith.constant 200 : i32
      %mul3A_196 = arith.muli %add3A_194, %mul3A_195 : i32
      %dma_start3A_197 = arith.constant 1 : i32
      %dma_start3A_198 = arith.constant 0 : i32
      %dma_start3A_199 = arith.constant 0 : i32
      %dma_start3A_200 = tpu.memref_slice %arg8[%dma_start3A_197, %dma_start3A_198, %dma_start3A_199] : memref<3x200x64xf32, #tpu.memory_space<vmem>> -> memref<1x200x64xf32, #tpu.memory_space<vmem>>
      %dma_start3A_201 = tpu.memref_squeeze %dma_start3A_200 : memref<1x200x64xf32, #tpu.memory_space<vmem>> -> memref<200x64xf32, #tpu.memory_space<vmem>>
      %dma_start3A_202 = tpu.memref_slice %arg6[%mul3A_196] : memref<20000xi32, #tpu.memory_space<vmem>> -> memref<200xi32, #tpu.memory_space<vmem>>
      %dma_start3A_203 = arith.constant 0 : i32
      %dma_start3A_204 = arith.constant 0 : i32
      %dma_start3A_205 = tpu.memref_slice %arg4[%dma_start3A_203, %dma_start3A_204] : memref<20000x64xf32, #tpu.memory_space<hbm>> -> memref<20000x64xf32, #tpu.memory_space<hbm>>
      tpu.enqueue_indirect_dma source(%dma_start3A_205 : memref<20000x64xf32, #tpu.memory_space<hbm>>) target(%dma_start3A_201 : memref<200x64xf32, #tpu.memory_space<vmem>>) offsets(%dma_start3A_202 : memref<200xi32, #tpu.memory_space<vmem>>) semaphore(%arg11 : memref<!tpu.dma_semaphore, #tpu.memory_space<semaphore_mem>>)
      %mul3A_206 = arith.constant 200 : i32
      %mul3A_207 = arith.muli %add3A_192, %mul3A_206 : i32
      %dma_wait3A_208 = arith.constant 2 : i32
      %dma_wait3A_209 = arith.constant 0 : i32
      %dma_wait3A_210 = arith.constant 0 : i32
      %dma_wait3A_211 = tpu.memref_slice %arg8[%dma_wait3A_208, %dma_wait3A_209, %dma_wait3A_210] : memref<3x200x64xf32, #tpu.memory_space<vmem>> -> memref<1x200x64xf32, #tpu.memory_space<vmem>>
      %dma_wait3A_212 = tpu.memref_squeeze %dma_wait3A_211 : memref<1x200x64xf32, #tpu.memory_space<vmem>> -> memref<200x64xf32, #tpu.memory_space<vmem>>
      %dma_wait3A_213 = tpu.memref_slice %arg6[%mul3A_207] : memref<20000xi32, #tpu.memory_space<vmem>> -> memref<200xi32, #tpu.memory_space<vmem>>
      %dma_wait3A_214 = arith.constant 0 : i32
      %dma_wait3A_215 = arith.constant 0 : i32
      %dma_wait3A_216 = tpu.memref_slice %arg4[%dma_wait3A_214, %dma_wait3A_215] : memref<20000x64xf32, #tpu.memory_space<hbm>> -> memref<20000x64xf32, #tpu.memory_space<hbm>>
      tpu.wait_indirect_dma semaphore(%arg12 : memref<!tpu.dma_semaphore, #tpu.memory_space<semaphore_mem>>) src(%dma_wait3A_216 : memref<20000x64xf32, #tpu.memory_space<hbm>>) dst(%dma_wait3A_212 : memref<200x64xf32, #tpu.memory_space<vmem>>)
      %mul3A_217 = arith.constant 200 : i32
      %mul3A_218 = arith.muli %add3A_192, %mul3A_217 : i32
      %run_scoped3A_219 = arith.constant 2 : i32
      "tpu.region"() ({
        %run_scoped3A_307 = tpu.sem_alloc : memref<!tpu.dma_semaphore, #tpu.memory_space<semaphore_mem>>
        %dma_start3A_308 = arith.constant 0 : i32
        %dma_start3A_309 = arith.constant 0 : i32
        %dma_start3A_310 = tpu.memref_slice %arg8[%run_scoped3A_219, %dma_start3A_308, %dma_start3A_309] : memref<3x200x64xf32, #tpu.memory_space<vmem>> -> memref<1x200x64xf32, #tpu.memory_space<vmem>>
        %dma_start3A_311 = tpu.memref_squeeze %dma_start3A_310 : memref<1x200x64xf32, #tpu.memory_space<vmem>> -> memref<200x64xf32, #tpu.memory_space<vmem>>
        %dma_start3A_312 = tpu.memref_slice %arg7[%mul3A_218] : memref<20000xi32, #tpu.memory_space<vmem>> -> memref<200xi32, #tpu.memory_space<vmem>>
        %dma_start3A_313 = arith.constant 0 : i32
        %dma_start3A_314 = arith.constant 0 : i32
        %dma_start3A_315 = tpu.memref_slice %arg9[%dma_start3A_313, %dma_start3A_314] : memref<10240x64xf32, #tpu.memory_space<vmem_shared>> -> memref<10240x64xf32, #tpu.memory_space<vmem_shared>>
        tpu.enqueue_indirect_dma source(%dma_start3A_311 : memref<200x64xf32, #tpu.memory_space<vmem>>) target(%dma_start3A_315 : memref<10240x64xf32, #tpu.memory_space<vmem_shared>>) offsets(%dma_start3A_312 : memref<200xi32, #tpu.memory_space<vmem>>) semaphore(%run_scoped3A_307 : memref<!tpu.dma_semaphore, #tpu.memory_space<semaphore_mem>>) {add = true}
        %dma_wait3A_316 = arith.constant 0 : i32
        %dma_wait3A_317 = arith.constant 0 : i32
        %dma_wait3A_318 = tpu.memref_slice %arg8[%run_scoped3A_219, %dma_wait3A_316, %dma_wait3A_317] : memref<3x200x64xf32, #tpu.memory_space<vmem>> -> memref<1x200x64xf32, #tpu.memory_space<vmem>>
        %dma_wait3A_319 = tpu.memref_squeeze %dma_wait3A_318 : memref<1x200x64xf32, #tpu.memory_space<vmem>> -> memref<200x64xf32, #tpu.memory_space<vmem>>
        %dma_wait3A_320 = tpu.memref_slice %arg7[%mul3A_218] : memref<20000xi32, #tpu.memory_space<vmem>> -> memref<200xi32, #tpu.memory_space<vmem>>
        %dma_wait3A_321 = arith.constant 0 : i32
        %dma_wait3A_322 = arith.constant 0 : i32
        %dma_wait3A_323 = tpu.memref_slice %arg9[%dma_wait3A_321, %dma_wait3A_322] : memref<10240x64xf32, #tpu.memory_space<vmem_shared>> -> memref<10240x64xf32, #tpu.memory_space<vmem_shared>>
        tpu.wait_indirect_dma semaphore(%run_scoped3A_307 : memref<!tpu.dma_semaphore, #tpu.memory_space<semaphore_mem>>) src(%dma_wait3A_319 : memref<200x64xf32, #tpu.memory_space<vmem>>) dst(%dma_wait3A_323 : memref<10240x64xf32, #tpu.memory_space<vmem_shared>>)
        tpu.yield
      }) : () -> ()
      %add3A_220 = arith.constant 3 : i32
      %add3A_221 = arith.addi %mul3A_132, %add3A_220 : i32
      %add3A_222 = arith.constant 2 : i32
      %add3A_223 = arith.addi %add3A_221, %add3A_222 : i32
      %mul3A_224 = arith.constant 200 : i32
      %mul3A_225 = arith.muli %add3A_223, %mul3A_224 : i32
      %dma_start3A_226 = arith.constant 2 : i32
      %dma_start3A_227 = arith.constant 0 : i32
      %dma_start3A_228 = arith.constant 0 : i32
      %dma_start3A_229 = tpu.memref_slice %arg8[%dma_start3A_226, %dma_start3A_227, %dma_start3A_228] : memref<3x200x64xf32, #tpu.memory_space<vmem>> -> memref<1x200x64xf32, #tpu.memory_space<vmem>>
      %dma_start3A_230 = tpu.memref_squeeze %dma_start3A_229 : memref<1x200x64xf32, #tpu.memory_space<vmem>> -> memref<200x64xf32, #tpu.memory_space<vmem>>
      %dma_start3A_231 = tpu.memref_slice %arg6[%mul3A_225] : memref<20000xi32, #tpu.memory_space<vmem>> -> memref<200xi32, #tpu.memory_space<vmem>>
      %dma_start3A_232 = arith.constant 0 : i32
      %dma_start3A_233 = arith.constant 0 : i32
      %dma_start3A_234 = tpu.memref_slice %arg4[%dma_start3A_232, %dma_start3A_233] : memref<20000x64xf32, #tpu.memory_space<hbm>> -> memref<20000x64xf32, #tpu.memory_space<hbm>>
      tpu.enqueue_indirect_dma source(%dma_start3A_234 : memref<20000x64xf32, #tpu.memory_space<hbm>>) target(%dma_start3A_230 : memref<200x64xf32, #tpu.memory_space<vmem>>) offsets(%dma_start3A_231 : memref<200xi32, #tpu.memory_space<vmem>>) semaphore(%arg12 : memref<!tpu.dma_semaphore, #tpu.memory_space<semaphore_mem>>)
      %mul3A_235 = arith.constant 200 : i32
      %mul3A_236 = arith.muli %add3A_221, %mul3A_235 : i32
      %dma_wait3A_237 = arith.constant 0 : i32
      %dma_wait3A_238 = arith.constant 0 : i32
      %dma_wait3A_239 = arith.constant 0 : i32
      %dma_wait3A_240 = tpu.memref_slice %arg8[%dma_wait3A_237, %dma_wait3A_238, %dma_wait3A_239] : memref<3x200x64xf32, #tpu.memory_space<vmem>> -> memref<1x200x64xf32, #tpu.memory_space<vmem>>
      %dma_wait3A_241 = tpu.memref_squeeze %dma_wait3A_240 : memref<1x200x64xf32, #tpu.memory_space<vmem>> -> memref<200x64xf32, #tpu.memory_space<vmem>>
      %dma_wait3A_242 = tpu.memref_slice %arg6[%mul3A_236] : memref<20000xi32, #tpu.memory_space<vmem>> -> memref<200xi32, #tpu.memory_space<vmem>>
      %dma_wait3A_243 = arith.constant 0 : i32
      %dma_wait3A_244 = arith.constant 0 : i32
      %dma_wait3A_245 = tpu.memref_slice %arg4[%dma_wait3A_243, %dma_wait3A_244] : memref<20000x64xf32, #tpu.memory_space<hbm>> -> memref<20000x64xf32, #tpu.memory_space<hbm>>
      tpu.wait_indirect_dma semaphore(%arg10 : memref<!tpu.dma_semaphore, #tpu.memory_space<semaphore_mem>>) src(%dma_wait3A_245 : memref<20000x64xf32, #tpu.memory_space<hbm>>) dst(%dma_wait3A_241 : memref<200x64xf32, #tpu.memory_space<vmem>>)
      %mul3A_246 = arith.constant 200 : i32
      %mul3A_247 = arith.muli %add3A_221, %mul3A_246 : i32
      %run_scoped3A_248 = arith.constant 0 : i32
      "tpu.region"() ({
        %run_scoped3A_307 = tpu.sem_alloc : memref<!tpu.dma_semaphore, #tpu.memory_space<semaphore_mem>>
        %dma_start3A_308 = arith.constant 0 : i32
        %dma_start3A_309 = arith.constant 0 : i32
        %dma_start3A_310 = tpu.memref_slice %arg8[%run_scoped3A_248, %dma_start3A_308, %dma_start3A_309] : memref<3x200x64xf32, #tpu.memory_space<vmem>> -> memref<1x200x64xf32, #tpu.memory_space<vmem>>
        %dma_start3A_311 = tpu.memref_squeeze %dma_start3A_310 : memref<1x200x64xf32, #tpu.memory_space<vmem>> -> memref<200x64xf32, #tpu.memory_space<vmem>>
        %dma_start3A_312 = tpu.memref_slice %arg7[%mul3A_247] : memref<20000xi32, #tpu.memory_space<vmem>> -> memref<200xi32, #tpu.memory_space<vmem>>
        %dma_start3A_313 = arith.constant 0 : i32
        %dma_start3A_314 = arith.constant 0 : i32
        %dma_start3A_315 = tpu.memref_slice %arg9[%dma_start3A_313, %dma_start3A_314] : memref<10240x64xf32, #tpu.memory_space<vmem_shared>> -> memref<10240x64xf32, #tpu.memory_space<vmem_shared>>
        tpu.enqueue_indirect_dma source(%dma_start3A_311 : memref<200x64xf32, #tpu.memory_space<vmem>>) target(%dma_start3A_315 : memref<10240x64xf32, #tpu.memory_space<vmem_shared>>) offsets(%dma_start3A_312 : memref<200xi32, #tpu.memory_space<vmem>>) semaphore(%run_scoped3A_307 : memref<!tpu.dma_semaphore, #tpu.memory_space<semaphore_mem>>) {add = true}
        %dma_wait3A_316 = arith.constant 0 : i32
        %dma_wait3A_317 = arith.constant 0 : i32
        %dma_wait3A_318 = tpu.memref_slice %arg8[%run_scoped3A_248, %dma_wait3A_316, %dma_wait3A_317] : memref<3x200x64xf32, #tpu.memory_space<vmem>> -> memref<1x200x64xf32, #tpu.memory_space<vmem>>
        %dma_wait3A_319 = tpu.memref_squeeze %dma_wait3A_318 : memref<1x200x64xf32, #tpu.memory_space<vmem>> -> memref<200x64xf32, #tpu.memory_space<vmem>>
        %dma_wait3A_320 = tpu.memref_slice %arg7[%mul3A_247] : memref<20000xi32, #tpu.memory_space<vmem>> -> memref<200xi32, #tpu.memory_space<vmem>>
        %dma_wait3A_321 = arith.constant 0 : i32
        %dma_wait3A_322 = arith.constant 0 : i32
        %dma_wait3A_323 = tpu.memref_slice %arg9[%dma_wait3A_321, %dma_wait3A_322] : memref<10240x64xf32, #tpu.memory_space<vmem_shared>> -> memref<10240x64xf32, #tpu.memory_space<vmem_shared>>
        tpu.wait_indirect_dma semaphore(%run_scoped3A_307 : memref<!tpu.dma_semaphore, #tpu.memory_space<semaphore_mem>>) src(%dma_wait3A_319 : memref<200x64xf32, #tpu.memory_space<vmem>>) dst(%dma_wait3A_323 : memref<10240x64xf32, #tpu.memory_space<vmem_shared>>)
        tpu.yield
      }) : () -> ()
      %add3A_249 = arith.constant 4 : i32
      %add3A_250 = arith.addi %mul3A_132, %add3A_249 : i32
      %add3A_251 = arith.constant 2 : i32
      %add3A_252 = arith.addi %add3A_250, %add3A_251 : i32
      %mul3A_253 = arith.constant 200 : i32
      %mul3A_254 = arith.muli %add3A_252, %mul3A_253 : i32
      %dma_start3A_255 = arith.constant 0 : i32
      %dma_start3A_256 = arith.constant 0 : i32
      %dma_start3A_257 = arith.constant 0 : i32
      %dma_start3A_258 = tpu.memref_slice %arg8[%dma_start3A_255, %dma_start3A_256, %dma_start3A_257] : memref<3x200x64xf32, #tpu.memory_space<vmem>> -> memref<1x200x64xf32, #tpu.memory_space<vmem>>
      %dma_start3A_259 = tpu.memref_squeeze %dma_start3A_258 : memref<1x200x64xf32, #tpu.memory_space<vmem>> -> memref<200x64xf32, #tpu.memory_space<vmem>>
      %dma_start3A_260 = tpu.memref_slice %arg6[%mul3A_254] : memref<20000xi32, #tpu.memory_space<vmem>> -> memref<200xi32, #tpu.memory_space<vmem>>
      %dma_start3A_261 = arith.constant 0 : i32
      %dma_start3A_262 = arith.constant 0 : i32
      %dma_start3A_263 = tpu.memref_slice %arg4[%dma_start3A_261, %dma_start3A_262] : memref<20000x64xf32, #tpu.memory_space<hbm>> -> memref<20000x64xf32, #tpu.memory_space<hbm>>
      tpu.enqueue_indirect_dma source(%dma_start3A_263 : memref<20000x64xf32, #tpu.memory_space<hbm>>) target(%dma_start3A_259 : memref<200x64xf32, #tpu.memory_space<vmem>>) offsets(%dma_start3A_260 : memref<200xi32, #tpu.memory_space<vmem>>) semaphore(%arg10 : memref<!tpu.dma_semaphore, #tpu.memory_space<semaphore_mem>>)
      %mul3A_264 = arith.constant 200 : i32
      %mul3A_265 = arith.muli %add3A_250, %mul3A_264 : i32
      %dma_wait3A_266 = arith.constant 1 : i32
      %dma_wait3A_267 = arith.constant 0 : i32
      %dma_wait3A_268 = arith.constant 0 : i32
      %dma_wait3A_269 = tpu.memref_slice %arg8[%dma_wait3A_266, %dma_wait3A_267, %dma_wait3A_268] : memref<3x200x64xf32, #tpu.memory_space<vmem>> -> memref<1x200x64xf32, #tpu.memory_space<vmem>>
      %dma_wait3A_270 = tpu.memref_squeeze %dma_wait3A_269 : memref<1x200x64xf32, #tpu.memory_space<vmem>> -> memref<200x64xf32, #tpu.memory_space<vmem>>
      %dma_wait3A_271 = tpu.memref_slice %arg6[%mul3A_265] : memref<20000xi32, #tpu.memory_space<vmem>> -> memref<200xi32, #tpu.memory_space<vmem>>
      %dma_wait3A_272 = arith.constant 0 : i32
      %dma_wait3A_273 = arith.constant 0 : i32
      %dma_wait3A_274 = tpu.memref_slice %arg4[%dma_wait3A_272, %dma_wait3A_273] : memref<20000x64xf32, #tpu.memory_space<hbm>> -> memref<20000x64xf32, #tpu.memory_space<hbm>>
      tpu.wait_indirect_dma semaphore(%arg11 : memref<!tpu.dma_semaphore, #tpu.memory_space<semaphore_mem>>) src(%dma_wait3A_274 : memref<20000x64xf32, #tpu.memory_space<hbm>>) dst(%dma_wait3A_270 : memref<200x64xf32, #tpu.memory_space<vmem>>)
      %mul3A_275 = arith.constant 200 : i32
      %mul3A_276 = arith.muli %add3A_250, %mul3A_275 : i32
      %run_scoped3A_277 = arith.constant 1 : i32
      "tpu.region"() ({
        %run_scoped3A_307 = tpu.sem_alloc : memref<!tpu.dma_semaphore, #tpu.memory_space<semaphore_mem>>
        %dma_start3A_308 = arith.constant 0 : i32
        %dma_start3A_309 = arith.constant 0 : i32
        %dma_start3A_310 = tpu.memref_slice %arg8[%run_scoped3A_277, %dma_start3A_308, %dma_start3A_309] : memref<3x200x64xf32, #tpu.memory_space<vmem>> -> memref<1x200x64xf32, #tpu.memory_space<vmem>>
        %dma_start3A_311 = tpu.memref_squeeze %dma_start3A_310 : memref<1x200x64xf32, #tpu.memory_space<vmem>> -> memref<200x64xf32, #tpu.memory_space<vmem>>
        %dma_start3A_312 = tpu.memref_slice %arg7[%mul3A_276] : memref<20000xi32, #tpu.memory_space<vmem>> -> memref<200xi32, #tpu.memory_space<vmem>>
        %dma_start3A_313 = arith.constant 0 : i32
        %dma_start3A_314 = arith.constant 0 : i32
        %dma_start3A_315 = tpu.memref_slice %arg9[%dma_start3A_313, %dma_start3A_314] : memref<10240x64xf32, #tpu.memory_space<vmem_shared>> -> memref<10240x64xf32, #tpu.memory_space<vmem_shared>>
        tpu.enqueue_indirect_dma source(%dma_start3A_311 : memref<200x64xf32, #tpu.memory_space<vmem>>) target(%dma_start3A_315 : memref<10240x64xf32, #tpu.memory_space<vmem_shared>>) offsets(%dma_start3A_312 : memref<200xi32, #tpu.memory_space<vmem>>) semaphore(%run_scoped3A_307 : memref<!tpu.dma_semaphore, #tpu.memory_space<semaphore_mem>>) {add = true}
        %dma_wait3A_316 = arith.constant 0 : i32
        %dma_wait3A_317 = arith.constant 0 : i32
        %dma_wait3A_318 = tpu.memref_slice %arg8[%run_scoped3A_277, %dma_wait3A_316, %dma_wait3A_317] : memref<3x200x64xf32, #tpu.memory_space<vmem>> -> memref<1x200x64xf32, #tpu.memory_space<vmem>>
        %dma_wait3A_319 = tpu.memref_squeeze %dma_wait3A_318 : memref<1x200x64xf32, #tpu.memory_space<vmem>> -> memref<200x64xf32, #tpu.memory_space<vmem>>
        %dma_wait3A_320 = tpu.memref_slice %arg7[%mul3A_276] : memref<20000xi32, #tpu.memory_space<vmem>> -> memref<200xi32, #tpu.memory_space<vmem>>
        %dma_wait3A_321 = arith.constant 0 : i32
        %dma_wait3A_322 = arith.constant 0 : i32
        %dma_wait3A_323 = tpu.memref_slice %arg9[%dma_wait3A_321, %dma_wait3A_322] : memref<10240x64xf32, #tpu.memory_space<vmem_shared>> -> memref<10240x64xf32, #tpu.memory_space<vmem_shared>>
        tpu.wait_indirect_dma semaphore(%run_scoped3A_307 : memref<!tpu.dma_semaphore, #tpu.memory_space<semaphore_mem>>) src(%dma_wait3A_319 : memref<200x64xf32, #tpu.memory_space<vmem>>) dst(%dma_wait3A_323 : memref<10240x64xf32, #tpu.memory_space<vmem_shared>>)
        tpu.yield
      }) : () -> ()
      %add3A_278 = arith.constant 5 : i32
      %add3A_279 = arith.addi %mul3A_132, %add3A_278 : i32
      %add3A_280 = arith.constant 2 : i32
      %add3A_281 = arith.addi %add3A_279, %add3A_280 : i32
      %mul3A_282 = arith.constant 200 : i32
      %mul3A_283 = arith.muli %add3A_281, %mul3A_282 : i32
      %dma_start3A_284 = arith.constant 1 : i32
      %dma_start3A_285 = arith.constant 0 : i32
      %dma_start3A_286 = arith.constant 0 : i32
      %dma_start3A_287 = tpu.memref_slice %arg8[%dma_start3A_284, %dma_start3A_285, %dma_start3A_286] : memref<3x200x64xf32, #tpu.memory_space<vmem>> -> memref<1x200x64xf32, #tpu.memory_space<vmem>>
      %dma_start3A_288 = tpu.memref_squeeze %dma_start3A_287 : memref<1x200x64xf32, #tpu.memory_space<vmem>> -> memref<200x64xf32, #tpu.memory_space<vmem>>
      %dma_start3A_289 = tpu.memref_slice %arg6[%mul3A_283] : memref<20000xi32, #tpu.memory_space<vmem>> -> memref<200xi32, #tpu.memory_space<vmem>>
      %dma_start3A_290 = arith.constant 0 : i32
      %dma_start3A_291 = arith.constant 0 : i32
      %dma_start3A_292 = tpu.memref_slice %arg4[%dma_start3A_290, %dma_start3A_291] : memref<20000x64xf32, #tpu.memory_space<hbm>> -> memref<20000x64xf32, #tpu.memory_space<hbm>>
      tpu.enqueue_indirect_dma source(%dma_start3A_292 : memref<20000x64xf32, #tpu.memory_space<hbm>>) target(%dma_start3A_288 : memref<200x64xf32, #tpu.memory_space<vmem>>) offsets(%dma_start3A_289 : memref<200xi32, #tpu.memory_space<vmem>>) semaphore(%arg11 : memref<!tpu.dma_semaphore, #tpu.memory_space<semaphore_mem>>)
      %mul3A_293 = arith.constant 200 : i32
      %mul3A_294 = arith.muli %add3A_279, %mul3A_293 : i32
      %dma_wait3A_295 = arith.constant 2 : i32
      %dma_wait3A_296 = arith.constant 0 : i32
      %dma_wait3A_297 = arith.constant 0 : i32
      %dma_wait3A_298 = tpu.memref_slice %arg8[%dma_wait3A_295, %dma_wait3A_296, %dma_wait3A_297] : memref<3x200x64xf32, #tpu.memory_space<vmem>> -> memref<1x200x64xf32, #tpu.memory_space<vmem>>
      %dma_wait3A_299 = tpu.memref_squeeze %dma_wait3A_298 : memref<1x200x64xf32, #tpu.memory_space<vmem>> -> memref<200x64xf32, #tpu.memory_space<vmem>>
      %dma_wait3A_300 = tpu.memref_slice %arg6[%mul3A_294] : memref<20000xi32, #tpu.memory_space<vmem>> -> memref<200xi32, #tpu.memory_space<vmem>>
      %dma_wait3A_301 = arith.constant 0 : i32
      %dma_wait3A_302 = arith.constant 0 : i32
      %dma_wait3A_303 = tpu.memref_slice %arg4[%dma_wait3A_301, %dma_wait3A_302] : memref<20000x64xf32, #tpu.memory_space<hbm>> -> memref<20000x64xf32, #tpu.memory_space<hbm>>
      tpu.wait_indirect_dma semaphore(%arg12 : memref<!tpu.dma_semaphore, #tpu.memory_space<semaphore_mem>>) src(%dma_wait3A_303 : memref<20000x64xf32, #tpu.memory_space<hbm>>) dst(%dma_wait3A_299 : memref<200x64xf32, #tpu.memory_space<vmem>>)
      %mul3A_304 = arith.constant 200 : i32
      %mul3A_305 = arith.muli %add3A_279, %mul3A_304 : i32
      %run_scoped3A_306 = arith.constant 2 : i32
      "tpu.region"() ({
        %run_scoped3A_307 = tpu.sem_alloc : memref<!tpu.dma_semaphore, #tpu.memory_space<semaphore_mem>>
        %dma_start3A_308 = arith.constant 0 : i32
        %dma_start3A_309 = arith.constant 0 : i32
        %dma_start3A_310 = tpu.memref_slice %arg8[%run_scoped3A_306, %dma_start3A_308, %dma_start3A_309] : memref<3x200x64xf32, #tpu.memory_space<vmem>> -> memref<1x200x64xf32, #tpu.memory_space<vmem>>
        %dma_start3A_311 = tpu.memref_squeeze %dma_start3A_310 : memref<1x200x64xf32, #tpu.memory_space<vmem>> -> memref<200x64xf32, #tpu.memory_space<vmem>>
        %dma_start3A_312 = tpu.memref_slice %arg7[%mul3A_305] : memref<20000xi32, #tpu.memory_space<vmem>> -> memref<200xi32, #tpu.memory_space<vmem>>
        %dma_start3A_313 = arith.constant 0 : i32
        %dma_start3A_314 = arith.constant 0 : i32
        %dma_start3A_315 = tpu.memref_slice %arg9[%dma_start3A_313, %dma_start3A_314] : memref<10240x64xf32, #tpu.memory_space<vmem_shared>> -> memref<10240x64xf32, #tpu.memory_space<vmem_shared>>
        tpu.enqueue_indirect_dma source(%dma_start3A_311 : memref<200x64xf32, #tpu.memory_space<vmem>>) target(%dma_start3A_315 : memref<10240x64xf32, #tpu.memory_space<vmem_shared>>) offsets(%dma_start3A_312 : memref<200xi32, #tpu.memory_space<vmem>>) semaphore(%run_scoped3A_307 : memref<!tpu.dma_semaphore, #tpu.memory_space<semaphore_mem>>) {add = true}
        %dma_wait3A_316 = arith.constant 0 : i32
        %dma_wait3A_317 = arith.constant 0 : i32
        %dma_wait3A_318 = tpu.memref_slice %arg8[%run_scoped3A_306, %dma_wait3A_316, %dma_wait3A_317] : memref<3x200x64xf32, #tpu.memory_space<vmem>> -> memref<1x200x64xf32, #tpu.memory_space<vmem>>
        %dma_wait3A_319 = tpu.memref_squeeze %dma_wait3A_318 : memref<1x200x64xf32, #tpu.memory_space<vmem>> -> memref<200x64xf32, #tpu.memory_space<vmem>>
        %dma_wait3A_320 = tpu.memref_slice %arg7[%mul3A_305] : memref<20000xi32, #tpu.memory_space<vmem>> -> memref<200xi32, #tpu.memory_space<vmem>>
        %dma_wait3A_321 = arith.constant 0 : i32
        %dma_wait3A_322 = arith.constant 0 : i32
        %dma_wait3A_323 = tpu.memref_slice %arg9[%dma_wait3A_321, %dma_wait3A_322] : memref<10240x64xf32, #tpu.memory_space<vmem_shared>> -> memref<10240x64xf32, #tpu.memory_space<vmem_shared>>
        tpu.wait_indirect_dma semaphore(%run_scoped3A_307 : memref<!tpu.dma_semaphore, #tpu.memory_space<semaphore_mem>>) src(%dma_wait3A_319 : memref<200x64xf32, #tpu.memory_space<vmem>>) dst(%dma_wait3A_323 : memref<10240x64xf32, #tpu.memory_space<vmem_shared>>)
        tpu.yield
      }) : () -> ()
    }
    %scan3A_59 = arith.constant 16 : i32
    %dma_start3A_60 = arith.constant 2 : i32
    %dma_start3A_61 = arith.constant 0 : i32
    %dma_start3A_62 = arith.constant 0 : i32
    %dma_start3A_63 = tpu.memref_slice %arg8[%dma_start3A_60, %dma_start3A_61, %dma_start3A_62] : memref<3x200x64xf32, #tpu.memory_space<vmem>> -> memref<1x200x64xf32, #tpu.memory_space<vmem>>
    %dma_start3A_64 = tpu.memref_squeeze %dma_start3A_63 : memref<1x200x64xf32, #tpu.memory_space<vmem>> -> memref<200x64xf32, #tpu.memory_space<vmem>>
    %dma_start3A_65 = arith.constant 19600 : i32
    %dma_start3A_66 = tpu.memref_slice %arg6[%dma_start3A_65] : memref<20000xi32, #tpu.memory_space<vmem>> -> memref<200xi32, #tpu.memory_space<vmem>>
    %dma_start3A_67 = arith.constant 0 : i32
    %dma_start3A_68 = arith.constant 0 : i32
    %dma_start3A_69 = tpu.memref_slice %arg4[%dma_start3A_67, %dma_start3A_68] : memref<20000x64xf32, #tpu.memory_space<hbm>> -> memref<20000x64xf32, #tpu.memory_space<hbm>>
    tpu.enqueue_indirect_dma source(%dma_start3A_69 : memref<20000x64xf32, #tpu.memory_space<hbm>>) target(%dma_start3A_64 : memref<200x64xf32, #tpu.memory_space<vmem>>) offsets(%dma_start3A_66 : memref<200xi32, #tpu.memory_space<vmem>>) semaphore(%arg12 : memref<!tpu.dma_semaphore, #tpu.memory_space<semaphore_mem>>)
    %dma_wait3A = arith.constant 0 : i32
    %dma_wait3A_70 = arith.constant 0 : i32
    %dma_wait3A_71 = arith.constant 0 : i32
    %dma_wait3A_72 = tpu.memref_slice %arg8[%dma_wait3A, %dma_wait3A_70, %dma_wait3A_71] : memref<3x200x64xf32, #tpu.memory_space<vmem>> -> memref<1x200x64xf32, #tpu.memory_space<vmem>>
    %dma_wait3A_73 = tpu.memref_squeeze %dma_wait3A_72 : memref<1x200x64xf32, #tpu.memory_space<vmem>> -> memref<200x64xf32, #tpu.memory_space<vmem>>
    %dma_wait3A_74 = arith.constant 19200 : i32
    %dma_wait3A_75 = tpu.memref_slice %arg6[%dma_wait3A_74] : memref<20000xi32, #tpu.memory_space<vmem>> -> memref<200xi32, #tpu.memory_space<vmem>>
    %dma_wait3A_76 = arith.constant 0 : i32
    %dma_wait3A_77 = arith.constant 0 : i32
    %dma_wait3A_78 = tpu.memref_slice %arg4[%dma_wait3A_76, %dma_wait3A_77] : memref<20000x64xf32, #tpu.memory_space<hbm>> -> memref<20000x64xf32, #tpu.memory_space<hbm>>
    tpu.wait_indirect_dma semaphore(%arg10 : memref<!tpu.dma_semaphore, #tpu.memory_space<semaphore_mem>>) src(%dma_wait3A_78 : memref<20000x64xf32, #tpu.memory_space<hbm>>) dst(%dma_wait3A_73 : memref<200x64xf32, #tpu.memory_space<vmem>>)
    %run_scoped3A_79 = arith.constant 0 : i32
    "tpu.region"() ({
      %run_scoped3A_130 = tpu.sem_alloc : memref<!tpu.dma_semaphore, #tpu.memory_space<semaphore_mem>>
      %dma_start3A_131 = arith.constant 0 : i32
      %dma_start3A_132 = arith.constant 0 : i32
      %dma_start3A_133 = tpu.memref_slice %arg8[%run_scoped3A_79, %dma_start3A_131, %dma_start3A_132] : memref<3x200x64xf32, #tpu.memory_space<vmem>> -> memref<1x200x64xf32, #tpu.memory_space<vmem>>
      %dma_start3A_134 = tpu.memref_squeeze %dma_start3A_133 : memref<1x200x64xf32, #tpu.memory_space<vmem>> -> memref<200x64xf32, #tpu.memory_space<vmem>>
      %dma_start3A_135 = arith.constant 19200 : i32
      %dma_start3A_136 = tpu.memref_slice %arg7[%dma_start3A_135] : memref<20000xi32, #tpu.memory_space<vmem>> -> memref<200xi32, #tpu.memory_space<vmem>>
      %dma_start3A_137 = arith.constant 0 : i32
      %dma_start3A_138 = arith.constant 0 : i32
      %dma_start3A_139 = tpu.memref_slice %arg9[%dma_start3A_137, %dma_start3A_138] : memref<10240x64xf32, #tpu.memory_space<vmem_shared>> -> memref<10240x64xf32, #tpu.memory_space<vmem_shared>>
      tpu.enqueue_indirect_dma source(%dma_start3A_134 : memref<200x64xf32, #tpu.memory_space<vmem>>) target(%dma_start3A_139 : memref<10240x64xf32, #tpu.memory_space<vmem_shared>>) offsets(%dma_start3A_136 : memref<200xi32, #tpu.memory_space<vmem>>) semaphore(%run_scoped3A_130 : memref<!tpu.dma_semaphore, #tpu.memory_space<semaphore_mem>>) {add = true}
      %dma_wait3A_140 = arith.constant 0 : i32
      %dma_wait3A_141 = arith.constant 0 : i32
      %dma_wait3A_142 = tpu.memref_slice %arg8[%run_scoped3A_79, %dma_wait3A_140, %dma_wait3A_141] : memref<3x200x64xf32, #tpu.memory_space<vmem>> -> memref<1x200x64xf32, #tpu.memory_space<vmem>>
      %dma_wait3A_143 = tpu.memref_squeeze %dma_wait3A_142 : memref<1x200x64xf32, #tpu.memory_space<vmem>> -> memref<200x64xf32, #tpu.memory_space<vmem>>
      %dma_wait3A_144 = arith.constant 19200 : i32
      %dma_wait3A_145 = tpu.memref_slice %arg7[%dma_wait3A_144] : memref<20000xi32, #tpu.memory_space<vmem>> -> memref<200xi32, #tpu.memory_space<vmem>>
      %dma_wait3A_146 = arith.constant 0 : i32
      %dma_wait3A_147 = arith.constant 0 : i32
      %dma_wait3A_148 = tpu.memref_slice %arg9[%dma_wait3A_146, %dma_wait3A_147] : memref<10240x64xf32, #tpu.memory_space<vmem_shared>> -> memref<10240x64xf32, #tpu.memory_space<vmem_shared>>
      tpu.wait_indirect_dma semaphore(%run_scoped3A_130 : memref<!tpu.dma_semaphore, #tpu.memory_space<semaphore_mem>>) src(%dma_wait3A_143 : memref<200x64xf32, #tpu.memory_space<vmem>>) dst(%dma_wait3A_148 : memref<10240x64xf32, #tpu.memory_space<vmem_shared>>)
      tpu.yield
    }) : () -> ()
    %dma_start3A_80 = arith.constant 0 : i32
    %dma_start3A_81 = arith.constant 0 : i32
    %dma_start3A_82 = arith.constant 0 : i32
    %dma_start3A_83 = tpu.memref_slice %arg8[%dma_start3A_80, %dma_start3A_81, %dma_start3A_82] : memref<3x200x64xf32, #tpu.memory_space<vmem>> -> memref<1x200x64xf32, #tpu.memory_space<vmem>>
    %dma_start3A_84 = tpu.memref_squeeze %dma_start3A_83 : memref<1x200x64xf32, #tpu.memory_space<vmem>> -> memref<200x64xf32, #tpu.memory_space<vmem>>
    %dma_start3A_85 = arith.constant 19800 : i32
    %dma_start3A_86 = tpu.memref_slice %arg6[%dma_start3A_85] : memref<20000xi32, #tpu.memory_space<vmem>> -> memref<200xi32, #tpu.memory_space<vmem>>
    %dma_start3A_87 = arith.constant 0 : i32
    %dma_start3A_88 = arith.constant 0 : i32
    %dma_start3A_89 = tpu.memref_slice %arg4[%dma_start3A_87, %dma_start3A_88] : memref<20000x64xf32, #tpu.memory_space<hbm>> -> memref<20000x64xf32, #tpu.memory_space<hbm>>
    tpu.enqueue_indirect_dma source(%dma_start3A_89 : memref<20000x64xf32, #tpu.memory_space<hbm>>) target(%dma_start3A_84 : memref<200x64xf32, #tpu.memory_space<vmem>>) offsets(%dma_start3A_86 : memref<200xi32, #tpu.memory_space<vmem>>) semaphore(%arg10 : memref<!tpu.dma_semaphore, #tpu.memory_space<semaphore_mem>>)
    %dma_wait3A_90 = arith.constant 1 : i32
    %dma_wait3A_91 = arith.constant 0 : i32
    %dma_wait3A_92 = arith.constant 0 : i32
    %dma_wait3A_93 = tpu.memref_slice %arg8[%dma_wait3A_90, %dma_wait3A_91, %dma_wait3A_92] : memref<3x200x64xf32, #tpu.memory_space<vmem>> -> memref<1x200x64xf32, #tpu.memory_space<vmem>>
    %dma_wait3A_94 = tpu.memref_squeeze %dma_wait3A_93 : memref<1x200x64xf32, #tpu.memory_space<vmem>> -> memref<200x64xf32, #tpu.memory_space<vmem>>
    %dma_wait3A_95 = arith.constant 19400 : i32
    %dma_wait3A_96 = tpu.memref_slice %arg6[%dma_wait3A_95] : memref<20000xi32, #tpu.memory_space<vmem>> -> memref<200xi32, #tpu.memory_space<vmem>>
    %dma_wait3A_97 = arith.constant 0 : i32
    %dma_wait3A_98 = arith.constant 0 : i32
    %dma_wait3A_99 = tpu.memref_slice %arg4[%dma_wait3A_97, %dma_wait3A_98] : memref<20000x64xf32, #tpu.memory_space<hbm>> -> memref<20000x64xf32, #tpu.memory_space<hbm>>
    tpu.wait_indirect_dma semaphore(%arg11 : memref<!tpu.dma_semaphore, #tpu.memory_space<semaphore_mem>>) src(%dma_wait3A_99 : memref<20000x64xf32, #tpu.memory_space<hbm>>) dst(%dma_wait3A_94 : memref<200x64xf32, #tpu.memory_space<vmem>>)
    %run_scoped3A_100 = arith.constant 1 : i32
    "tpu.region"() ({
      %run_scoped3A_130 = tpu.sem_alloc : memref<!tpu.dma_semaphore, #tpu.memory_space<semaphore_mem>>
      %dma_start3A_131 = arith.constant 0 : i32
      %dma_start3A_132 = arith.constant 0 : i32
      %dma_start3A_133 = tpu.memref_slice %arg8[%run_scoped3A_100, %dma_start3A_131, %dma_start3A_132] : memref<3x200x64xf32, #tpu.memory_space<vmem>> -> memref<1x200x64xf32, #tpu.memory_space<vmem>>
      %dma_start3A_134 = tpu.memref_squeeze %dma_start3A_133 : memref<1x200x64xf32, #tpu.memory_space<vmem>> -> memref<200x64xf32, #tpu.memory_space<vmem>>
      %dma_start3A_135 = arith.constant 19400 : i32
      %dma_start3A_136 = tpu.memref_slice %arg7[%dma_start3A_135] : memref<20000xi32, #tpu.memory_space<vmem>> -> memref<200xi32, #tpu.memory_space<vmem>>
      %dma_start3A_137 = arith.constant 0 : i32
      %dma_start3A_138 = arith.constant 0 : i32
      %dma_start3A_139 = tpu.memref_slice %arg9[%dma_start3A_137, %dma_start3A_138] : memref<10240x64xf32, #tpu.memory_space<vmem_shared>> -> memref<10240x64xf32, #tpu.memory_space<vmem_shared>>
      tpu.enqueue_indirect_dma source(%dma_start3A_134 : memref<200x64xf32, #tpu.memory_space<vmem>>) target(%dma_start3A_139 : memref<10240x64xf32, #tpu.memory_space<vmem_shared>>) offsets(%dma_start3A_136 : memref<200xi32, #tpu.memory_space<vmem>>) semaphore(%run_scoped3A_130 : memref<!tpu.dma_semaphore, #tpu.memory_space<semaphore_mem>>) {add = true}
      %dma_wait3A_140 = arith.constant 0 : i32
      %dma_wait3A_141 = arith.constant 0 : i32
      %dma_wait3A_142 = tpu.memref_slice %arg8[%run_scoped3A_100, %dma_wait3A_140, %dma_wait3A_141] : memref<3x200x64xf32, #tpu.memory_space<vmem>> -> memref<1x200x64xf32, #tpu.memory_space<vmem>>
      %dma_wait3A_143 = tpu.memref_squeeze %dma_wait3A_142 : memref<1x200x64xf32, #tpu.memory_space<vmem>> -> memref<200x64xf32, #tpu.memory_space<vmem>>
      %dma_wait3A_144 = arith.constant 19400 : i32
      %dma_wait3A_145 = tpu.memref_slice %arg7[%dma_wait3A_144] : memref<20000xi32, #tpu.memory_space<vmem>> -> memref<200xi32, #tpu.memory_space<vmem>>
      %dma_wait3A_146 = arith.constant 0 : i32
      %dma_wait3A_147 = arith.constant 0 : i32
      %dma_wait3A_148 = tpu.memref_slice %arg9[%dma_wait3A_146, %dma_wait3A_147] : memref<10240x64xf32, #tpu.memory_space<vmem_shared>> -> memref<10240x64xf32, #tpu.memory_space<vmem_shared>>
      tpu.wait_indirect_dma semaphore(%run_scoped3A_130 : memref<!tpu.dma_semaphore, #tpu.memory_space<semaphore_mem>>) src(%dma_wait3A_143 : memref<200x64xf32, #tpu.memory_space<vmem>>) dst(%dma_wait3A_148 : memref<10240x64xf32, #tpu.memory_space<vmem_shared>>)
      tpu.yield
    }) : () -> ()
    %dma_wait3A_101 = arith.constant 2 : i32
    %dma_wait3A_102 = arith.constant 0 : i32
    %dma_wait3A_103 = arith.constant 0 : i32
    %dma_wait3A_104 = tpu.memref_slice %arg8[%dma_wait3A_101, %dma_wait3A_102, %dma_wait3A_103] : memref<3x200x64xf32, #tpu.memory_space<vmem>> -> memref<1x200x64xf32, #tpu.memory_space<vmem>>
    %dma_wait3A_105 = tpu.memref_squeeze %dma_wait3A_104 : memref<1x200x64xf32, #tpu.memory_space<vmem>> -> memref<200x64xf32, #tpu.memory_space<vmem>>
    %dma_wait3A_106 = arith.constant 19600 : i32
    %dma_wait3A_107 = tpu.memref_slice %arg6[%dma_wait3A_106] : memref<20000xi32, #tpu.memory_space<vmem>> -> memref<200xi32, #tpu.memory_space<vmem>>
    %dma_wait3A_108 = arith.constant 0 : i32
    %dma_wait3A_109 = arith.constant 0 : i32
    %dma_wait3A_110 = tpu.memref_slice %arg4[%dma_wait3A_108, %dma_wait3A_109] : memref<20000x64xf32, #tpu.memory_space<hbm>> -> memref<20000x64xf32, #tpu.memory_space<hbm>>
    tpu.wait_indirect_dma semaphore(%arg12 : memref<!tpu.dma_semaphore, #tpu.memory_space<semaphore_mem>>) src(%dma_wait3A_110 : memref<20000x64xf32, #tpu.memory_space<hbm>>) dst(%dma_wait3A_105 : memref<200x64xf32, #tpu.memory_space<vmem>>)
    %run_scoped3A_111 = arith.constant 2 : i32
    "tpu.region"() ({
      %run_scoped3A_130 = tpu.sem_alloc : memref<!tpu.dma_semaphore, #tpu.memory_space<semaphore_mem>>
      %dma_start3A_131 = arith.constant 0 : i32
      %dma_start3A_132 = arith.constant 0 : i32
      %dma_start3A_133 = tpu.memref_slice %arg8[%run_scoped3A_111, %dma_start3A_131, %dma_start3A_132] : memref<3x200x64xf32, #tpu.memory_space<vmem>> -> memref<1x200x64xf32, #tpu.memory_space<vmem>>
      %dma_start3A_134 = tpu.memref_squeeze %dma_start3A_133 : memref<1x200x64xf32, #tpu.memory_space<vmem>> -> memref<200x64xf32, #tpu.memory_space<vmem>>
      %dma_start3A_135 = arith.constant 19600 : i32
      %dma_start3A_136 = tpu.memref_slice %arg7[%dma_start3A_135] : memref<20000xi32, #tpu.memory_space<vmem>> -> memref<200xi32, #tpu.memory_space<vmem>>
      %dma_start3A_137 = arith.constant 0 : i32
      %dma_start3A_138 = arith.constant 0 : i32
      %dma_start3A_139 = tpu.memref_slice %arg9[%dma_start3A_137, %dma_start3A_138] : memref<10240x64xf32, #tpu.memory_space<vmem_shared>> -> memref<10240x64xf32, #tpu.memory_space<vmem_shared>>
      tpu.enqueue_indirect_dma source(%dma_start3A_134 : memref<200x64xf32, #tpu.memory_space<vmem>>) target(%dma_start3A_139 : memref<10240x64xf32, #tpu.memory_space<vmem_shared>>) offsets(%dma_start3A_136 : memref<200xi32, #tpu.memory_space<vmem>>) semaphore(%run_scoped3A_130 : memref<!tpu.dma_semaphore, #tpu.memory_space<semaphore_mem>>) {add = true}
      %dma_wait3A_140 = arith.constant 0 : i32
      %dma_wait3A_141 = arith.constant 0 : i32
      %dma_wait3A_142 = tpu.memref_slice %arg8[%run_scoped3A_111, %dma_wait3A_140, %dma_wait3A_141] : memref<3x200x64xf32, #tpu.memory_space<vmem>> -> memref<1x200x64xf32, #tpu.memory_space<vmem>>
      %dma_wait3A_143 = tpu.memref_squeeze %dma_wait3A_142 : memref<1x200x64xf32, #tpu.memory_space<vmem>> -> memref<200x64xf32, #tpu.memory_space<vmem>>
      %dma_wait3A_144 = arith.constant 19600 : i32
      %dma_wait3A_145 = tpu.memref_slice %arg7[%dma_wait3A_144] : memref<20000xi32, #tpu.memory_space<vmem>> -> memref<200xi32, #tpu.memory_space<vmem>>
      %dma_wait3A_146 = arith.constant 0 : i32
      %dma_wait3A_147 = arith.constant 0 : i32
      %dma_wait3A_148 = tpu.memref_slice %arg9[%dma_wait3A_146, %dma_wait3A_147] : memref<10240x64xf32, #tpu.memory_space<vmem_shared>> -> memref<10240x64xf32, #tpu.memory_space<vmem_shared>>
      tpu.wait_indirect_dma semaphore(%run_scoped3A_130 : memref<!tpu.dma_semaphore, #tpu.memory_space<semaphore_mem>>) src(%dma_wait3A_143 : memref<200x64xf32, #tpu.memory_space<vmem>>) dst(%dma_wait3A_148 : memref<10240x64xf32, #tpu.memory_space<vmem_shared>>)
      tpu.yield
    }) : () -> ()
    %dma_wait3A_112 = arith.constant 0 : i32
    %dma_wait3A_113 = arith.constant 0 : i32
    %dma_wait3A_114 = arith.constant 0 : i32
    %dma_wait3A_115 = tpu.memref_slice %arg8[%dma_wait3A_112, %dma_wait3A_113, %dma_wait3A_114] : memref<3x200x64xf32, #tpu.memory_space<vmem>> -> memref<1x200x64xf32, #tpu.memory_space<vmem>>
    %dma_wait3A_116 = tpu.memref_squeeze %dma_wait3A_115 : memref<1x200x64xf32, #tpu.memory_space<vmem>> -> memref<200x64xf32, #tpu.memory_space<vmem>>
    %dma_wait3A_117 = arith.constant 19800 : i32
    %dma_wait3A_118 = tpu.memref_slice %arg6[%dma_wait3A_117] : memref<20000xi32, #tpu.memory_space<vmem>> -> memref<200xi32, #tpu.memory_space<vmem>>
    %dma_wait3A_119 = arith.constant 0 : i32
    %dma_wait3A_120 = arith.constant 0 : i32
    %dma_wait3A_121 = tpu.memref_slice %arg4[%dma_wait3A_119, %dma_wait3A_120] : memref<20000x64xf32, #tpu.memory_space<hbm>> -> memref<20000x64xf32, #tpu.memory_space<hbm>>
    tpu.wait_indirect_dma semaphore(%arg10 : memref<!tpu.dma_semaphore, #tpu.memory_space<semaphore_mem>>) src(%dma_wait3A_121 : memref<20000x64xf32, #tpu.memory_space<hbm>>) dst(%dma_wait3A_116 : memref<200x64xf32, #tpu.memory_space<vmem>>)
    %run_scoped3A_122 = arith.constant 0 : i32
    "tpu.region"() ({
      %run_scoped3A_130 = tpu.sem_alloc : memref<!tpu.dma_semaphore, #tpu.memory_space<semaphore_mem>>
      %dma_start3A_131 = arith.constant 0 : i32
      %dma_start3A_132 = arith.constant 0 : i32
      %dma_start3A_133 = tpu.memref_slice %arg8[%run_scoped3A_122, %dma_start3A_131, %dma_start3A_132] : memref<3x200x64xf32, #tpu.memory_space<vmem>> -> memref<1x200x64xf32, #tpu.memory_space<vmem>>
      %dma_start3A_134 = tpu.memref_squeeze %dma_start3A_133 : memref<1x200x64xf32, #tpu.memory_space<vmem>> -> memref<200x64xf32, #tpu.memory_space<vmem>>
      %dma_start3A_135 = arith.constant 19800 : i32
      %dma_start3A_136 = tpu.memref_slice %arg7[%dma_start3A_135] : memref<20000xi32, #tpu.memory_space<vmem>> -> memref<200xi32, #tpu.memory_space<vmem>>
      %dma_start3A_137 = arith.constant 0 : i32
      %dma_start3A_138 = arith.constant 0 : i32
      %dma_start3A_139 = tpu.memref_slice %arg9[%dma_start3A_137, %dma_start3A_138] : memref<10240x64xf32, #tpu.memory_space<vmem_shared>> -> memref<10240x64xf32, #tpu.memory_space<vmem_shared>>
      tpu.enqueue_indirect_dma source(%dma_start3A_134 : memref<200x64xf32, #tpu.memory_space<vmem>>) target(%dma_start3A_139 : memref<10240x64xf32, #tpu.memory_space<vmem_shared>>) offsets(%dma_start3A_136 : memref<200xi32, #tpu.memory_space<vmem>>) semaphore(%run_scoped3A_130 : memref<!tpu.dma_semaphore, #tpu.memory_space<semaphore_mem>>) {add = true}
      %dma_wait3A_140 = arith.constant 0 : i32
      %dma_wait3A_141 = arith.constant 0 : i32
      %dma_wait3A_142 = tpu.memref_slice %arg8[%run_scoped3A_122, %dma_wait3A_140, %dma_wait3A_141] : memref<3x200x64xf32, #tpu.memory_space<vmem>> -> memref<1x200x64xf32, #tpu.memory_space<vmem>>
      %dma_wait3A_143 = tpu.memref_squeeze %dma_wait3A_142 : memref<1x200x64xf32, #tpu.memory_space<vmem>> -> memref<200x64xf32, #tpu.memory_space<vmem>>
      %dma_wait3A_144 = arith.constant 19800 : i32
      %dma_wait3A_145 = tpu.memref_slice %arg7[%dma_wait3A_144] : memref<20000xi32, #tpu.memory_space<vmem>> -> memref<200xi32, #tpu.memory_space<vmem>>
      %dma_wait3A_146 = arith.constant 0 : i32
      %dma_wait3A_147 = arith.constant 0 : i32
      %dma_wait3A_148 = tpu.memref_slice %arg9[%dma_wait3A_146, %dma_wait3A_147] : memref<10240x64xf32, #tpu.memory_space<vmem_shared>> -> memref<10240x64xf32, #tpu.memory_space<vmem_shared>>
      tpu.wait_indirect_dma semaphore(%run_scoped3A_130 : memref<!tpu.dma_semaphore, #tpu.memory_space<semaphore_mem>>) src(%dma_wait3A_143 : memref<200x64xf32, #tpu.memory_space<vmem>>) dst(%dma_wait3A_148 : memref<10240x64xf32, #tpu.memory_space<vmem_shared>>)
      tpu.yield
    }) : () -> ()
    %barrier3A_123 = arith.constant 0 : index
    tpu.barrier barrier_id(%barrier3A_123)
    %mul3A_124 = arith.constant 640 : i32
    %mul3A_125 = arith.muli %arg1, %mul3A_124 : i32
    %mul3A_126 = arith.constant 640 : i32
    %mul3A_127 = arith.muli %arg1, %mul3A_126 : i32
    %mul3A_128 = arith.constant 64 : i32
    %mul3A_129 = arith.muli %arg0, %mul3A_128 : i32
    "tpu.region"() ({
      %run_scoped3A_130 = tpu.sem_alloc : memref<!tpu.dma_semaphore, #tpu.memory_space<semaphore_mem>>
      %dma_start3A_131 = tpu.memref_slice %arg5[%mul3A_127, %mul3A_129] : memref<10240x128xf32, #tpu.memory_space<hbm>> -> memref<640x64xf32, #tpu.memory_space<hbm>>
      %dma_start3A_132 = arith.constant 0 : i32
      %dma_start3A_133 = tpu.memref_slice %arg9[%mul3A_125, %dma_start3A_132] : memref<10240x64xf32, #tpu.memory_space<vmem_shared>> -> memref<640x64xf32, #tpu.memory_space<vmem_shared>>
      tpu.enqueue_dma source(%dma_start3A_133 : memref<640x64xf32, #tpu.memory_space<vmem_shared>>) target(%dma_start3A_131 : memref<640x64xf32, #tpu.memory_space<hbm>>) target_semaphore(%run_scoped3A_130 : memref<!tpu.dma_semaphore, #tpu.memory_space<semaphore_mem>>)
      %dma_wait3A_134 = tpu.memref_slice %arg5[%mul3A_127, %mul3A_129] : memref<10240x128xf32, #tpu.memory_space<hbm>> -> memref<640x64xf32, #tpu.memory_space<hbm>>
      %dma_wait3A_135 = arith.constant 0 : i32
      %dma_wait3A_136 = tpu.memref_slice %arg9[%mul3A_125, %dma_wait3A_135] : memref<10240x64xf32, #tpu.memory_space<vmem_shared>> -> memref<640x64xf32, #tpu.memory_space<vmem_shared>>
      tpu.wait_dma2 semaphore(%run_scoped3A_130 : memref<!tpu.dma_semaphore, #tpu.memory_space<semaphore_mem>>) src(%dma_wait3A_136 : memref<640x64xf32, #tpu.memory_space<vmem_shared>>) dst(%dma_wait3A_134 : memref<640x64xf32, #tpu.memory_space<hbm>>)
      tpu.yield
    }) : () -> ()
    return
  }
}

module attributes {stable_mosaic.version = 14 : i64} {
  func.func @_tc1_body(%arg0: i32, %arg1: memref<2000x128xf32, #tpu.memory_space<vmem>>, %arg2: memref<2000x128xf32, #tpu.memory_space<vmem>>, %arg3: memref<128x128xf32, #tpu.memory_space<vmem>>, %arg4: memref<2000x128xf32, #tpu.memory_space<vmem>>, %arg5: memref<2000x1xf32, #tpu.memory_space<vmem>>, %arg6: memref<1000x2xf32, #tpu.memory_space<vmem>>) attributes {dimension_semantics = [#tpu.dimension_semantics<arbitrary>], iteration_bounds = array<i64: 5>, scalar_prefetch = 0 : i64, scratch_operands = 0 : i64, tpu.core_type = #tpu.core_type<tc>, window_params = [{transform_indices = @transform_0, window_bounds = array<i64: 2000, 128>}, {transform_indices = @transform_1, window_bounds = array<i64: 2000, 128>}, {pipeline_mode = #tpu.pipeline_mode<synchronous>, transform_indices = @transform_2, window_bounds = array<i64: 128, 128>}, {transform_indices = @transform_3, window_bounds = array<i64: 2000, 128>}, {transform_indices = @transform_4, window_bounds = array<i64: 2000, 1>}, {transform_indices = @transform_5, window_bounds = array<i64: 1000, 2>}]} {
    %get3A = arith.constant 0 : index
    %get3A_0 = arith.constant 0 : index
    %get3A_1 = vector.load %arg1[%get3A, %get3A_0] : memref<2000x128xf32, #tpu.memory_space<vmem>>, vector<2000x1xf32>
    %get3A_2 = arith.constant 0 : index
    %get3A_3 = arith.constant 16 : index
    %get3A_4 = vector.load %arg1[%get3A_2, %get3A_3] : memref<2000x128xf32, #tpu.memory_space<vmem>>, vector<2000x1xf32>
    %add3A = arith.addf %get3A_1, %get3A_4 : vector<2000x1xf32>
    %max3A = arith.constant 1.000000e+00 : f32
    %max3A_5 = vector.broadcast %max3A : f32 to vector<2000x1xf32>
    %max3A_6 = arith.maximumf %add3A, %max3A_5 : vector<2000x1xf32>
    %rsqrt3A = math.rsqrt %max3A_6 : vector<2000x1xf32>
    %get3A_7 = arith.constant 0 : index
    %get3A_8 = arith.constant 0 : index
    %get3A_9 = vector.load %arg2[%get3A_7, %get3A_8] : memref<2000x128xf32, #tpu.memory_space<vmem>>, vector<2000x128xf32>
    %get3A_10 = arith.constant 0 : index
    %get3A_11 = arith.constant 0 : index
    %get3A_12 = vector.load %arg3[%get3A_10, %get3A_11] : memref<128x128xf32, #tpu.memory_space<vmem>>, vector<128x128xf32>
    %dot_general3A = arith.constant dense<0.000000e+00> : vector<2000x128xf32>
    %dot_general3A_13 = tpu.matmul %get3A_9, %get3A_12, %dot_general3A {dimension_numbers = #tpu.dot_dimension_numbers<[1], [0], [0], [1], [0, 0, 1, 1], [], []>, transpose_lhs_hint = false} : vector<2000x128xf32>, vector<128x128xf32>, vector<2000x128xf32> -> vector<2000x128xf32>
    %mul3A = vector.broadcast %rsqrt3A : vector<2000x1xf32> to vector<2000x128xf32>
    %mul3A_14 = arith.mulf %dot_general3A_13, %mul3A : vector<2000x128xf32>
    %swap3A = arith.constant 0 : index
    %swap3A_15 = arith.constant 0 : index
    %swap3A_16 = vector.load %arg4[%swap3A, %swap3A_15] : memref<2000x128xf32, #tpu.memory_space<vmem>>, vector<2000x128xf32>
    tpu.vector_store %arg4[%swap3A, %swap3A_15], %mul3A_14 {strides = array<i32>} : memref<2000x128xf32, #tpu.memory_space<vmem>>, vector<2000x128xf32>,
    %swap3A_17 = arith.constant 0 : index
    %swap3A_18 = arith.constant 0 : index
    %swap3A_19 = vector.load %arg5[%swap3A_17, %swap3A_18] : memref<2000x1xf32, #tpu.memory_space<vmem>>, vector<2000x1xf32>
    tpu.vector_store %arg5[%swap3A_17, %swap3A_18], %rsqrt3A {strides = array<i32>} : memref<2000x1xf32, #tpu.memory_space<vmem>>, vector<2000x1xf32>,
    %reshape3A = vector.shape_cast %rsqrt3A : vector<2000x1xf32> to vector<1000x2xf32>
    %swap3A_20 = arith.constant 0 : index
    %swap3A_21 = arith.constant 0 : index
    %swap3A_22 = vector.load %arg6[%swap3A_20, %swap3A_21] : memref<1000x2xf32, #tpu.memory_space<vmem>>, vector<1000x2xf32>
    tpu.vector_store %arg6[%swap3A_20, %swap3A_21], %reshape3A {strides = array<i32>} : memref<1000x2xf32, #tpu.memory_space<vmem>>, vector<1000x2xf32>,
    return
  }
  func.func @transform_0(%arg0: i32) -> (i32, i32) {
    %c0_i32 = arith.constant 0 : i32
    %c0_i32_0 = arith.constant 0 : i32
    return %arg0, %c0_i32 : i32, i32
  }
  func.func @transform_1(%arg0: i32) -> (i32, i32) {
    %c0_i32 = arith.constant 0 : i32
    %c0_i32_0 = arith.constant 0 : i32
    return %arg0, %c0_i32 : i32, i32
  }
  func.func @transform_2(%arg0: i32) -> (i32, i32) {
    %c0_i32 = arith.constant 0 : i32
    %c0_i32_0 = arith.constant 0 : i32
    %c0_i32_1 = arith.constant 0 : i32
    return %c0_i32, %c0_i32_0 : i32, i32
  }
  func.func @transform_3(%arg0: i32) -> (i32, i32) {
    %c0_i32 = arith.constant 0 : i32
    %c0_i32_0 = arith.constant 0 : i32
    return %arg0, %c0_i32 : i32, i32
  }
  func.func @transform_4(%arg0: i32) -> (i32, i32) {
    %c0_i32 = arith.constant 0 : i32
    %c0_i32_0 = arith.constant 0 : i32
    return %arg0, %c0_i32 : i32, i32
  }
  func.func @transform_5(%arg0: i32) -> (i32, i32) {
    %c0_i32 = arith.constant 0 : i32
    %c0_i32_0 = arith.constant 0 : i32
    return %arg0, %c0_i32 : i32, i32
  }
}

module attributes {stable_mosaic.version = 14 : i64} {
  func.func @_mid_body(%arg0: i32, %arg1: memref<2000x128xf32, #tpu.memory_space<vmem>>, %arg2: memref<2000x1xf32, #tpu.memory_space<vmem>>, %arg3: memref<1x128xf32, #tpu.memory_space<vmem>>, %arg4: memref<128x128xf32, #tpu.memory_space<vmem>>, %arg5: memref<2000x128xf32, #tpu.memory_space<vmem>>) attributes {dimension_semantics = [#tpu.dimension_semantics<arbitrary>], iteration_bounds = array<i64: 5>, scalar_prefetch = 0 : i64, scratch_operands = 0 : i64, tpu.core_type = #tpu.core_type<tc>, window_params = [{transform_indices = @transform_0, window_bounds = array<i64: 2000, 128>}, {transform_indices = @transform_1, window_bounds = array<i64: 2000, 1>}, {pipeline_mode = #tpu.pipeline_mode<synchronous>, transform_indices = @transform_2, window_bounds = array<i64: 1, 128>}, {pipeline_mode = #tpu.pipeline_mode<synchronous>, transform_indices = @transform_3, window_bounds = array<i64: 128, 128>}, {transform_indices = @transform_4, window_bounds = array<i64: 2000, 128>}]} {
    %get3A = arith.constant 0 : index
    %get3A_0 = arith.constant 0 : index
    %get3A_1 = vector.load %arg2[%get3A, %get3A_0] : memref<2000x1xf32, #tpu.memory_space<vmem>>, vector<2000x1xf32>
    %get3A_2 = arith.constant 0 : index
    %get3A_3 = arith.constant 0 : index
    %get3A_4 = vector.load %arg1[%get3A_2, %get3A_3] : memref<2000x128xf32, #tpu.memory_space<vmem>>, vector<2000x128xf32>
    %mul3A = vector.broadcast %get3A_1 : vector<2000x1xf32> to vector<2000x128xf32>
    %mul3A_5 = arith.mulf %get3A_4, %mul3A : vector<2000x128xf32>
    %get3A_6 = arith.constant 0 : index
    %get3A_7 = arith.constant 0 : index
    %get3A_8 = vector.load %arg3[%get3A_6, %get3A_7] : memref<1x128xf32, #tpu.memory_space<vmem>>, vector<1x128xf32>
    %add3A = vector.broadcast %get3A_8 : vector<1x128xf32> to vector<2000x128xf32>
    %add3A_9 = arith.addf %mul3A_5, %add3A : vector<2000x128xf32>
    %max3A = arith.constant 0.000000e+00 : f32
    %max3A_10 = vector.broadcast %max3A : f32 to vector<2000x128xf32>
    %max3A_11 = arith.maximumf %add3A_9, %max3A_10 : vector<2000x128xf32>
    %get3A_12 = arith.constant 0 : index
    %get3A_13 = arith.constant 0 : index
    %get3A_14 = vector.load %arg4[%get3A_12, %get3A_13] : memref<128x128xf32, #tpu.memory_space<vmem>>, vector<128x128xf32>
    %dot_general3A = arith.constant dense<0.000000e+00> : vector<2000x128xf32>
    %dot_general3A_15 = tpu.matmul %max3A_11, %get3A_14, %dot_general3A {dimension_numbers = #tpu.dot_dimension_numbers<[1], [0], [0], [1], [0, 0, 1, 1], [], []>, transpose_lhs_hint = false} : vector<2000x128xf32>, vector<128x128xf32>, vector<2000x128xf32> -> vector<2000x128xf32>
    %mul3A_16 = vector.broadcast %get3A_1 : vector<2000x1xf32> to vector<2000x128xf32>
    %mul3A_17 = arith.mulf %dot_general3A_15, %mul3A_16 : vector<2000x128xf32>
    %swap3A = arith.constant 0 : index
    %swap3A_18 = arith.constant 0 : index
    %swap3A_19 = vector.load %arg5[%swap3A, %swap3A_18] : memref<2000x128xf32, #tpu.memory_space<vmem>>, vector<2000x128xf32>
    tpu.vector_store %arg5[%swap3A, %swap3A_18], %mul3A_17 {strides = array<i32>} : memref<2000x128xf32, #tpu.memory_space<vmem>>, vector<2000x128xf32>,
    return
  }
  func.func @transform_0(%arg0: i32) -> (i32, i32) {
    %c0_i32 = arith.constant 0 : i32
    %c0_i32_0 = arith.constant 0 : i32
    return %arg0, %c0_i32 : i32, i32
  }
  func.func @transform_1(%arg0: i32) -> (i32, i32) {
    %c0_i32 = arith.constant 0 : i32
    %c0_i32_0 = arith.constant 0 : i32
    return %arg0, %c0_i32 : i32, i32
  }
  func.func @transform_2(%arg0: i32) -> (i32, i32) {
    %c0_i32 = arith.constant 0 : i32
    %c0_i32_0 = arith.constant 0 : i32
    %c0_i32_1 = arith.constant 0 : i32
    return %c0_i32, %c0_i32_0 : i32, i32
  }
  func.func @transform_3(%arg0: i32) -> (i32, i32) {
    %c0_i32 = arith.constant 0 : i32
    %c0_i32_0 = arith.constant 0 : i32
    %c0_i32_1 = arith.constant 0 : i32
    return %c0_i32, %c0_i32_0 : i32, i32
  }
  func.func @transform_4(%arg0: i32) -> (i32, i32) {
    %c0_i32 = arith.constant 0 : i32
    %c0_i32_0 = arith.constant 0 : i32
    return %arg0, %c0_i32 : i32, i32
  }
}

module attributes {stable_mosaic.version = 14 : i64} {
  func.func @_mid_body(%arg0: i32, %arg1: memref<2000x128xf32, #tpu.memory_space<vmem>>, %arg2: memref<2000x1xf32, #tpu.memory_space<vmem>>, %arg3: memref<1x128xf32, #tpu.memory_space<vmem>>, %arg4: memref<128x64xf32, #tpu.memory_space<vmem>>, %arg5: memref<2000x64xf32, #tpu.memory_space<vmem>>) attributes {dimension_semantics = [#tpu.dimension_semantics<arbitrary>], iteration_bounds = array<i64: 5>, scalar_prefetch = 0 : i64, scratch_operands = 0 : i64, tpu.core_type = #tpu.core_type<tc>, window_params = [{transform_indices = @transform_0, window_bounds = array<i64: 2000, 128>}, {transform_indices = @transform_1, window_bounds = array<i64: 2000, 1>}, {pipeline_mode = #tpu.pipeline_mode<synchronous>, transform_indices = @transform_2, window_bounds = array<i64: 1, 128>}, {pipeline_mode = #tpu.pipeline_mode<synchronous>, transform_indices = @transform_3, window_bounds = array<i64: 128, 64>}, {transform_indices = @transform_4, window_bounds = array<i64: 2000, 64>}]} {
    %get3A = arith.constant 0 : index
    %get3A_0 = arith.constant 0 : index
    %get3A_1 = vector.load %arg2[%get3A, %get3A_0] : memref<2000x1xf32, #tpu.memory_space<vmem>>, vector<2000x1xf32>
    %get3A_2 = arith.constant 0 : index
    %get3A_3 = arith.constant 0 : index
    %get3A_4 = vector.load %arg1[%get3A_2, %get3A_3] : memref<2000x128xf32, #tpu.memory_space<vmem>>, vector<2000x128xf32>
    %mul3A = vector.broadcast %get3A_1 : vector<2000x1xf32> to vector<2000x128xf32>
    %mul3A_5 = arith.mulf %get3A_4, %mul3A : vector<2000x128xf32>
    %get3A_6 = arith.constant 0 : index
    %get3A_7 = arith.constant 0 : index
    %get3A_8 = vector.load %arg3[%get3A_6, %get3A_7] : memref<1x128xf32, #tpu.memory_space<vmem>>, vector<1x128xf32>
    %add3A = vector.broadcast %get3A_8 : vector<1x128xf32> to vector<2000x128xf32>
    %add3A_9 = arith.addf %mul3A_5, %add3A : vector<2000x128xf32>
    %max3A = arith.constant 0.000000e+00 : f32
    %max3A_10 = vector.broadcast %max3A : f32 to vector<2000x128xf32>
    %max3A_11 = arith.maximumf %add3A_9, %max3A_10 : vector<2000x128xf32>
    %get3A_12 = arith.constant 0 : index
    %get3A_13 = arith.constant 0 : index
    %get3A_14 = vector.load %arg4[%get3A_12, %get3A_13] : memref<128x64xf32, #tpu.memory_space<vmem>>, vector<128x64xf32>
    %dot_general3A = arith.constant dense<0.000000e+00> : vector<2000x64xf32>
    %dot_general3A_15 = tpu.matmul %max3A_11, %get3A_14, %dot_general3A {dimension_numbers = #tpu.dot_dimension_numbers<[1], [0], [0], [1], [0, 0, 1, 1], [], []>, transpose_lhs_hint = false} : vector<2000x128xf32>, vector<128x64xf32>, vector<2000x64xf32> -> vector<2000x64xf32>
    %mul3A_16 = vector.broadcast %get3A_1 : vector<2000x1xf32> to vector<2000x64xf32>
    %mul3A_17 = arith.mulf %dot_general3A_15, %mul3A_16 : vector<2000x64xf32>
    %swap3A = arith.constant 0 : index
    %swap3A_18 = arith.constant 0 : index
    %swap3A_19 = vector.load %arg5[%swap3A, %swap3A_18] : memref<2000x64xf32, #tpu.memory_space<vmem>>, vector<2000x64xf32>
    tpu.vector_store %arg5[%swap3A, %swap3A_18], %mul3A_17 {strides = array<i32>} : memref<2000x64xf32, #tpu.memory_space<vmem>>, vector<2000x64xf32>,
    return
  }
  func.func @transform_0(%arg0: i32) -> (i32, i32) {
    %c0_i32 = arith.constant 0 : i32
    %c0_i32_0 = arith.constant 0 : i32
    return %arg0, %c0_i32 : i32, i32
  }
  func.func @transform_1(%arg0: i32) -> (i32, i32) {
    %c0_i32 = arith.constant 0 : i32
    %c0_i32_0 = arith.constant 0 : i32
    return %arg0, %c0_i32 : i32, i32
  }
  func.func @transform_2(%arg0: i32) -> (i32, i32) {
    %c0_i32 = arith.constant 0 : i32
    %c0_i32_0 = arith.constant 0 : i32
    %c0_i32_1 = arith.constant 0 : i32
    return %c0_i32, %c0_i32_0 : i32, i32
  }
  func.func @transform_3(%arg0: i32) -> (i32, i32) {
    %c0_i32 = arith.constant 0 : i32
    %c0_i32_0 = arith.constant 0 : i32
    %c0_i32_1 = arith.constant 0 : i32
    return %c0_i32, %c0_i32_0 : i32, i32
  }
  func.func @transform_4(%arg0: i32) -> (i32, i32) {
    %c0_i32 = arith.constant 0 : i32
    %c0_i32_0 = arith.constant 0 : i32
    return %arg0, %c0_i32 : i32, i32
  }
}

module attributes {stable_mosaic.version = 14 : i64} {
  func.func @_fin_body(%arg0: i32, %arg1: memref<1000x128xf32, #tpu.memory_space<vmem>>, %arg2: memref<1000x2xf32, #tpu.memory_space<vmem>>, %arg3: memref<1x128xf32, #tpu.memory_space<vmem>>, %arg4: memref<1000x128xf32, #tpu.memory_space<vmem>>) attributes {dimension_semantics = [#tpu.dimension_semantics<arbitrary>], iteration_bounds = array<i64: 5>, scalar_prefetch = 0 : i64, scratch_operands = 0 : i64, tpu.core_type = #tpu.core_type<tc>, window_params = [{transform_indices = @transform_0, window_bounds = array<i64: 1000, 128>}, {transform_indices = @transform_1, window_bounds = array<i64: 1000, 2>}, {pipeline_mode = #tpu.pipeline_mode<synchronous>, transform_indices = @transform_2, window_bounds = array<i64: 1, 128>}, {transform_indices = @transform_3, window_bounds = array<i64: 1000, 128>}]} {
    %get3A = arith.constant 0 : index
    %get3A_0 = arith.constant 0 : index
    %get3A_1 = vector.load %arg1[%get3A, %get3A_0] : memref<1000x128xf32, #tpu.memory_space<vmem>>, vector<1000x128xf32>
    %get3A_2 = arith.constant 0 : index
    %get3A_3 = arith.constant 0 : index
    %get3A_4 = vector.load %arg2[%get3A_2, %get3A_3] : memref<1000x2xf32, #tpu.memory_space<vmem>>, vector<1000x2xf32>
    %broadcast_in_dim3A = vector.shape_cast %get3A_4 : vector<1000x2xf32> to vector<1000x2x1xf32>
    %broadcast_in_dim3A_5 = vector.shape_cast %broadcast_in_dim3A : vector<1000x2x1xf32> to vector<1000x2x1xf32>
    %broadcast_in_dim3A_6 = vector.broadcast %broadcast_in_dim3A_5 : vector<1000x2x1xf32> to vector<1000x2x64xf32>
    %reshape3A = vector.shape_cast %broadcast_in_dim3A_6 : vector<1000x2x64xf32> to vector<1000x128xf32>
    %mul3A = arith.mulf %get3A_1, %reshape3A : vector<1000x128xf32>
    %get3A_7 = arith.constant 0 : index
    %get3A_8 = arith.constant 0 : index
    %get3A_9 = vector.load %arg3[%get3A_7, %get3A_8] : memref<1x128xf32, #tpu.memory_space<vmem>>, vector<1x128xf32>
    %add3A = vector.broadcast %get3A_9 : vector<1x128xf32> to vector<1000x128xf32>
    %add3A_10 = arith.addf %mul3A, %add3A : vector<1000x128xf32>
    %swap3A = arith.constant 0 : index
    %swap3A_11 = arith.constant 0 : index
    %swap3A_12 = vector.load %arg4[%swap3A, %swap3A_11] : memref<1000x128xf32, #tpu.memory_space<vmem>>, vector<1000x128xf32>
    tpu.vector_store %arg4[%swap3A, %swap3A_11], %add3A_10 {strides = array<i32>} : memref<1000x128xf32, #tpu.memory_space<vmem>>, vector<1000x128xf32>,
    return
  }
  func.func @transform_0(%arg0: i32) -> (i32, i32) {
    %c0_i32 = arith.constant 0 : i32
    %c0_i32_0 = arith.constant 0 : i32
    return %arg0, %c0_i32 : i32, i32
  }
  func.func @transform_1(%arg0: i32) -> (i32, i32) {
    %c0_i32 = arith.constant 0 : i32
    %c0_i32_0 = arith.constant 0 : i32
    return %arg0, %c0_i32 : i32, i32
  }
  func.func @transform_2(%arg0: i32) -> (i32, i32) {
    %c0_i32 = arith.constant 0 : i32
    %c0_i32_0 = arith.constant 0 : i32
    %c0_i32_1 = arith.constant 0 : i32
    return %c0_i32, %c0_i32_0 : i32, i32
  }
  func.func @transform_3(%arg0: i32) -> (i32, i32) {
    %c0_i32 = arith.constant 0 : i32
    %c0_i32_0 = arith.constant 0 : i32
    return %arg0, %c0_i32 : i32, i32
  }
}

</mosaic_0001>

<sc_bundles>
// kernel: kernel.10.cloned.1.call-start
scs
__scs_entry_jumppad:
0x0: {  	(pc) =	sbr.rel $0x88, $3  }
0x1: {  	(tag) =	ssettag $0x0;
	lr =	simm.s32 $0x1  }
0x2: {  	[smem:$0x3F99] =	sst lr;
	_ =	strace $0xD0000000  }
0x3: {  	_ = 	snop  }
0x4: {  	_ = 	snop  }
0x5: {  	_ = 	snop  }
0x6: {  	_ = 	snop  }
0x7: {  	_ = 	snop  }
__scs_overlays_trampoline_lowered:
0x8: {  	[smem:$0x3FA8] =	sst s0  }
0x9: {  	[smem:$0x3FA9] =	sst s1  }
0xa: {  	[smem:$0x3FAA] =	sst s2  }
0xb: {  	[smem:$0x3FAB] =	sst s3  }
0xc: {  	[smem:$0x3FAC] =	sst s4  }
0xd: {  	[smem:$0x3FAD] =	sst s5  }
0xe: {  	[smem:$0x3FAE] =	sst s6  }
0xf: {  	[smem:$0x3FAF] =	sst s7  }
0x10: {  	[smem:$0x3FB0] =	sst s8  }
0x11: {  	[smem:$0x3FB1] =	sst s9;
	s0 =	simm.s32 @!p0 $0x0  }
0x12: {  	s1 =	sld [smem:$0x3F97];
	s0 =	simm.s32 @p0 $0x1  }
0x13: {  	[smem:$0x3FB2] =	sst s0;
	s0 =	simm.s32 @!p1 $0x0  }
0x14: {  	s2 =	sld [smem:$0x3F96];
	s0 =	simm.s32 @p1 $0x1  }
0x15: {  	[smem:$0x3FB3] =	sst s0;
	s0 =	simm.s32 @!p2 $0x0  }
0x16: {  	s3 =	sld [smem:$0x3FDB];
	s0 =	simm.s32 @p2 $0x1  }
0x17: {  	s4 =	simm.s32 $0x1BF5;
	[smem:$0x3FB5] =	sst s0  }
0x18: {  	s0 =	sld [smem:$0x3F98];
	_ =	swait.ge [sflag:s4], $0x0  }
0x19: {  	s7 =	sld [smem:$0x3F99]  }
0x1a: {  	s8 =	sadd.s32 $0xFFFFE003, lr  }
0x1b: {  	s9 =	sadd.s32 $0xFFFFFEF7, lr;
	s5 =	simm.s32 $0xFFFFFFFF;
	p2 =	slt.u32 s8, $0xFFFFF086  }
0x1c: {  	p1 =	slt.u32 s9, $0xF7A;
	s5 =	simm.s32 @!p2 $0x0  }
0x1d: {  	s5 =	simm.s32 @p1 $0x1;
	p0 =	seq.s32 s7, s2  }
0x1e: {  	s7 =	smul.u32 @!p0 $0xF7A, s2;
	p2 =	seq.s32 @!p0 s5, $0x0  }
0x1f: {  	s9 =	smul.u32 $0xF7A, s1;
	s8 =	simm.s32 @!p0 $0x1BF5;
	p2 =	por !p2, p0  }
0x20: {  	[sflag:s8] =	ssyncset.s32 @!p0 $0xFFFFF086;
	s6 =	sadd.s32 @!p0 s3, s7;
	s7 =	simm.s32 @!p0 $0x108  }
0x21: {  	s3 =	sadd.s32 s3, s9;
	s6 =	sadd.s32 @!p0 $0x88, s6;
	s7 =	simm.s32 @p2 $0x1082  }
0x22: {  	[simem:s7], [sflag:s8] =	dma.local @!p0 [hbm:s6], $0xF7A  }
0x23: {  	s9 =	sor.u32 $0xD0000000, s2;
	s6 =	simm.s32 $0x108;
	_ =	swait.ge @!p0 [sflag:s8], $0x0  }
0x24: {  	s3 =	sadd.s32 $0x88, s3;
	s6 =	simm.s32 @!p1 $0x1082;
	[sflag:s4] =	ssyncset.s32 $0xFFFFF086  }
0x25: {  	[simem:s6], [sflag:s4] =	dma.local [hbm:s3], $0xF7A  }
0x26: {  	[smem:$0x3F99] =	sst s1;
	(tag) =	ssettag s2;
	_ =	strace s9  }
0x27: {  	s1 =	sld [smem:$0x3FA9]  }
0x28: {  	s2 =	sld [smem:$0x3FAA]  }
0x29: {  	s4 =	sld [smem:$0x3FAC]  }
0x2a: {  	p0 =	seq.s32 s5, $0x0;
	s5 =	sld [smem:$0x3FAD]  }
0x2b: {  	s6 =	sld [smem:$0x3FAE]  }
0x2c: {  	s7 =	sld [smem:$0x3FAF]  }
0x2d: {  	s3 =	simm.s32 $0x108;
	s8 =	sld [smem:$0x3FB0]  }
0x2e: {  	s3 =	simm.s32 @!p0 $0x1082;
	s9 =	sld [smem:$0x3FB1]  }
0x2f: {  	lr =	sadd.s32 s0, s3;
	s0 =	sld [smem:$0x3FA8]  }
0x30: {  	s3 =	sld [smem:$0x3FAB]  }
0x31: {  	[smem:$0x3FB4] =	sst s10  }
0x32: {  	s10 =	sld [smem:$0x3FB2];
	_ =	sdelay $0x3  }
0x33: {  	p0 =	seq.s32 s10, $0x1;
	s10 =	sld [smem:$0x3FB4];
	_ =	sdelay $0x3  }
0x34: {  	[smem:$0x3FB4] =	sst s10  }
0x35: {  	s10 =	sld [smem:$0x3FB3];
	_ =	sdelay $0x3  }
0x36: {  	p1 =	seq.s32 s10, $0x1;
	s10 =	sld [smem:$0x3FB4];
	_ =	sdelay $0x3  }
0x37: {  	[smem:$0x3FB4] =	sst s10  }
0x38: {  	s10 =	sld [smem:$0x3FB5]  }
0x39: {  	_ = 	snop;
	(pc) =	sbr.ind lr, $3  }
0x3a: {  	_ = 	snop  }
0x3b: {  	_ = 	snop  }
0x3c: {  	p2 =	seq.s32 s10, $0x1;
	s10 =	sld [smem:$0x3FB4]  }
0x3d: {  	_ =	shalt  }
0x3e: {  	_ =	shalt  }
0x3f: {  	_ =	shalt  }
0x40: {  	_ =	shalt  }
0x41: {  	_ =	shalt  }
0x42: {  	_ =	shalt  }
0x43: {  	_ =	shalt  }
0x44: {  	_ =	shalt  }
0x45: {  	_ =	shalt  }
0x46: {  	_ =	shalt  }
0x47: {  	_ =	shalt  }
0x48: {  	_ =	shalt  }
0x49: {  	_ =	shalt  }
0x4a: {  	_ =	shalt  }
0x4b: {  	_ =	shalt  }
0x4c: {  	_ =	shalt  }
0x4d: {  	_ =	shalt  }
0x4e: {  	_ =	shalt  }
0x4f: {  	_ =	shalt  }
0x50: {  	_ =	shalt  }
0x51: {  	_ =	shalt  }
0x52: {  	_ =	shalt  }
0x53: {  	_ =	shalt  }
0x54: {  	_ =	shalt  }
0x55: {  	_ =	shalt  }
0x56: {  	_ =	shalt  }
0x57: {  	_ =	shalt  }
0x58: {  	_ =	shalt  }
0x59: {  	_ =	shalt  }
0x5a: {  	_ =	shalt  }
0x5b: {  	_ =	shalt  }
0x5c: {  	_ =	shalt  }
0x5d: {  	_ =	shalt  }
0x5e: {  	_ =	shalt  }
0x5f: {  	_ =	shalt  }
0x60: {  	_ =	shalt  }
0x61: {  	_ =	shalt  }
0x62: {  	_ =	shalt  }
0x63: {  	_ =	shalt  }
0x64: {  	_ =	shalt  }
0x65: {  	_ =	shalt  }
0x66: {  	_ =	shalt  }
0x67: {  	_ =	shalt  }
0x68: {  	_ =	shalt  }
0x69: {  	_ =	shalt  }
0x6a: {  	_ =	shalt  }
0x6b: {  	_ =	shalt  }
0x6c: {  	_ =	shalt  }
0x6d: {  	_ =	shalt  }
0x6e: {  	_ =	shalt  }
0x6f: {  	_ =	shalt  }
0x70: {  	_ =	shalt  }
0x71: {  	_ =	shalt  }
0x72: {  	_ =	shalt  }
0x73: {  	_ =	shalt  }
0x74: {  	_ =	shalt  }
0x75: {  	_ =	shalt  }
0x76: {  	_ =	shalt  }
0x77: {  	_ =	shalt  }
0x78: {  	_ =	shalt  }
0x79: {  	_ =	shalt  }
0x7a: {  	_ =	shalt  }
0x7b: {  	_ =	shalt  }
0x7c: {  	_ =	shalt  }
0x7d: {  	_ =	shalt  }
0x7e: {  	_ =	shalt  }
0x7f: {  	_ =	shalt  }
0x80: {  	_ =	shalt  }
0x81: {  	_ =	shalt  }
0x82: {  	_ =	shalt  }
0x83: {  	_ =	shalt  }
0x84: {  	_ =	shalt  }
0x85: {  	_ =	shalt  }
0x86: {  	_ =	shalt  }
0x87: {  	_ =	shalt  }
.Lfunc_end0:
.L_simem_size_0:
called_computation_lowered:
.L_overlay_start_0:
0x88: {  	s2 =	sld [smem:$0x3FD9]  }
0x89: {  	s3 =	sld [smem:$0x3FFE];
	_ =	sdelay $0x1  }
0x8a: {  	s1 =	srdreg.scid  }
0x8b: {  	s0 =	sand.u32 $0x1, s1  }
0x8c: {  	s17 =	sshll.u32 s0, $0xA;
	s2 =	sadd.s32 s3, s2  }
0x8d: {  	s2 =	sadd.s32 s2, s17  }
0x8e: {  	[smem:$0x3FC0] =	sst s2  }
0x8f: {  	_ = 	snop  }
0x90: {  	s2 =	sld [smem:$0x3FC8];
	(tm) =	ssettm $0x1  }
0x91: {  	s18 =	sld [smem:$0x3FFB];
	_ =	sdelay $0x3  }
0x92: {  	_ =	strace s18  }
0x93: {  	s3 =	sld [smem:$0x3FFC];
	_ =	sdelay $0x3  }
0x94: {  	_ =	strace s3  }
0x95: {  	s3 =	sld [smem:$0x3FFD];
	_ =	sdelay $0x3  }
0x96: {  	_ =	strace s3  }
0x97: {  	_ =	strace $0x8FFFFFFF  }
0x98: {  	s19 =	sld [smem:$0x3FDB];
	_ =	sdelay $0x1  }
0x99: {  	s4 =	simm.s32 $_scs_section_size  }
0x9a: {  	s5 =	simm.s32 $_size__tile_overlayer_lowered;
	s6 =	simm.s32 $_tile_overlayer_lowered  }
0x9b: {  	s22 =	simm.s32 $0x1BFF;
	s21 =	sshll.u32 s6, $0x1;
	s3 =	sadd.s32 s4, s19  }
0x9c: {  	s7 =	simm.s32 $0x0;
	s20 =	sshll.u32 s5, $0x1;
	s5 =	sadd.s32 s21, s3  }
0x9d: {  	[timem:s7], [sflag:s22] =	dma.local [hbm:s5], s20  }
0x9e: {  	_ =	swait.ge [sflag:s22], s20  }
0x9f: {  	s4 =	ssub.s32 $0x0, s20;
	[sflag:s22] =	ssyncset.done $0x0  }
0xa0: {  	[sflag:s22] =	ssyncadd.s32 s4;
	_ =	sdelay $0x1  }
0xa1: {  	s23 =	simm.s32 $0x1B8B  }
0xa2: {  	_ =	swait.ge [sflag:s23], $0x1  }
0xa3: {  	[sflag:s23] =	ssyncset.done $0x0  }
0xa4: {  	s25 =	simm.s32 $0x1B8E;
	s24 =	sld [smem:$0x3FFE];
	[sflag:s23] =	ssyncadd.s32 $0xFFFFFFFF  }
0xa5: {  	s26 =	simm.s32 $execute0_lowered;
	[smem:$0x3FD2] =	sst s25  }
0xa6: {  	s5 =	sshll.u32 s26, $0x1;
	_ =	strace $0x80000046;
	[dreg:$0x1] =	wrdreg $0xFFFFFFFF  }
0xa7: {  	s28 =	simm.s32 $_size_execute0_lowered;
	s3 =	sadd.s32 s3, s5;
	[dreg:$0x0] =	wrdreg $0x0  }
0xa8: {  	s5 =	sshll.u32 s28, $0x1;
	[dreg:$0x2] =	wrdreg s3  }
0xa9: {  	[dreg:$0x3] =	wrdreg s5  }
0xaa: {  	[dreg:$0x4] =	wrdreg $0xC0  }
0xab: {  	_ =	task [dreg:s7], $0x5FFFF  }
0xac: {  	[dreg:$0x1] =	wrdreg $0xFFFFFFFF  }
0xad: {  	[dreg:$0x0] =	wrdreg $0x60  }
0xae: {  	[dreg:$0x2] =	wrdreg s2  }
0xaf: {  	[dreg:$0x3] =	wrdreg s24  }
0xb0: {  	[dreg:$0x4] =	wrdreg $0x5F000  }
0xb1: {  	[dreg:$0x5] =	wrdreg $0x9  }
0xb2: {  	_ =	task.clear_ibuf [dreg:s7], $0x6FFFF;
	_ =	strace $0x90000046  }
0xb3: {  	s29 =	simm.s32 $0x9;
	_ =	strace $0x80000048  }
0xb4: {  	_ =	swait.ge [sflag:s29], $0x1  }
0xb5: {  	[sflag:s29] =	ssyncadd.s32 $0xFFFFFFFF  }
0xb6: {  	_ =	strace $0x90000048  }
0xb7: {  	_ =	sfence  }
0xb8: {  	s30 =	sld [smem:$0x0];
	_ =	sdelay $0x2  }
0xb9: {  	s31 =	sshll.u32 s1, $0xD;
	s1 =	sshrl.u32 s1, $0x2  }
0xba: {  	s3 =	sand.u32 $0x4000, s31;
	s1 =	sadd.s32 s1, s30  }
0xbb: {  	s0 =	sor.u32 s3, s0;
	s1 =	sshll.u32 s1, $0x11  }
0xbc: {  	s0 =	sor.u32 s1, s0  }
0xbd: {  	s0 =	sadd.s32 $0x8F2B, s0  }
0xbe: {  	[sflag:s0] =	ssyncadd.remote.s32 $0x1  }
0xbf: {  	_ =	sfence.sel $0xFFFF  }
0xc0: {  	[dreg:$0x0] =	wrdreg $0xFFFFFFFF;
	(pc) =	sbr.abs _section_cstart, $3  }
0xc1: {  	[dreg:$0x1] =	wrdreg $0xFFFFFFFF  }
0xc2: {  	_ =	task.clear_ibuf [dreg:s7], $0x2FFFF;
	_ =	strace $0x9FFFFFFF  }
0xc3: {  	(tm) =	ssettm $0x7FFFFFFF  }
tec
execute0_lowered:
.L_overlay_start_1:
0x0: {  	(tag) =	ssettag $0x1  }
0x1: {  	s5 =	rddreg [dreg:$0x0]  }
0x2: {  	s4 =	rddreg [dreg:$0x1]  }
0x3: {  	s2 =	rddreg [dreg:$0x2]  }
0x4: {  	s0 =	rddreg [dreg:$0x3];
	s6 =	srdreg.scid  }
0x5: {  	s1 =	stileid.u32;
	s3 =	simm.s32 $0x0;
	s11 =	simm.s32 $0x4F  }
0x6: {  	s15 =	simm.s32 $0x2;
	s16 =	simm.s32 $0x5700;
	s17 =	simm.s32 $0x80  }
0x7: {  	s18 =	simm.s32 $0x4F00;
	s19 =	simm.s32 $0x1;
	s7 =	smul.u32 $0x14000, s1  }
0x8: {  	s20 =	simm.s32 $0x10;
	s21 =	simm.s32 $0x0;
	s26 =	smul.u32 $0xA000, s1  }
0x9: {  	s6 =	sand.u32 $0x1, s6;
	[smem:$0x7FF] =	sst s3;
	s31 =	smul.u32 $0x4E, s1  }
0xa: {  	s8 =	sshll.u32 s6, $0x4;
	_ =	strace $0x80000047;
	s9 =	ssub.s32 $0x2, s6  }
0xb: {  	s28 =	smul.u32 $0x4E0, s6;
	s7 =	sor.u32 s8, s7;
	s8 =	sor.u32 s1, s8  }
0xc: {  	s22 =	sshrl.u32 s9, $0x1;
	s30 =	sshrl.u32 s26, $0x2;
	s7 =	sshrl.u32 s7, $0x3  }
0xd: {  	s10 =	smul.u32 $0x4E, s8;
	s23 =	smin.u32 s8, $0x4;
	s13 =	ssub.s32 s9, s22  }
0xe: {  	p0 =	slt.u32 s8, $0x4;
	s6 =	sadd.s32 s30, s2;
	s12 =	sadd.s32 s7, s4  }
0xf: {  	s11 =	simm.s32 @!p0 $0x4E;
	s7 =	sadd.s32 $0x800, s6;
	s8 =	sadd.s32 $0x1000, s6  }
0x10: {  	s9 =	sadd.s32 $0x1800, s6;
	s24 =	sadd.s32 s23, s10;
	s10 =	sor.u32 s28, s23  }
0x11: {  	s13 =	smax.u32 s13, $0x1;
	s12 =	sadd.s32 $0x2400, s12;
	s14 =	sadd.s32 s31, s10  }
0x12: {  	s25 =	smin.u32 s24, $0x975;
	s10 =	sadd.s32 $0x2000, s6;
	s14 =	smax.u32 s14, $0x975  }
0x13: {  	s4 =	ssub.s32 s24, s25;
	s29 =	sshll.u32 s25, $0x5;
	s14 =	sshll.u32 s14, $0x8  }
0x14: {  	v0 =	vimm.f32 $1.000000000e+00;
	v1 =	vimm.f32 $0.0e+00;
	s5 =	sadd.s32 s5, s29;
	s11 =	sadd.s32 s11, s4;
	s14 =	sadd.s32 $0xFFF68B80, s14  }
.LBB2_1:
0x15: {  	[tilespmem:s3], [sflag:$0x2] =	stream.linear.gather [hbm4b:s5+s3], $0x4F00, $0x38;
	[tilespmem:$0x8700] =	vst v63  }
0x16: {  	_ =	swait.ge [sflag:s15], $0x4F00  }
0x17: {  	[sflag:s15] =	ssyncset.done $0x0  }
0x18: {  	s22 =	simm.s32 $0x0;
	[sflag:s15] =	ssyncadd.s32 $0xFFFFB100  }
.LBB2_2:
0x19: {  	p0 =	sne.s32 s22, $0x1FC0  }
.Ltmp0:
0x1a: {  	_ = 	snop;
	(pc) =	sbr.rel @p0 .LBB2_2-.Ltmp0, $3  }
0x1b: {  	_ =	sdelay $0x1  }
0x1c: {  	s23 =	sshra.s32 s22, $0x2  }
0x1d: {  	s22 =	sadd.s32 $0x40, s22;
	[tilespmem:s23+$0x4F00] =	vst v0  }
0x1e: {  	s22 =	simm.s32 $0x40;
	s23 =	simm.s32 $0x0  }
.LBB2_4:
0x1f: {  	p0 =	sne.s32 s22, $0x1FC0;
	[tilespmem:s23+$0x5700] =	vst v1;
	s23 =	smov.u32 s22;
	s22 =	sadd.s32 $0x40, s22  }
.Ltmp1:
0x20: {  	(pc) =	sbr.rel @p0 .LBB2_4-.Ltmp1, $2  }
0x21: {  	_ =	sdelay $0x2  }
0x22: {  	s23 =	sshra.s32 s23, $0x2  }
0x23: {  	[tilespmem:s23+$0x5700] =	vst v1  }
0x24: {  	[spmem:s6] =	stream.linear.scatter [tilespmem:s16], [sflag:$0x2], $0x800, $0x38;
	[tilespmem:$0x8700] =	vst v63  }
0x25: {  	_ =	swait.ge [sflag:s15], $0x800  }
0x26: {  	[sflag:s15] =	ssyncset.done $0x0  }
0x27: {  	[sflag:s15] =	ssyncadd.s32 $0xFFFFF800  }
0x28: {  	[spmem:s7] =	stream.linear.scatter [tilespmem:s16], [sflag:$0x2], $0x800, $0x38;
	[tilespmem:$0x8700] =	vst v63  }
0x29: {  	_ =	swait.ge [sflag:s15], $0x800  }
0x2a: {  	[sflag:s15] =	ssyncset.done $0x0  }
0x2b: {  	[sflag:s15] =	ssyncadd.s32 $0xFFFFF800  }
0x2c: {  	[spmem:s8] =	stream.linear.scatter [tilespmem:s16], [sflag:$0x2], $0x800, $0x38;
	[tilespmem:$0x8700] =	vst v63  }
0x2d: {  	_ =	swait.ge [sflag:s15], $0x800  }
0x2e: {  	[sflag:s15] =	ssyncset.done $0x0  }
0x2f: {  	[sflag:s15] =	ssyncadd.s32 $0xFFFFF800  }
0x30: {  	[spmem:s9] =	stream.linear.scatter [tilespmem:s16], [sflag:$0x2], $0x800, $0x38;
	[tilespmem:$0x8700] =	vst v63  }
0x31: {  	_ =	swait.ge [sflag:s15], $0x800  }
0x32: {  	s22 =	sadd.s32 $0x1, s4;
	[sflag:s15] =	ssyncset.done $0x0  }
0x33: {  	p0 =	slt.u32 s22, s11;
	[sflag:s15] =	ssyncadd.s32 $0xFFFFF800  }
0x34: {  	[spmem:s10] =	stream.linear.scatter [tilespmem:s16], [sflag:$0x2], $0x800, $0x38;
	[tilespmem:$0x8700] =	vst v63  }
.Ltmp2:
0x35: {  	_ =	swait.ge [sflag:s15], $0x800;
	(pc) =	sbr.rel @!p0 .LBB2_7-.Ltmp2, $4  }
0x36: {  	[sflag:s15] =	ssyncset.done $0x0  }
0x37: {  	[sflag:s15] =	ssyncadd.s32 $0xFFFFF800  }
0x38: {  	s23 =	smov.u32 s14;
	[bflag:$0x0] =	sbarrier.arrive $0xFFFF  }
0x39: {  	[spmem:s2] =	stream.indirect.scatter.add.f32 [tilespmem:s18], [sflag:$0x1], $0x10, s14, s17, $0xb8;
	[tilespmem:$0x8700] =	vst v63  }
.LBB2_6:
0x3a: {  	s22 =	sadd.s32 $0x1, s22  }
0x3b: {  	p0 =	slt.u32 s22, s11  }
.Ltmp3:
0x3c: {  	_ = 	snop;
	(pc) =	sbr.rel @p0 .LBB2_6-.Ltmp3, $3  }
0x3d: {  	_ = 	snop  }
0x3e: {  	s23 =	sadd.s32 $0x100, s23;
	_ =	sdelay $0x1  }
0x3f: {  	[spmem:s2] =	stream.indirect.scatter.add.f32 [tilespmem:s18], [sflag:$0x1], $0x10, s23, s17, $0xb8;
	[tilespmem:$0x8700] =	vst v63  }
.LBB2_7:
0x40: {  	s22 =	sadd.s32 $0x1, s4  }
0x41: {  	p0 =	slt.u32 s22, s11  }
.Ltmp4:
0x42: {  	_ = 	snop;
	(pc) =	sbr.rel @!p0 .LBB2_9-.Ltmp4, $3  }
0x43: {  	_ =	sdelay $0x1  }
0x44: {  	_ =	swait.ge [sflag:s19], $0x800  }
0x45: {  	[sflag:s19] =	ssyncset.done $0x0  }
.LBB2_8:
0x46: {  	s22 =	sadd.s32 $0x1, s22  }
0x47: {  	[sflag:s19] =	ssyncadd.s32 $0xFFFFF800;
	p0 =	slt.u32 s22, s11  }
.Ltmp5:
0x48: {  	(pc) =	sbr.rel @p0 .LBB2_8-.Ltmp5, $3  }
0x49: {  	_ =	sdelay $0x1  }
0x4a: {  	_ =	swait.ge [sflag:s19], $0x800  }
0x4b: {  	[sflag:s19] =	ssyncset.done $0x0  }
.LBB2_9:
0x4c: {  	[sflag:s19] =	ssyncadd.s32 $0xFFFFF800;
	s21 =	sadd.s32 $0x1, s21  }
0x4d: {  	s22 =	sshll.u32 s1, $0x6;
	s23 =	sshrl.u32 s6, $0x3;
	p0 =	sne.s32 s21, s13  }
.Ltmp6:
0x4e: {  	[bflag:$0x0] =	sbarrier.arrive $0xFFFF;
	s22 =	sor.u32 $0x1C02, s22;
	(pc) =	sbr.rel @p0 .LBB2_1-.Ltmp6, $4  }
0x4f: {  	[hbm:s12@s20], [sflag:s22] =	dma.strided [spmem:s23@s15], $0x500, s19, $0x2   }
0x50: {  	_ =	swait.ge [sflag:s15], $0x500  }
0x51: {  	[sflag:s15] =	ssyncset.done $0x0  }
0x52: {  	[sflag:s15] =	ssyncadd.s32 $0xFFFFFB00  }
0x53: {  	_ =	sfence.sel $0x180000  }
0x54: {  	[bflag:$0x0] =	sbarrier.arrive $0xFFFF  }
0x55: {  	p0 =	sne.s32 s1, $0x0;
	_ =	strace $0x90000047  }
0x56: {  	s0 =	sadd.s32 @!p0 $0x100000, s0;
	[bflag:$0x2] =	sbarrier.arrive $0xFFFF  }
0x57: {  	[sflag:s0] =	ssyncadd.tile.s32 @!p0 $0x1;
	_ =	shalt  }
.Lfunc_end2:
_tile_overlayer_lowered:
.L_overlay_start_2:
0x58: {  	(tag) =	ssettag $0x2  }
0x59: {  	s0 =	rddreg [dreg:$0x0];
	s2 =	stileid.u32  }
0x5a: {  	s1 =	rddreg [dreg:$0x1];
	p0 =	sne.s32 s2, $0x0  }
0x5b: {  	s3 =	rddreg [dreg:$0x2];
	[bflag:$0x3] =	sbarrier.arrive $0xFFFF;
	s2 =	simm.s32 @!p0 $0x1C02  }
0x5c: {  	[timem:s3], [sflag:s2] =	dma.local @!p0 [hbm:s0], s1  }
0x5d: {  	s0 =	simm.s32 @!p0 $0x2  }
0x5e: {  	_ =	swait.ge @!p0 [sflag:s0], s1  }
0x5f: {  	s1 =	ssub.s32 @!p0 $0x0, s1;
	[sflag:s0] =	ssyncset.done @!p0 $0x0  }
0x60: {  	[sflag:s0] =	ssyncadd.s32 @!p0 s1  }
0x61: {  	[bflag:$0x3] =	sbarrier.arrive $0xFFFF  }
0x62: {  	_ =	shalt  }

// kernel: kernel.13.cloned.1.call-start
scs
__scs_entry_jumppad:
0x0: {  	(pc) =	sbr.rel $0x88, $3  }
0x1: {  	(tag) =	ssettag $0x0;
	lr =	simm.s32 $0x1  }
0x2: {  	[smem:$0x3F99] =	sst lr;
	_ =	strace $0xD0000000  }
0x3: {  	_ = 	snop  }
0x4: {  	_ = 	snop  }
0x5: {  	_ = 	snop  }
0x6: {  	_ = 	snop  }
0x7: {  	_ = 	snop  }
__scs_overlays_trampoline_lowered:
0x8: {  	[smem:$0x3FA8] =	sst s0  }
0x9: {  	[smem:$0x3FA9] =	sst s1  }
0xa: {  	[smem:$0x3FAA] =	sst s2  }
0xb: {  	[smem:$0x3FAB] =	sst s3  }
0xc: {  	[smem:$0x3FAC] =	sst s4  }
0xd: {  	[smem:$0x3FAD] =	sst s5  }
0xe: {  	[smem:$0x3FAE] =	sst s6  }
0xf: {  	[smem:$0x3FAF] =	sst s7  }
0x10: {  	[smem:$0x3FB0] =	sst s8  }
0x11: {  	[smem:$0x3FB1] =	sst s9;
	s0 =	simm.s32 @!p0 $0x0  }
0x12: {  	s1 =	sld [smem:$0x3F97];
	s0 =	simm.s32 @p0 $0x1  }
0x13: {  	[smem:$0x3FB2] =	sst s0;
	s0 =	simm.s32 @!p1 $0x0  }
0x14: {  	s2 =	sld [smem:$0x3F96];
	s0 =	simm.s32 @p1 $0x1  }
0x15: {  	[smem:$0x3FB3] =	sst s0;
	s0 =	simm.s32 @!p2 $0x0  }
0x16: {  	s3 =	sld [smem:$0x3FDB];
	s0 =	simm.s32 @p2 $0x1  }
0x17: {  	s4 =	simm.s32 $0x1BF5;
	[smem:$0x3FB5] =	sst s0  }
0x18: {  	s0 =	sld [smem:$0x3F98];
	_ =	swait.ge [sflag:s4], $0x0  }
0x19: {  	s7 =	sld [smem:$0x3F99]  }
0x1a: {  	s8 =	sadd.s32 $0xFFFFE003, lr  }
0x1b: {  	s9 =	sadd.s32 $0xFFFFFEF7, lr;
	s5 =	simm.s32 $0xFFFFFFFF;
	p2 =	slt.u32 s8, $0xFFFFF086  }
0x1c: {  	p1 =	slt.u32 s9, $0xF7A;
	s5 =	simm.s32 @!p2 $0x0  }
0x1d: {  	s5 =	simm.s32 @p1 $0x1;
	p0 =	seq.s32 s7, s2  }
0x1e: {  	s7 =	smul.u32 @!p0 $0xF7A, s2;
	p2 =	seq.s32 @!p0 s5, $0x0  }
0x1f: {  	s9 =	smul.u32 $0xF7A, s1;
	s8 =	simm.s32 @!p0 $0x1BF5;
	p2 =	por !p2, p0  }
0x20: {  	[sflag:s8] =	ssyncset.s32 @!p0 $0xFFFFF086;
	s6 =	sadd.s32 @!p0 s3, s7;
	s7 =	simm.s32 @!p0 $0x108  }
0x21: {  	s3 =	sadd.s32 s3, s9;
	s6 =	sadd.s32 @!p0 $0x88, s6;
	s7 =	simm.s32 @p2 $0x1082  }
0x22: {  	[simem:s7], [sflag:s8] =	dma.local @!p0 [hbm:s6], $0xF7A  }
0x23: {  	s9 =	sor.u32 $0xD0000000, s2;
	s6 =	simm.s32 $0x108;
	_ =	swait.ge @!p0 [sflag:s8], $0x0  }
0x24: {  	s3 =	sadd.s32 $0x88, s3;
	s6 =	simm.s32 @!p1 $0x1082;
	[sflag:s4] =	ssyncset.s32 $0xFFFFF086  }
0x25: {  	[simem:s6], [sflag:s4] =	dma.local [hbm:s3], $0xF7A  }
0x26: {  	[smem:$0x3F99] =	sst s1;
	(tag) =	ssettag s2;
	_ =	strace s9  }
0x27: {  	s1 =	sld [smem:$0x3FA9]  }
0x28: {  	s2 =	sld [smem:$0x3FAA]  }
0x29: {  	s4 =	sld [smem:$0x3FAC]  }
0x2a: {  	p0 =	seq.s32 s5, $0x0;
	s5 =	sld [smem:$0x3FAD]  }
0x2b: {  	s6 =	sld [smem:$0x3FAE]  }
0x2c: {  	s7 =	sld [smem:$0x3FAF]  }
0x2d: {  	s3 =	simm.s32 $0x108;
	s8 =	sld [smem:$0x3FB0]  }
0x2e: {  	s3 =	simm.s32 @!p0 $0x1082;
	s9 =	sld [smem:$0x3FB1]  }
0x2f: {  	lr =	sadd.s32 s0, s3;
	s0 =	sld [smem:$0x3FA8]  }
0x30: {  	s3 =	sld [smem:$0x3FAB]  }
0x31: {  	[smem:$0x3FB4] =	sst s10  }
0x32: {  	s10 =	sld [smem:$0x3FB2];
	_ =	sdelay $0x3  }
0x33: {  	p0 =	seq.s32 s10, $0x1;
	s10 =	sld [smem:$0x3FB4];
	_ =	sdelay $0x3  }
0x34: {  	[smem:$0x3FB4] =	sst s10  }
0x35: {  	s10 =	sld [smem:$0x3FB3];
	_ =	sdelay $0x3  }
0x36: {  	p1 =	seq.s32 s10, $0x1;
	s10 =	sld [smem:$0x3FB4];
	_ =	sdelay $0x3  }
0x37: {  	[smem:$0x3FB4] =	sst s10  }
0x38: {  	s10 =	sld [smem:$0x3FB5]  }
0x39: {  	_ = 	snop;
	(pc) =	sbr.ind lr, $3  }
0x3a: {  	_ = 	snop  }
0x3b: {  	_ = 	snop  }
0x3c: {  	p2 =	seq.s32 s10, $0x1;
	s10 =	sld [smem:$0x3FB4]  }
0x3d: {  	_ =	shalt  }
0x3e: {  	_ =	shalt  }
0x3f: {  	_ =	shalt  }
0x40: {  	_ =	shalt  }
0x41: {  	_ =	shalt  }
0x42: {  	_ =	shalt  }
0x43: {  	_ =	shalt  }
0x44: {  	_ =	shalt  }
0x45: {  	_ =	shalt  }
0x46: {  	_ =	shalt  }
0x47: {  	_ =	shalt  }
0x48: {  	_ =	shalt  }
0x49: {  	_ =	shalt  }
0x4a: {  	_ =	shalt  }
0x4b: {  	_ =	shalt  }
0x4c: {  	_ =	shalt  }
0x4d: {  	_ =	shalt  }
0x4e: {  	_ =	shalt  }
0x4f: {  	_ =	shalt  }
0x50: {  	_ =	shalt  }
0x51: {  	_ =	shalt  }
0x52: {  	_ =	shalt  }
0x53: {  	_ =	shalt  }
0x54: {  	_ =	shalt  }
0x55: {  	_ =	shalt  }
0x56: {  	_ =	shalt  }
0x57: {  	_ =	shalt  }
0x58: {  	_ =	shalt  }
0x59: {  	_ =	shalt  }
0x5a: {  	_ =	shalt  }
0x5b: {  	_ =	shalt  }
0x5c: {  	_ =	shalt  }
0x5d: {  	_ =	shalt  }
0x5e: {  	_ =	shalt  }
0x5f: {  	_ =	shalt  }
0x60: {  	_ =	shalt  }
0x61: {  	_ =	shalt  }
0x62: {  	_ =	shalt  }
0x63: {  	_ =	shalt  }
0x64: {  	_ =	shalt  }
0x65: {  	_ =	shalt  }
0x66: {  	_ =	shalt  }
0x67: {  	_ =	shalt  }
0x68: {  	_ =	shalt  }
0x69: {  	_ =	shalt  }
0x6a: {  	_ =	shalt  }
0x6b: {  	_ =	shalt  }
0x6c: {  	_ =	shalt  }
0x6d: {  	_ =	shalt  }
0x6e: {  	_ =	shalt  }
0x6f: {  	_ =	shalt  }
0x70: {  	_ =	shalt  }
0x71: {  	_ =	shalt  }
0x72: {  	_ =	shalt  }
0x73: {  	_ =	shalt  }
0x74: {  	_ =	shalt  }
0x75: {  	_ =	shalt  }
0x76: {  	_ =	shalt  }
0x77: {  	_ =	shalt  }
0x78: {  	_ =	shalt  }
0x79: {  	_ =	shalt  }
0x7a: {  	_ =	shalt  }
0x7b: {  	_ =	shalt  }
0x7c: {  	_ =	shalt  }
0x7d: {  	_ =	shalt  }
0x7e: {  	_ =	shalt  }
0x7f: {  	_ =	shalt  }
0x80: {  	_ =	shalt  }
0x81: {  	_ =	shalt  }
0x82: {  	_ =	shalt  }
0x83: {  	_ =	shalt  }
0x84: {  	_ =	shalt  }
0x85: {  	_ =	shalt  }
0x86: {  	_ =	shalt  }
0x87: {  	_ =	shalt  }
.Lfunc_end0:
.L_simem_size_0:
called_computation.1_lowered:
.L_overlay_start_0:
0x88: {  	s2 =	sld [smem:$0x3FD9]  }
0x89: {  	s3 =	sld [smem:$0x3FFE];
	_ =	sdelay $0x1  }
0x8a: {  	s1 =	srdreg.scid  }
0x8b: {  	s0 =	sand.u32 $0x1, s1  }
0x8c: {  	s17 =	sshll.u32 s0, $0xA;
	s2 =	sadd.s32 s3, s2  }
0x8d: {  	s2 =	sadd.s32 s2, s17  }
0x8e: {  	[smem:$0x3FC0] =	sst s2  }
0x8f: {  	_ = 	snop  }
0x90: {  	s2 =	sld [smem:$0x3FD0];
	(tm) =	ssettm $0x1  }
0x91: {  	s18 =	sld [smem:$0x3FFB];
	_ =	sdelay $0x3  }
0x92: {  	_ =	strace s18  }
0x93: {  	s3 =	sld [smem:$0x3FFC];
	_ =	sdelay $0x3  }
0x94: {  	_ =	strace s3  }
0x95: {  	s3 =	sld [smem:$0x3FFD];
	_ =	sdelay $0x3  }
0x96: {  	_ =	strace s3  }
0x97: {  	_ =	strace $0x8FFFFFFF  }
0x98: {  	s19 =	sld [smem:$0x3FDB];
	_ =	sdelay $0x1  }
0x99: {  	s4 =	simm.s32 $_scs_section_size  }
0x9a: {  	s5 =	simm.s32 $_size__tile_overlayer_lowered;
	s6 =	simm.s32 $_tile_overlayer_lowered  }
0x9b: {  	s22 =	simm.s32 $0x1BFF;
	s21 =	sshll.u32 s6, $0x1;
	s3 =	sadd.s32 s4, s19  }
0x9c: {  	s7 =	simm.s32 $0x0;
	s20 =	sshll.u32 s5, $0x1;
	s5 =	sadd.s32 s21, s3  }
0x9d: {  	[timem:s7], [sflag:s22] =	dma.local [hbm:s5], s20  }
0x9e: {  	_ =	swait.ge [sflag:s22], s20  }
0x9f: {  	s4 =	ssub.s32 $0x0, s20;
	[sflag:s22] =	ssyncset.done $0x0  }
0xa0: {  	[sflag:s22] =	ssyncadd.s32 s4;
	_ =	sdelay $0x1  }
0xa1: {  	s23 =	simm.s32 $0x1B8B  }
0xa2: {  	_ =	swait.ge [sflag:s23], $0x1  }
0xa3: {  	[sflag:s23] =	ssyncset.done $0x0  }
0xa4: {  	s25 =	simm.s32 $0x1B8E;
	s24 =	sld [smem:$0x3FFE];
	[sflag:s23] =	ssyncadd.s32 $0xFFFFFFFF  }
0xa5: {  	s26 =	simm.s32 $execute0_lowered;
	[smem:$0x3FD2] =	sst s25  }
0xa6: {  	s5 =	sshll.u32 s26, $0x1;
	_ =	strace $0x80000049;
	[dreg:$0x1] =	wrdreg $0xFFFFFFFF  }
0xa7: {  	s28 =	simm.s32 $_size_execute0_lowered;
	s3 =	sadd.s32 s3, s5;
	[dreg:$0x0] =	wrdreg $0x0  }
0xa8: {  	s5 =	sshll.u32 s28, $0x1;
	[dreg:$0x2] =	wrdreg s3  }
0xa9: {  	[dreg:$0x3] =	wrdreg s5  }
0xaa: {  	[dreg:$0x4] =	wrdreg $0xC0  }
0xab: {  	_ =	task [dreg:s7], $0x5FFFF  }
0xac: {  	[dreg:$0x1] =	wrdreg $0xFFFFFFFF  }
0xad: {  	[dreg:$0x0] =	wrdreg $0x60  }
0xae: {  	[dreg:$0x2] =	wrdreg s24  }
0xaf: {  	[dreg:$0x3] =	wrdreg s2  }
0xb0: {  	[dreg:$0x4] =	wrdreg $0x132400  }
0xb1: {  	[dreg:$0x5] =	wrdreg $0x9  }
0xb2: {  	_ =	task.clear_ibuf [dreg:s7], $0x6FFFF;
	_ =	strace $0x90000049  }
0xb3: {  	s29 =	simm.s32 $0x9;
	_ =	strace $0x8000004B  }
0xb4: {  	_ =	swait.ge [sflag:s29], $0x1  }
0xb5: {  	[sflag:s29] =	ssyncadd.s32 $0xFFFFFFFF  }
0xb6: {  	_ =	strace $0x9000004B  }
0xb7: {  	_ =	sfence  }
0xb8: {  	s30 =	sld [smem:$0x0];
	_ =	sdelay $0x2  }
0xb9: {  	s31 =	sshll.u32 s1, $0xD;
	s1 =	sshrl.u32 s1, $0x2  }
0xba: {  	s3 =	sand.u32 $0x4000, s31;
	s1 =	sadd.s32 s1, s30  }
0xbb: {  	s0 =	sor.u32 s3, s0;
	s1 =	sshll.u32 s1, $0x11  }
0xbc: {  	s0 =	sor.u32 s1, s0  }
0xbd: {  	s0 =	sadd.s32 $0x8F2B, s0  }
0xbe: {  	[sflag:s0] =	ssyncadd.remote.s32 $0x1  }
0xbf: {  	_ =	sfence.sel $0xFFFF  }
0xc0: {  	[dreg:$0x0] =	wrdreg $0xFFFFFFFF;
	(pc) =	sbr.abs _section_cstart, $3  }
0xc1: {  	[dreg:$0x1] =	wrdreg $0xFFFFFFFF  }
0xc2: {  	_ =	task.clear_ibuf [dreg:s7], $0x2FFFF;
	_ =	strace $0x9FFFFFFF  }
0xc3: {  	(tm) =	ssettm $0x7FFFFFFF  }
tec
execute0_lowered:
.L_overlay_start_1:
0x0: {  	(tag) =	ssettag $0x1  }
0x1: {  	s0 =	rddreg [dreg:$0x0];
	s1 =	srdreg.scid  }
0x2: {  	s10 =	stileid.u32;
	s6 =	rddreg [dreg:$0x1]  }
0x3: {  	s2 =	rddreg [dreg:$0x2];
	s3 =	simm.s32 $0x0;
	s14 =	simm.s32 $0x4  }
0x4: {  	s16 =	simm.s32 $0x10040;
	s17 =	simm.s32 $0xC8;
	s18 =	simm.s32 $0x9C40  }
0x5: {  	s19 =	simm.s32 $0xCE40;
	s20 =	simm.s32 $0x1;
	s21 =	simm.s32 $0x2  }
0x6: {  	s22 =	simm.s32 $0x3;
	s28 =	simm.s32 $0x9AB0;
	s5 =	smul.u32 $0x4E20, s10  }
0x7: {  	s29 =	simm.s32 $0x9B78;
	s30 =	simm.s32 $0x10;
	s7 =	smul.u32 $0x14000, s10  }
0x8: {  	s31 =	simm.s32 $0x8;
	s1 =	sand.u32 $0x1, s1;
	s24 =	smul.u32 $0x28000, s10  }
0x9: {  	[smem:$0x7FF] =	sst s3;
	s4 =	smul.u32 $0x4E200, s1;
	s8 =	sshll.u32 s1, $0x6  }
0xa: {  	_ =	strace $0x8000004A;
	s1 =	ssub.s32 $0x2, s1;
	s23 =	sor.u32 s8, s7  }
0xb: {  	s25 =	sshrl.u32 s1, $0x1;
	s26 =	sshrl.u32 s5, $0x3;
	s8 =	sshrl.u32 s24, $0x2  }
0xc: {  	s4 =	sadd.s32 s5, s4;
	s7 =	sshrl.u32 s23, $0x3;
	s1 =	ssub.s32 s1, s25  }
0xd: {  	s6 =	sadd.s32 s6, s26;
	s26 =	simm.s32 $0x99E8;
	s4 =	sshrl.u32 s4, $0x3  }
0xe: {  	s13 =	smax.u32 s1, $0x1;
	s1 =	simm.s32 $0x0;
	s9 =	sadd.s32 s4, s0  }
0xf: {  	s4 =	sadd.s32 $0x2400, s0;
	s0 =	sadd.s32 s7, s0;
	s7 =	sadd.s32 s8, s2  }
0x10: {  	s5 =	sadd.s32 $0x2A400, s9;
	s8 =	sadd.s32 $0x2000, s7;
	s9 =	sadd.s32 $0x4000, s7  }
0x11: {  	v0 =	vimm.f32 $0.0e+00;
	s10 =	sadd.s32 $0x6000, s7;
	s11 =	sadd.s32 $0x8000, s7;
	s12 =	sadd.s32 $0x3DE00, s0  }
.LBB2_1:
0x12: {  	[tilespmem:s3], [sflag:$0x4] =	stream.linear.gather [hbm4b:s5+s3], $0x4E20, $0x38;
	[tilespmem:$0x1D240] =	vst v63  }
0x13: {  	_ =	swait.ge [sflag:s14], $0x4E20  }
0x14: {  	[sflag:s14] =	ssyncset.done $0x0  }
0x15: {  	s0 =	simm.s32 $0x4E20;
	[sflag:s14] =	ssyncadd.s32 $0xFFFFB1E0  }
0x16: {  	[tilespmem:s0], [sflag:$0x4] =	stream.linear.gather [hbm4b:s6+s3], $0x4E20, $0x38;
	[tilespmem:$0x1D240] =	vst v63  }
0x17: {  	_ =	swait.ge [sflag:s14], $0x4E20  }
0x18: {  	[sflag:s14] =	ssyncset.done $0x0  }
0x19: {  	s15 =	simm.s32 $0x100;
	s0 =	simm.s32 $0x0;
	[sflag:s14] =	ssyncadd.s32 $0xFFFFB1E0  }
.LBB2_2:
0x1a: {  	p0 =	sne.s32 s15, $0x7F00;
	[tilespmem:s0+$0x10070] =	vst v0;
	s23 =	smov.u32 s15;
	s15 =	sadd.s32 $0x100, s15  }
.Ltmp0:
0x1b: {  	[tilespmem:s0+$0x10060] =	vst v0;
	(pc) =	sbr.rel @p0 .LBB2_2-.Ltmp0, $3  }
0x1c: {  	[tilespmem:s0+$0x10040] =	vst v0  }
0x1d: {  	[tilespmem:s0+$0x10050] =	vst v0;
	_ =	sdelay $0x1  }
0x1e: {  	s0 =	sshra.s32 s23, $0x2  }
0x1f: {  	[tilespmem:s0+$0x10070] =	vst v0  }
0x20: {  	[tilespmem:s0+$0x10060] =	vst v0  }
0x21: {  	[tilespmem:s0+$0x10040] =	vst v0  }
0x22: {  	[tilespmem:s0+$0x10050] =	vst v0  }
0x23: {  	[spmem:s7] =	stream.linear.scatter [tilespmem:s16], [sflag:$0x4], $0x2000, $0x38;
	[tilespmem:$0x1D240] =	vst v63  }
0x24: {  	_ =	swait.ge [sflag:s14], $0x2000  }
0x25: {  	[sflag:s14] =	ssyncset.done $0x0  }
0x26: {  	[sflag:s14] =	ssyncadd.s32 $0xFFFFE000  }
0x27: {  	[spmem:s8] =	stream.linear.scatter [tilespmem:s16], [sflag:$0x4], $0x2000, $0x38;
	[tilespmem:$0x1D240] =	vst v63  }
0x28: {  	_ =	swait.ge [sflag:s14], $0x2000  }
0x29: {  	[sflag:s14] =	ssyncset.done $0x0  }
0x2a: {  	[sflag:s14] =	ssyncadd.s32 $0xFFFFE000  }
0x2b: {  	[spmem:s9] =	stream.linear.scatter [tilespmem:s16], [sflag:$0x4], $0x2000, $0x38;
	[tilespmem:$0x1D240] =	vst v63  }
0x2c: {  	_ =	swait.ge [sflag:s14], $0x2000  }
0x2d: {  	[sflag:s14] =	ssyncset.done $0x0  }
0x2e: {  	[sflag:s14] =	ssyncadd.s32 $0xFFFFE000  }
0x2f: {  	[spmem:s10] =	stream.linear.scatter [tilespmem:s16], [sflag:$0x4], $0x2000, $0x38;
	[tilespmem:$0x1D240] =	vst v63  }
0x30: {  	_ =	swait.ge [sflag:s14], $0x2000  }
0x31: {  	[sflag:s14] =	ssyncset.done $0x0  }
0x32: {  	[sflag:s14] =	ssyncadd.s32 $0xFFFFE000  }
0x33: {  	[spmem:s11] =	stream.linear.scatter [tilespmem:s16], [sflag:$0x4], $0x2000, $0x38;
	[tilespmem:$0x1D240] =	vst v63  }
0x34: {  	_ =	swait.ge [sflag:s14], $0x2000  }
0x35: {  	[sflag:s14] =	ssyncset.done $0x0  }
0x36: {  	s25 =	simm.s32 $0x0;
	[sflag:s14] =	ssyncadd.s32 $0xFFFFE000  }
0x37: {  	[tilespmem:s18], [sflag:$0x1] =	stream.indirect.gather [hbm4b:s4+s17], $0x40, s25, s17, $0xb8;
	[tilespmem:$0x1D240] =	vst v63  }
0x38: {  	_ = 	snop  }
0x39: {  	[tilespmem:s19], [sflag:$0x2] =	stream.indirect.gather [hbm4b:s4+s17], $0x40, s17, s17, $0xb8;
	[tilespmem:$0x1D240] =	vst v63  }
0x3a: {  	s15 =	simm.s32 $0x190;
	[bflag:$0x0] =	sbarrier.arrive $0xFFFF  }
0x3b: {  	[tilespmem:s16], [sflag:$0x3] =	stream.indirect.gather [hbm4b:s4+s17], $0x40, s15, s17, $0xb8;
	[tilespmem:$0x1D240] =	vst v63  }
0x3c: {  	_ =	swait.ge [sflag:s20], $0x3200  }
0x3d: {  	[sflag:s20] =	ssyncset.done $0x0  }
0x3e: {  	s23 =	simm.s32 $0x4E20;
	[sflag:s20] =	ssyncadd.s32 $0xFFFFCE00  }
0x3f: {  	[spmem:s2] =	stream.indirect.scatter.add.f32 [tilespmem:s18], [sflag:$0x4], $0x40, s23, s17, $0xb8;
	[tilespmem:$0x1D240] =	vst v63  }
0x40: {  	_ =	swait.ge [sflag:s14], $0x3200  }
0x41: {  	[sflag:s14] =	ssyncset.done $0x0  }
0x42: {  	s24 =	simm.s32 $0x258;
	[sflag:s14] =	ssyncadd.s32 $0xFFFFCE00  }
0x43: {  	[tilespmem:s18], [sflag:$0x1] =	stream.indirect.gather [hbm4b:s4+s17], $0x40, s24, s17, $0xb8;
	[tilespmem:$0x1D240] =	vst v63  }
0x44: {  	_ =	swait.ge [sflag:s21], $0x3200  }
0x45: {  	[sflag:s21] =	ssyncset.done $0x0  }
0x46: {  	s25 =	simm.s32 $0x4EE8;
	[sflag:s21] =	ssyncadd.s32 $0xFFFFCE00  }
0x47: {  	[spmem:s2] =	stream.indirect.scatter.add.f32 [tilespmem:s19], [sflag:$0x4], $0x40, s25, s17, $0xb8;
	[tilespmem:$0x1D240] =	vst v63  }
0x48: {  	_ =	swait.ge [sflag:s14], $0x3200  }
0x49: {  	[sflag:s14] =	ssyncset.done $0x0  }
0x4a: {  	s15 =	simm.s32 $0x320;
	[sflag:s14] =	ssyncadd.s32 $0xFFFFCE00  }
0x4b: {  	[tilespmem:s19], [sflag:$0x2] =	stream.indirect.gather [hbm4b:s4+s17], $0x40, s15, s17, $0xb8;
	[tilespmem:$0x1D240] =	vst v63  }
0x4c: {  	_ =	swait.ge [sflag:s22], $0x3200  }
0x4d: {  	[sflag:s22] =	ssyncset.done $0x0  }
0x4e: {  	s23 =	simm.s32 $0x4FB0;
	[sflag:s22] =	ssyncadd.s32 $0xFFFFCE00  }
0x4f: {  	[spmem:s2] =	stream.indirect.scatter.add.f32 [tilespmem:s16], [sflag:$0x4], $0x40, s23, s17, $0xb8;
	[tilespmem:$0x1D240] =	vst v63  }
0x50: {  	_ =	swait.ge [sflag:s14], $0x3200  }
0x51: {  	[sflag:s14] =	ssyncset.done $0x0  }
0x52: {  	s24 =	simm.s32 $0x3E8;
	[sflag:s14] =	ssyncadd.s32 $0xFFFFCE00  }
0x53: {  	[tilespmem:s16], [sflag:$0x3] =	stream.indirect.gather [hbm4b:s4+s17], $0x40, s24, s17, $0xb8;
	[tilespmem:$0x1D240] =	vst v63  }
0x54: {  	_ =	swait.ge [sflag:s20], $0x3200  }
0x55: {  	[sflag:s20] =	ssyncset.done $0x0  }
0x56: {  	s25 =	simm.s32 $0x5078;
	[sflag:s20] =	ssyncadd.s32 $0xFFFFCE00  }
0x57: {  	[spmem:s2] =	stream.indirect.scatter.add.f32 [tilespmem:s18], [sflag:$0x4], $0x40, s25, s17, $0xb8;
	[tilespmem:$0x1D240] =	vst v63  }
0x58: {  	_ =	swait.ge [sflag:s14], $0x3200  }
0x59: {  	[sflag:s14] =	ssyncset.done $0x0  }
0x5a: {  	s15 =	simm.s32 $0x4B0;
	[sflag:s14] =	ssyncadd.s32 $0xFFFFCE00  }
0x5b: {  	[tilespmem:s18], [sflag:$0x1] =	stream.indirect.gather [hbm4b:s4+s17], $0x40, s15, s17, $0xb8;
	[tilespmem:$0x1D240] =	vst v63  }
0x5c: {  	_ =	swait.ge [sflag:s21], $0x3200  }
0x5d: {  	[sflag:s21] =	ssyncset.done $0x0  }
0x5e: {  	s23 =	simm.s32 $0x5140;
	[sflag:s21] =	ssyncadd.s32 $0xFFFFCE00  }
0x5f: {  	[spmem:s2] =	stream.indirect.scatter.add.f32 [tilespmem:s19], [sflag:$0x4], $0x40, s23, s17, $0xb8;
	[tilespmem:$0x1D240] =	vst v63  }
0x60: {  	_ =	swait.ge [sflag:s14], $0x3200  }
0x61: {  	[sflag:s14] =	ssyncset.done $0x0  }
0x62: {  	s24 =	simm.s32 $0x578;
	[sflag:s14] =	ssyncadd.s32 $0xFFFFCE00  }
0x63: {  	[tilespmem:s19], [sflag:$0x2] =	stream.indirect.gather [hbm4b:s4+s17], $0x40, s24, s17, $0xb8;
	[tilespmem:$0x1D240] =	vst v63  }
0x64: {  	_ =	swait.ge [sflag:s22], $0x3200  }
0x65: {  	[sflag:s22] =	ssyncset.done $0x0  }
0x66: {  	s25 =	simm.s32 $0x5208;
	[sflag:s22] =	ssyncadd.s32 $0xFFFFCE00  }
0x67: {  	[spmem:s2] =	stream.indirect.scatter.add.f32 [tilespmem:s16], [sflag:$0x4], $0x40, s25, s17, $0xb8;
	[tilespmem:$0x1D240] =	vst v63  }
0x68: {  	_ =	swait.ge [sflag:s14], $0x3200  }
0x69: {  	s0 =	simm.s32 $0x2580;
	s15 =	simm.s32 $0x4B0;
	[sflag:s14] =	ssyncset.done $0x0  }
.LBB2_4:
0x6a: {  	s25 =	sadd.s32 $0x190, s15  }
0x6b: {  	[sflag:s14] =	ssyncadd.s32 $0xFFFFCE00;
	s23 =	smov.u32 s0;
	s24 =	sadd.s32 $0x12C0, s0  }
0x6c: {  	[tilespmem:s16], [sflag:$0x3] =	stream.indirect.gather [hbm4b:s4+s17], $0x40, s25, s17, $0xb8;
	[tilespmem:$0x1D240] =	vst v63  }
0x6d: {  	p0 =	sne.s32 s0, $0x11940;
	_ =	swait.ge [sflag:s20], $0x3200  }
0x6e: {  	[sflag:s20] =	ssyncset.done $0x0  }
0x6f: {  	s0 =	sadd.s32 $0x4E20, s15;
	[sflag:s20] =	ssyncadd.s32 $0xFFFFCE00  }
0x70: {  	[spmem:s2] =	stream.indirect.scatter.add.f32 [tilespmem:s18], [sflag:$0x4], $0x40, s0, s17, $0xb8;
	[tilespmem:$0x1D240] =	vst v63  }
0x71: {  	_ =	swait.ge [sflag:s14], $0x3200  }
0x72: {  	[sflag:s14] =	ssyncset.done $0x0  }
0x73: {  	s0 =	sadd.s32 $0x258, s15;
	[sflag:s14] =	ssyncadd.s32 $0xFFFFCE00  }
0x74: {  	[tilespmem:s18], [sflag:$0x1] =	stream.indirect.gather [hbm4b:s4+s17], $0x40, s0, s17, $0xb8;
	[tilespmem:$0x1D240] =	vst v63  }
0x75: {  	_ =	swait.ge [sflag:s21], $0x3200  }
0x76: {  	[sflag:s21] =	ssyncset.done $0x0  }
0x77: {  	s0 =	sadd.s32 $0x4EE8, s15;
	[sflag:s21] =	ssyncadd.s32 $0xFFFFCE00  }
0x78: {  	[spmem:s2] =	stream.indirect.scatter.add.f32 [tilespmem:s19], [sflag:$0x4], $0x40, s0, s17, $0xb8;
	[tilespmem:$0x1D240] =	vst v63  }
0x79: {  	_ =	swait.ge [sflag:s14], $0x3200  }
0x7a: {  	[sflag:s14] =	ssyncset.done $0x0  }
0x7b: {  	s0 =	sadd.s32 $0x320, s15;
	[sflag:s14] =	ssyncadd.s32 $0xFFFFCE00  }
0x7c: {  	[tilespmem:s19], [sflag:$0x2] =	stream.indirect.gather [hbm4b:s4+s17], $0x40, s0, s17, $0xb8;
	[tilespmem:$0x1D240] =	vst v63  }
0x7d: {  	_ =	swait.ge [sflag:s22], $0x3200  }
0x7e: {  	[sflag:s22] =	ssyncset.done $0x0  }
0x7f: {  	s0 =	sadd.s32 $0x4FB0, s15;
	[sflag:s22] =	ssyncadd.s32 $0xFFFFCE00  }
0x80: {  	[spmem:s2] =	stream.indirect.scatter.add.f32 [tilespmem:s16], [sflag:$0x4], $0x40, s0, s17, $0xb8;
	[tilespmem:$0x1D240] =	vst v63  }
0x81: {  	_ =	swait.ge [sflag:s14], $0x3200  }
0x82: {  	[sflag:s14] =	ssyncset.done $0x0  }
0x83: {  	s0 =	sadd.s32 $0x3E8, s15;
	[sflag:s14] =	ssyncadd.s32 $0xFFFFCE00  }
0x84: {  	[tilespmem:s16], [sflag:$0x3] =	stream.indirect.gather [hbm4b:s4+s17], $0x40, s0, s17, $0xb8;
	[tilespmem:$0x1D240] =	vst v63  }
0x85: {  	_ =	swait.ge [sflag:s20], $0x3200  }
0x86: {  	[sflag:s20] =	ssyncset.done $0x0  }
0x87: {  	s0 =	sadd.s32 $0x5078, s15;
	[sflag:s20] =	ssyncadd.s32 $0xFFFFCE00  }
0x88: {  	[spmem:s2] =	stream.indirect.scatter.add.f32 [tilespmem:s18], [sflag:$0x4], $0x40, s0, s17, $0xb8;
	[tilespmem:$0x1D240] =	vst v63  }
0x89: {  	_ =	swait.ge [sflag:s14], $0x3200  }
0x8a: {  	[sflag:s14] =	ssyncset.done $0x0  }
0x8b: {  	s0 =	sadd.s32 $0x4B0, s15;
	[sflag:s14] =	ssyncadd.s32 $0xFFFFCE00  }
0x8c: {  	[tilespmem:s18], [sflag:$0x1] =	stream.indirect.gather [hbm4b:s4+s17], $0x40, s0, s17, $0xb8;
	[tilespmem:$0x1D240] =	vst v63  }
0x8d: {  	_ =	swait.ge [sflag:s21], $0x3200  }
0x8e: {  	[sflag:s21] =	ssyncset.done $0x0  }
0x8f: {  	s0 =	sadd.s32 $0x5140, s15;
	[sflag:s21] =	ssyncadd.s32 $0xFFFFCE00  }
0x90: {  	[spmem:s2] =	stream.indirect.scatter.add.f32 [tilespmem:s19], [sflag:$0x4], $0x40, s0, s17, $0xb8;
	[tilespmem:$0x1D240] =	vst v63  }
0x91: {  	_ =	swait.ge [sflag:s14], $0x3200  }
0x92: {  	[sflag:s14] =	ssyncset.done $0x0  }
0x93: {  	s0 =	sadd.s32 $0x578, s15;
	[sflag:s14] =	ssyncadd.s32 $0xFFFFCE00  }
0x94: {  	[tilespmem:s19], [sflag:$0x2] =	stream.indirect.gather [hbm4b:s4+s17], $0x40, s0, s17, $0xb8;
	[tilespmem:$0x1D240] =	vst v63  }
0x95: {  	_ =	swait.ge [sflag:s22], $0x3200  }
.Ltmp1:
0x96: {  	[sflag:s22] =	ssyncset.done $0x0;
	(pc) =	sbr.rel @p0 .LBB2_4-.Ltmp1, $4  }
0x97: {  	s0 =	sadd.s32 $0x5208, s15;
	[sflag:s22] =	ssyncadd.s32 $0xFFFFCE00  }
0x98: {  	[spmem:s2] =	stream.indirect.scatter.add.f32 [tilespmem:s16], [sflag:$0x4], $0x40, s0, s17, $0xb8;
	[tilespmem:$0x1D240] =	vst v63  }
0x99: {  	_ =	swait.ge [sflag:s14], $0x3200  }
0x9a: {  	s15 =	sshra.s32 s23, $0x2;
	s0 =	smov.u32 s24;
	[sflag:s14] =	ssyncset.done $0x0  }
0x9b: {  	s0 =	sadd.s32 $0x190, s15;
	[sflag:s14] =	ssyncadd.s32 $0xFFFFCE00  }
0x9c: {  	[tilespmem:s16], [sflag:$0x3] =	stream.indirect.gather [hbm4b:s4+s17], $0x40, s0, s17, $0xb8;
	[tilespmem:$0x1D240] =	vst v63  }
0x9d: {  	_ =	swait.ge [sflag:s20], $0x3200  }
0x9e: {  	[sflag:s20] =	ssyncset.done $0x0  }
0x9f: {  	s23 =	sadd.s32 $0x4E20, s15;
	[sflag:s20] =	ssyncadd.s32 $0xFFFFCE00  }
0xa0: {  	[spmem:s2] =	stream.indirect.scatter.add.f32 [tilespmem:s18], [sflag:$0x4], $0x40, s23, s17, $0xb8;
	[tilespmem:$0x1D240] =	vst v63  }
0xa1: {  	_ =	swait.ge [sflag:s14], $0x3200  }
0xa2: {  	[sflag:s14] =	ssyncset.done $0x0  }
0xa3: {  	s24 =	sadd.s32 $0x258, s15;
	[sflag:s14] =	ssyncadd.s32 $0xFFFFCE00  }
0xa4: {  	[tilespmem:s18], [sflag:$0x1] =	stream.indirect.gather [hbm4b:s4+s17], $0x40, s24, s17, $0xb8;
	[tilespmem:$0x1D240] =	vst v63  }
0xa5: {  	_ =	swait.ge [sflag:s21], $0x3200  }
0xa6: {  	[sflag:s21] =	ssyncset.done $0x0  }
0xa7: {  	s25 =	sadd.s32 $0x4EE8, s15;
	[sflag:s21] =	ssyncadd.s32 $0xFFFFCE00  }
0xa8: {  	[spmem:s2] =	stream.indirect.scatter.add.f32 [tilespmem:s19], [sflag:$0x4], $0x40, s25, s17, $0xb8;
	[tilespmem:$0x1D240] =	vst v63  }
0xa9: {  	_ =	swait.ge [sflag:s14], $0x3200  }
0xaa: {  	[sflag:s14] =	ssyncset.done $0x0  }
0xab: {  	s23 =	sadd.s32 $0x320, s15;
	[sflag:s14] =	ssyncadd.s32 $0xFFFFCE00  }
0xac: {  	[tilespmem:s19], [sflag:$0x2] =	stream.indirect.gather [hbm4b:s4+s17], $0x40, s23, s17, $0xb8;
	[tilespmem:$0x1D240] =	vst v63  }
0xad: {  	_ =	swait.ge [sflag:s22], $0x3200  }
0xae: {  	[sflag:s22] =	ssyncset.done $0x0  }
0xaf: {  	s24 =	sadd.s32 $0x4FB0, s15;
	[sflag:s22] =	ssyncadd.s32 $0xFFFFCE00  }
0xb0: {  	[spmem:s2] =	stream.indirect.scatter.add.f32 [tilespmem:s16], [sflag:$0x4], $0x40, s24, s17, $0xb8;
	[tilespmem:$0x1D240] =	vst v63  }
0xb1: {  	_ =	swait.ge [sflag:s14], $0x3200  }
0xb2: {  	[sflag:s14] =	ssyncset.done $0x0  }
0xb3: {  	s25 =	sadd.s32 $0x3E8, s15;
	[sflag:s14] =	ssyncadd.s32 $0xFFFFCE00  }
0xb4: {  	[tilespmem:s16], [sflag:$0x3] =	stream.indirect.gather [hbm4b:s4+s17], $0x40, s25, s17, $0xb8;
	[tilespmem:$0x1D240] =	vst v63  }
0xb5: {  	_ =	swait.ge [sflag:s20], $0x3200  }
0xb6: {  	[sflag:s20] =	ssyncset.done $0x0  }
0xb7: {  	s23 =	sadd.s32 $0x5078, s15;
	[sflag:s20] =	ssyncadd.s32 $0xFFFFCE00  }
0xb8: {  	[spmem:s2] =	stream.indirect.scatter.add.f32 [tilespmem:s18], [sflag:$0x4], $0x40, s23, s17, $0xb8;
	[tilespmem:$0x1D240] =	vst v63  }
0xb9: {  	_ =	swait.ge [sflag:s14], $0x3200  }
0xba: {  	[sflag:s14] =	ssyncset.done $0x0  }
0xbb: {  	s24 =	sadd.s32 $0x4B0, s15;
	[sflag:s14] =	ssyncadd.s32 $0xFFFFCE00  }
0xbc: {  	[tilespmem:s18], [sflag:$0x1] =	stream.indirect.gather [hbm4b:s4+s17], $0x40, s24, s17, $0xb8;
	[tilespmem:$0x1D240] =	vst v63  }
0xbd: {  	_ =	swait.ge [sflag:s21], $0x3200  }
0xbe: {  	[sflag:s21] =	ssyncset.done $0x0  }
0xbf: {  	s25 =	sadd.s32 $0x5140, s15;
	[sflag:s21] =	ssyncadd.s32 $0xFFFFCE00  }
0xc0: {  	[spmem:s2] =	stream.indirect.scatter.add.f32 [tilespmem:s19], [sflag:$0x4], $0x40, s25, s17, $0xb8;
	[tilespmem:$0x1D240] =	vst v63  }
0xc1: {  	_ =	swait.ge [sflag:s14], $0x3200  }
0xc2: {  	[sflag:s14] =	ssyncset.done $0x0  }
0xc3: {  	s23 =	sadd.s32 $0x578, s15;
	[sflag:s14] =	ssyncadd.s32 $0xFFFFCE00  }
0xc4: {  	[tilespmem:s19], [sflag:$0x2] =	stream.indirect.gather [hbm4b:s4+s17], $0x40, s23, s17, $0xb8;
	[tilespmem:$0x1D240] =	vst v63  }
0xc5: {  	_ =	swait.ge [sflag:s22], $0x3200  }
0xc6: {  	[sflag:s22] =	ssyncset.done $0x0  }
0xc7: {  	s24 =	sadd.s32 $0x5208, s15;
	[sflag:s22] =	ssyncadd.s32 $0xFFFFCE00  }
0xc8: {  	[spmem:s2] =	stream.indirect.scatter.add.f32 [tilespmem:s16], [sflag:$0x4], $0x40, s24, s17, $0xb8;
	[tilespmem:$0x1D240] =	vst v63  }
0xc9: {  	_ =	swait.ge [sflag:s14], $0x3200  }
0xca: {  	[sflag:s14] =	ssyncset.done $0x0  }
0xcb: {  	s25 =	simm.s32 $0x4C90;
	[sflag:s14] =	ssyncadd.s32 $0xFFFFCE00  }
0xcc: {  	[tilespmem:s16], [sflag:$0x3] =	stream.indirect.gather [hbm4b:s4+s17], $0x40, s25, s17, $0xb8;
	[tilespmem:$0x1D240] =	vst v63  }
0xcd: {  	_ =	swait.ge [sflag:s20], $0x3200  }
0xce: {  	[sflag:s20] =	ssyncset.done $0x0  }
0xcf: {  	s15 =	simm.s32 $0x9920;
	[sflag:s20] =	ssyncadd.s32 $0xFFFFCE00  }
0xd0: {  	[spmem:s2] =	stream.indirect.scatter.add.f32 [tilespmem:s18], [sflag:$0x4], $0x40, s15, s17, $0xb8;
	[tilespmem:$0x1D240] =	vst v63  }
0xd1: {  	_ =	swait.ge [sflag:s14], $0x3200  }
0xd2: {  	[sflag:s14] =	ssyncset.done $0x0  }
0xd3: {  	s23 =	simm.s32 $0x4D58;
	[sflag:s14] =	ssyncadd.s32 $0xFFFFCE00  }
0xd4: {  	[tilespmem:s18], [sflag:$0x1] =	stream.indirect.gather [hbm4b:s4+s17], $0x40, s23, s17, $0xb8;
	[tilespmem:$0x1D240] =	vst v63  }
0xd5: {  	_ =	swait.ge [sflag:s21], $0x3200  }
0xd6: {  	[sflag:s21] =	ssyncset.done $0x0  }
0xd7: {  	[sflag:s21] =	ssyncadd.s32 $0xFFFFCE00  }
0xd8: {  	[spmem:s2] =	stream.indirect.scatter.add.f32 [tilespmem:s19], [sflag:$0x4], $0x40, s26, s17, $0xb8;
	[tilespmem:$0x1D240] =	vst v63  }
0xd9: {  	_ =	swait.ge [sflag:s14], $0x3200  }
0xda: {  	[sflag:s14] =	ssyncset.done $0x0  }
0xdb: {  	[sflag:s14] =	ssyncadd.s32 $0xFFFFCE00  }
0xdc: {  	_ =	swait.ge [sflag:s22], $0x3200  }
0xdd: {  	[sflag:s22] =	ssyncset.done $0x0  }
0xde: {  	[sflag:s22] =	ssyncadd.s32 $0xFFFFCE00  }
0xdf: {  	[spmem:s2] =	stream.indirect.scatter.add.f32 [tilespmem:s16], [sflag:$0x4], $0x40, s28, s17, $0xb8;
	[tilespmem:$0x1D240] =	vst v63  }
0xe0: {  	_ =	swait.ge [sflag:s14], $0x3200  }
0xe1: {  	[sflag:s14] =	ssyncset.done $0x0  }
0xe2: {  	[sflag:s14] =	ssyncadd.s32 $0xFFFFCE00  }
0xe3: {  	_ =	swait.ge [sflag:s20], $0x3200  }
0xe4: {  	[sflag:s20] =	ssyncset.done $0x0  }
0xe5: {  	[sflag:s20] =	ssyncadd.s32 $0xFFFFCE00  }
0xe6: {  	[spmem:s2] =	stream.indirect.scatter.add.f32 [tilespmem:s18], [sflag:$0x4], $0x40, s29, s17, $0xb8;
	[tilespmem:$0x1D240] =	vst v63  }
0xe7: {  	s24 =	stileid.u32;
	_ =	swait.ge [sflag:s14], $0x3200  }
0xe8: {  	s1 =	sadd.s32 $0x1, s1;
	s0 =	sshll.u32 s24, $0x6;
	[sflag:s14] =	ssyncset.done $0x0  }
0xe9: {  	p0 =	sne.s32 s1, s13;
	s0 =	sor.u32 $0x1C04, s0;
	[sflag:s14] =	ssyncadd.s32 $0xFFFFCE00  }
.Ltmp2:
0xea: {  	s25 =	sshrl.u32 s7, $0x3;
	[bflag:$0x0] =	sbarrier.arrive $0xFFFF;
	(pc) =	sbr.rel @p0 .LBB2_1-.Ltmp2, $4  }
0xeb: {  	[hbm:s12@s30], [sflag:s0] =	dma.strided [spmem:s25@s31], $0x1400, s20, $0x8   }
0xec: {  	_ =	swait.ge [sflag:s14], $0x1400  }
0xed: {  	[sflag:s14] =	ssyncset.done $0x0  }
0xee: {  	[sflag:s14] =	ssyncadd.s32 $0xFFFFEC00  }
0xef: {  	_ =	sfence.sel $0x180000  }
0xf0: {  	[bflag:$0x0] =	sbarrier.arrive $0xFFFF  }
0xf1: {  	_ =	strace $0x9000004A  }
0xf2: {  	s0 =	stileid.u32;
	[bflag:$0x2] =	sbarrier.arrive $0xFFFF  }
0xf3: {  	p0 =	sne.s32 s0, $0x0;
	s0 =	rddreg [dreg:$0x3]  }
0xf4: {  	s0 =	sadd.s32 @!p0 $0x100000, s0  }
0xf5: {  	[sflag:s0] =	ssyncadd.tile.s32 @!p0 $0x1;
	_ =	shalt  }
.Lfunc_end2:
_tile_overlayer_lowered:
.L_overlay_start_2:
0xf6: {  	(tag) =	ssettag $0x2  }
0xf7: {  	s0 =	rddreg [dreg:$0x0];
	s2 =	stileid.u32  }
0xf8: {  	s1 =	rddreg [dreg:$0x1];
	p0 =	sne.s32 s2, $0x0  }
0xf9: {  	s3 =	rddreg [dreg:$0x2];
	[bflag:$0x3] =	sbarrier.arrive $0xFFFF;
	s2 =	simm.s32 @!p0 $0x1C04  }
0xfa: {  	[timem:s3], [sflag:s2] =	dma.local @!p0 [hbm:s0], s1  }
0xfb: {  	s0 =	simm.s32 @!p0 $0x4  }
0xfc: {  	_ =	swait.ge @!p0 [sflag:s0], s1  }
0xfd: {  	s1 =	ssub.s32 @!p0 $0x0, s1;
	[sflag:s0] =	ssyncset.done @!p0 $0x0  }
0xfe: {  	[sflag:s0] =	ssyncadd.s32 @!p0 s1  }
0xff: {  	[bflag:$0x3] =	sbarrier.arrive $0xFFFF  }
0x100: {  	_ =	shalt  }

// kernel: kernel.16.cloned.1.call-start
scs
__scs_entry_jumppad:
0x0: {  	(pc) =	sbr.rel $0x88, $3  }
0x1: {  	(tag) =	ssettag $0x0;
	lr =	simm.s32 $0x1  }
0x2: {  	[smem:$0x3F99] =	sst lr;
	_ =	strace $0xD0000000  }
0x3: {  	_ = 	snop  }
0x4: {  	_ = 	snop  }
0x5: {  	_ = 	snop  }
0x6: {  	_ = 	snop  }
0x7: {  	_ = 	snop  }
__scs_overlays_trampoline_lowered:
0x8: {  	[smem:$0x3FA8] =	sst s0  }
0x9: {  	[smem:$0x3FA9] =	sst s1  }
0xa: {  	[smem:$0x3FAA] =	sst s2  }
0xb: {  	[smem:$0x3FAB] =	sst s3  }
0xc: {  	[smem:$0x3FAC] =	sst s4  }
0xd: {  	[smem:$0x3FAD] =	sst s5  }
0xe: {  	[smem:$0x3FAE] =	sst s6  }
0xf: {  	[smem:$0x3FAF] =	sst s7  }
0x10: {  	[smem:$0x3FB0] =	sst s8  }
0x11: {  	[smem:$0x3FB1] =	sst s9;
	s0 =	simm.s32 @!p0 $0x0  }
0x12: {  	s1 =	sld [smem:$0x3F97];
	s0 =	simm.s32 @p0 $0x1  }
0x13: {  	[smem:$0x3FB2] =	sst s0;
	s0 =	simm.s32 @!p1 $0x0  }
0x14: {  	s2 =	sld [smem:$0x3F96];
	s0 =	simm.s32 @p1 $0x1  }
0x15: {  	[smem:$0x3FB3] =	sst s0;
	s0 =	simm.s32 @!p2 $0x0  }
0x16: {  	s3 =	sld [smem:$0x3FDB];
	s0 =	simm.s32 @p2 $0x1  }
0x17: {  	s4 =	simm.s32 $0x1BF5;
	[smem:$0x3FB5] =	sst s0  }
0x18: {  	s0 =	sld [smem:$0x3F98];
	_ =	swait.ge [sflag:s4], $0x0  }
0x19: {  	s7 =	sld [smem:$0x3F99]  }
0x1a: {  	s8 =	sadd.s32 $0xFFFFE003, lr  }
0x1b: {  	s9 =	sadd.s32 $0xFFFFFEF7, lr;
	s5 =	simm.s32 $0xFFFFFFFF;
	p2 =	slt.u32 s8, $0xFFFFF086  }
0x1c: {  	p1 =	slt.u32 s9, $0xF7A;
	s5 =	simm.s32 @!p2 $0x0  }
0x1d: {  	s5 =	simm.s32 @p1 $0x1;
	p0 =	seq.s32 s7, s2  }
0x1e: {  	s7 =	smul.u32 @!p0 $0xF7A, s2;
	p2 =	seq.s32 @!p0 s5, $0x0  }
0x1f: {  	s9 =	smul.u32 $0xF7A, s1;
	s8 =	simm.s32 @!p0 $0x1BF5;
	p2 =	por !p2, p0  }
0x20: {  	[sflag:s8] =	ssyncset.s32 @!p0 $0xFFFFF086;
	s6 =	sadd.s32 @!p0 s3, s7;
	s7 =	simm.s32 @!p0 $0x108  }
0x21: {  	s3 =	sadd.s32 s3, s9;
	s6 =	sadd.s32 @!p0 $0x88, s6;
	s7 =	simm.s32 @p2 $0x1082  }
0x22: {  	[simem:s7], [sflag:s8] =	dma.local @!p0 [hbm:s6], $0xF7A  }
0x23: {  	s9 =	sor.u32 $0xD0000000, s2;
	s6 =	simm.s32 $0x108;
	_ =	swait.ge @!p0 [sflag:s8], $0x0  }
0x24: {  	s3 =	sadd.s32 $0x88, s3;
	s6 =	simm.s32 @!p1 $0x1082;
	[sflag:s4] =	ssyncset.s32 $0xFFFFF086  }
0x25: {  	[simem:s6], [sflag:s4] =	dma.local [hbm:s3], $0xF7A  }
0x26: {  	[smem:$0x3F99] =	sst s1;
	(tag) =	ssettag s2;
	_ =	strace s9  }
0x27: {  	s1 =	sld [smem:$0x3FA9]  }
0x28: {  	s2 =	sld [smem:$0x3FAA]  }
0x29: {  	s4 =	sld [smem:$0x3FAC]  }
0x2a: {  	p0 =	seq.s32 s5, $0x0;
	s5 =	sld [smem:$0x3FAD]  }
0x2b: {  	s6 =	sld [smem:$0x3FAE]  }
0x2c: {  	s7 =	sld [smem:$0x3FAF]  }
0x2d: {  	s3 =	simm.s32 $0x108;
	s8 =	sld [smem:$0x3FB0]  }
0x2e: {  	s3 =	simm.s32 @!p0 $0x1082;
	s9 =	sld [smem:$0x3FB1]  }
0x2f: {  	lr =	sadd.s32 s0, s3;
	s0 =	sld [smem:$0x3FA8]  }
0x30: {  	s3 =	sld [smem:$0x3FAB]  }
0x31: {  	[smem:$0x3FB4] =	sst s10  }
0x32: {  	s10 =	sld [smem:$0x3FB2];
	_ =	sdelay $0x3  }
0x33: {  	p0 =	seq.s32 s10, $0x1;
	s10 =	sld [smem:$0x3FB4];
	_ =	sdelay $0x3  }
0x34: {  	[smem:$0x3FB4] =	sst s10  }
0x35: {  	s10 =	sld [smem:$0x3FB3];
	_ =	sdelay $0x3  }
0x36: {  	p1 =	seq.s32 s10, $0x1;
	s10 =	sld [smem:$0x3FB4];
	_ =	sdelay $0x3  }
0x37: {  	[smem:$0x3FB4] =	sst s10  }
0x38: {  	s10 =	sld [smem:$0x3FB5]  }
0x39: {  	_ = 	snop;
	(pc) =	sbr.ind lr, $3  }
0x3a: {  	_ = 	snop  }
0x3b: {  	_ = 	snop  }
0x3c: {  	p2 =	seq.s32 s10, $0x1;
	s10 =	sld [smem:$0x3FB4]  }
0x3d: {  	_ =	shalt  }
0x3e: {  	_ =	shalt  }
0x3f: {  	_ =	shalt  }
0x40: {  	_ =	shalt  }
0x41: {  	_ =	shalt  }
0x42: {  	_ =	shalt  }
0x43: {  	_ =	shalt  }
0x44: {  	_ =	shalt  }
0x45: {  	_ =	shalt  }
0x46: {  	_ =	shalt  }
0x47: {  	_ =	shalt  }
0x48: {  	_ =	shalt  }
0x49: {  	_ =	shalt  }
0x4a: {  	_ =	shalt  }
0x4b: {  	_ =	shalt  }
0x4c: {  	_ =	shalt  }
0x4d: {  	_ =	shalt  }
0x4e: {  	_ =	shalt  }
0x4f: {  	_ =	shalt  }
0x50: {  	_ =	shalt  }
0x51: {  	_ =	shalt  }
0x52: {  	_ =	shalt  }
0x53: {  	_ =	shalt  }
0x54: {  	_ =	shalt  }
0x55: {  	_ =	shalt  }
0x56: {  	_ =	shalt  }
0x57: {  	_ =	shalt  }
0x58: {  	_ =	shalt  }
0x59: {  	_ =	shalt  }
0x5a: {  	_ =	shalt  }
0x5b: {  	_ =	shalt  }
0x5c: {  	_ =	shalt  }
0x5d: {  	_ =	shalt  }
0x5e: {  	_ =	shalt  }
0x5f: {  	_ =	shalt  }
0x60: {  	_ =	shalt  }
0x61: {  	_ =	shalt  }
0x62: {  	_ =	shalt  }
0x63: {  	_ =	shalt  }
0x64: {  	_ =	shalt  }
0x65: {  	_ =	shalt  }
0x66: {  	_ =	shalt  }
0x67: {  	_ =	shalt  }
0x68: {  	_ =	shalt  }
0x69: {  	_ =	shalt  }
0x6a: {  	_ =	shalt  }
0x6b: {  	_ =	shalt  }
0x6c: {  	_ =	shalt  }
0x6d: {  	_ =	shalt  }
0x6e: {  	_ =	shalt  }
0x6f: {  	_ =	shalt  }
0x70: {  	_ =	shalt  }
0x71: {  	_ =	shalt  }
0x72: {  	_ =	shalt  }
0x73: {  	_ =	shalt  }
0x74: {  	_ =	shalt  }
0x75: {  	_ =	shalt  }
0x76: {  	_ =	shalt  }
0x77: {  	_ =	shalt  }
0x78: {  	_ =	shalt  }
0x79: {  	_ =	shalt  }
0x7a: {  	_ =	shalt  }
0x7b: {  	_ =	shalt  }
0x7c: {  	_ =	shalt  }
0x7d: {  	_ =	shalt  }
0x7e: {  	_ =	shalt  }
0x7f: {  	_ =	shalt  }
0x80: {  	_ =	shalt  }
0x81: {  	_ =	shalt  }
0x82: {  	_ =	shalt  }
0x83: {  	_ =	shalt  }
0x84: {  	_ =	shalt  }
0x85: {  	_ =	shalt  }
0x86: {  	_ =	shalt  }
0x87: {  	_ =	shalt  }
.Lfunc_end0:
.L_simem_size_0:
called_computation.2_lowered:
.L_overlay_start_0:
0x88: {  	s2 =	sld [smem:$0x3FD9]  }
0x89: {  	s3 =	sld [smem:$0x3FFE];
	_ =	sdelay $0x1  }
0x8a: {  	s1 =	srdreg.scid  }
0x8b: {  	s0 =	sand.u32 $0x1, s1  }
0x8c: {  	s17 =	sshll.u32 s0, $0xA;
	s2 =	sadd.s32 s3, s2  }
0x8d: {  	s2 =	sadd.s32 s2, s17  }
0x8e: {  	[smem:$0x3FC0] =	sst s2  }
0x8f: {  	_ = 	snop  }
0x90: {  	s2 =	sld [smem:$0x3FD0];
	(tm) =	ssettm $0x1  }
0x91: {  	s18 =	sld [smem:$0x3FFB];
	_ =	sdelay $0x3  }
0x92: {  	_ =	strace s18  }
0x93: {  	s3 =	sld [smem:$0x3FFC];
	_ =	sdelay $0x3  }
0x94: {  	_ =	strace s3  }
0x95: {  	s3 =	sld [smem:$0x3FFD];
	_ =	sdelay $0x3  }
0x96: {  	_ =	strace s3  }
0x97: {  	_ =	strace $0x8FFFFFFF  }
0x98: {  	s19 =	sld [smem:$0x3FDB];
	_ =	sdelay $0x1  }
0x99: {  	s4 =	simm.s32 $_scs_section_size  }
0x9a: {  	s5 =	simm.s32 $_size__tile_overlayer_lowered;
	s6 =	simm.s32 $_tile_overlayer_lowered  }
0x9b: {  	s22 =	simm.s32 $0x1BFF;
	s21 =	sshll.u32 s6, $0x1;
	s3 =	sadd.s32 s4, s19  }
0x9c: {  	s7 =	simm.s32 $0x0;
	s20 =	sshll.u32 s5, $0x1;
	s5 =	sadd.s32 s21, s3  }
0x9d: {  	[timem:s7], [sflag:s22] =	dma.local [hbm:s5], s20  }
0x9e: {  	_ =	swait.ge [sflag:s22], s20  }
0x9f: {  	s4 =	ssub.s32 $0x0, s20;
	[sflag:s22] =	ssyncset.done $0x0  }
0xa0: {  	[sflag:s22] =	ssyncadd.s32 s4;
	_ =	sdelay $0x1  }
0xa1: {  	s23 =	simm.s32 $0x1B8B  }
0xa2: {  	_ =	swait.ge [sflag:s23], $0x1  }
0xa3: {  	[sflag:s23] =	ssyncset.done $0x0  }
0xa4: {  	s25 =	simm.s32 $0x1B8E;
	s24 =	sld [smem:$0x3FFE];
	[sflag:s23] =	ssyncadd.s32 $0xFFFFFFFF  }
0xa5: {  	s26 =	simm.s32 $execute0_lowered;
	[smem:$0x3FD2] =	sst s25  }
0xa6: {  	s5 =	sshll.u32 s26, $0x1;
	_ =	strace $0x8000004C;
	[dreg:$0x1] =	wrdreg $0xFFFFFFFF  }
0xa7: {  	s28 =	simm.s32 $_size_execute0_lowered;
	s3 =	sadd.s32 s3, s5;
	[dreg:$0x0] =	wrdreg $0x0  }
0xa8: {  	s5 =	sshll.u32 s28, $0x1;
	[dreg:$0x2] =	wrdreg s3  }
0xa9: {  	[dreg:$0x3] =	wrdreg s5  }
0xaa: {  	[dreg:$0x4] =	wrdreg $0xC0  }
0xab: {  	_ =	task [dreg:s7], $0x5FFFF  }
0xac: {  	[dreg:$0x1] =	wrdreg $0xFFFFFFFF  }
0xad: {  	[dreg:$0x0] =	wrdreg $0x60  }
0xae: {  	[dreg:$0x2] =	wrdreg s24  }
0xaf: {  	[dreg:$0x3] =	wrdreg s2  }
0xb0: {  	[dreg:$0x4] =	wrdreg $0x132400  }
0xb1: {  	[dreg:$0x5] =	wrdreg $0x9  }
0xb2: {  	_ =	task.clear_ibuf [dreg:s7], $0x6FFFF;
	_ =	strace $0x9000004C  }
0xb3: {  	s29 =	simm.s32 $0x9;
	_ =	strace $0x8000004E  }
0xb4: {  	_ =	swait.ge [sflag:s29], $0x1  }
0xb5: {  	[sflag:s29] =	ssyncadd.s32 $0xFFFFFFFF  }
0xb6: {  	_ =	strace $0x9000004E  }
0xb7: {  	_ =	sfence  }
0xb8: {  	s30 =	sld [smem:$0x0];
	_ =	sdelay $0x2  }
0xb9: {  	s31 =	sshll.u32 s1, $0xD;
	s1 =	sshrl.u32 s1, $0x2  }
0xba: {  	s3 =	sand.u32 $0x4000, s31;
	s1 =	sadd.s32 s1, s30  }
0xbb: {  	s0 =	sor.u32 s3, s0;
	s1 =	sshll.u32 s1, $0x11  }
0xbc: {  	s0 =	sor.u32 s1, s0  }
0xbd: {  	s0 =	sadd.s32 $0x8F2B, s0  }
0xbe: {  	[sflag:s0] =	ssyncadd.remote.s32 $0x1  }
0xbf: {  	_ =	sfence.sel $0xFFFF  }
0xc0: {  	[dreg:$0x0] =	wrdreg $0xFFFFFFFF;
	(pc) =	sbr.abs _section_cstart, $3  }
0xc1: {  	[dreg:$0x1] =	wrdreg $0xFFFFFFFF  }
0xc2: {  	_ =	task.clear_ibuf [dreg:s7], $0x2FFFF;
	_ =	strace $0x9FFFFFFF  }
0xc3: {  	(tm) =	ssettm $0x7FFFFFFF  }
tec
execute0_lowered:
.L_overlay_start_1:
0x0: {  	(tag) =	ssettag $0x1  }
0x1: {  	s0 =	rddreg [dreg:$0x0];
	s1 =	srdreg.scid  }
0x2: {  	s10 =	stileid.u32;
	s6 =	rddreg [dreg:$0x1]  }
0x3: {  	s2 =	rddreg [dreg:$0x2];
	s3 =	simm.s32 $0x0;
	s14 =	simm.s32 $0x4  }
0x4: {  	s16 =	simm.s32 $0x10040;
	s17 =	simm.s32 $0xC8;
	s18 =	simm.s32 $0x9C40  }
0x5: {  	s19 =	simm.s32 $0xCE40;
	s20 =	simm.s32 $0x1;
	s21 =	simm.s32 $0x2  }
0x6: {  	s22 =	simm.s32 $0x3;
	s28 =	simm.s32 $0x9AB0;
	s5 =	smul.u32 $0x4E20, s10  }
0x7: {  	s29 =	simm.s32 $0x9B78;
	s30 =	simm.s32 $0x10;
	s7 =	smul.u32 $0x14000, s10  }
0x8: {  	s31 =	simm.s32 $0x8;
	s1 =	sand.u32 $0x1, s1;
	s24 =	smul.u32 $0x28000, s10  }
0x9: {  	[smem:$0x7FF] =	sst s3;
	s4 =	smul.u32 $0x4E200, s1;
	s8 =	sshll.u32 s1, $0x6  }
0xa: {  	_ =	strace $0x8000004D;
	s1 =	ssub.s32 $0x2, s1;
	s23 =	sor.u32 s8, s7  }
0xb: {  	s25 =	sshrl.u32 s1, $0x1;
	s26 =	sshrl.u32 s5, $0x3;
	s8 =	sshrl.u32 s24, $0x2  }
0xc: {  	s4 =	sadd.s32 s5, s4;
	s7 =	sshrl.u32 s23, $0x3;
	s1 =	ssub.s32 s1, s25  }
0xd: {  	s6 =	sadd.s32 s6, s26;
	s26 =	simm.s32 $0x99E8;
	s4 =	sshrl.u32 s4, $0x3  }
0xe: {  	s13 =	smax.u32 s1, $0x1;
	s1 =	simm.s32 $0x0;
	s9 =	sadd.s32 s4, s0  }
0xf: {  	s4 =	sadd.s32 $0x2400, s0;
	s0 =	sadd.s32 s7, s0;
	s7 =	sadd.s32 s8, s2  }
0x10: {  	s5 =	sadd.s32 $0x2A400, s9;
	s8 =	sadd.s32 $0x2000, s7;
	s9 =	sadd.s32 $0x4000, s7  }
0x11: {  	v0 =	vimm.f32 $0.0e+00;
	s10 =	sadd.s32 $0x6000, s7;
	s11 =	sadd.s32 $0x8000, s7;
	s12 =	sadd.s32 $0x3DE00, s0  }
.LBB2_1:
0x12: {  	[tilespmem:s3], [sflag:$0x4] =	stream.linear.gather [hbm4b:s5+s3], $0x4E20, $0x38;
	[tilespmem:$0x1D240] =	vst v63  }
0x13: {  	_ =	swait.ge [sflag:s14], $0x4E20  }
0x14: {  	[sflag:s14] =	ssyncset.done $0x0  }
0x15: {  	s0 =	simm.s32 $0x4E20;
	[sflag:s14] =	ssyncadd.s32 $0xFFFFB1E0  }
0x16: {  	[tilespmem:s0], [sflag:$0x4] =	stream.linear.gather [hbm4b:s6+s3], $0x4E20, $0x38;
	[tilespmem:$0x1D240] =	vst v63  }
0x17: {  	_ =	swait.ge [sflag:s14], $0x4E20  }
0x18: {  	[sflag:s14] =	ssyncset.done $0x0  }
0x19: {  	s15 =	simm.s32 $0x100;
	s0 =	simm.s32 $0x0;
	[sflag:s14] =	ssyncadd.s32 $0xFFFFB1E0  }
.LBB2_2:
0x1a: {  	p0 =	sne.s32 s15, $0x7F00;
	[tilespmem:s0+$0x10070] =	vst v0;
	s23 =	smov.u32 s15;
	s15 =	sadd.s32 $0x100, s15  }
.Ltmp0:
0x1b: {  	[tilespmem:s0+$0x10060] =	vst v0;
	(pc) =	sbr.rel @p0 .LBB2_2-.Ltmp0, $3  }
0x1c: {  	[tilespmem:s0+$0x10040] =	vst v0  }
0x1d: {  	[tilespmem:s0+$0x10050] =	vst v0;
	_ =	sdelay $0x1  }
0x1e: {  	s0 =	sshra.s32 s23, $0x2  }
0x1f: {  	[tilespmem:s0+$0x10070] =	vst v0  }
0x20: {  	[tilespmem:s0+$0x10060] =	vst v0  }
0x21: {  	[tilespmem:s0+$0x10040] =	vst v0  }
0x22: {  	[tilespmem:s0+$0x10050] =	vst v0  }
0x23: {  	[spmem:s7] =	stream.linear.scatter [tilespmem:s16], [sflag:$0x4], $0x2000, $0x38;
	[tilespmem:$0x1D240] =	vst v63  }
0x24: {  	_ =	swait.ge [sflag:s14], $0x2000  }
0x25: {  	[sflag:s14] =	ssyncset.done $0x0  }
0x26: {  	[sflag:s14] =	ssyncadd.s32 $0xFFFFE000  }
0x27: {  	[spmem:s8] =	stream.linear.scatter [tilespmem:s16], [sflag:$0x4], $0x2000, $0x38;
	[tilespmem:$0x1D240] =	vst v63  }
0x28: {  	_ =	swait.ge [sflag:s14], $0x2000  }
0x29: {  	[sflag:s14] =	ssyncset.done $0x0  }
0x2a: {  	[sflag:s14] =	ssyncadd.s32 $0xFFFFE000  }
0x2b: {  	[spmem:s9] =	stream.linear.scatter [tilespmem:s16], [sflag:$0x4], $0x2000, $0x38;
	[tilespmem:$0x1D240] =	vst v63  }
0x2c: {  	_ =	swait.ge [sflag:s14], $0x2000  }
0x2d: {  	[sflag:s14] =	ssyncset.done $0x0  }
0x2e: {  	[sflag:s14] =	ssyncadd.s32 $0xFFFFE000  }
0x2f: {  	[spmem:s10] =	stream.linear.scatter [tilespmem:s16], [sflag:$0x4], $0x2000, $0x38;
	[tilespmem:$0x1D240] =	vst v63  }
0x30: {  	_ =	swait.ge [sflag:s14], $0x2000  }
0x31: {  	[sflag:s14] =	ssyncset.done $0x0  }
0x32: {  	[sflag:s14] =	ssyncadd.s32 $0xFFFFE000  }
0x33: {  	[spmem:s11] =	stream.linear.scatter [tilespmem:s16], [sflag:$0x4], $0x2000, $0x38;
	[tilespmem:$0x1D240] =	vst v63  }
0x34: {  	_ =	swait.ge [sflag:s14], $0x2000  }
0x35: {  	[sflag:s14] =	ssyncset.done $0x0  }
0x36: {  	s25 =	simm.s32 $0x0;
	[sflag:s14] =	ssyncadd.s32 $0xFFFFE000  }
0x37: {  	[tilespmem:s18], [sflag:$0x1] =	stream.indirect.gather [hbm4b:s4+s17], $0x40, s25, s17, $0xb8;
	[tilespmem:$0x1D240] =	vst v63  }
0x38: {  	_ = 	snop  }
0x39: {  	[tilespmem:s19], [sflag:$0x2] =	stream.indirect.gather [hbm4b:s4+s17], $0x40, s17, s17, $0xb8;
	[tilespmem:$0x1D240] =	vst v63  }
0x3a: {  	s15 =	simm.s32 $0x190;
	[bflag:$0x0] =	sbarrier.arrive $0xFFFF  }
0x3b: {  	[tilespmem:s16], [sflag:$0x3] =	stream.indirect.gather [hbm4b:s4+s17], $0x40, s15, s17, $0xb8;
	[tilespmem:$0x1D240] =	vst v63  }
0x3c: {  	_ =	swait.ge [sflag:s20], $0x3200  }
0x3d: {  	[sflag:s20] =	ssyncset.done $0x0  }
0x3e: {  	s23 =	simm.s32 $0x4E20;
	[sflag:s20] =	ssyncadd.s32 $0xFFFFCE00  }
0x3f: {  	[spmem:s2] =	stream.indirect.scatter.add.f32 [tilespmem:s18], [sflag:$0x4], $0x40, s23, s17, $0xb8;
	[tilespmem:$0x1D240] =	vst v63  }
0x40: {  	_ =	swait.ge [sflag:s14], $0x3200  }
0x41: {  	[sflag:s14] =	ssyncset.done $0x0  }
0x42: {  	s24 =	simm.s32 $0x258;
	[sflag:s14] =	ssyncadd.s32 $0xFFFFCE00  }
0x43: {  	[tilespmem:s18], [sflag:$0x1] =	stream.indirect.gather [hbm4b:s4+s17], $0x40, s24, s17, $0xb8;
	[tilespmem:$0x1D240] =	vst v63  }
0x44: {  	_ =	swait.ge [sflag:s21], $0x3200  }
0x45: {  	[sflag:s21] =	ssyncset.done $0x0  }
0x46: {  	s25 =	simm.s32 $0x4EE8;
	[sflag:s21] =	ssyncadd.s32 $0xFFFFCE00  }
0x47: {  	[spmem:s2] =	stream.indirect.scatter.add.f32 [tilespmem:s19], [sflag:$0x4], $0x40, s25, s17, $0xb8;
	[tilespmem:$0x1D240] =	vst v63  }
0x48: {  	_ =	swait.ge [sflag:s14], $0x3200  }
0x49: {  	[sflag:s14] =	ssyncset.done $0x0  }
0x4a: {  	s15 =	simm.s32 $0x320;
	[sflag:s14] =	ssyncadd.s32 $0xFFFFCE00  }
0x4b: {  	[tilespmem:s19], [sflag:$0x2] =	stream.indirect.gather [hbm4b:s4+s17], $0x40, s15, s17, $0xb8;
	[tilespmem:$0x1D240] =	vst v63  }
0x4c: {  	_ =	swait.ge [sflag:s22], $0x3200  }
0x4d: {  	[sflag:s22] =	ssyncset.done $0x0  }
0x4e: {  	s23 =	simm.s32 $0x4FB0;
	[sflag:s22] =	ssyncadd.s32 $0xFFFFCE00  }
0x4f: {  	[spmem:s2] =	stream.indirect.scatter.add.f32 [tilespmem:s16], [sflag:$0x4], $0x40, s23, s17, $0xb8;
	[tilespmem:$0x1D240] =	vst v63  }
0x50: {  	_ =	swait.ge [sflag:s14], $0x3200  }
0x51: {  	[sflag:s14] =	ssyncset.done $0x0  }
0x52: {  	s24 =	simm.s32 $0x3E8;
	[sflag:s14] =	ssyncadd.s32 $0xFFFFCE00  }
0x53: {  	[tilespmem:s16], [sflag:$0x3] =	stream.indirect.gather [hbm4b:s4+s17], $0x40, s24, s17, $0xb8;
	[tilespmem:$0x1D240] =	vst v63  }
0x54: {  	_ =	swait.ge [sflag:s20], $0x3200  }
0x55: {  	[sflag:s20] =	ssyncset.done $0x0  }
0x56: {  	s25 =	simm.s32 $0x5078;
	[sflag:s20] =	ssyncadd.s32 $0xFFFFCE00  }
0x57: {  	[spmem:s2] =	stream.indirect.scatter.add.f32 [tilespmem:s18], [sflag:$0x4], $0x40, s25, s17, $0xb8;
	[tilespmem:$0x1D240] =	vst v63  }
0x58: {  	_ =	swait.ge [sflag:s14], $0x3200  }
0x59: {  	[sflag:s14] =	ssyncset.done $0x0  }
0x5a: {  	s15 =	simm.s32 $0x4B0;
	[sflag:s14] =	ssyncadd.s32 $0xFFFFCE00  }
0x5b: {  	[tilespmem:s18], [sflag:$0x1] =	stream.indirect.gather [hbm4b:s4+s17], $0x40, s15, s17, $0xb8;
	[tilespmem:$0x1D240] =	vst v63  }
0x5c: {  	_ =	swait.ge [sflag:s21], $0x3200  }
0x5d: {  	[sflag:s21] =	ssyncset.done $0x0  }
0x5e: {  	s23 =	simm.s32 $0x5140;
	[sflag:s21] =	ssyncadd.s32 $0xFFFFCE00  }
0x5f: {  	[spmem:s2] =	stream.indirect.scatter.add.f32 [tilespmem:s19], [sflag:$0x4], $0x40, s23, s17, $0xb8;
	[tilespmem:$0x1D240] =	vst v63  }
0x60: {  	_ =	swait.ge [sflag:s14], $0x3200  }
0x61: {  	[sflag:s14] =	ssyncset.done $0x0  }
0x62: {  	s24 =	simm.s32 $0x578;
	[sflag:s14] =	ssyncadd.s32 $0xFFFFCE00  }
0x63: {  	[tilespmem:s19], [sflag:$0x2] =	stream.indirect.gather [hbm4b:s4+s17], $0x40, s24, s17, $0xb8;
	[tilespmem:$0x1D240] =	vst v63  }
0x64: {  	_ =	swait.ge [sflag:s22], $0x3200  }
0x65: {  	[sflag:s22] =	ssyncset.done $0x0  }
0x66: {  	s25 =	simm.s32 $0x5208;
	[sflag:s22] =	ssyncadd.s32 $0xFFFFCE00  }
0x67: {  	[spmem:s2] =	stream.indirect.scatter.add.f32 [tilespmem:s16], [sflag:$0x4], $0x40, s25, s17, $0xb8;
	[tilespmem:$0x1D240] =	vst v63  }
0x68: {  	_ =	swait.ge [sflag:s14], $0x3200  }
0x69: {  	s0 =	simm.s32 $0x2580;
	s15 =	simm.s32 $0x4B0;
	[sflag:s14] =	ssyncset.done $0x0  }
.LBB2_4:
0x6a: {  	s25 =	sadd.s32 $0x190, s15  }
0x6b: {  	[sflag:s14] =	ssyncadd.s32 $0xFFFFCE00;
	s23 =	smov.u32 s0;
	s24 =	sadd.s32 $0x12C0, s0  }
0x6c: {  	[tilespmem:s16], [sflag:$0x3] =	stream.indirect.gather [hbm4b:s4+s17], $0x40, s25, s17, $0xb8;
	[tilespmem:$0x1D240] =	vst v63  }
0x6d: {  	p0 =	sne.s32 s0, $0x11940;
	_ =	swait.ge [sflag:s20], $0x3200  }
0x6e: {  	[sflag:s20] =	ssyncset.done $0x0  }
0x6f: {  	s0 =	sadd.s32 $0x4E20, s15;
	[sflag:s20] =	ssyncadd.s32 $0xFFFFCE00  }
0x70: {  	[spmem:s2] =	stream.indirect.scatter.add.f32 [tilespmem:s18], [sflag:$0x4], $0x40, s0, s17, $0xb8;
	[tilespmem:$0x1D240] =	vst v63  }
0x71: {  	_ =	swait.ge [sflag:s14], $0x3200  }
0x72: {  	[sflag:s14] =	ssyncset.done $0x0  }
0x73: {  	s0 =	sadd.s32 $0x258, s15;
	[sflag:s14] =	ssyncadd.s32 $0xFFFFCE00  }
0x74: {  	[tilespmem:s18], [sflag:$0x1] =	stream.indirect.gather [hbm4b:s4+s17], $0x40, s0, s17, $0xb8;
	[tilespmem:$0x1D240] =	vst v63  }
0x75: {  	_ =	swait.ge [sflag:s21], $0x3200  }
0x76: {  	[sflag:s21] =	ssyncset.done $0x0  }
0x77: {  	s0 =	sadd.s32 $0x4EE8, s15;
	[sflag:s21] =	ssyncadd.s32 $0xFFFFCE00  }
0x78: {  	[spmem:s2] =	stream.indirect.scatter.add.f32 [tilespmem:s19], [sflag:$0x4], $0x40, s0, s17, $0xb8;
	[tilespmem:$0x1D240] =	vst v63  }
0x79: {  	_ =	swait.ge [sflag:s14], $0x3200  }
0x7a: {  	[sflag:s14] =	ssyncset.done $0x0  }
0x7b: {  	s0 =	sadd.s32 $0x320, s15;
	[sflag:s14] =	ssyncadd.s32 $0xFFFFCE00  }
0x7c: {  	[tilespmem:s19], [sflag:$0x2] =	stream.indirect.gather [hbm4b:s4+s17], $0x40, s0, s17, $0xb8;
	[tilespmem:$0x1D240] =	vst v63  }
0x7d: {  	_ =	swait.ge [sflag:s22], $0x3200  }
0x7e: {  	[sflag:s22] =	ssyncset.done $0x0  }
0x7f: {  	s0 =	sadd.s32 $0x4FB0, s15;
	[sflag:s22] =	ssyncadd.s32 $0xFFFFCE00  }
0x80: {  	[spmem:s2] =	stream.indirect.scatter.add.f32 [tilespmem:s16], [sflag:$0x4], $0x40, s0, s17, $0xb8;
	[tilespmem:$0x1D240] =	vst v63  }
0x81: {  	_ =	swait.ge [sflag:s14], $0x3200  }
0x82: {  	[sflag:s14] =	ssyncset.done $0x0  }
0x83: {  	s0 =	sadd.s32 $0x3E8, s15;
	[sflag:s14] =	ssyncadd.s32 $0xFFFFCE00  }
0x84: {  	[tilespmem:s16], [sflag:$0x3] =	stream.indirect.gather [hbm4b:s4+s17], $0x40, s0, s17, $0xb8;
	[tilespmem:$0x1D240] =	vst v63  }
0x85: {  	_ =	swait.ge [sflag:s20], $0x3200  }
0x86: {  	[sflag:s20] =	ssyncset.done $0x0  }
0x87: {  	s0 =	sadd.s32 $0x5078, s15;
	[sflag:s20] =	ssyncadd.s32 $0xFFFFCE00  }
0x88: {  	[spmem:s2] =	stream.indirect.scatter.add.f32 [tilespmem:s18], [sflag:$0x4], $0x40, s0, s17, $0xb8;
	[tilespmem:$0x1D240] =	vst v63  }
0x89: {  	_ =	swait.ge [sflag:s14], $0x3200  }
0x8a: {  	[sflag:s14] =	ssyncset.done $0x0  }
0x8b: {  	s0 =	sadd.s32 $0x4B0, s15;
	[sflag:s14] =	ssyncadd.s32 $0xFFFFCE00  }
0x8c: {  	[tilespmem:s18], [sflag:$0x1] =	stream.indirect.gather [hbm4b:s4+s17], $0x40, s0, s17, $0xb8;
	[tilespmem:$0x1D240] =	vst v63  }
0x8d: {  	_ =	swait.ge [sflag:s21], $0x3200  }
0x8e: {  	[sflag:s21] =	ssyncset.done $0x0  }
0x8f: {  	s0 =	sadd.s32 $0x5140, s15;
	[sflag:s21] =	ssyncadd.s32 $0xFFFFCE00  }
0x90: {  	[spmem:s2] =	stream.indirect.scatter.add.f32 [tilespmem:s19], [sflag:$0x4], $0x40, s0, s17, $0xb8;
	[tilespmem:$0x1D240] =	vst v63  }
0x91: {  	_ =	swait.ge [sflag:s14], $0x3200  }
0x92: {  	[sflag:s14] =	ssyncset.done $0x0  }
0x93: {  	s0 =	sadd.s32 $0x578, s15;
	[sflag:s14] =	ssyncadd.s32 $0xFFFFCE00  }
0x94: {  	[tilespmem:s19], [sflag:$0x2] =	stream.indirect.gather [hbm4b:s4+s17], $0x40, s0, s17, $0xb8;
	[tilespmem:$0x1D240] =	vst v63  }
0x95: {  	_ =	swait.ge [sflag:s22], $0x3200  }
.Ltmp1:
0x96: {  	[sflag:s22] =	ssyncset.done $0x0;
	(pc) =	sbr.rel @p0 .LBB2_4-.Ltmp1, $4  }
0x97: {  	s0 =	sadd.s32 $0x5208, s15;
	[sflag:s22] =	ssyncadd.s32 $0xFFFFCE00  }
0x98: {  	[spmem:s2] =	stream.indirect.scatter.add.f32 [tilespmem:s16], [sflag:$0x4], $0x40, s0, s17, $0xb8;
	[tilespmem:$0x1D240] =	vst v63  }
0x99: {  	_ =	swait.ge [sflag:s14], $0x3200  }
0x9a: {  	s15 =	sshra.s32 s23, $0x2;
	s0 =	smov.u32 s24;
	[sflag:s14] =	ssyncset.done $0x0  }
0x9b: {  	s0 =	sadd.s32 $0x190, s15;
	[sflag:s14] =	ssyncadd.s32 $0xFFFFCE00  }
0x9c: {  	[tilespmem:s16], [sflag:$0x3] =	stream.indirect.gather [hbm4b:s4+s17], $0x40, s0, s17, $0xb8;
	[tilespmem:$0x1D240] =	vst v63  }
0x9d: {  	_ =	swait.ge [sflag:s20], $0x3200  }
0x9e: {  	[sflag:s20] =	ssyncset.done $0x0  }
0x9f: {  	s23 =	sadd.s32 $0x4E20, s15;
	[sflag:s20] =	ssyncadd.s32 $0xFFFFCE00  }
0xa0: {  	[spmem:s2] =	stream.indirect.scatter.add.f32 [tilespmem:s18], [sflag:$0x4], $0x40, s23, s17, $0xb8;
	[tilespmem:$0x1D240] =	vst v63  }
0xa1: {  	_ =	swait.ge [sflag:s14], $0x3200  }
0xa2: {  	[sflag:s14] =	ssyncset.done $0x0  }
0xa3: {  	s24 =	sadd.s32 $0x258, s15;
	[sflag:s14] =	ssyncadd.s32 $0xFFFFCE00  }
0xa4: {  	[tilespmem:s18], [sflag:$0x1] =	stream.indirect.gather [hbm4b:s4+s17], $0x40, s24, s17, $0xb8;
	[tilespmem:$0x1D240] =	vst v63  }
0xa5: {  	_ =	swait.ge [sflag:s21], $0x3200  }
0xa6: {  	[sflag:s21] =	ssyncset.done $0x0  }
0xa7: {  	s25 =	sadd.s32 $0x4EE8, s15;
	[sflag:s21] =	ssyncadd.s32 $0xFFFFCE00  }
0xa8: {  	[spmem:s2] =	stream.indirect.scatter.add.f32 [tilespmem:s19], [sflag:$0x4], $0x40, s25, s17, $0xb8;
	[tilespmem:$0x1D240] =	vst v63  }
0xa9: {  	_ =	swait.ge [sflag:s14], $0x3200  }
0xaa: {  	[sflag:s14] =	ssyncset.done $0x0  }
0xab: {  	s23 =	sadd.s32 $0x320, s15;
	[sflag:s14] =	ssyncadd.s32 $0xFFFFCE00  }
0xac: {  	[tilespmem:s19], [sflag:$0x2] =	stream.indirect.gather [hbm4b:s4+s17], $0x40, s23, s17, $0xb8;
	[tilespmem:$0x1D240] =	vst v63  }
0xad: {  	_ =	swait.ge [sflag:s22], $0x3200  }
0xae: {  	[sflag:s22] =	ssyncset.done $0x0  }
0xaf: {  	s24 =	sadd.s32 $0x4FB0, s15;
	[sflag:s22] =	ssyncadd.s32 $0xFFFFCE00  }
0xb0: {  	[spmem:s2] =	stream.indirect.scatter.add.f32 [tilespmem:s16], [sflag:$0x4], $0x40, s24, s17, $0xb8;
	[tilespmem:$0x1D240] =	vst v63  }
0xb1: {  	_ =	swait.ge [sflag:s14], $0x3200  }
0xb2: {  	[sflag:s14] =	ssyncset.done $0x0  }
0xb3: {  	s25 =	sadd.s32 $0x3E8, s15;
	[sflag:s14] =	ssyncadd.s32 $0xFFFFCE00  }
0xb4: {  	[tilespmem:s16], [sflag:$0x3] =	stream.indirect.gather [hbm4b:s4+s17], $0x40, s25, s17, $0xb8;
	[tilespmem:$0x1D240] =	vst v63  }
0xb5: {  	_ =	swait.ge [sflag:s20], $0x3200  }
0xb6: {  	[sflag:s20] =	ssyncset.done $0x0  }
0xb7: {  	s23 =	sadd.s32 $0x5078, s15;
	[sflag:s20] =	ssyncadd.s32 $0xFFFFCE00  }
0xb8: {  	[spmem:s2] =	stream.indirect.scatter.add.f32 [tilespmem:s18], [sflag:$0x4], $0x40, s23, s17, $0xb8;
	[tilespmem:$0x1D240] =	vst v63  }
0xb9: {  	_ =	swait.ge [sflag:s14], $0x3200  }
0xba: {  	[sflag:s14] =	ssyncset.done $0x0  }
0xbb: {  	s24 =	sadd.s32 $0x4B0, s15;
	[sflag:s14] =	ssyncadd.s32 $0xFFFFCE00  }
0xbc: {  	[tilespmem:s18], [sflag:$0x1] =	stream.indirect.gather [hbm4b:s4+s17], $0x40, s24, s17, $0xb8;
	[tilespmem:$0x1D240] =	vst v63  }
0xbd: {  	_ =	swait.ge [sflag:s21], $0x3200  }
0xbe: {  	[sflag:s21] =	ssyncset.done $0x0  }
0xbf: {  	s25 =	sadd.s32 $0x5140, s15;
	[sflag:s21] =	ssyncadd.s32 $0xFFFFCE00  }
0xc0: {  	[spmem:s2] =	stream.indirect.scatter.add.f32 [tilespmem:s19], [sflag:$0x4], $0x40, s25, s17, $0xb8;
	[tilespmem:$0x1D240] =	vst v63  }
0xc1: {  	_ =	swait.ge [sflag:s14], $0x3200  }
0xc2: {  	[sflag:s14] =	ssyncset.done $0x0  }
0xc3: {  	s23 =	sadd.s32 $0x578, s15;
	[sflag:s14] =	ssyncadd.s32 $0xFFFFCE00  }
0xc4: {  	[tilespmem:s19], [sflag:$0x2] =	stream.indirect.gather [hbm4b:s4+s17], $0x40, s23, s17, $0xb8;
	[tilespmem:$0x1D240] =	vst v63  }
0xc5: {  	_ =	swait.ge [sflag:s22], $0x3200  }
0xc6: {  	[sflag:s22] =	ssyncset.done $0x0  }
0xc7: {  	s24 =	sadd.s32 $0x5208, s15;
	[sflag:s22] =	ssyncadd.s32 $0xFFFFCE00  }
0xc8: {  	[spmem:s2] =	stream.indirect.scatter.add.f32 [tilespmem:s16], [sflag:$0x4], $0x40, s24, s17, $0xb8;
	[tilespmem:$0x1D240] =	vst v63  }
0xc9: {  	_ =	swait.ge [sflag:s14], $0x3200  }
0xca: {  	[sflag:s14] =	ssyncset.done $0x0  }
0xcb: {  	s25 =	simm.s32 $0x4C90;
	[sflag:s14] =	ssyncadd.s32 $0xFFFFCE00  }
0xcc: {  	[tilespmem:s16], [sflag:$0x3] =	stream.indirect.gather [hbm4b:s4+s17], $0x40, s25, s17, $0xb8;
	[tilespmem:$0x1D240] =	vst v63  }
0xcd: {  	_ =	swait.ge [sflag:s20], $0x3200  }
0xce: {  	[sflag:s20] =	ssyncset.done $0x0  }
0xcf: {  	s15 =	simm.s32 $0x9920;
	[sflag:s20] =	ssyncadd.s32 $0xFFFFCE00  }
0xd0: {  	[spmem:s2] =	stream.indirect.scatter.add.f32 [tilespmem:s18], [sflag:$0x4], $0x40, s15, s17, $0xb8;
	[tilespmem:$0x1D240] =	vst v63  }
0xd1: {  	_ =	swait.ge [sflag:s14], $0x3200  }
0xd2: {  	[sflag:s14] =	ssyncset.done $0x0  }
0xd3: {  	s23 =	simm.s32 $0x4D58;
	[sflag:s14] =	ssyncadd.s32 $0xFFFFCE00  }
0xd4: {  	[tilespmem:s18], [sflag:$0x1] =	stream.indirect.gather [hbm4b:s4+s17], $0x40, s23, s17, $0xb8;
	[tilespmem:$0x1D240] =	vst v63  }
0xd5: {  	_ =	swait.ge [sflag:s21], $0x3200  }
0xd6: {  	[sflag:s21] =	ssyncset.done $0x0  }
0xd7: {  	[sflag:s21] =	ssyncadd.s32 $0xFFFFCE00  }
0xd8: {  	[spmem:s2] =	stream.indirect.scatter.add.f32 [tilespmem:s19], [sflag:$0x4], $0x40, s26, s17, $0xb8;
	[tilespmem:$0x1D240] =	vst v63  }
0xd9: {  	_ =	swait.ge [sflag:s14], $0x3200  }
0xda: {  	[sflag:s14] =	ssyncset.done $0x0  }
0xdb: {  	[sflag:s14] =	ssyncadd.s32 $0xFFFFCE00  }
0xdc: {  	_ =	swait.ge [sflag:s22], $0x3200  }
0xdd: {  	[sflag:s22] =	ssyncset.done $0x0  }
0xde: {  	[sflag:s22] =	ssyncadd.s32 $0xFFFFCE00  }
0xdf: {  	[spmem:s2] =	stream.indirect.scatter.add.f32 [tilespmem:s16], [sflag:$0x4], $0x40, s28, s17, $0xb8;
	[tilespmem:$0x1D240] =	vst v63  }
0xe0: {  	_ =	swait.ge [sflag:s14], $0x3200  }
0xe1: {  	[sflag:s14] =	ssyncset.done $0x0  }
0xe2: {  	[sflag:s14] =	ssyncadd.s32 $0xFFFFCE00  }
0xe3: {  	_ =	swait.ge [sflag:s20], $0x3200  }
0xe4: {  	[sflag:s20] =	ssyncset.done $0x0  }
0xe5: {  	[sflag:s20] =	ssyncadd.s32 $0xFFFFCE00  }
0xe6: {  	[spmem:s2] =	stream.indirect.scatter.add.f32 [tilespmem:s18], [sflag:$0x4], $0x40, s29, s17, $0xb8;
	[tilespmem:$0x1D240] =	vst v63  }
0xe7: {  	s24 =	stileid.u32;
	_ =	swait.ge [sflag:s14], $0x3200  }
0xe8: {  	s1 =	sadd.s32 $0x1, s1;
	s0 =	sshll.u32 s24, $0x6;
	[sflag:s14] =	ssyncset.done $0x0  }
0xe9: {  	p0 =	sne.s32 s1, s13;
	s0 =	sor.u32 $0x1C04, s0;
	[sflag:s14] =	ssyncadd.s32 $0xFFFFCE00  }
.Ltmp2:
0xea: {  	s25 =	sshrl.u32 s7, $0x3;
	[bflag:$0x0] =	sbarrier.arrive $0xFFFF;
	(pc) =	sbr.rel @p0 .LBB2_1-.Ltmp2, $4  }
0xeb: {  	[hbm:s12@s30], [sflag:s0] =	dma.strided [spmem:s25@s31], $0x1400, s20, $0x8   }
0xec: {  	_ =	swait.ge [sflag:s14], $0x1400  }
0xed: {  	[sflag:s14] =	ssyncset.done $0x0  }
0xee: {  	[sflag:s14] =	ssyncadd.s32 $0xFFFFEC00  }
0xef: {  	_ =	sfence.sel $0x180000  }
0xf0: {  	[bflag:$0x0] =	sbarrier.arrive $0xFFFF  }
0xf1: {  	_ =	strace $0x9000004D  }
0xf2: {  	s0 =	stileid.u32;
	[bflag:$0x2] =	sbarrier.arrive $0xFFFF  }
0xf3: {  	p0 =	sne.s32 s0, $0x0;
	s0 =	rddreg [dreg:$0x3]  }
0xf4: {  	s0 =	sadd.s32 @!p0 $0x100000, s0  }
0xf5: {  	[sflag:s0] =	ssyncadd.tile.s32 @!p0 $0x1;
	_ =	shalt  }
.Lfunc_end2:
_tile_overlayer_lowered:
.L_overlay_start_2:
0xf6: {  	(tag) =	ssettag $0x2  }
0xf7: {  	s0 =	rddreg [dreg:$0x0];
	s2 =	stileid.u32  }
0xf8: {  	s1 =	rddreg [dreg:$0x1];
	p0 =	sne.s32 s2, $0x0  }
0xf9: {  	s3 =	rddreg [dreg:$0x2];
	[bflag:$0x3] =	sbarrier.arrive $0xFFFF;
	s2 =	simm.s32 @!p0 $0x1C04  }
0xfa: {  	[timem:s3], [sflag:s2] =	dma.local @!p0 [hbm:s0], s1  }
0xfb: {  	s0 =	simm.s32 @!p0 $0x4  }
0xfc: {  	_ =	swait.ge @!p0 [sflag:s0], s1  }
0xfd: {  	s1 =	ssub.s32 @!p0 $0x0, s1;
	[sflag:s0] =	ssyncset.done @!p0 $0x0  }
0xfe: {  	[sflag:s0] =	ssyncadd.s32 @!p0 s1  }
0xff: {  	[bflag:$0x3] =	sbarrier.arrive $0xFFFF  }
0x100: {  	_ =	shalt  }

// kernel: kernel.19.cloned.1.call-start
scs
__scs_entry_jumppad:
0x0: {  	(pc) =	sbr.rel $0x88, $3  }
0x1: {  	(tag) =	ssettag $0x0;
	lr =	simm.s32 $0x1  }
0x2: {  	[smem:$0x3F99] =	sst lr;
	_ =	strace $0xD0000000  }
0x3: {  	_ = 	snop  }
0x4: {  	_ = 	snop  }
0x5: {  	_ = 	snop  }
0x6: {  	_ = 	snop  }
0x7: {  	_ = 	snop  }
__scs_overlays_trampoline_lowered:
0x8: {  	[smem:$0x3FA8] =	sst s0  }
0x9: {  	[smem:$0x3FA9] =	sst s1  }
0xa: {  	[smem:$0x3FAA] =	sst s2  }
0xb: {  	[smem:$0x3FAB] =	sst s3  }
0xc: {  	[smem:$0x3FAC] =	sst s4  }
0xd: {  	[smem:$0x3FAD] =	sst s5  }
0xe: {  	[smem:$0x3FAE] =	sst s6  }
0xf: {  	[smem:$0x3FAF] =	sst s7  }
0x10: {  	[smem:$0x3FB0] =	sst s8  }
0x11: {  	[smem:$0x3FB1] =	sst s9;
	s0 =	simm.s32 @!p0 $0x0  }
0x12: {  	s1 =	sld [smem:$0x3F97];
	s0 =	simm.s32 @p0 $0x1  }
0x13: {  	[smem:$0x3FB2] =	sst s0;
	s0 =	simm.s32 @!p1 $0x0  }
0x14: {  	s2 =	sld [smem:$0x3F96];
	s0 =	simm.s32 @p1 $0x1  }
0x15: {  	[smem:$0x3FB3] =	sst s0;
	s0 =	simm.s32 @!p2 $0x0  }
0x16: {  	s3 =	sld [smem:$0x3FDB];
	s0 =	simm.s32 @p2 $0x1  }
0x17: {  	s4 =	simm.s32 $0x1BF5;
	[smem:$0x3FB5] =	sst s0  }
0x18: {  	s0 =	sld [smem:$0x3F98];
	_ =	swait.ge [sflag:s4], $0x0  }
0x19: {  	s7 =	sld [smem:$0x3F99]  }
0x1a: {  	s8 =	sadd.s32 $0xFFFFE003, lr  }
0x1b: {  	s9 =	sadd.s32 $0xFFFFFEF7, lr;
	s5 =	simm.s32 $0xFFFFFFFF;
	p2 =	slt.u32 s8, $0xFFFFF086  }
0x1c: {  	p1 =	slt.u32 s9, $0xF7A;
	s5 =	simm.s32 @!p2 $0x0  }
0x1d: {  	s5 =	simm.s32 @p1 $0x1;
	p0 =	seq.s32 s7, s2  }
0x1e: {  	s7 =	smul.u32 @!p0 $0xF7A, s2;
	p2 =	seq.s32 @!p0 s5, $0x0  }
0x1f: {  	s9 =	smul.u32 $0xF7A, s1;
	s8 =	simm.s32 @!p0 $0x1BF5;
	p2 =	por !p2, p0  }
0x20: {  	[sflag:s8] =	ssyncset.s32 @!p0 $0xFFFFF086;
	s6 =	sadd.s32 @!p0 s3, s7;
	s7 =	simm.s32 @!p0 $0x108  }
0x21: {  	s3 =	sadd.s32 s3, s9;
	s6 =	sadd.s32 @!p0 $0x88, s6;
	s7 =	simm.s32 @p2 $0x1082  }
0x22: {  	[simem:s7], [sflag:s8] =	dma.local @!p0 [hbm:s6], $0xF7A  }
0x23: {  	s9 =	sor.u32 $0xD0000000, s2;
	s6 =	simm.s32 $0x108;
	_ =	swait.ge @!p0 [sflag:s8], $0x0  }
0x24: {  	s3 =	sadd.s32 $0x88, s3;
	s6 =	simm.s32 @!p1 $0x1082;
	[sflag:s4] =	ssyncset.s32 $0xFFFFF086  }
0x25: {  	[simem:s6], [sflag:s4] =	dma.local [hbm:s3], $0xF7A  }
0x26: {  	[smem:$0x3F99] =	sst s1;
	(tag) =	ssettag s2;
	_ =	strace s9  }
0x27: {  	s1 =	sld [smem:$0x3FA9]  }
0x28: {  	s2 =	sld [smem:$0x3FAA]  }
0x29: {  	s4 =	sld [smem:$0x3FAC]  }
0x2a: {  	p0 =	seq.s32 s5, $0x0;
	s5 =	sld [smem:$0x3FAD]  }
0x2b: {  	s6 =	sld [smem:$0x3FAE]  }
0x2c: {  	s7 =	sld [smem:$0x3FAF]  }
0x2d: {  	s3 =	simm.s32 $0x108;
	s8 =	sld [smem:$0x3FB0]  }
0x2e: {  	s3 =	simm.s32 @!p0 $0x1082;
	s9 =	sld [smem:$0x3FB1]  }
0x2f: {  	lr =	sadd.s32 s0, s3;
	s0 =	sld [smem:$0x3FA8]  }
0x30: {  	s3 =	sld [smem:$0x3FAB]  }
0x31: {  	[smem:$0x3FB4] =	sst s10  }
0x32: {  	s10 =	sld [smem:$0x3FB2];
	_ =	sdelay $0x3  }
0x33: {  	p0 =	seq.s32 s10, $0x1;
	s10 =	sld [smem:$0x3FB4];
	_ =	sdelay $0x3  }
0x34: {  	[smem:$0x3FB4] =	sst s10  }
0x35: {  	s10 =	sld [smem:$0x3FB3];
	_ =	sdelay $0x3  }
0x36: {  	p1 =	seq.s32 s10, $0x1;
	s10 =	sld [smem:$0x3FB4];
	_ =	sdelay $0x3  }
0x37: {  	[smem:$0x3FB4] =	sst s10  }
0x38: {  	s10 =	sld [smem:$0x3FB5]  }
0x39: {  	_ = 	snop;
	(pc) =	sbr.ind lr, $3  }
0x3a: {  	_ = 	snop  }
0x3b: {  	_ = 	snop  }
0x3c: {  	p2 =	seq.s32 s10, $0x1;
	s10 =	sld [smem:$0x3FB4]  }
0x3d: {  	_ =	shalt  }
0x3e: {  	_ =	shalt  }
0x3f: {  	_ =	shalt  }
0x40: {  	_ =	shalt  }
0x41: {  	_ =	shalt  }
0x42: {  	_ =	shalt  }
0x43: {  	_ =	shalt  }
0x44: {  	_ =	shalt  }
0x45: {  	_ =	shalt  }
0x46: {  	_ =	shalt  }
0x47: {  	_ =	shalt  }
0x48: {  	_ =	shalt  }
0x49: {  	_ =	shalt  }
0x4a: {  	_ =	shalt  }
0x4b: {  	_ =	shalt  }
0x4c: {  	_ =	shalt  }
0x4d: {  	_ =	shalt  }
0x4e: {  	_ =	shalt  }
0x4f: {  	_ =	shalt  }
0x50: {  	_ =	shalt  }
0x51: {  	_ =	shalt  }
0x52: {  	_ =	shalt  }
0x53: {  	_ =	shalt  }
0x54: {  	_ =	shalt  }
0x55: {  	_ =	shalt  }
0x56: {  	_ =	shalt  }
0x57: {  	_ =	shalt  }
0x58: {  	_ =	shalt  }
0x59: {  	_ =	shalt  }
0x5a: {  	_ =	shalt  }
0x5b: {  	_ =	shalt  }
0x5c: {  	_ =	shalt  }
0x5d: {  	_ =	shalt  }
0x5e: {  	_ =	shalt  }
0x5f: {  	_ =	shalt  }
0x60: {  	_ =	shalt  }
0x61: {  	_ =	shalt  }
0x62: {  	_ =	shalt  }
0x63: {  	_ =	shalt  }
0x64: {  	_ =	shalt  }
0x65: {  	_ =	shalt  }
0x66: {  	_ =	shalt  }
0x67: {  	_ =	shalt  }
0x68: {  	_ =	shalt  }
0x69: {  	_ =	shalt  }
0x6a: {  	_ =	shalt  }
0x6b: {  	_ =	shalt  }
0x6c: {  	_ =	shalt  }
0x6d: {  	_ =	shalt  }
0x6e: {  	_ =	shalt  }
0x6f: {  	_ =	shalt  }
0x70: {  	_ =	shalt  }
0x71: {  	_ =	shalt  }
0x72: {  	_ =	shalt  }
0x73: {  	_ =	shalt  }
0x74: {  	_ =	shalt  }
0x75: {  	_ =	shalt  }
0x76: {  	_ =	shalt  }
0x77: {  	_ =	shalt  }
0x78: {  	_ =	shalt  }
0x79: {  	_ =	shalt  }
0x7a: {  	_ =	shalt  }
0x7b: {  	_ =	shalt  }
0x7c: {  	_ =	shalt  }
0x7d: {  	_ =	shalt  }
0x7e: {  	_ =	shalt  }
0x7f: {  	_ =	shalt  }
0x80: {  	_ =	shalt  }
0x81: {  	_ =	shalt  }
0x82: {  	_ =	shalt  }
0x83: {  	_ =	shalt  }
0x84: {  	_ =	shalt  }
0x85: {  	_ =	shalt  }
0x86: {  	_ =	shalt  }
0x87: {  	_ =	shalt  }
.Lfunc_end0:
.L_simem_size_0:
called_computation.3_lowered:
.L_overlay_start_0:
0x88: {  	s2 =	sld [smem:$0x3FD9]  }
0x89: {  	s3 =	sld [smem:$0x3FFE];
	_ =	sdelay $0x1  }
0x8a: {  	s1 =	srdreg.scid  }
0x8b: {  	s0 =	sand.u32 $0x1, s1  }
0x8c: {  	s17 =	sshll.u32 s0, $0xA;
	s2 =	sadd.s32 s3, s2  }
0x8d: {  	s2 =	sadd.s32 s2, s17  }
0x8e: {  	[smem:$0x3FC0] =	sst s2  }
0x8f: {  	_ = 	snop  }
0x90: {  	s2 =	sld [smem:$0x3FD0];
	(tm) =	ssettm $0x1  }
0x91: {  	s18 =	sld [smem:$0x3FFB];
	_ =	sdelay $0x3  }
0x92: {  	_ =	strace s18  }
0x93: {  	s3 =	sld [smem:$0x3FFC];
	_ =	sdelay $0x3  }
0x94: {  	_ =	strace s3  }
0x95: {  	s3 =	sld [smem:$0x3FFD];
	_ =	sdelay $0x3  }
0x96: {  	_ =	strace s3  }
0x97: {  	_ =	strace $0x8FFFFFFF  }
0x98: {  	s19 =	sld [smem:$0x3FDB];
	_ =	sdelay $0x1  }
0x99: {  	s4 =	simm.s32 $_scs_section_size  }
0x9a: {  	s5 =	simm.s32 $_size__tile_overlayer_lowered;
	s6 =	simm.s32 $_tile_overlayer_lowered  }
0x9b: {  	s22 =	simm.s32 $0x1BFF;
	s21 =	sshll.u32 s6, $0x1;
	s3 =	sadd.s32 s4, s19  }
0x9c: {  	s7 =	simm.s32 $0x0;
	s20 =	sshll.u32 s5, $0x1;
	s5 =	sadd.s32 s21, s3  }
0x9d: {  	[timem:s7], [sflag:s22] =	dma.local [hbm:s5], s20  }
0x9e: {  	_ =	swait.ge [sflag:s22], s20  }
0x9f: {  	s4 =	ssub.s32 $0x0, s20;
	[sflag:s22] =	ssyncset.done $0x0  }
0xa0: {  	[sflag:s22] =	ssyncadd.s32 s4;
	_ =	sdelay $0x1  }
0xa1: {  	s23 =	simm.s32 $0x1B8B  }
0xa2: {  	_ =	swait.ge [sflag:s23], $0x1  }
0xa3: {  	[sflag:s23] =	ssyncset.done $0x0  }
0xa4: {  	s25 =	simm.s32 $0x1B8E;
	s24 =	sld [smem:$0x3FFE];
	[sflag:s23] =	ssyncadd.s32 $0xFFFFFFFF  }
0xa5: {  	s26 =	simm.s32 $execute0_lowered;
	[smem:$0x3FD2] =	sst s25  }
0xa6: {  	s5 =	sshll.u32 s26, $0x1;
	_ =	strace $0x8000004F;
	[dreg:$0x1] =	wrdreg $0xFFFFFFFF  }
0xa7: {  	s28 =	simm.s32 $_size_execute0_lowered;
	s3 =	sadd.s32 s3, s5;
	[dreg:$0x0] =	wrdreg $0x0  }
0xa8: {  	s5 =	sshll.u32 s28, $0x1;
	[dreg:$0x2] =	wrdreg s3  }
0xa9: {  	[dreg:$0x3] =	wrdreg s5  }
0xaa: {  	[dreg:$0x4] =	wrdreg $0xC0  }
0xab: {  	_ =	task [dreg:s7], $0x5FFFF  }
0xac: {  	[dreg:$0x1] =	wrdreg $0xFFFFFFFF  }
0xad: {  	[dreg:$0x0] =	wrdreg $0x60  }
0xae: {  	[dreg:$0x2] =	wrdreg s24  }
0xaf: {  	[dreg:$0x3] =	wrdreg s2  }
0xb0: {  	[dreg:$0x4] =	wrdreg $0xE7400  }
0xb1: {  	[dreg:$0x5] =	wrdreg $0x9  }
0xb2: {  	_ =	task.clear_ibuf [dreg:s7], $0x6FFFF;
	_ =	strace $0x9000004F  }
0xb3: {  	s29 =	simm.s32 $0x9;
	_ =	strace $0x80000051  }
0xb4: {  	_ =	swait.ge [sflag:s29], $0x1  }
0xb5: {  	[sflag:s29] =	ssyncadd.s32 $0xFFFFFFFF  }
0xb6: {  	_ =	strace $0x90000051  }
0xb7: {  	_ =	sfence  }
0xb8: {  	s30 =	sld [smem:$0x0];
	_ =	sdelay $0x2  }
0xb9: {  	s31 =	sshll.u32 s1, $0xD;
	s1 =	sshrl.u32 s1, $0x2  }
0xba: {  	s3 =	sand.u32 $0x4000, s31;
	s1 =	sadd.s32 s1, s30  }
0xbb: {  	s0 =	sor.u32 s3, s0;
	s1 =	sshll.u32 s1, $0x11  }
0xbc: {  	s0 =	sor.u32 s1, s0  }
0xbd: {  	s0 =	sadd.s32 $0x8F2B, s0  }
0xbe: {  	[sflag:s0] =	ssyncadd.remote.s32 $0x1  }
0xbf: {  	_ =	sfence.sel $0xFFFF  }
0xc0: {  	[dreg:$0x0] =	wrdreg $0xFFFFFFFF;
	(pc) =	sbr.abs _section_cstart, $3  }
0xc1: {  	[dreg:$0x1] =	wrdreg $0xFFFFFFFF  }
0xc2: {  	_ =	task.clear_ibuf [dreg:s7], $0x2FFFF;
	_ =	strace $0x9FFFFFFF  }
0xc3: {  	(tm) =	ssettm $0x7FFFFFFF  }
tec
execute0_lowered:
.L_overlay_start_1:
0x0: {  	(tag) =	ssettag $0x1  }
0x1: {  	s0 =	srdreg.scid;
	s1 =	rddreg [dreg:$0x0]  }
0x2: {  	s9 =	stileid.u32;
	s7 =	rddreg [dreg:$0x1]  }
0x3: {  	s2 =	rddreg [dreg:$0x2];
	s3 =	simm.s32 $0x0;
	s14 =	simm.s32 $0x4  }
0x4: {  	s16 =	simm.s32 $0xCE40;
	s17 =	simm.s32 $0xC8;
	s18 =	simm.s32 $0x9C40  }
0x5: {  	s19 =	simm.s32 $0xB540;
	s20 =	simm.s32 $0x1;
	s21 =	simm.s32 $0x2  }
0x6: {  	s22 =	simm.s32 $0x3;
	s28 =	simm.s32 $0x9AB0;
	s6 =	smul.u32 $0x4E20, s9  }
0x7: {  	s29 =	simm.s32 $0x9B78;
	s30 =	simm.s32 $0x8;
	s5 =	smul.u32 $0xA000, s9  }
0x8: {  	s31 =	simm.s32 $0x0;
	s0 =	sand.u32 $0x1, s0;
	s9 =	smul.u32 $0x14000, s9  }
0x9: {  	[smem:$0x7FF] =	sst s3;
	s4 =	smul.u32 $0x4E200, s0;
	s25 =	sshll.u32 s0, $0x5  }
0xa: {  	_ =	strace $0x80000050;
	s0 =	ssub.s32 $0x2, s0;
	s5 =	sor.u32 s25, s5  }
0xb: {  	s10 =	sshrl.u32 s0, $0x1;
	s9 =	sshrl.u32 s9, $0x2;
	s26 =	sshrl.u32 s6, $0x3  }
0xc: {  	s25 =	simm.s32 $0x4D58;
	s4 =	sadd.s32 s6, s4;
	s5 =	sshrl.u32 s5, $0x3  }
0xd: {  	s0 =	ssub.s32 s0, s10;
	s6 =	sadd.s32 s9, s2;
	s7 =	sadd.s32 s7, s26  }
0xe: {  	s26 =	simm.s32 $0x99E8;
	s4 =	sshrl.u32 s4, $0x3;
	s9 =	sadd.s32 $0x2000, s6  }
0xf: {  	s10 =	sadd.s32 $0x3000, s6;
	s11 =	sadd.s32 $0x4000, s6;
	s13 =	smax.u32 s0, $0x1  }
0x10: {  	s8 =	sadd.s32 s4, s1;
	s4 =	sadd.s32 $0x2400, s1;
	s1 =	sadd.s32 s5, s1  }
0x11: {  	v0 =	vimm.f32 $0.0e+00;
	s5 =	sadd.s32 $0x2A400, s8;
	s8 =	sadd.s32 $0x1000, s6;
	s12 =	sadd.s32 $0x15E00, s1  }
.LBB2_1:
0x12: {  	[tilespmem:s3], [sflag:$0x4] =	stream.linear.gather [hbm4b:s5+s3], $0x4E20, $0x38;
	[tilespmem:$0x13740] =	vst v63  }
0x13: {  	_ =	swait.ge [sflag:s14], $0x4E20  }
0x14: {  	[sflag:s14] =	ssyncset.done $0x0  }
0x15: {  	s0 =	simm.s32 $0x4E20;
	[sflag:s14] =	ssyncadd.s32 $0xFFFFB1E0  }
0x16: {  	[tilespmem:s0], [sflag:$0x4] =	stream.linear.gather [hbm4b:s7+s3], $0x4E20, $0x38;
	[tilespmem:$0x13740] =	vst v63  }
0x17: {  	_ =	swait.ge [sflag:s14], $0x4E20  }
0x18: {  	[sflag:s14] =	ssyncset.done $0x0  }
0x19: {  	s1 =	simm.s32 $0x0;
	s0 =	simm.s32 $0x80;
	[sflag:s14] =	ssyncadd.s32 $0xFFFFB1E0  }
.LBB2_2:
0x1a: {  	p0 =	sne.s32 s0, $0x3F80;
	[tilespmem:s1+$0xCE40] =	vst v0;
	s15 =	smov.u32 s0;
	s0 =	sadd.s32 $0x80, s0  }
.Ltmp0:
0x1b: {  	[tilespmem:s1+$0xCE50] =	vst v0;
	(pc) =	sbr.rel @p0 .LBB2_2-.Ltmp0, $2  }
0x1c: {  	_ =	sdelay $0x2  }
0x1d: {  	s1 =	sshra.s32 s15, $0x2  }
0x1e: {  	[tilespmem:s1+$0xCE40] =	vst v0  }
0x1f: {  	[tilespmem:s1+$0xCE50] =	vst v0  }
0x20: {  	[spmem:s6] =	stream.linear.scatter [tilespmem:s16], [sflag:$0x4], $0x1000, $0x38;
	[tilespmem:$0x13740] =	vst v63  }
0x21: {  	_ =	swait.ge [sflag:s14], $0x1000  }
0x22: {  	[sflag:s14] =	ssyncset.done $0x0  }
0x23: {  	[sflag:s14] =	ssyncadd.s32 $0xFFFFF000  }
0x24: {  	[spmem:s8] =	stream.linear.scatter [tilespmem:s16], [sflag:$0x4], $0x1000, $0x38;
	[tilespmem:$0x13740] =	vst v63  }
0x25: {  	_ =	swait.ge [sflag:s14], $0x1000  }
0x26: {  	[sflag:s14] =	ssyncset.done $0x0  }
0x27: {  	[sflag:s14] =	ssyncadd.s32 $0xFFFFF000  }
0x28: {  	[spmem:s9] =	stream.linear.scatter [tilespmem:s16], [sflag:$0x4], $0x1000, $0x38;
	[tilespmem:$0x13740] =	vst v63  }
0x29: {  	_ =	swait.ge [sflag:s14], $0x1000  }
0x2a: {  	[sflag:s14] =	ssyncset.done $0x0  }
0x2b: {  	[sflag:s14] =	ssyncadd.s32 $0xFFFFF000  }
0x2c: {  	[spmem:s10] =	stream.linear.scatter [tilespmem:s16], [sflag:$0x4], $0x1000, $0x38;
	[tilespmem:$0x13740] =	vst v63  }
0x2d: {  	_ =	swait.ge [sflag:s14], $0x1000  }
0x2e: {  	[sflag:s14] =	ssyncset.done $0x0  }
0x2f: {  	[sflag:s14] =	ssyncadd.s32 $0xFFFFF000  }
0x30: {  	[spmem:s11] =	stream.linear.scatter [tilespmem:s16], [sflag:$0x4], $0x1000, $0x38;
	[tilespmem:$0x13740] =	vst v63  }
0x31: {  	_ =	swait.ge [sflag:s14], $0x1000  }
0x32: {  	[sflag:s14] =	ssyncset.done $0x0  }
0x33: {  	s0 =	simm.s32 $0x0;
	[sflag:s14] =	ssyncadd.s32 $0xFFFFF000  }
0x34: {  	[tilespmem:s18], [sflag:$0x1] =	stream.indirect.gather [hbm4b:s4+s17], $0x20, s0, s17, $0xb8;
	[tilespmem:$0x13740] =	vst v63  }
0x35: {  	_ = 	snop  }
0x36: {  	[tilespmem:s19], [sflag:$0x2] =	stream.indirect.gather [hbm4b:s4+s17], $0x20, s17, s17, $0xb8;
	[tilespmem:$0x13740] =	vst v63  }
0x37: {  	s1 =	simm.s32 $0x190;
	[bflag:$0x0] =	sbarrier.arrive $0xFFFF  }
0x38: {  	[tilespmem:s16], [sflag:$0x3] =	stream.indirect.gather [hbm4b:s4+s17], $0x20, s1, s17, $0xb8;
	[tilespmem:$0x13740] =	vst v63  }
0x39: {  	_ =	swait.ge [sflag:s20], $0x1900  }
0x3a: {  	[sflag:s20] =	ssyncset.done $0x0  }
0x3b: {  	s15 =	simm.s32 $0x4E20;
	[sflag:s20] =	ssyncadd.s32 $0xFFFFE700  }
0x3c: {  	[spmem:s2] =	stream.indirect.scatter.add.f32 [tilespmem:s18], [sflag:$0x4], $0x20, s15, s17, $0xb8;
	[tilespmem:$0x13740] =	vst v63  }
0x3d: {  	_ =	swait.ge [sflag:s14], $0x1900  }
0x3e: {  	[sflag:s14] =	ssyncset.done $0x0  }
0x3f: {  	s23 =	simm.s32 $0x258;
	[sflag:s14] =	ssyncadd.s32 $0xFFFFE700  }
0x40: {  	[tilespmem:s18], [sflag:$0x1] =	stream.indirect.gather [hbm4b:s4+s17], $0x20, s23, s17, $0xb8;
	[tilespmem:$0x13740] =	vst v63  }
0x41: {  	_ =	swait.ge [sflag:s21], $0x1900  }
0x42: {  	[sflag:s21] =	ssyncset.done $0x0  }
0x43: {  	s24 =	simm.s32 $0x4EE8;
	[sflag:s21] =	ssyncadd.s32 $0xFFFFE700  }
0x44: {  	[spmem:s2] =	stream.indirect.scatter.add.f32 [tilespmem:s19], [sflag:$0x4], $0x20, s24, s17, $0xb8;
	[tilespmem:$0x13740] =	vst v63  }
0x45: {  	_ =	swait.ge [sflag:s14], $0x1900  }
0x46: {  	[sflag:s14] =	ssyncset.done $0x0  }
0x47: {  	s1 =	simm.s32 $0x320;
	[sflag:s14] =	ssyncadd.s32 $0xFFFFE700  }
0x48: {  	[tilespmem:s19], [sflag:$0x2] =	stream.indirect.gather [hbm4b:s4+s17], $0x20, s1, s17, $0xb8;
	[tilespmem:$0x13740] =	vst v63  }
0x49: {  	_ =	swait.ge [sflag:s22], $0x1900  }
0x4a: {  	[sflag:s22] =	ssyncset.done $0x0  }
0x4b: {  	s15 =	simm.s32 $0x4FB0;
	[sflag:s22] =	ssyncadd.s32 $0xFFFFE700  }
0x4c: {  	[spmem:s2] =	stream.indirect.scatter.add.f32 [tilespmem:s16], [sflag:$0x4], $0x20, s15, s17, $0xb8;
	[tilespmem:$0x13740] =	vst v63  }
0x4d: {  	_ =	swait.ge [sflag:s14], $0x1900  }
0x4e: {  	[sflag:s14] =	ssyncset.done $0x0  }
0x4f: {  	s23 =	simm.s32 $0x3E8;
	[sflag:s14] =	ssyncadd.s32 $0xFFFFE700  }
0x50: {  	[tilespmem:s16], [sflag:$0x3] =	stream.indirect.gather [hbm4b:s4+s17], $0x20, s23, s17, $0xb8;
	[tilespmem:$0x13740] =	vst v63  }
0x51: {  	_ =	swait.ge [sflag:s20], $0x1900  }
0x52: {  	[sflag:s20] =	ssyncset.done $0x0  }
0x53: {  	s24 =	simm.s32 $0x5078;
	[sflag:s20] =	ssyncadd.s32 $0xFFFFE700  }
0x54: {  	[spmem:s2] =	stream.indirect.scatter.add.f32 [tilespmem:s18], [sflag:$0x4], $0x20, s24, s17, $0xb8;
	[tilespmem:$0x13740] =	vst v63  }
0x55: {  	_ =	swait.ge [sflag:s14], $0x1900  }
0x56: {  	[sflag:s14] =	ssyncset.done $0x0  }
0x57: {  	s1 =	simm.s32 $0x4B0;
	[sflag:s14] =	ssyncadd.s32 $0xFFFFE700  }
0x58: {  	[tilespmem:s18], [sflag:$0x1] =	stream.indirect.gather [hbm4b:s4+s17], $0x20, s1, s17, $0xb8;
	[tilespmem:$0x13740] =	vst v63  }
0x59: {  	_ =	swait.ge [sflag:s21], $0x1900  }
0x5a: {  	[sflag:s21] =	ssyncset.done $0x0  }
0x5b: {  	s15 =	simm.s32 $0x5140;
	[sflag:s21] =	ssyncadd.s32 $0xFFFFE700  }
0x5c: {  	[spmem:s2] =	stream.indirect.scatter.add.f32 [tilespmem:s19], [sflag:$0x4], $0x20, s15, s17, $0xb8;
	[tilespmem:$0x13740] =	vst v63  }
0x5d: {  	_ =	swait.ge [sflag:s14], $0x1900  }
0x5e: {  	[sflag:s14] =	ssyncset.done $0x0  }
0x5f: {  	s23 =	simm.s32 $0x578;
	[sflag:s14] =	ssyncadd.s32 $0xFFFFE700  }
0x60: {  	[tilespmem:s19], [sflag:$0x2] =	stream.indirect.gather [hbm4b:s4+s17], $0x20, s23, s17, $0xb8;
	[tilespmem:$0x13740] =	vst v63  }
0x61: {  	_ =	swait.ge [sflag:s22], $0x1900  }
0x62: {  	[sflag:s22] =	ssyncset.done $0x0  }
0x63: {  	s24 =	simm.s32 $0x5208;
	[sflag:s22] =	ssyncadd.s32 $0xFFFFE700  }
0x64: {  	[spmem:s2] =	stream.indirect.scatter.add.f32 [tilespmem:s16], [sflag:$0x4], $0x20, s24, s17, $0xb8;
	[tilespmem:$0x13740] =	vst v63  }
0x65: {  	_ =	swait.ge [sflag:s14], $0x1900  }
0x66: {  	s1 =	simm.s32 $0x4B0;
	s15 =	simm.s32 $0x2580;
	[sflag:s14] =	ssyncset.done $0x0  }
.LBB2_4:
0x67: {  	s24 =	sadd.s32 $0x190, s1  }
0x68: {  	[sflag:s14] =	ssyncadd.s32 $0xFFFFE700;
	s0 =	smov.u32 s15;
	s23 =	sadd.s32 $0x12C0, s15  }
0x69: {  	[tilespmem:s16], [sflag:$0x3] =	stream.indirect.gather [hbm4b:s4+s17], $0x20, s24, s17, $0xb8;
	[tilespmem:$0x13740] =	vst v63  }
0x6a: {  	p0 =	sne.s32 s15, $0x11940;
	_ =	swait.ge [sflag:s20], $0x1900  }
0x6b: {  	[sflag:s20] =	ssyncset.done $0x0  }
0x6c: {  	s15 =	sadd.s32 $0x4E20, s1;
	[sflag:s20] =	ssyncadd.s32 $0xFFFFE700  }
0x6d: {  	[spmem:s2] =	stream.indirect.scatter.add.f32 [tilespmem:s18], [sflag:$0x4], $0x20, s15, s17, $0xb8;
	[tilespmem:$0x13740] =	vst v63  }
0x6e: {  	_ =	swait.ge [sflag:s14], $0x1900  }
0x6f: {  	[sflag:s14] =	ssyncset.done $0x0  }
0x70: {  	s15 =	sadd.s32 $0x258, s1;
	[sflag:s14] =	ssyncadd.s32 $0xFFFFE700  }
0x71: {  	[tilespmem:s18], [sflag:$0x1] =	stream.indirect.gather [hbm4b:s4+s17], $0x20, s15, s17, $0xb8;
	[tilespmem:$0x13740] =	vst v63  }
0x72: {  	_ =	swait.ge [sflag:s21], $0x1900  }
0x73: {  	[sflag:s21] =	ssyncset.done $0x0  }
0x74: {  	s15 =	sadd.s32 $0x4EE8, s1;
	[sflag:s21] =	ssyncadd.s32 $0xFFFFE700  }
0x75: {  	[spmem:s2] =	stream.indirect.scatter.add.f32 [tilespmem:s19], [sflag:$0x4], $0x20, s15, s17, $0xb8;
	[tilespmem:$0x13740] =	vst v63  }
0x76: {  	_ =	swait.ge [sflag:s14], $0x1900  }
0x77: {  	[sflag:s14] =	ssyncset.done $0x0  }
0x78: {  	s15 =	sadd.s32 $0x320, s1;
	[sflag:s14] =	ssyncadd.s32 $0xFFFFE700  }
0x79: {  	[tilespmem:s19], [sflag:$0x2] =	stream.indirect.gather [hbm4b:s4+s17], $0x20, s15, s17, $0xb8;
	[tilespmem:$0x13740] =	vst v63  }
0x7a: {  	_ =	swait.ge [sflag:s22], $0x1900  }
0x7b: {  	[sflag:s22] =	ssyncset.done $0x0  }
0x7c: {  	s15 =	sadd.s32 $0x4FB0, s1;
	[sflag:s22] =	ssyncadd.s32 $0xFFFFE700  }
0x7d: {  	[spmem:s2] =	stream.indirect.scatter.add.f32 [tilespmem:s16], [sflag:$0x4], $0x20, s15, s17, $0xb8;
	[tilespmem:$0x13740] =	vst v63  }
0x7e: {  	_ =	swait.ge [sflag:s14], $0x1900  }
0x7f: {  	[sflag:s14] =	ssyncset.done $0x0  }
0x80: {  	s15 =	sadd.s32 $0x3E8, s1;
	[sflag:s14] =	ssyncadd.s32 $0xFFFFE700  }
0x81: {  	[tilespmem:s16], [sflag:$0x3] =	stream.indirect.gather [hbm4b:s4+s17], $0x20, s15, s17, $0xb8;
	[tilespmem:$0x13740] =	vst v63  }
0x82: {  	_ =	swait.ge [sflag:s20], $0x1900  }
0x83: {  	[sflag:s20] =	ssyncset.done $0x0  }
0x84: {  	s15 =	sadd.s32 $0x5078, s1;
	[sflag:s20] =	ssyncadd.s32 $0xFFFFE700  }
0x85: {  	[spmem:s2] =	stream.indirect.scatter.add.f32 [tilespmem:s18], [sflag:$0x4], $0x20, s15, s17, $0xb8;
	[tilespmem:$0x13740] =	vst v63  }
0x86: {  	_ =	swait.ge [sflag:s14], $0x1900  }
0x87: {  	[sflag:s14] =	ssyncset.done $0x0  }
0x88: {  	s15 =	sadd.s32 $0x4B0, s1;
	[sflag:s14] =	ssyncadd.s32 $0xFFFFE700  }
0x89: {  	[tilespmem:s18], [sflag:$0x1] =	stream.indirect.gather [hbm4b:s4+s17], $0x20, s15, s17, $0xb8;
	[tilespmem:$0x13740] =	vst v63  }
0x8a: {  	_ =	swait.ge [sflag:s21], $0x1900  }
0x8b: {  	[sflag:s21] =	ssyncset.done $0x0  }
0x8c: {  	s15 =	sadd.s32 $0x5140, s1;
	[sflag:s21] =	ssyncadd.s32 $0xFFFFE700  }
0x8d: {  	[spmem:s2] =	stream.indirect.scatter.add.f32 [tilespmem:s19], [sflag:$0x4], $0x20, s15, s17, $0xb8;
	[tilespmem:$0x13740] =	vst v63  }
0x8e: {  	_ =	swait.ge [sflag:s14], $0x1900  }
0x8f: {  	[sflag:s14] =	ssyncset.done $0x0  }
0x90: {  	s15 =	sadd.s32 $0x578, s1;
	[sflag:s14] =	ssyncadd.s32 $0xFFFFE700  }
0x91: {  	[tilespmem:s19], [sflag:$0x2] =	stream.indirect.gather [hbm4b:s4+s17], $0x20, s15, s17, $0xb8;
	[tilespmem:$0x13740] =	vst v63  }
0x92: {  	_ =	swait.ge [sflag:s22], $0x1900  }
.Ltmp1:
0x93: {  	[sflag:s22] =	ssyncset.done $0x0;
	(pc) =	sbr.rel @p0 .LBB2_4-.Ltmp1, $4  }
0x94: {  	s1 =	sadd.s32 $0x5208, s1;
	[sflag:s22] =	ssyncadd.s32 $0xFFFFE700  }
0x95: {  	[spmem:s2] =	stream.indirect.scatter.add.f32 [tilespmem:s16], [sflag:$0x4], $0x20, s1, s17, $0xb8;
	[tilespmem:$0x13740] =	vst v63  }
0x96: {  	_ =	swait.ge [sflag:s14], $0x1900  }
0x97: {  	s15 =	smov.u32 s23;
	s1 =	sshra.s32 s0, $0x2;
	[sflag:s14] =	ssyncset.done $0x0  }
0x98: {  	s0 =	sadd.s32 $0x190, s1;
	[sflag:s14] =	ssyncadd.s32 $0xFFFFE700  }
0x99: {  	[tilespmem:s16], [sflag:$0x3] =	stream.indirect.gather [hbm4b:s4+s17], $0x20, s0, s17, $0xb8;
	[tilespmem:$0x13740] =	vst v63  }
0x9a: {  	_ =	swait.ge [sflag:s20], $0x1900  }
0x9b: {  	[sflag:s20] =	ssyncset.done $0x0  }
0x9c: {  	s23 =	sadd.s32 $0x4E20, s1;
	[sflag:s20] =	ssyncadd.s32 $0xFFFFE700  }
0x9d: {  	[spmem:s2] =	stream.indirect.scatter.add.f32 [tilespmem:s18], [sflag:$0x4], $0x20, s23, s17, $0xb8;
	[tilespmem:$0x13740] =	vst v63  }
0x9e: {  	_ =	swait.ge [sflag:s14], $0x1900  }
0x9f: {  	[sflag:s14] =	ssyncset.done $0x0  }
0xa0: {  	s24 =	sadd.s32 $0x258, s1;
	[sflag:s14] =	ssyncadd.s32 $0xFFFFE700  }
0xa1: {  	[tilespmem:s18], [sflag:$0x1] =	stream.indirect.gather [hbm4b:s4+s17], $0x20, s24, s17, $0xb8;
	[tilespmem:$0x13740] =	vst v63  }
0xa2: {  	_ =	swait.ge [sflag:s21], $0x1900  }
0xa3: {  	[sflag:s21] =	ssyncset.done $0x0  }
0xa4: {  	s15 =	sadd.s32 $0x4EE8, s1;
	[sflag:s21] =	ssyncadd.s32 $0xFFFFE700  }
0xa5: {  	[spmem:s2] =	stream.indirect.scatter.add.f32 [tilespmem:s19], [sflag:$0x4], $0x20, s15, s17, $0xb8;
	[tilespmem:$0x13740] =	vst v63  }
0xa6: {  	_ =	swait.ge [sflag:s14], $0x1900  }
0xa7: {  	[sflag:s14] =	ssyncset.done $0x0  }
0xa8: {  	s23 =	sadd.s32 $0x320, s1;
	[sflag:s14] =	ssyncadd.s32 $0xFFFFE700  }
0xa9: {  	[tilespmem:s19], [sflag:$0x2] =	stream.indirect.gather [hbm4b:s4+s17], $0x20, s23, s17, $0xb8;
	[tilespmem:$0x13740] =	vst v63  }
0xaa: {  	_ =	swait.ge [sflag:s22], $0x1900  }
0xab: {  	[sflag:s22] =	ssyncset.done $0x0  }
0xac: {  	s24 =	sadd.s32 $0x4FB0, s1;
	[sflag:s22] =	ssyncadd.s32 $0xFFFFE700  }
0xad: {  	[spmem:s2] =	stream.indirect.scatter.add.f32 [tilespmem:s16], [sflag:$0x4], $0x20, s24, s17, $0xb8;
	[tilespmem:$0x13740] =	vst v63  }
0xae: {  	_ =	swait.ge [sflag:s14], $0x1900  }
0xaf: {  	[sflag:s14] =	ssyncset.done $0x0  }
0xb0: {  	s15 =	sadd.s32 $0x3E8, s1;
	[sflag:s14] =	ssyncadd.s32 $0xFFFFE700  }
0xb1: {  	[tilespmem:s16], [sflag:$0x3] =	stream.indirect.gather [hbm4b:s4+s17], $0x20, s15, s17, $0xb8;
	[tilespmem:$0x13740] =	vst v63  }
0xb2: {  	_ =	swait.ge [sflag:s20], $0x1900  }
0xb3: {  	[sflag:s20] =	ssyncset.done $0x0  }
0xb4: {  	s23 =	sadd.s32 $0x5078, s1;
	[sflag:s20] =	ssyncadd.s32 $0xFFFFE700  }
0xb5: {  	[spmem:s2] =	stream.indirect.scatter.add.f32 [tilespmem:s18], [sflag:$0x4], $0x20, s23, s17, $0xb8;
	[tilespmem:$0x13740] =	vst v63  }
0xb6: {  	_ =	swait.ge [sflag:s14], $0x1900  }
0xb7: {  	[sflag:s14] =	ssyncset.done $0x0  }
0xb8: {  	s24 =	sadd.s32 $0x4B0, s1;
	[sflag:s14] =	ssyncadd.s32 $0xFFFFE700  }
0xb9: {  	[tilespmem:s18], [sflag:$0x1] =	stream.indirect.gather [hbm4b:s4+s17], $0x20, s24, s17, $0xb8;
	[tilespmem:$0x13740] =	vst v63  }
0xba: {  	_ =	swait.ge [sflag:s21], $0x1900  }
0xbb: {  	[sflag:s21] =	ssyncset.done $0x0  }
0xbc: {  	s15 =	sadd.s32 $0x5140, s1;
	[sflag:s21] =	ssyncadd.s32 $0xFFFFE700  }
0xbd: {  	[spmem:s2] =	stream.indirect.scatter.add.f32 [tilespmem:s19], [sflag:$0x4], $0x20, s15, s17, $0xb8;
	[tilespmem:$0x13740] =	vst v63  }
0xbe: {  	_ =	swait.ge [sflag:s14], $0x1900  }
0xbf: {  	[sflag:s14] =	ssyncset.done $0x0  }
0xc0: {  	s23 =	sadd.s32 $0x578, s1;
	[sflag:s14] =	ssyncadd.s32 $0xFFFFE700  }
0xc1: {  	[tilespmem:s19], [sflag:$0x2] =	stream.indirect.gather [hbm4b:s4+s17], $0x20, s23, s17, $0xb8;
	[tilespmem:$0x13740] =	vst v63  }
0xc2: {  	_ =	swait.ge [sflag:s22], $0x1900  }
0xc3: {  	[sflag:s22] =	ssyncset.done $0x0  }
0xc4: {  	s24 =	sadd.s32 $0x5208, s1;
	[sflag:s22] =	ssyncadd.s32 $0xFFFFE700  }
0xc5: {  	[spmem:s2] =	stream.indirect.scatter.add.f32 [tilespmem:s16], [sflag:$0x4], $0x20, s24, s17, $0xb8;
	[tilespmem:$0x13740] =	vst v63  }
0xc6: {  	_ =	swait.ge [sflag:s14], $0x1900  }
0xc7: {  	[sflag:s14] =	ssyncset.done $0x0  }
0xc8: {  	s1 =	simm.s32 $0x4C90;
	[sflag:s14] =	ssyncadd.s32 $0xFFFFE700  }
0xc9: {  	[tilespmem:s16], [sflag:$0x3] =	stream.indirect.gather [hbm4b:s4+s17], $0x20, s1, s17, $0xb8;
	[tilespmem:$0x13740] =	vst v63  }
0xca: {  	_ =	swait.ge [sflag:s20], $0x1900  }
0xcb: {  	[sflag:s20] =	ssyncset.done $0x0  }
0xcc: {  	s15 =	simm.s32 $0x9920;
	[sflag:s20] =	ssyncadd.s32 $0xFFFFE700  }
0xcd: {  	[spmem:s2] =	stream.indirect.scatter.add.f32 [tilespmem:s18], [sflag:$0x4], $0x20, s15, s17, $0xb8;
	[tilespmem:$0x13740] =	vst v63  }
0xce: {  	_ =	swait.ge [sflag:s14], $0x1900  }
0xcf: {  	[sflag:s14] =	ssyncset.done $0x0  }
0xd0: {  	[sflag:s14] =	ssyncadd.s32 $0xFFFFE700  }
0xd1: {  	[tilespmem:s18], [sflag:$0x1] =	stream.indirect.gather [hbm4b:s4+s17], $0x20, s25, s17, $0xb8;
	[tilespmem:$0x13740] =	vst v63  }
0xd2: {  	_ =	swait.ge [sflag:s21], $0x1900  }
0xd3: {  	[sflag:s21] =	ssyncset.done $0x0  }
0xd4: {  	[sflag:s21] =	ssyncadd.s32 $0xFFFFE700  }
0xd5: {  	[spmem:s2] =	stream.indirect.scatter.add.f32 [tilespmem:s19], [sflag:$0x4], $0x20, s26, s17, $0xb8;
	[tilespmem:$0x13740] =	vst v63  }
0xd6: {  	_ =	swait.ge [sflag:s14], $0x1900  }
0xd7: {  	[sflag:s14] =	ssyncset.done $0x0  }
0xd8: {  	[sflag:s14] =	ssyncadd.s32 $0xFFFFE700  }
0xd9: {  	_ =	swait.ge [sflag:s22], $0x1900  }
0xda: {  	[sflag:s22] =	ssyncset.done $0x0  }
0xdb: {  	[sflag:s22] =	ssyncadd.s32 $0xFFFFE700  }
0xdc: {  	[spmem:s2] =	stream.indirect.scatter.add.f32 [tilespmem:s16], [sflag:$0x4], $0x20, s28, s17, $0xb8;
	[tilespmem:$0x13740] =	vst v63  }
0xdd: {  	_ =	swait.ge [sflag:s14], $0x1900  }
0xde: {  	[sflag:s14] =	ssyncset.done $0x0  }
0xdf: {  	[sflag:s14] =	ssyncadd.s32 $0xFFFFE700  }
0xe0: {  	_ =	swait.ge [sflag:s20], $0x1900  }
0xe1: {  	[sflag:s20] =	ssyncset.done $0x0  }
0xe2: {  	[sflag:s20] =	ssyncadd.s32 $0xFFFFE700  }
0xe3: {  	[spmem:s2] =	stream.indirect.scatter.add.f32 [tilespmem:s18], [sflag:$0x4], $0x20, s29, s17, $0xb8;
	[tilespmem:$0x13740] =	vst v63  }
0xe4: {  	s23 =	stileid.u32;
	_ =	swait.ge [sflag:s14], $0x1900  }
0xe5: {  	s31 =	sadd.s32 $0x1, s31;
	s0 =	sshll.u32 s23, $0x6;
	[sflag:s14] =	ssyncset.done $0x0  }
0xe6: {  	p0 =	sne.s32 s31, s13;
	s0 =	sor.u32 $0x1C04, s0;
	[sflag:s14] =	ssyncadd.s32 $0xFFFFE700  }
.Ltmp2:
0xe7: {  	s24 =	sshrl.u32 s6, $0x3;
	[bflag:$0x0] =	sbarrier.arrive $0xFFFF;
	(pc) =	sbr.rel @p0 .LBB2_1-.Ltmp2, $4  }
0xe8: {  	[hbm:s12@s30], [sflag:s0] =	dma.strided [spmem:s24@s14], $0xA00, s20, $0x4   }
0xe9: {  	_ =	swait.ge [sflag:s14], $0xA00  }
0xea: {  	[sflag:s14] =	ssyncset.done $0x0  }
0xeb: {  	[sflag:s14] =	ssyncadd.s32 $0xFFFFF600  }
0xec: {  	_ =	sfence.sel $0x180000  }
0xed: {  	[bflag:$0x0] =	sbarrier.arrive $0xFFFF  }
0xee: {  	_ =	strace $0x90000050  }
0xef: {  	s0 =	stileid.u32;
	[bflag:$0x2] =	sbarrier.arrive $0xFFFF  }
0xf0: {  	p0 =	sne.s32 s0, $0x0;
	s0 =	rddreg [dreg:$0x3]  }
0xf1: {  	s0 =	sadd.s32 @!p0 $0x100000, s0  }
0xf2: {  	[sflag:s0] =	ssyncadd.tile.s32 @!p0 $0x1;
	_ =	shalt  }
.Lfunc_end2:
_tile_overlayer_lowered:
.L_overlay_start_2:
0xf3: {  	(tag) =	ssettag $0x2  }
0xf4: {  	s0 =	rddreg [dreg:$0x0];
	s2 =	stileid.u32  }
0xf5: {  	s1 =	rddreg [dreg:$0x1];
	p0 =	sne.s32 s2, $0x0  }
0xf6: {  	s3 =	rddreg [dreg:$0x2];
	[bflag:$0x3] =	sbarrier.arrive $0xFFFF;
	s2 =	simm.s32 @!p0 $0x1C04  }
0xf7: {  	[timem:s3], [sflag:s2] =	dma.local @!p0 [hbm:s0], s1  }
0xf8: {  	s0 =	simm.s32 @!p0 $0x4  }
0xf9: {  	_ =	swait.ge @!p0 [sflag:s0], s1  }
0xfa: {  	s1 =	ssub.s32 @!p0 $0x0, s1;
	[sflag:s0] =	ssyncset.done @!p0 $0x0  }
0xfb: {  	[sflag:s0] =	ssyncadd.s32 @!p0 s1  }
0xfc: {  	[bflag:$0x3] =	sbarrier.arrive $0xFFFF  }
0xfd: {  	_ =	shalt  }

</sc_bundles>
